<compile_context>
chip_gen: v7x
topology: tpu7x:2x2x1
jax: 0.10.2.dev20260603
libtpu: 0.0.44.dev20260713+nightly
codegen_flags: <defaults>
</compile_context>

<pallas_src>
import functools

import jax
import jax.numpy as jnp
from jax import lax
from jax.experimental import pallas as pl
from jax.experimental.pallas import tpu as pltpu
from jax.experimental.pallas import tpu_sc as plsc

CLASSES = 19
PADC = 32
DECAY = 0.99
TEMPERATURE = 0.5
EPS = 1e-07
NEG_BIG = -1e30

NC = 2
NS = 16
NW = NC * NS
L = 16

N = 16 * 512 * 512
Q = N // 4
PER_W = Q // NW
CHUNK_J = 8192
NCHUNK = PER_W // CHUNK_J

_mesh = plsc.VectorSubcoreMesh(core_axis_name="c", subcore_axis_name="s")
_params = pltpu.CompilerParams(needs_layout_passes=False)
_params_tiled = pltpu.CompilerParams(
    needs_layout_passes=False, use_tc_tiling_on_sc=True)

ROWS_PER_W = 256
ROWS_PER_CH = 32
NCHUNK_H = ROWS_PER_W // ROWS_PER_CH


def _worker_id():
    return lax.axis_index("s") * NC + lax.axis_index("c")


@functools.partial(
    pl.kernel,
    mesh=_mesh,
    compiler_params=_params_tiled,
    out_type=jax.ShapeDtypeStruct((NW, PADC), jnp.int32),
    scratch_types=[
        pltpu.VMEM((2, ROWS_PER_CH, 512), jnp.int32),
        pltpu.VMEM((L * PADC * PADC,), jnp.int32),
        pltpu.VMEM((PADC * PADC,), jnp.int32),
        pltpu.VMEM((PADC,), jnp.int32),
        pltpu.SemaphoreType.DMA,
        pltpu.SemaphoreType.DMA,
    ],
)
def _hist_kernel(label_hbm, part_hbm, lbl_v, tab_v, tp_v, cnt_v, sem0, sem1):
    wid = _worker_id()
    img = wid // 2
    row0 = (wid % 2) * ROWS_PER_W
    sems = (sem0, sem1)

    cps = [None, None]
    cps[0] = pltpu.async_copy(
        label_hbm.at[img, pl.ds(row0, ROWS_PER_CH), :], lbl_v.at[0], sems[0])

    zero16 = jnp.zeros((L,), jnp.int32)
    ones16 = jnp.ones((L,), jnp.int32)
    lane_off = lax.iota(jnp.int32, L) * (PADC * PADC)

    @plsc.parallel_loop(0, L * PADC * PADC, step=L, unroll=8)
    def _(i):
        tab_v[pl.ds(i, L)] = zero16

    for ch in range(NCHUNK_H):
        b = ch & 1
        if ch + 1 < NCHUNK_H:
            cps[1 - b] = pltpu.async_copy(
                label_hbm.at[img, pl.ds(row0 + (ch + 1) * ROWS_PER_CH,
                                        ROWS_PER_CH), :],
                lbl_v.at[1 - b], sems[1 - b])
        cps[b].wait()

        @plsc.parallel_loop(0, ROWS_PER_CH * 512, step=2 * L, unroll=4)
        def _(i):
            r = i >> 9
            c = i & 511
            va = lbl_v[b, r, pl.ds(c, L)]
            vb = lbl_v[b, r, pl.ds(c + L, L)]
            idx = lane_off + (va << 5) + vb
            plsc.addupdate_scatter(tab_v, [idx], ones16)

    @plsc.parallel_loop(0, PADC * PADC, step=L, unroll=2)
    def _(p):
        acc = tab_v[pl.ds(p, L)]
        for l in range(1, L):
            acc = acc + tab_v[pl.ds(l * PADC * PADC + p, L)]
        tp_v[pl.ds(p, L)] = acc

    b0 = jnp.zeros((L,), jnp.int32)
    b1 = jnp.zeros((L,), jnp.int32)
    a0 = jnp.zeros((L,), jnp.int32)
    a1 = jnp.zeros((L,), jnp.int32)
    lane_iota = lax.iota(jnp.int32, L)
    for a in range(PADC):
        ra0 = tp_v[pl.ds(a * PADC, L)]
        ra1 = tp_v[pl.ds(a * PADC + L, L)]
        b0 = b0 + ra0
        b1 = b1 + ra1
        s = jnp.sum(ra0) + jnp.sum(ra1)
        if a < L:
            a0 = jnp.where(lane_iota == a, a0 + s, a0)
        else:
            a1 = jnp.where(lane_iota == (a - L), a1 + s, a1)
    cnt_v[pl.ds(0, L)] = a0 + b0
    cnt_v[pl.ds(L, L)] = a1 + b1
    pltpu.sync_copy(cnt_v, part_hbm.at[wid])


@functools.partial(
    pl.kernel,
    mesh=_mesh,
    compiler_params=_params,
    out_type=(
        jax.ShapeDtypeStruct((N,), jnp.float32),
        jax.ShapeDtypeStruct((PADC,), jnp.float32),
    ),
    scratch_types=[
        pltpu.VMEM((NW, PADC), jnp.int32),
        pltpu.VMEM((PADC,), jnp.float32),
        pltpu.VMEM((PADC,), jnp.float32),
        pltpu.VMEM((2 * CHUNK_J,), jnp.int32),
        pltpu.VMEM((2 * 4 * CHUNK_J,), jnp.float32),
        pltpu.SemaphoreType.DMA,
        pltpu.SemaphoreType.DMA,
        pltpu.SemaphoreType.DMA,
        pltpu.SemaphoreType.DMA,
    ],
)
def _gather_kernel(words_hbm, part_hbm, freq_hbm, weight_hbm, fnew_hbm,
                   part_v, freq_v, prob_v, lbl_v, w_v,
                   si0, si1, so0, so1):
    wid = _worker_id()
    wbase = wid * PER_W
    sin = (si0, si1)
    sout = (so0, so1)

    in_cp = [None, None]
    in_cp[0] = pltpu.async_copy(
        words_hbm.at[pl.ds(wbase, CHUNK_J)],
        lbl_v.at[pl.ds(0, CHUNK_J)], sin[0])

    pltpu.sync_copy(part_hbm, part_v)
    pltpu.sync_copy(freq_hbm, freq_v)

    c0 = jnp.zeros((L,), jnp.int32)
    c1 = jnp.zeros((L,), jnp.int32)
    for r in range(NW):
        c0 = c0 + part_v[r, pl.ds(0, L)]
        c1 = c1 + part_v[r, pl.ds(L, L)]

    inv_total = 1.0 / (float(N) + EPS)
    cf0 = c0.astype(jnp.float32) * inv_total
    cf1 = c1.astype(jnp.float32) * inv_total
    fn0 = (1.0 - DECAY) * cf0 + DECAY * freq_v[pl.ds(0, L)]
    fn1 = (1.0 - DECAY) * cf1 + DECAY * freq_v[pl.ds(L, L)]

    valid1 = lax.iota(jnp.int32, L) < (CLASSES - L)
    x0 = (1.0 - fn0) / TEMPERATURE
    x1 = (1.0 - fn1) / TEMPERATURE
    m = jnp.maximum(jnp.max(x0), jnp.max(jnp.where(valid1, x1, NEG_BIG)))
    e0 = jnp.exp(x0 - m)
    e1 = jnp.where(valid1, jnp.exp(x1 - m), 0.0)
    s = jnp.sum(e0) + jnp.sum(e1)
    p0 = e0 / s
    p1 = e1 / s
    pmax = jnp.maximum(jnp.max(p0), jnp.max(p1))
    pn0 = p0 / (pmax + EPS)
    pn1 = p1 / (pmax + EPS)
    prob_v[pl.ds(0, L)] = pn0
    prob_v[pl.ds(L, L)] = pn1

    @pl.when(wid == 0)
    def _():
        freq_v[pl.ds(0, L)] = fn0
        freq_v[pl.ds(L, L)] = fn1
        pltpu.sync_copy(freq_v, fnew_hbm)

    mask8 = jnp.full((L,), 0xFF, jnp.int32)

    out_cp = [[None] * 4, [None] * 4]
    for ch in range(NCHUNK):
        b = ch & 1
        if ch + 1 < NCHUNK:
            in_cp[1 - b] = pltpu.async_copy(
                words_hbm.at[pl.ds(wbase + (ch + 1) * CHUNK_J, CHUNK_J)],
                lbl_v.at[pl.ds((1 - b) * CHUNK_J, CHUNK_J)], sin[1 - b])
        in_cp[b].wait()
        for k in range(4):
            if out_cp[b][k] is not None:
                out_cp[b][k].wait()
                out_cp[b][k] = None

        @plsc.parallel_loop(0, CHUNK_J, step=L, unroll=8)
        def _(i):
            w = lbl_v[pl.ds(b * CHUNK_J + i, L)]
            for k in range(4):
                idx = jnp.bitwise_and(
                    lax.shift_right_logical(w, jnp.int32(8 * k)), mask8)
                w_v[pl.ds((b * 4 + k) * CHUNK_J + i, L)] = (
                    plsc.load_gather(prob_v, [idx]))

        for k in range(4):
            out_cp[b][k] = pltpu.async_copy(
                w_v.at[pl.ds((b * 4 + k) * CHUNK_J, CHUNK_J)],
                weight_hbm.at[pl.ds(k * Q + wbase + ch * CHUNK_J, CHUNK_J)],
                sout[b])

    for b in range(2):
        for k in range(4):
            if out_cp[b][k] is not None:
                out_cp[b][k].wait()


def kernel(label, freq):
    l4 = jnp.reshape(label, (4, 4, 512, 512)).astype(jnp.int32)
    words3 = l4[0] | (l4[1] << 8) | (l4[2] << 16) | (l4[3] << 24)
    words3 = lax.optimization_barrier(words3)
    words = jnp.reshape(words3, (Q,))
    freq_pad = jnp.zeros((PADC,), jnp.float32).at[:CLASSES].set(
        freq.astype(jnp.float32))
    partials = _hist_kernel(label.astype(jnp.int32))
    weight, fnew_pad = _gather_kernel(words, partials, freq_pad)
    return weight, fnew_pad[:CLASSES]

# --- scband reference (transcript-rebuilt; emitter-appended) ---
"""Pipeline reference for scband-class-balance-8366596292720 (READ-ONLY COPY).

The authoritative reference and input builder live on the scoring server;
editing this copy changes nothing except your own understanding.
"""

import jax, jax.numpy as jnp
import numpy as np

CLASS_NUM = 19
IGNORE_LABEL = -1
DECAY = 0.99
TEMPERATURE = 0.5
EPS = 1e-07


def setup_inputs(seed: int = 0) -> dict:
    key = jax.random.key(seed)
    k1, _ = jax.random.split(key)
    label = jax.random.randint(k1, (16, 512, 512), 0, CLASS_NUM, dtype=jnp.int64) if jax.config.jax_enable_x64 else jax.random.randint(k1, (16, 512, 512), 0, CLASS_NUM).astype(jnp.int32)
    freq = jnp.ones([CLASS_NUM], dtype=jnp.float32) / CLASS_NUM
    return {"label": label, "freq": freq}


def _one_hot(label):
    # squeeze channel dim if present (len(shape) > 3)
    if label.ndim > 3:
        label = jnp.squeeze(label, axis=1)
    local_cnt = label.size
    lbl = jnp.where(label == IGNORE_LABEL, CLASS_NUM, label)
    oh = jax.nn.one_hot(lbl, CLASS_NUM + 1, dtype=jnp.float32)
    oh = oh.reshape(local_cnt, -1)[:, :-1]
    return oh


def _local_freq(label):
    lbl = label
    if lbl.ndim > 3:
        lbl = jnp.squeeze(lbl, axis=1)
    local_cnt = jnp.sum((lbl != IGNORE_LABEL).astype(jnp.float32))
    label_onehot = _one_hot(label)
    class_cnt = label_onehot.sum(axis=0).astype(jnp.float32)
    class_freq = class_cnt / (local_cnt + EPS)
    return class_freq


def _get_class_weight(freq):
    _prob = (1.0 - freq) / TEMPERATURE
    _prob = jax.nn.softmax(_prob, axis=0)
    _max = jnp.max(_prob, axis=0, keepdims=True)
    prob_normed = _prob / (_max + EPS)
    return prob_normed


def reference(label, freq):
    # EMA update of class frequency (histogram of label values)
    local_freq = _local_freq(label)
    freq_new = (1.0 - DECAY) * local_freq + DECAY * freq
    # per-pixel weight from class probabilities
    label_onehot = _one_hot(label)
    class_prob = _get_class_weight(freq_new)
    weight = (label_onehot * class_prob[None, :]).sum(axis=1)
    # torch module returns weight.detach()
    weight = jax.lax.stop_gradient(weight)
    return weight, freq_new

if __name__ == "__main__":
    import jax
    _d = setup_inputs()
    print(jax.jit(kernel)(*tuple(_d.values())))

</pallas_src>

<mosaic_0001>
#map = affine_map<(d0, d1) -> (0, 0, 0)>
#map1 = affine_map<(d0, d1) -> (0, 0)>
module attributes {stable_mosaic.version = 14 : i64} {
  func.func @_hist_kernel(%arg0: i32, %arg1: i32, %arg2: memref<16x512x512xi32, #tpu.memory_space<hbm>>, %arg3: memref<32x32xi32, #tpu.memory_space<hbm>>, %arg4: memref<2x32x512xi32, #tpu.memory_space<vmem>>, %arg5: memref<16384xi32, #tpu.memory_space<vmem>>, %arg6: memref<1024xi32, #tpu.memory_space<vmem>>, %arg7: memref<32xi32, #tpu.memory_space<vmem>>, %arg8: memref<!tpu.dma_semaphore, #tpu.memory_space<semaphore_mem>>, %arg9: memref<!tpu.dma_semaphore, #tpu.memory_space<semaphore_mem>>) attributes {dimension_semantics = [#tpu.dimension_semantics<core_parallel>, #tpu.dimension_semantics<subcore_parallel>], iteration_bounds = array<i64: 2, 16>, scalar_prefetch = 0 : i64, scratch_operands = 6 : i64, tpu.core_type = #tpu.core_type<sc_vector_subcore>, window_params = [{transform_indices = #map}, {transform_indices = #map1}]} {
    %mul3A = arith.constant 2 : i32
    %mul3A_0 = arith.muli %arg1, %mul3A : i32
    %add3A = arith.addi %mul3A_0, %arg0 : i32
    %jit3A = arith.constant 2 : i32
    %div3A = arith.divsi %add3A, %jit3A : i32
    %sign3A = arith.constant 0 : i32
    %sign3A_1 = arith.cmpi sgt, %add3A, %sign3A : i32
    %sign3A_2 = arith.extui %sign3A_1 : i1 to i32
    %sign3A_3 = arith.constant 0 : i32
    %sign3A_4 = arith.cmpi slt, %add3A, %sign3A_3 : i32
    %sign3A_5 = arith.extui %sign3A_4 : i1 to i32
    %sign3A_6 = arith.subi %sign3A_2, %sign3A_5 : i32
    %sign3A_7 = arith.constant 0 : i32
    %sign3A_8 = arith.cmpi sgt, %jit3A, %sign3A_7 : i32
    %sign3A_9 = arith.extui %sign3A_8 : i1 to i32
    %sign3A_10 = arith.constant 0 : i32
    %sign3A_11 = arith.cmpi slt, %jit3A, %sign3A_10 : i32
    %sign3A_12 = arith.extui %sign3A_11 : i1 to i32
    %sign3A_13 = arith.subi %sign3A_9, %sign3A_12 : i32
    %ne3A = arith.cmpi ne, %sign3A_6, %sign3A_13 : i32
    %rem3A = arith.remsi %add3A, %jit3A : i32
    %ne3A_14 = arith.constant 0 : i32
    %ne3A_15 = arith.cmpi ne, %rem3A, %ne3A_14 : i32
    %and3A = arith.andi %ne3A, %ne3A_15 : i1
    %sub3A = arith.constant 1 : i32
    %sub3A_16 = arith.subi %div3A, %sub3A : i32
    %select_n3A = arith.select %and3A, %sub3A_16, %div3A : i32
    %jit3A_17 = arith.constant 2 : i32
    %eq3A = arith.constant 0 : i32
    %eq3A_18 = arith.cmpi eq, %jit3A_17, %eq3A : i32
    %jit3A_19 = arith.constant 1 : i32
    %select_n3A_20 = arith.select %eq3A_18, %jit3A_19, %jit3A_17 : i32
    %rem3A_21 = arith.remsi %add3A, %select_n3A_20 : i32
    %ne3A_22 = arith.constant 0 : i32
    %ne3A_23 = arith.cmpi ne, %rem3A_21, %ne3A_22 : i32
    %lt3A = arith.constant 0 : i32
    %lt3A_24 = arith.cmpi slt, %rem3A_21, %lt3A : i32
    %lt3A_25 = arith.constant 0 : i32
    %lt3A_26 = arith.cmpi slt, %select_n3A_20, %lt3A_25 : i32
    %ne3A_27 = arith.xori %lt3A_24, %lt3A_26 : i1
    %and3A_28 = arith.andi %ne3A_27, %ne3A_23 : i1
    %add3A_29 = arith.addi %rem3A_21, %select_n3A_20 : i32
    %select_n3A_30 = arith.select %and3A_28, %add3A_29, %rem3A_21 : i32
    %mul3A_31 = arith.constant 256 : i32
    %mul3A_32 = arith.muli %select_n3A_30, %mul3A_31 : i32
    %dma_start3A = arith.constant 0 : i32
    %dma_start3A_33 = arith.constant 0 : i32
    %dma_start3A_34 = arith.constant 0 : i32
    %dma_start3A_35 = tpu.memref_slice %arg4[%dma_start3A, %dma_start3A_33, %dma_start3A_34] : memref<2x32x512xi32, #tpu.memory_space<vmem>> -> memref<1x32x512xi32, #tpu.memory_space<vmem>>
    %dma_start3A_36 = tpu.memref_squeeze %dma_start3A_35 : memref<1x32x512xi32, #tpu.memory_space<vmem>> -> memref<32x512xi32, #tpu.memory_space<vmem>>
    %dma_start3A_37 = arith.constant 0 : i32
    %dma_start3A_38 = tpu.memref_slice %arg2[%select_n3A, %mul3A_32, %dma_start3A_37] : memref<16x512x512xi32, #tpu.memory_space<hbm>> -> memref<1x32x512xi32, #tpu.memory_space<hbm>>
    %dma_start3A_39 = tpu.memref_squeeze %dma_start3A_38 : memref<1x32x512xi32, #tpu.memory_space<hbm>> -> memref<32x512xi32, #tpu.memory_space<hbm>>
    %dma_start3A_40 = arith.constant 0 : i32
    %dma_start3A_41 = arith.constant 0 : i32
    %dma_start3A_42 = tpu.memref_slice %arg4[%dma_start3A, %dma_start3A_40, %dma_start3A_41] : memref<2x32x512xi32, #tpu.memory_space<vmem>> -> memref<1x32x512xi32, #tpu.memory_space<vmem>>
    %dma_start3A_43 = tpu.memref_squeeze %dma_start3A_42 : memref<1x32x512xi32, #tpu.memory_space<vmem>> -> memref<32x512xi32, #tpu.memory_space<vmem>>
    %dma_start3A_44 = arith.constant 0 : i32
    %dma_start3A_45 = tpu.memref_slice %arg2[%select_n3A, %mul3A_32, %dma_start3A_44] : memref<16x512x512xi32, #tpu.memory_space<hbm>> -> memref<1x32x512xi32, #tpu.memory_space<hbm>>
    %dma_start3A_46 = tpu.memref_squeeze %dma_start3A_45 : memref<1x32x512xi32, #tpu.memory_space<hbm>> -> memref<32x512xi32, #tpu.memory_space<hbm>>
    tpu.enqueue_dma source(%dma_start3A_46 : memref<32x512xi32, #tpu.memory_space<hbm>>) target(%dma_start3A_43 : memref<32x512xi32, #tpu.memory_space<vmem>>) target_semaphore(%arg8 : memref<!tpu.dma_semaphore, #tpu.memory_space<semaphore_mem>>)
    %broadcast_in_dim3A = arith.constant 0 : i32
    %broadcast_in_dim3A_47 = vector.broadcast %broadcast_in_dim3A : i32 to vector<16xi32>
    %broadcast_in_dim3A_48 = arith.constant 1 : i32
    %broadcast_in_dim3A_49 = vector.broadcast %broadcast_in_dim3A_48 : i32 to vector<16xi32>
    %iota3A = tpu.iota {dimensions = array<i32: 0>} : vector<16xi32>
    %mul3A_50 = arith.constant 1024 : i32
    %mul3A_51 = vector.broadcast %mul3A_50 : i32 to vector<16xi32>
    %mul3A_52 = arith.muli %iota3A, %mul3A_51 : vector<16xi32>
    %parallel_loop3A = arith.constant 0 : i32
    %parallel_loop3A_53 = arith.constant 16384 : i32
    %parallel_loop3A_54 = arith.constant 16 : i32
    scf.for %parallel_loop3A_1004 = %parallel_loop3A to %parallel_loop3A_53 step %parallel_loop3A_54  : i32 {
      %parallel_loop3A_1005 = arith.index_cast %parallel_loop3A_1004 : i32 to index
      %parallel_loop3A_1006 = tpu.vector_load %arg5[%parallel_loop3A_1005] {strides = array<i32>} : memref<16384xi32, #tpu.memory_space<vmem>>, vector<16xi32>,
      tpu.vector_store %arg5[%parallel_loop3A_1005], %broadcast_in_dim3A_47 {strides = array<i32>} : memref<16384xi32, #tpu.memory_space<vmem>>, vector<16xi32>,
    } {sc.loop_unroll_factor = 8 : i64, sc.parallel_access}
    %add3A_55 = arith.constant 32 : i32
    %add3A_56 = arith.addi %mul3A_32, %add3A_55 : i32
    %dma_start3A_57 = arith.constant 1 : i32
    %dma_start3A_58 = arith.constant 0 : i32
    %dma_start3A_59 = arith.constant 0 : i32
    %dma_start3A_60 = tpu.memref_slice %arg4[%dma_start3A_57, %dma_start3A_58, %dma_start3A_59] : memref<2x32x512xi32, #tpu.memory_space<vmem>> -> memref<1x32x512xi32, #tpu.memory_space<vmem>>
    %dma_start3A_61 = tpu.memref_squeeze %dma_start3A_60 : memref<1x32x512xi32, #tpu.memory_space<vmem>> -> memref<32x512xi32, #tpu.memory_space<vmem>>
    %dma_start3A_62 = arith.constant 0 : i32
    %dma_start3A_63 = tpu.memref_slice %arg2[%select_n3A, %add3A_56, %dma_start3A_62] : memref<16x512x512xi32, #tpu.memory_space<hbm>> -> memref<1x32x512xi32, #tpu.memory_space<hbm>>
    %dma_start3A_64 = tpu.memref_squeeze %dma_start3A_63 : memref<1x32x512xi32, #tpu.memory_space<hbm>> -> memref<32x512xi32, #tpu.memory_space<hbm>>
    %dma_start3A_65 = arith.constant 0 : i32
    %dma_start3A_66 = arith.constant 0 : i32
    %dma_start3A_67 = tpu.memref_slice %arg4[%dma_start3A_57, %dma_start3A_65, %dma_start3A_66] : memref<2x32x512xi32, #tpu.memory_space<vmem>> -> memref<1x32x512xi32, #tpu.memory_space<vmem>>
    %dma_start3A_68 = tpu.memref_squeeze %dma_start3A_67 : memref<1x32x512xi32, #tpu.memory_space<vmem>> -> memref<32x512xi32, #tpu.memory_space<vmem>>
    %dma_start3A_69 = arith.constant 0 : i32
    %dma_start3A_70 = tpu.memref_slice %arg2[%select_n3A, %add3A_56, %dma_start3A_69] : memref<16x512x512xi32, #tpu.memory_space<hbm>> -> memref<1x32x512xi32, #tpu.memory_space<hbm>>
    %dma_start3A_71 = tpu.memref_squeeze %dma_start3A_70 : memref<1x32x512xi32, #tpu.memory_space<hbm>> -> memref<32x512xi32, #tpu.memory_space<hbm>>
    tpu.enqueue_dma source(%dma_start3A_71 : memref<32x512xi32, #tpu.memory_space<hbm>>) target(%dma_start3A_68 : memref<32x512xi32, #tpu.memory_space<vmem>>) target_semaphore(%arg9 : memref<!tpu.dma_semaphore, #tpu.memory_space<semaphore_mem>>)
    %dma_wait3A = arith.constant 0 : i32
    %dma_wait3A_72 = arith.constant 0 : i32
    %dma_wait3A_73 = arith.constant 0 : i32
    %dma_wait3A_74 = tpu.memref_slice %arg4[%dma_wait3A, %dma_wait3A_72, %dma_wait3A_73] : memref<2x32x512xi32, #tpu.memory_space<vmem>> -> memref<1x32x512xi32, #tpu.memory_space<vmem>>
    %dma_wait3A_75 = tpu.memref_squeeze %dma_wait3A_74 : memref<1x32x512xi32, #tpu.memory_space<vmem>> -> memref<32x512xi32, #tpu.memory_space<vmem>>
    %dma_wait3A_76 = arith.constant 0 : i32
    %dma_wait3A_77 = tpu.memref_slice %arg2[%select_n3A, %mul3A_32, %dma_wait3A_76] : memref<16x512x512xi32, #tpu.memory_space<hbm>> -> memref<1x32x512xi32, #tpu.memory_space<hbm>>
    %dma_wait3A_78 = tpu.memref_squeeze %dma_wait3A_77 : memref<1x32x512xi32, #tpu.memory_space<hbm>> -> memref<32x512xi32, #tpu.memory_space<hbm>>
    %dma_wait3A_79 = arith.constant 0 : i32
    %dma_wait3A_80 = arith.constant 0 : i32
    %dma_wait3A_81 = tpu.memref_slice %arg4[%dma_wait3A, %dma_wait3A_79, %dma_wait3A_80] : memref<2x32x512xi32, #tpu.memory_space<vmem>> -> memref<1x32x512xi32, #tpu.memory_space<vmem>>
    %dma_wait3A_82 = tpu.memref_squeeze %dma_wait3A_81 : memref<1x32x512xi32, #tpu.memory_space<vmem>> -> memref<32x512xi32, #tpu.memory_space<vmem>>
    %dma_wait3A_83 = arith.constant 0 : i32
    %dma_wait3A_84 = tpu.memref_slice %arg2[%select_n3A, %mul3A_32, %dma_wait3A_83] : memref<16x512x512xi32, #tpu.memory_space<hbm>> -> memref<1x32x512xi32, #tpu.memory_space<hbm>>
    %dma_wait3A_85 = tpu.memref_squeeze %dma_wait3A_84 : memref<1x32x512xi32, #tpu.memory_space<hbm>> -> memref<32x512xi32, #tpu.memory_space<hbm>>
    tpu.wait_dma2 semaphore(%arg8 : memref<!tpu.dma_semaphore, #tpu.memory_space<semaphore_mem>>) src(%dma_wait3A_85 : memref<32x512xi32, #tpu.memory_space<hbm>>) dst(%dma_wait3A_82 : memref<32x512xi32, #tpu.memory_space<vmem>>)
    %parallel_loop3A_86 = arith.constant 0 : i32
    %parallel_loop3A_87 = arith.constant 16384 : i32
    %parallel_loop3A_88 = arith.constant 32 : i32
    scf.for %parallel_loop3A_1004 = %parallel_loop3A_86 to %parallel_loop3A_87 step %parallel_loop3A_88  : i32 {
      %parallel_loop3A_1005 = arith.constant 9 : i32
      %parallel_loop3A_1006 = arith.shrsi %parallel_loop3A_1004, %parallel_loop3A_1005 : i32
      %parallel_loop3A_1007 = arith.constant 511 : i32
      %parallel_loop3A_1008 = arith.andi %parallel_loop3A_1004, %parallel_loop3A_1007 : i32
      %parallel_loop3A_1009 = arith.constant 0 : i32
      %parallel_loop3A_1010 = arith.index_cast %parallel_loop3A_1009 : i32 to index
      %parallel_loop3A_1011 = arith.index_cast %parallel_loop3A_1006 : i32 to index
      %parallel_loop3A_1012 = arith.index_cast %parallel_loop3A_1008 : i32 to index
      %parallel_loop3A_1013 = tpu.vector_load %arg4[%parallel_loop3A_1010, %parallel_loop3A_1011, %parallel_loop3A_1012] {strides = array<i32>} : memref<2x32x512xi32, #tpu.memory_space<vmem>>, vector<16xi32>,
      %parallel_loop3A_1014 = arith.constant 16 : i32
      %parallel_loop3A_1015 = arith.addi %parallel_loop3A_1008, %parallel_loop3A_1014 : i32
      %parallel_loop3A_1016 = arith.constant 0 : i32
      %parallel_loop3A_1017 = arith.index_cast %parallel_loop3A_1016 : i32 to index
      %parallel_loop3A_1018 = arith.index_cast %parallel_loop3A_1006 : i32 to index
      %parallel_loop3A_1019 = arith.index_cast %parallel_loop3A_1015 : i32 to index
      %parallel_loop3A_1020 = tpu.vector_load %arg4[%parallel_loop3A_1017, %parallel_loop3A_1018, %parallel_loop3A_1019] {strides = array<i32>} : memref<2x32x512xi32, #tpu.memory_space<vmem>>, vector<16xi32>,
      %parallel_loop3A_1021 = arith.constant 5 : i32
      %parallel_loop3A_1022 = vector.broadcast %parallel_loop3A_1021 : i32 to vector<16xi32>
      %parallel_loop3A_1023 = arith.shli %parallel_loop3A_1013, %parallel_loop3A_1022 : vector<16xi32>
      %parallel_loop3A_1024 = arith.addi %mul3A_52, %parallel_loop3A_1023 : vector<16xi32>
      %parallel_loop3A_1025 = arith.addi %parallel_loop3A_1024, %parallel_loop3A_1020 : vector<16xi32>
      tpu.vector_store_idx %arg5[%parallel_loop3A_1025], %broadcast_in_dim3A_49 {add = true} : memref<16384xi32, #tpu.memory_space<vmem>>[vector<16xi32>], vector<16xi32>,
    } {sc.loop_unroll_factor = 4 : i64, sc.parallel_access}
    %add3A_89 = arith.constant 64 : i32
    %add3A_90 = arith.addi %mul3A_32, %add3A_89 : i32
    %dma_start3A_91 = arith.constant 0 : i32
    %dma_start3A_92 = arith.constant 0 : i32
    %dma_start3A_93 = arith.constant 0 : i32
    %dma_start3A_94 = tpu.memref_slice %arg4[%dma_start3A_91, %dma_start3A_92, %dma_start3A_93] : memref<2x32x512xi32, #tpu.memory_space<vmem>> -> memref<1x32x512xi32, #tpu.memory_space<vmem>>
    %dma_start3A_95 = tpu.memref_squeeze %dma_start3A_94 : memref<1x32x512xi32, #tpu.memory_space<vmem>> -> memref<32x512xi32, #tpu.memory_space<vmem>>
    %dma_start3A_96 = arith.constant 0 : i32
    %dma_start3A_97 = tpu.memref_slice %arg2[%select_n3A, %add3A_90, %dma_start3A_96] : memref<16x512x512xi32, #tpu.memory_space<hbm>> -> memref<1x32x512xi32, #tpu.memory_space<hbm>>
    %dma_start3A_98 = tpu.memref_squeeze %dma_start3A_97 : memref<1x32x512xi32, #tpu.memory_space<hbm>> -> memref<32x512xi32, #tpu.memory_space<hbm>>
    %dma_start3A_99 = arith.constant 0 : i32
    %dma_start3A_100 = arith.constant 0 : i32
    %dma_start3A_101 = tpu.memref_slice %arg4[%dma_start3A_91, %dma_start3A_99, %dma_start3A_100] : memref<2x32x512xi32, #tpu.memory_space<vmem>> -> memref<1x32x512xi32, #tpu.memory_space<vmem>>
    %dma_start3A_102 = tpu.memref_squeeze %dma_start3A_101 : memref<1x32x512xi32, #tpu.memory_space<vmem>> -> memref<32x512xi32, #tpu.memory_space<vmem>>
    %dma_start3A_103 = arith.constant 0 : i32
    %dma_start3A_104 = tpu.memref_slice %arg2[%select_n3A, %add3A_90, %dma_start3A_103] : memref<16x512x512xi32, #tpu.memory_space<hbm>> -> memref<1x32x512xi32, #tpu.memory_space<hbm>>
    %dma_start3A_105 = tpu.memref_squeeze %dma_start3A_104 : memref<1x32x512xi32, #tpu.memory_space<hbm>> -> memref<32x512xi32, #tpu.memory_space<hbm>>
    tpu.enqueue_dma source(%dma_start3A_105 : memref<32x512xi32, #tpu.memory_space<hbm>>) target(%dma_start3A_102 : memref<32x512xi32, #tpu.memory_space<vmem>>) target_semaphore(%arg8 : memref<!tpu.dma_semaphore, #tpu.memory_space<semaphore_mem>>)
    %dma_wait3A_106 = arith.constant 1 : i32
    %dma_wait3A_107 = arith.constant 0 : i32
    %dma_wait3A_108 = arith.constant 0 : i32
    %dma_wait3A_109 = tpu.memref_slice %arg4[%dma_wait3A_106, %dma_wait3A_107, %dma_wait3A_108] : memref<2x32x512xi32, #tpu.memory_space<vmem>> -> memref<1x32x512xi32, #tpu.memory_space<vmem>>
    %dma_wait3A_110 = tpu.memref_squeeze %dma_wait3A_109 : memref<1x32x512xi32, #tpu.memory_space<vmem>> -> memref<32x512xi32, #tpu.memory_space<vmem>>
    %dma_wait3A_111 = arith.constant 0 : i32
    %dma_wait3A_112 = tpu.memref_slice %arg2[%select_n3A, %add3A_56, %dma_wait3A_111] : memref<16x512x512xi32, #tpu.memory_space<hbm>> -> memref<1x32x512xi32, #tpu.memory_space<hbm>>
    %dma_wait3A_113 = tpu.memref_squeeze %dma_wait3A_112 : memref<1x32x512xi32, #tpu.memory_space<hbm>> -> memref<32x512xi32, #tpu.memory_space<hbm>>
    %dma_wait3A_114 = arith.constant 0 : i32
    %dma_wait3A_115 = arith.constant 0 : i32
    %dma_wait3A_116 = tpu.memref_slice %arg4[%dma_wait3A_106, %dma_wait3A_114, %dma_wait3A_115] : memref<2x32x512xi32, #tpu.memory_space<vmem>> -> memref<1x32x512xi32, #tpu.memory_space<vmem>>
    %dma_wait3A_117 = tpu.memref_squeeze %dma_wait3A_116 : memref<1x32x512xi32, #tpu.memory_space<vmem>> -> memref<32x512xi32, #tpu.memory_space<vmem>>
    %dma_wait3A_118 = arith.constant 0 : i32
    %dma_wait3A_119 = tpu.memref_slice %arg2[%select_n3A, %add3A_56, %dma_wait3A_118] : memref<16x512x512xi32, #tpu.memory_space<hbm>> -> memref<1x32x512xi32, #tpu.memory_space<hbm>>
    %dma_wait3A_120 = tpu.memref_squeeze %dma_wait3A_119 : memref<1x32x512xi32, #tpu.memory_space<hbm>> -> memref<32x512xi32, #tpu.memory_space<hbm>>
    tpu.wait_dma2 semaphore(%arg9 : memref<!tpu.dma_semaphore, #tpu.memory_space<semaphore_mem>>) src(%dma_wait3A_120 : memref<32x512xi32, #tpu.memory_space<hbm>>) dst(%dma_wait3A_117 : memref<32x512xi32, #tpu.memory_space<vmem>>)
    %parallel_loop3A_121 = arith.constant 0 : i32
    %parallel_loop3A_122 = arith.constant 16384 : i32
    %parallel_loop3A_123 = arith.constant 32 : i32
    scf.for %parallel_loop3A_1004 = %parallel_loop3A_121 to %parallel_loop3A_122 step %parallel_loop3A_123  : i32 {
      %parallel_loop3A_1005 = arith.constant 9 : i32
      %parallel_loop3A_1006 = arith.shrsi %parallel_loop3A_1004, %parallel_loop3A_1005 : i32
      %parallel_loop3A_1007 = arith.constant 511 : i32
      %parallel_loop3A_1008 = arith.andi %parallel_loop3A_1004, %parallel_loop3A_1007 : i32
      %parallel_loop3A_1009 = arith.constant 1 : i32
      %parallel_loop3A_1010 = arith.index_cast %parallel_loop3A_1009 : i32 to index
      %parallel_loop3A_1011 = arith.index_cast %parallel_loop3A_1006 : i32 to index
      %parallel_loop3A_1012 = arith.index_cast %parallel_loop3A_1008 : i32 to index
      %parallel_loop3A_1013 = tpu.vector_load %arg4[%parallel_loop3A_1010, %parallel_loop3A_1011, %parallel_loop3A_1012] {strides = array<i32>} : memref<2x32x512xi32, #tpu.memory_space<vmem>>, vector<16xi32>,
      %parallel_loop3A_1014 = arith.constant 16 : i32
      %parallel_loop3A_1015 = arith.addi %parallel_loop3A_1008, %parallel_loop3A_1014 : i32
      %parallel_loop3A_1016 = arith.constant 1 : i32
      %parallel_loop3A_1017 = arith.index_cast %parallel_loop3A_1016 : i32 to index
      %parallel_loop3A_1018 = arith.index_cast %parallel_loop3A_1006 : i32 to index
      %parallel_loop3A_1019 = arith.index_cast %parallel_loop3A_1015 : i32 to index
      %parallel_loop3A_1020 = tpu.vector_load %arg4[%parallel_loop3A_1017, %parallel_loop3A_1018, %parallel_loop3A_1019] {strides = array<i32>} : memref<2x32x512xi32, #tpu.memory_space<vmem>>, vector<16xi32>,
      %parallel_loop3A_1021 = arith.constant 5 : i32
      %parallel_loop3A_1022 = vector.broadcast %parallel_loop3A_1021 : i32 to vector<16xi32>
      %parallel_loop3A_1023 = arith.shli %parallel_loop3A_1013, %parallel_loop3A_1022 : vector<16xi32>
      %parallel_loop3A_1024 = arith.addi %mul3A_52, %parallel_loop3A_1023 : vector<16xi32>
      %parallel_loop3A_1025 = arith.addi %parallel_loop3A_1024, %parallel_loop3A_1020 : vector<16xi32>
      tpu.vector_store_idx %arg5[%parallel_loop3A_1025], %broadcast_in_dim3A_49 {add = true} : memref<16384xi32, #tpu.memory_space<vmem>>[vector<16xi32>], vector<16xi32>,
    } {sc.loop_unroll_factor = 4 : i64, sc.parallel_access}
    %add3A_124 = arith.constant 96 : i32
    %add3A_125 = arith.addi %mul3A_32, %add3A_124 : i32
    %dma_start3A_126 = arith.constant 1 : i32
    %dma_start3A_127 = arith.constant 0 : i32
    %dma_start3A_128 = arith.constant 0 : i32
    %dma_start3A_129 = tpu.memref_slice %arg4[%dma_start3A_126, %dma_start3A_127, %dma_start3A_128] : memref<2x32x512xi32, #tpu.memory_space<vmem>> -> memref<1x32x512xi32, #tpu.memory_space<vmem>>
    %dma_start3A_130 = tpu.memref_squeeze %dma_start3A_129 : memref<1x32x512xi32, #tpu.memory_space<vmem>> -> memref<32x512xi32, #tpu.memory_space<vmem>>
    %dma_start3A_131 = arith.constant 0 : i32
    %dma_start3A_132 = tpu.memref_slice %arg2[%select_n3A, %add3A_125, %dma_start3A_131] : memref<16x512x512xi32, #tpu.memory_space<hbm>> -> memref<1x32x512xi32, #tpu.memory_space<hbm>>
    %dma_start3A_133 = tpu.memref_squeeze %dma_start3A_132 : memref<1x32x512xi32, #tpu.memory_space<hbm>> -> memref<32x512xi32, #tpu.memory_space<hbm>>
    %dma_start3A_134 = arith.constant 0 : i32
    %dma_start3A_135 = arith.constant 0 : i32
    %dma_start3A_136 = tpu.memref_slice %arg4[%dma_start3A_126, %dma_start3A_134, %dma_start3A_135] : memref<2x32x512xi32, #tpu.memory_space<vmem>> -> memref<1x32x512xi32, #tpu.memory_space<vmem>>
    %dma_start3A_137 = tpu.memref_squeeze %dma_start3A_136 : memref<1x32x512xi32, #tpu.memory_space<vmem>> -> memref<32x512xi32, #tpu.memory_space<vmem>>
    %dma_start3A_138 = arith.constant 0 : i32
    %dma_start3A_139 = tpu.memref_slice %arg2[%select_n3A, %add3A_125, %dma_start3A_138] : memref<16x512x512xi32, #tpu.memory_space<hbm>> -> memref<1x32x512xi32, #tpu.memory_space<hbm>>
    %dma_start3A_140 = tpu.memref_squeeze %dma_start3A_139 : memref<1x32x512xi32, #tpu.memory_space<hbm>> -> memref<32x512xi32, #tpu.memory_space<hbm>>
    tpu.enqueue_dma source(%dma_start3A_140 : memref<32x512xi32, #tpu.memory_space<hbm>>) target(%dma_start3A_137 : memref<32x512xi32, #tpu.memory_space<vmem>>) target_semaphore(%arg9 : memref<!tpu.dma_semaphore, #tpu.memory_space<semaphore_mem>>)
    %dma_wait3A_141 = arith.constant 0 : i32
    %dma_wait3A_142 = arith.constant 0 : i32
    %dma_wait3A_143 = arith.constant 0 : i32
    %dma_wait3A_144 = tpu.memref_slice %arg4[%dma_wait3A_141, %dma_wait3A_142, %dma_wait3A_143] : memref<2x32x512xi32, #tpu.memory_space<vmem>> -> memref<1x32x512xi32, #tpu.memory_space<vmem>>
    %dma_wait3A_145 = tpu.memref_squeeze %dma_wait3A_144 : memref<1x32x512xi32, #tpu.memory_space<vmem>> -> memref<32x512xi32, #tpu.memory_space<vmem>>
    %dma_wait3A_146 = arith.constant 0 : i32
    %dma_wait3A_147 = tpu.memref_slice %arg2[%select_n3A, %add3A_90, %dma_wait3A_146] : memref<16x512x512xi32, #tpu.memory_space<hbm>> -> memref<1x32x512xi32, #tpu.memory_space<hbm>>
    %dma_wait3A_148 = tpu.memref_squeeze %dma_wait3A_147 : memref<1x32x512xi32, #tpu.memory_space<hbm>> -> memref<32x512xi32, #tpu.memory_space<hbm>>
    %dma_wait3A_149 = arith.constant 0 : i32
    %dma_wait3A_150 = arith.constant 0 : i32
    %dma_wait3A_151 = tpu.memref_slice %arg4[%dma_wait3A_141, %dma_wait3A_149, %dma_wait3A_150] : memref<2x32x512xi32, #tpu.memory_space<vmem>> -> memref<1x32x512xi32, #tpu.memory_space<vmem>>
    %dma_wait3A_152 = tpu.memref_squeeze %dma_wait3A_151 : memref<1x32x512xi32, #tpu.memory_space<vmem>> -> memref<32x512xi32, #tpu.memory_space<vmem>>
    %dma_wait3A_153 = arith.constant 0 : i32
    %dma_wait3A_154 = tpu.memref_slice %arg2[%select_n3A, %add3A_90, %dma_wait3A_153] : memref<16x512x512xi32, #tpu.memory_space<hbm>> -> memref<1x32x512xi32, #tpu.memory_space<hbm>>
    %dma_wait3A_155 = tpu.memref_squeeze %dma_wait3A_154 : memref<1x32x512xi32, #tpu.memory_space<hbm>> -> memref<32x512xi32, #tpu.memory_space<hbm>>
    tpu.wait_dma2 semaphore(%arg8 : memref<!tpu.dma_semaphore, #tpu.memory_space<semaphore_mem>>) src(%dma_wait3A_155 : memref<32x512xi32, #tpu.memory_space<hbm>>) dst(%dma_wait3A_152 : memref<32x512xi32, #tpu.memory_space<vmem>>)
    %parallel_loop3A_156 = arith.constant 0 : i32
    %parallel_loop3A_157 = arith.constant 16384 : i32
    %parallel_loop3A_158 = arith.constant 32 : i32
    scf.for %parallel_loop3A_1004 = %parallel_loop3A_156 to %parallel_loop3A_157 step %parallel_loop3A_158  : i32 {
      %parallel_loop3A_1005 = arith.constant 9 : i32
      %parallel_loop3A_1006 = arith.shrsi %parallel_loop3A_1004, %parallel_loop3A_1005 : i32
      %parallel_loop3A_1007 = arith.constant 511 : i32
      %parallel_loop3A_1008 = arith.andi %parallel_loop3A_1004, %parallel_loop3A_1007 : i32
      %parallel_loop3A_1009 = arith.constant 0 : i32
      %parallel_loop3A_1010 = arith.index_cast %parallel_loop3A_1009 : i32 to index
      %parallel_loop3A_1011 = arith.index_cast %parallel_loop3A_1006 : i32 to index
      %parallel_loop3A_1012 = arith.index_cast %parallel_loop3A_1008 : i32 to index
      %parallel_loop3A_1013 = tpu.vector_load %arg4[%parallel_loop3A_1010, %parallel_loop3A_1011, %parallel_loop3A_1012] {strides = array<i32>} : memref<2x32x512xi32, #tpu.memory_space<vmem>>, vector<16xi32>,
      %parallel_loop3A_1014 = arith.constant 16 : i32
      %parallel_loop3A_1015 = arith.addi %parallel_loop3A_1008, %parallel_loop3A_1014 : i32
      %parallel_loop3A_1016 = arith.constant 0 : i32
      %parallel_loop3A_1017 = arith.index_cast %parallel_loop3A_1016 : i32 to index
      %parallel_loop3A_1018 = arith.index_cast %parallel_loop3A_1006 : i32 to index
      %parallel_loop3A_1019 = arith.index_cast %parallel_loop3A_1015 : i32 to index
      %parallel_loop3A_1020 = tpu.vector_load %arg4[%parallel_loop3A_1017, %parallel_loop3A_1018, %parallel_loop3A_1019] {strides = array<i32>} : memref<2x32x512xi32, #tpu.memory_space<vmem>>, vector<16xi32>,
      %parallel_loop3A_1021 = arith.constant 5 : i32
      %parallel_loop3A_1022 = vector.broadcast %parallel_loop3A_1021 : i32 to vector<16xi32>
      %parallel_loop3A_1023 = arith.shli %parallel_loop3A_1013, %parallel_loop3A_1022 : vector<16xi32>
      %parallel_loop3A_1024 = arith.addi %mul3A_52, %parallel_loop3A_1023 : vector<16xi32>
      %parallel_loop3A_1025 = arith.addi %parallel_loop3A_1024, %parallel_loop3A_1020 : vector<16xi32>
      tpu.vector_store_idx %arg5[%parallel_loop3A_1025], %broadcast_in_dim3A_49 {add = true} : memref<16384xi32, #tpu.memory_space<vmem>>[vector<16xi32>], vector<16xi32>,
    } {sc.loop_unroll_factor = 4 : i64, sc.parallel_access}
    %add3A_159 = arith.constant 128 : i32
    %add3A_160 = arith.addi %mul3A_32, %add3A_159 : i32
    %dma_start3A_161 = arith.constant 0 : i32
    %dma_start3A_162 = arith.constant 0 : i32
    %dma_start3A_163 = arith.constant 0 : i32
    %dma_start3A_164 = tpu.memref_slice %arg4[%dma_start3A_161, %dma_start3A_162, %dma_start3A_163] : memref<2x32x512xi32, #tpu.memory_space<vmem>> -> memref<1x32x512xi32, #tpu.memory_space<vmem>>
    %dma_start3A_165 = tpu.memref_squeeze %dma_start3A_164 : memref<1x32x512xi32, #tpu.memory_space<vmem>> -> memref<32x512xi32, #tpu.memory_space<vmem>>
    %dma_start3A_166 = arith.constant 0 : i32
    %dma_start3A_167 = tpu.memref_slice %arg2[%select_n3A, %add3A_160, %dma_start3A_166] : memref<16x512x512xi32, #tpu.memory_space<hbm>> -> memref<1x32x512xi32, #tpu.memory_space<hbm>>
    %dma_start3A_168 = tpu.memref_squeeze %dma_start3A_167 : memref<1x32x512xi32, #tpu.memory_space<hbm>> -> memref<32x512xi32, #tpu.memory_space<hbm>>
    %dma_start3A_169 = arith.constant 0 : i32
    %dma_start3A_170 = arith.constant 0 : i32
    %dma_start3A_171 = tpu.memref_slice %arg4[%dma_start3A_161, %dma_start3A_169, %dma_start3A_170] : memref<2x32x512xi32, #tpu.memory_space<vmem>> -> memref<1x32x512xi32, #tpu.memory_space<vmem>>
    %dma_start3A_172 = tpu.memref_squeeze %dma_start3A_171 : memref<1x32x512xi32, #tpu.memory_space<vmem>> -> memref<32x512xi32, #tpu.memory_space<vmem>>
    %dma_start3A_173 = arith.constant 0 : i32
    %dma_start3A_174 = tpu.memref_slice %arg2[%select_n3A, %add3A_160, %dma_start3A_173] : memref<16x512x512xi32, #tpu.memory_space<hbm>> -> memref<1x32x512xi32, #tpu.memory_space<hbm>>
    %dma_start3A_175 = tpu.memref_squeeze %dma_start3A_174 : memref<1x32x512xi32, #tpu.memory_space<hbm>> -> memref<32x512xi32, #tpu.memory_space<hbm>>
    tpu.enqueue_dma source(%dma_start3A_175 : memref<32x512xi32, #tpu.memory_space<hbm>>) target(%dma_start3A_172 : memref<32x512xi32, #tpu.memory_space<vmem>>) target_semaphore(%arg8 : memref<!tpu.dma_semaphore, #tpu.memory_space<semaphore_mem>>)
    %dma_wait3A_176 = arith.constant 1 : i32
    %dma_wait3A_177 = arith.constant 0 : i32
    %dma_wait3A_178 = arith.constant 0 : i32
    %dma_wait3A_179 = tpu.memref_slice %arg4[%dma_wait3A_176, %dma_wait3A_177, %dma_wait3A_178] : memref<2x32x512xi32, #tpu.memory_space<vmem>> -> memref<1x32x512xi32, #tpu.memory_space<vmem>>
    %dma_wait3A_180 = tpu.memref_squeeze %dma_wait3A_179 : memref<1x32x512xi32, #tpu.memory_space<vmem>> -> memref<32x512xi32, #tpu.memory_space<vmem>>
    %dma_wait3A_181 = arith.constant 0 : i32
    %dma_wait3A_182 = tpu.memref_slice %arg2[%select_n3A, %add3A_125, %dma_wait3A_181] : memref<16x512x512xi32, #tpu.memory_space<hbm>> -> memref<1x32x512xi32, #tpu.memory_space<hbm>>
    %dma_wait3A_183 = tpu.memref_squeeze %dma_wait3A_182 : memref<1x32x512xi32, #tpu.memory_space<hbm>> -> memref<32x512xi32, #tpu.memory_space<hbm>>
    %dma_wait3A_184 = arith.constant 0 : i32
    %dma_wait3A_185 = arith.constant 0 : i32
    %dma_wait3A_186 = tpu.memref_slice %arg4[%dma_wait3A_176, %dma_wait3A_184, %dma_wait3A_185] : memref<2x32x512xi32, #tpu.memory_space<vmem>> -> memref<1x32x512xi32, #tpu.memory_space<vmem>>
    %dma_wait3A_187 = tpu.memref_squeeze %dma_wait3A_186 : memref<1x32x512xi32, #tpu.memory_space<vmem>> -> memref<32x512xi32, #tpu.memory_space<vmem>>
    %dma_wait3A_188 = arith.constant 0 : i32
    %dma_wait3A_189 = tpu.memref_slice %arg2[%select_n3A, %add3A_125, %dma_wait3A_188] : memref<16x512x512xi32, #tpu.memory_space<hbm>> -> memref<1x32x512xi32, #tpu.memory_space<hbm>>
    %dma_wait3A_190 = tpu.memref_squeeze %dma_wait3A_189 : memref<1x32x512xi32, #tpu.memory_space<hbm>> -> memref<32x512xi32, #tpu.memory_space<hbm>>
    tpu.wait_dma2 semaphore(%arg9 : memref<!tpu.dma_semaphore, #tpu.memory_space<semaphore_mem>>) src(%dma_wait3A_190 : memref<32x512xi32, #tpu.memory_space<hbm>>) dst(%dma_wait3A_187 : memref<32x512xi32, #tpu.memory_space<vmem>>)
    %parallel_loop3A_191 = arith.constant 0 : i32
    %parallel_loop3A_192 = arith.constant 16384 : i32
    %parallel_loop3A_193 = arith.constant 32 : i32
    scf.for %parallel_loop3A_1004 = %parallel_loop3A_191 to %parallel_loop3A_192 step %parallel_loop3A_193  : i32 {
      %parallel_loop3A_1005 = arith.constant 9 : i32
      %parallel_loop3A_1006 = arith.shrsi %parallel_loop3A_1004, %parallel_loop3A_1005 : i32
      %parallel_loop3A_1007 = arith.constant 511 : i32
      %parallel_loop3A_1008 = arith.andi %parallel_loop3A_1004, %parallel_loop3A_1007 : i32
      %parallel_loop3A_1009 = arith.constant 1 : i32
      %parallel_loop3A_1010 = arith.index_cast %parallel_loop3A_1009 : i32 to index
      %parallel_loop3A_1011 = arith.index_cast %parallel_loop3A_1006 : i32 to index
      %parallel_loop3A_1012 = arith.index_cast %parallel_loop3A_1008 : i32 to index
      %parallel_loop3A_1013 = tpu.vector_load %arg4[%parallel_loop3A_1010, %parallel_loop3A_1011, %parallel_loop3A_1012] {strides = array<i32>} : memref<2x32x512xi32, #tpu.memory_space<vmem>>, vector<16xi32>,
      %parallel_loop3A_1014 = arith.constant 16 : i32
      %parallel_loop3A_1015 = arith.addi %parallel_loop3A_1008, %parallel_loop3A_1014 : i32
      %parallel_loop3A_1016 = arith.constant 1 : i32
      %parallel_loop3A_1017 = arith.index_cast %parallel_loop3A_1016 : i32 to index
      %parallel_loop3A_1018 = arith.index_cast %parallel_loop3A_1006 : i32 to index
      %parallel_loop3A_1019 = arith.index_cast %parallel_loop3A_1015 : i32 to index
      %parallel_loop3A_1020 = tpu.vector_load %arg4[%parallel_loop3A_1017, %parallel_loop3A_1018, %parallel_loop3A_1019] {strides = array<i32>} : memref<2x32x512xi32, #tpu.memory_space<vmem>>, vector<16xi32>,
      %parallel_loop3A_1021 = arith.constant 5 : i32
      %parallel_loop3A_1022 = vector.broadcast %parallel_loop3A_1021 : i32 to vector<16xi32>
      %parallel_loop3A_1023 = arith.shli %parallel_loop3A_1013, %parallel_loop3A_1022 : vector<16xi32>
      %parallel_loop3A_1024 = arith.addi %mul3A_52, %parallel_loop3A_1023 : vector<16xi32>
      %parallel_loop3A_1025 = arith.addi %parallel_loop3A_1024, %parallel_loop3A_1020 : vector<16xi32>
      tpu.vector_store_idx %arg5[%parallel_loop3A_1025], %broadcast_in_dim3A_49 {add = true} : memref<16384xi32, #tpu.memory_space<vmem>>[vector<16xi32>], vector<16xi32>,
    } {sc.loop_unroll_factor = 4 : i64, sc.parallel_access}
    %add3A_194 = arith.constant 160 : i32
    %add3A_195 = arith.addi %mul3A_32, %add3A_194 : i32
    %dma_start3A_196 = arith.constant 1 : i32
    %dma_start3A_197 = arith.constant 0 : i32
    %dma_start3A_198 = arith.constant 0 : i32
    %dma_start3A_199 = tpu.memref_slice %arg4[%dma_start3A_196, %dma_start3A_197, %dma_start3A_198] : memref<2x32x512xi32, #tpu.memory_space<vmem>> -> memref<1x32x512xi32, #tpu.memory_space<vmem>>
    %dma_start3A_200 = tpu.memref_squeeze %dma_start3A_199 : memref<1x32x512xi32, #tpu.memory_space<vmem>> -> memref<32x512xi32, #tpu.memory_space<vmem>>
    %dma_start3A_201 = arith.constant 0 : i32
    %dma_start3A_202 = tpu.memref_slice %arg2[%select_n3A, %add3A_195, %dma_start3A_201] : memref<16x512x512xi32, #tpu.memory_space<hbm>> -> memref<1x32x512xi32, #tpu.memory_space<hbm>>
    %dma_start3A_203 = tpu.memref_squeeze %dma_start3A_202 : memref<1x32x512xi32, #tpu.memory_space<hbm>> -> memref<32x512xi32, #tpu.memory_space<hbm>>
    %dma_start3A_204 = arith.constant 0 : i32
    %dma_start3A_205 = arith.constant 0 : i32
    %dma_start3A_206 = tpu.memref_slice %arg4[%dma_start3A_196, %dma_start3A_204, %dma_start3A_205] : memref<2x32x512xi32, #tpu.memory_space<vmem>> -> memref<1x32x512xi32, #tpu.memory_space<vmem>>
    %dma_start3A_207 = tpu.memref_squeeze %dma_start3A_206 : memref<1x32x512xi32, #tpu.memory_space<vmem>> -> memref<32x512xi32, #tpu.memory_space<vmem>>
    %dma_start3A_208 = arith.constant 0 : i32
    %dma_start3A_209 = tpu.memref_slice %arg2[%select_n3A, %add3A_195, %dma_start3A_208] : memref<16x512x512xi32, #tpu.memory_space<hbm>> -> memref<1x32x512xi32, #tpu.memory_space<hbm>>
    %dma_start3A_210 = tpu.memref_squeeze %dma_start3A_209 : memref<1x32x512xi32, #tpu.memory_space<hbm>> -> memref<32x512xi32, #tpu.memory_space<hbm>>
    tpu.enqueue_dma source(%dma_start3A_210 : memref<32x512xi32, #tpu.memory_space<hbm>>) target(%dma_start3A_207 : memref<32x512xi32, #tpu.memory_space<vmem>>) target_semaphore(%arg9 : memref<!tpu.dma_semaphore, #tpu.memory_space<semaphore_mem>>)
    %dma_wait3A_211 = arith.constant 0 : i32
    %dma_wait3A_212 = arith.constant 0 : i32
    %dma_wait3A_213 = arith.constant 0 : i32
    %dma_wait3A_214 = tpu.memref_slice %arg4[%dma_wait3A_211, %dma_wait3A_212, %dma_wait3A_213] : memref<2x32x512xi32, #tpu.memory_space<vmem>> -> memref<1x32x512xi32, #tpu.memory_space<vmem>>
    %dma_wait3A_215 = tpu.memref_squeeze %dma_wait3A_214 : memref<1x32x512xi32, #tpu.memory_space<vmem>> -> memref<32x512xi32, #tpu.memory_space<vmem>>
    %dma_wait3A_216 = arith.constant 0 : i32
    %dma_wait3A_217 = tpu.memref_slice %arg2[%select_n3A, %add3A_160, %dma_wait3A_216] : memref<16x512x512xi32, #tpu.memory_space<hbm>> -> memref<1x32x512xi32, #tpu.memory_space<hbm>>
    %dma_wait3A_218 = tpu.memref_squeeze %dma_wait3A_217 : memref<1x32x512xi32, #tpu.memory_space<hbm>> -> memref<32x512xi32, #tpu.memory_space<hbm>>
    %dma_wait3A_219 = arith.constant 0 : i32
    %dma_wait3A_220 = arith.constant 0 : i32
    %dma_wait3A_221 = tpu.memref_slice %arg4[%dma_wait3A_211, %dma_wait3A_219, %dma_wait3A_220] : memref<2x32x512xi32, #tpu.memory_space<vmem>> -> memref<1x32x512xi32, #tpu.memory_space<vmem>>
    %dma_wait3A_222 = tpu.memref_squeeze %dma_wait3A_221 : memref<1x32x512xi32, #tpu.memory_space<vmem>> -> memref<32x512xi32, #tpu.memory_space<vmem>>
    %dma_wait3A_223 = arith.constant 0 : i32
    %dma_wait3A_224 = tpu.memref_slice %arg2[%select_n3A, %add3A_160, %dma_wait3A_223] : memref<16x512x512xi32, #tpu.memory_space<hbm>> -> memref<1x32x512xi32, #tpu.memory_space<hbm>>
    %dma_wait3A_225 = tpu.memref_squeeze %dma_wait3A_224 : memref<1x32x512xi32, #tpu.memory_space<hbm>> -> memref<32x512xi32, #tpu.memory_space<hbm>>
    tpu.wait_dma2 semaphore(%arg8 : memref<!tpu.dma_semaphore, #tpu.memory_space<semaphore_mem>>) src(%dma_wait3A_225 : memref<32x512xi32, #tpu.memory_space<hbm>>) dst(%dma_wait3A_222 : memref<32x512xi32, #tpu.memory_space<vmem>>)
    %parallel_loop3A_226 = arith.constant 0 : i32
    %parallel_loop3A_227 = arith.constant 16384 : i32
    %parallel_loop3A_228 = arith.constant 32 : i32
    scf.for %parallel_loop3A_1004 = %parallel_loop3A_226 to %parallel_loop3A_227 step %parallel_loop3A_228  : i32 {
      %parallel_loop3A_1005 = arith.constant 9 : i32
      %parallel_loop3A_1006 = arith.shrsi %parallel_loop3A_1004, %parallel_loop3A_1005 : i32
      %parallel_loop3A_1007 = arith.constant 511 : i32
      %parallel_loop3A_1008 = arith.andi %parallel_loop3A_1004, %parallel_loop3A_1007 : i32
      %parallel_loop3A_1009 = arith.constant 0 : i32
      %parallel_loop3A_1010 = arith.index_cast %parallel_loop3A_1009 : i32 to index
      %parallel_loop3A_1011 = arith.index_cast %parallel_loop3A_1006 : i32 to index
      %parallel_loop3A_1012 = arith.index_cast %parallel_loop3A_1008 : i32 to index
      %parallel_loop3A_1013 = tpu.vector_load %arg4[%parallel_loop3A_1010, %parallel_loop3A_1011, %parallel_loop3A_1012] {strides = array<i32>} : memref<2x32x512xi32, #tpu.memory_space<vmem>>, vector<16xi32>,
      %parallel_loop3A_1014 = arith.constant 16 : i32
      %parallel_loop3A_1015 = arith.addi %parallel_loop3A_1008, %parallel_loop3A_1014 : i32
      %parallel_loop3A_1016 = arith.constant 0 : i32
      %parallel_loop3A_1017 = arith.index_cast %parallel_loop3A_1016 : i32 to index
      %parallel_loop3A_1018 = arith.index_cast %parallel_loop3A_1006 : i32 to index
      %parallel_loop3A_1019 = arith.index_cast %parallel_loop3A_1015 : i32 to index
      %parallel_loop3A_1020 = tpu.vector_load %arg4[%parallel_loop3A_1017, %parallel_loop3A_1018, %parallel_loop3A_1019] {strides = array<i32>} : memref<2x32x512xi32, #tpu.memory_space<vmem>>, vector<16xi32>,
      %parallel_loop3A_1021 = arith.constant 5 : i32
      %parallel_loop3A_1022 = vector.broadcast %parallel_loop3A_1021 : i32 to vector<16xi32>
      %parallel_loop3A_1023 = arith.shli %parallel_loop3A_1013, %parallel_loop3A_1022 : vector<16xi32>
      %parallel_loop3A_1024 = arith.addi %mul3A_52, %parallel_loop3A_1023 : vector<16xi32>
      %parallel_loop3A_1025 = arith.addi %parallel_loop3A_1024, %parallel_loop3A_1020 : vector<16xi32>
      tpu.vector_store_idx %arg5[%parallel_loop3A_1025], %broadcast_in_dim3A_49 {add = true} : memref<16384xi32, #tpu.memory_space<vmem>>[vector<16xi32>], vector<16xi32>,
    } {sc.loop_unroll_factor = 4 : i64, sc.parallel_access}
    %add3A_229 = arith.constant 192 : i32
    %add3A_230 = arith.addi %mul3A_32, %add3A_229 : i32
    %dma_start3A_231 = arith.constant 0 : i32
    %dma_start3A_232 = arith.constant 0 : i32
    %dma_start3A_233 = arith.constant 0 : i32
    %dma_start3A_234 = tpu.memref_slice %arg4[%dma_start3A_231, %dma_start3A_232, %dma_start3A_233] : memref<2x32x512xi32, #tpu.memory_space<vmem>> -> memref<1x32x512xi32, #tpu.memory_space<vmem>>
    %dma_start3A_235 = tpu.memref_squeeze %dma_start3A_234 : memref<1x32x512xi32, #tpu.memory_space<vmem>> -> memref<32x512xi32, #tpu.memory_space<vmem>>
    %dma_start3A_236 = arith.constant 0 : i32
    %dma_start3A_237 = tpu.memref_slice %arg2[%select_n3A, %add3A_230, %dma_start3A_236] : memref<16x512x512xi32, #tpu.memory_space<hbm>> -> memref<1x32x512xi32, #tpu.memory_space<hbm>>
    %dma_start3A_238 = tpu.memref_squeeze %dma_start3A_237 : memref<1x32x512xi32, #tpu.memory_space<hbm>> -> memref<32x512xi32, #tpu.memory_space<hbm>>
    %dma_start3A_239 = arith.constant 0 : i32
    %dma_start3A_240 = arith.constant 0 : i32
    %dma_start3A_241 = tpu.memref_slice %arg4[%dma_start3A_231, %dma_start3A_239, %dma_start3A_240] : memref<2x32x512xi32, #tpu.memory_space<vmem>> -> memref<1x32x512xi32, #tpu.memory_space<vmem>>
    %dma_start3A_242 = tpu.memref_squeeze %dma_start3A_241 : memref<1x32x512xi32, #tpu.memory_space<vmem>> -> memref<32x512xi32, #tpu.memory_space<vmem>>
    %dma_start3A_243 = arith.constant 0 : i32
    %dma_start3A_244 = tpu.memref_slice %arg2[%select_n3A, %add3A_230, %dma_start3A_243] : memref<16x512x512xi32, #tpu.memory_space<hbm>> -> memref<1x32x512xi32, #tpu.memory_space<hbm>>
    %dma_start3A_245 = tpu.memref_squeeze %dma_start3A_244 : memref<1x32x512xi32, #tpu.memory_space<hbm>> -> memref<32x512xi32, #tpu.memory_space<hbm>>
    tpu.enqueue_dma source(%dma_start3A_245 : memref<32x512xi32, #tpu.memory_space<hbm>>) target(%dma_start3A_242 : memref<32x512xi32, #tpu.memory_space<vmem>>) target_semaphore(%arg8 : memref<!tpu.dma_semaphore, #tpu.memory_space<semaphore_mem>>)
    %dma_wait3A_246 = arith.constant 1 : i32
    %dma_wait3A_247 = arith.constant 0 : i32
    %dma_wait3A_248 = arith.constant 0 : i32
    %dma_wait3A_249 = tpu.memref_slice %arg4[%dma_wait3A_246, %dma_wait3A_247, %dma_wait3A_248] : memref<2x32x512xi32, #tpu.memory_space<vmem>> -> memref<1x32x512xi32, #tpu.memory_space<vmem>>
    %dma_wait3A_250 = tpu.memref_squeeze %dma_wait3A_249 : memref<1x32x512xi32, #tpu.memory_space<vmem>> -> memref<32x512xi32, #tpu.memory_space<vmem>>
    %dma_wait3A_251 = arith.constant 0 : i32
    %dma_wait3A_252 = tpu.memref_slice %arg2[%select_n3A, %add3A_195, %dma_wait3A_251] : memref<16x512x512xi32, #tpu.memory_space<hbm>> -> memref<1x32x512xi32, #tpu.memory_space<hbm>>
    %dma_wait3A_253 = tpu.memref_squeeze %dma_wait3A_252 : memref<1x32x512xi32, #tpu.memory_space<hbm>> -> memref<32x512xi32, #tpu.memory_space<hbm>>
    %dma_wait3A_254 = arith.constant 0 : i32
    %dma_wait3A_255 = arith.constant 0 : i32
    %dma_wait3A_256 = tpu.memref_slice %arg4[%dma_wait3A_246, %dma_wait3A_254, %dma_wait3A_255] : memref<2x32x512xi32, #tpu.memory_space<vmem>> -> memref<1x32x512xi32, #tpu.memory_space<vmem>>
    %dma_wait3A_257 = tpu.memref_squeeze %dma_wait3A_256 : memref<1x32x512xi32, #tpu.memory_space<vmem>> -> memref<32x512xi32, #tpu.memory_space<vmem>>
    %dma_wait3A_258 = arith.constant 0 : i32
    %dma_wait3A_259 = tpu.memref_slice %arg2[%select_n3A, %add3A_195, %dma_wait3A_258] : memref<16x512x512xi32, #tpu.memory_space<hbm>> -> memref<1x32x512xi32, #tpu.memory_space<hbm>>
    %dma_wait3A_260 = tpu.memref_squeeze %dma_wait3A_259 : memref<1x32x512xi32, #tpu.memory_space<hbm>> -> memref<32x512xi32, #tpu.memory_space<hbm>>
    tpu.wait_dma2 semaphore(%arg9 : memref<!tpu.dma_semaphore, #tpu.memory_space<semaphore_mem>>) src(%dma_wait3A_260 : memref<32x512xi32, #tpu.memory_space<hbm>>) dst(%dma_wait3A_257 : memref<32x512xi32, #tpu.memory_space<vmem>>)
    %parallel_loop3A_261 = arith.constant 0 : i32
    %parallel_loop3A_262 = arith.constant 16384 : i32
    %parallel_loop3A_263 = arith.constant 32 : i32
    scf.for %parallel_loop3A_1004 = %parallel_loop3A_261 to %parallel_loop3A_262 step %parallel_loop3A_263  : i32 {
      %parallel_loop3A_1005 = arith.constant 9 : i32
      %parallel_loop3A_1006 = arith.shrsi %parallel_loop3A_1004, %parallel_loop3A_1005 : i32
      %parallel_loop3A_1007 = arith.constant 511 : i32
      %parallel_loop3A_1008 = arith.andi %parallel_loop3A_1004, %parallel_loop3A_1007 : i32
      %parallel_loop3A_1009 = arith.constant 1 : i32
      %parallel_loop3A_1010 = arith.index_cast %parallel_loop3A_1009 : i32 to index
      %parallel_loop3A_1011 = arith.index_cast %parallel_loop3A_1006 : i32 to index
      %parallel_loop3A_1012 = arith.index_cast %parallel_loop3A_1008 : i32 to index
      %parallel_loop3A_1013 = tpu.vector_load %arg4[%parallel_loop3A_1010, %parallel_loop3A_1011, %parallel_loop3A_1012] {strides = array<i32>} : memref<2x32x512xi32, #tpu.memory_space<vmem>>, vector<16xi32>,
      %parallel_loop3A_1014 = arith.constant 16 : i32
      %parallel_loop3A_1015 = arith.addi %parallel_loop3A_1008, %parallel_loop3A_1014 : i32
      %parallel_loop3A_1016 = arith.constant 1 : i32
      %parallel_loop3A_1017 = arith.index_cast %parallel_loop3A_1016 : i32 to index
      %parallel_loop3A_1018 = arith.index_cast %parallel_loop3A_1006 : i32 to index
      %parallel_loop3A_1019 = arith.index_cast %parallel_loop3A_1015 : i32 to index
      %parallel_loop3A_1020 = tpu.vector_load %arg4[%parallel_loop3A_1017, %parallel_loop3A_1018, %parallel_loop3A_1019] {strides = array<i32>} : memref<2x32x512xi32, #tpu.memory_space<vmem>>, vector<16xi32>,
      %parallel_loop3A_1021 = arith.constant 5 : i32
      %parallel_loop3A_1022 = vector.broadcast %parallel_loop3A_1021 : i32 to vector<16xi32>
      %parallel_loop3A_1023 = arith.shli %parallel_loop3A_1013, %parallel_loop3A_1022 : vector<16xi32>
      %parallel_loop3A_1024 = arith.addi %mul3A_52, %parallel_loop3A_1023 : vector<16xi32>
      %parallel_loop3A_1025 = arith.addi %parallel_loop3A_1024, %parallel_loop3A_1020 : vector<16xi32>
      tpu.vector_store_idx %arg5[%parallel_loop3A_1025], %broadcast_in_dim3A_49 {add = true} : memref<16384xi32, #tpu.memory_space<vmem>>[vector<16xi32>], vector<16xi32>,
    } {sc.loop_unroll_factor = 4 : i64, sc.parallel_access}
    %add3A_264 = arith.constant 224 : i32
    %add3A_265 = arith.addi %mul3A_32, %add3A_264 : i32
    %dma_start3A_266 = arith.constant 1 : i32
    %dma_start3A_267 = arith.constant 0 : i32
    %dma_start3A_268 = arith.constant 0 : i32
    %dma_start3A_269 = tpu.memref_slice %arg4[%dma_start3A_266, %dma_start3A_267, %dma_start3A_268] : memref<2x32x512xi32, #tpu.memory_space<vmem>> -> memref<1x32x512xi32, #tpu.memory_space<vmem>>
    %dma_start3A_270 = tpu.memref_squeeze %dma_start3A_269 : memref<1x32x512xi32, #tpu.memory_space<vmem>> -> memref<32x512xi32, #tpu.memory_space<vmem>>
    %dma_start3A_271 = arith.constant 0 : i32
    %dma_start3A_272 = tpu.memref_slice %arg2[%select_n3A, %add3A_265, %dma_start3A_271] : memref<16x512x512xi32, #tpu.memory_space<hbm>> -> memref<1x32x512xi32, #tpu.memory_space<hbm>>
    %dma_start3A_273 = tpu.memref_squeeze %dma_start3A_272 : memref<1x32x512xi32, #tpu.memory_space<hbm>> -> memref<32x512xi32, #tpu.memory_space<hbm>>
    %dma_start3A_274 = arith.constant 0 : i32
    %dma_start3A_275 = arith.constant 0 : i32
    %dma_start3A_276 = tpu.memref_slice %arg4[%dma_start3A_266, %dma_start3A_274, %dma_start3A_275] : memref<2x32x512xi32, #tpu.memory_space<vmem>> -> memref<1x32x512xi32, #tpu.memory_space<vmem>>
    %dma_start3A_277 = tpu.memref_squeeze %dma_start3A_276 : memref<1x32x512xi32, #tpu.memory_space<vmem>> -> memref<32x512xi32, #tpu.memory_space<vmem>>
    %dma_start3A_278 = arith.constant 0 : i32
    %dma_start3A_279 = tpu.memref_slice %arg2[%select_n3A, %add3A_265, %dma_start3A_278] : memref<16x512x512xi32, #tpu.memory_space<hbm>> -> memref<1x32x512xi32, #tpu.memory_space<hbm>>
    %dma_start3A_280 = tpu.memref_squeeze %dma_start3A_279 : memref<1x32x512xi32, #tpu.memory_space<hbm>> -> memref<32x512xi32, #tpu.memory_space<hbm>>
    tpu.enqueue_dma source(%dma_start3A_280 : memref<32x512xi32, #tpu.memory_space<hbm>>) target(%dma_start3A_277 : memref<32x512xi32, #tpu.memory_space<vmem>>) target_semaphore(%arg9 : memref<!tpu.dma_semaphore, #tpu.memory_space<semaphore_mem>>)
    %dma_wait3A_281 = arith.constant 0 : i32
    %dma_wait3A_282 = arith.constant 0 : i32
    %dma_wait3A_283 = arith.constant 0 : i32
    %dma_wait3A_284 = tpu.memref_slice %arg4[%dma_wait3A_281, %dma_wait3A_282, %dma_wait3A_283] : memref<2x32x512xi32, #tpu.memory_space<vmem>> -> memref<1x32x512xi32, #tpu.memory_space<vmem>>
    %dma_wait3A_285 = tpu.memref_squeeze %dma_wait3A_284 : memref<1x32x512xi32, #tpu.memory_space<vmem>> -> memref<32x512xi32, #tpu.memory_space<vmem>>
    %dma_wait3A_286 = arith.constant 0 : i32
    %dma_wait3A_287 = tpu.memref_slice %arg2[%select_n3A, %add3A_230, %dma_wait3A_286] : memref<16x512x512xi32, #tpu.memory_space<hbm>> -> memref<1x32x512xi32, #tpu.memory_space<hbm>>
    %dma_wait3A_288 = tpu.memref_squeeze %dma_wait3A_287 : memref<1x32x512xi32, #tpu.memory_space<hbm>> -> memref<32x512xi32, #tpu.memory_space<hbm>>
    %dma_wait3A_289 = arith.constant 0 : i32
    %dma_wait3A_290 = arith.constant 0 : i32
    %dma_wait3A_291 = tpu.memref_slice %arg4[%dma_wait3A_281, %dma_wait3A_289, %dma_wait3A_290] : memref<2x32x512xi32, #tpu.memory_space<vmem>> -> memref<1x32x512xi32, #tpu.memory_space<vmem>>
    %dma_wait3A_292 = tpu.memref_squeeze %dma_wait3A_291 : memref<1x32x512xi32, #tpu.memory_space<vmem>> -> memref<32x512xi32, #tpu.memory_space<vmem>>
    %dma_wait3A_293 = arith.constant 0 : i32
    %dma_wait3A_294 = tpu.memref_slice %arg2[%select_n3A, %add3A_230, %dma_wait3A_293] : memref<16x512x512xi32, #tpu.memory_space<hbm>> -> memref<1x32x512xi32, #tpu.memory_space<hbm>>
    %dma_wait3A_295 = tpu.memref_squeeze %dma_wait3A_294 : memref<1x32x512xi32, #tpu.memory_space<hbm>> -> memref<32x512xi32, #tpu.memory_space<hbm>>
    tpu.wait_dma2 semaphore(%arg8 : memref<!tpu.dma_semaphore, #tpu.memory_space<semaphore_mem>>) src(%dma_wait3A_295 : memref<32x512xi32, #tpu.memory_space<hbm>>) dst(%dma_wait3A_292 : memref<32x512xi32, #tpu.memory_space<vmem>>)
    %parallel_loop3A_296 = arith.constant 0 : i32
    %parallel_loop3A_297 = arith.constant 16384 : i32
    %parallel_loop3A_298 = arith.constant 32 : i32
    scf.for %parallel_loop3A_1004 = %parallel_loop3A_296 to %parallel_loop3A_297 step %parallel_loop3A_298  : i32 {
      %parallel_loop3A_1005 = arith.constant 9 : i32
      %parallel_loop3A_1006 = arith.shrsi %parallel_loop3A_1004, %parallel_loop3A_1005 : i32
      %parallel_loop3A_1007 = arith.constant 511 : i32
      %parallel_loop3A_1008 = arith.andi %parallel_loop3A_1004, %parallel_loop3A_1007 : i32
      %parallel_loop3A_1009 = arith.constant 0 : i32
      %parallel_loop3A_1010 = arith.index_cast %parallel_loop3A_1009 : i32 to index
      %parallel_loop3A_1011 = arith.index_cast %parallel_loop3A_1006 : i32 to index
      %parallel_loop3A_1012 = arith.index_cast %parallel_loop3A_1008 : i32 to index
      %parallel_loop3A_1013 = tpu.vector_load %arg4[%parallel_loop3A_1010, %parallel_loop3A_1011, %parallel_loop3A_1012] {strides = array<i32>} : memref<2x32x512xi32, #tpu.memory_space<vmem>>, vector<16xi32>,
      %parallel_loop3A_1014 = arith.constant 16 : i32
      %parallel_loop3A_1015 = arith.addi %parallel_loop3A_1008, %parallel_loop3A_1014 : i32
      %parallel_loop3A_1016 = arith.constant 0 : i32
      %parallel_loop3A_1017 = arith.index_cast %parallel_loop3A_1016 : i32 to index
      %parallel_loop3A_1018 = arith.index_cast %parallel_loop3A_1006 : i32 to index
      %parallel_loop3A_1019 = arith.index_cast %parallel_loop3A_1015 : i32 to index
      %parallel_loop3A_1020 = tpu.vector_load %arg4[%parallel_loop3A_1017, %parallel_loop3A_1018, %parallel_loop3A_1019] {strides = array<i32>} : memref<2x32x512xi32, #tpu.memory_space<vmem>>, vector<16xi32>,
      %parallel_loop3A_1021 = arith.constant 5 : i32
      %parallel_loop3A_1022 = vector.broadcast %parallel_loop3A_1021 : i32 to vector<16xi32>
      %parallel_loop3A_1023 = arith.shli %parallel_loop3A_1013, %parallel_loop3A_1022 : vector<16xi32>
      %parallel_loop3A_1024 = arith.addi %mul3A_52, %parallel_loop3A_1023 : vector<16xi32>
      %parallel_loop3A_1025 = arith.addi %parallel_loop3A_1024, %parallel_loop3A_1020 : vector<16xi32>
      tpu.vector_store_idx %arg5[%parallel_loop3A_1025], %broadcast_in_dim3A_49 {add = true} : memref<16384xi32, #tpu.memory_space<vmem>>[vector<16xi32>], vector<16xi32>,
    } {sc.loop_unroll_factor = 4 : i64, sc.parallel_access}
    %dma_wait3A_299 = arith.constant 1 : i32
    %dma_wait3A_300 = arith.constant 0 : i32
    %dma_wait3A_301 = arith.constant 0 : i32
    %dma_wait3A_302 = tpu.memref_slice %arg4[%dma_wait3A_299, %dma_wait3A_300, %dma_wait3A_301] : memref<2x32x512xi32, #tpu.memory_space<vmem>> -> memref<1x32x512xi32, #tpu.memory_space<vmem>>
    %dma_wait3A_303 = tpu.memref_squeeze %dma_wait3A_302 : memref<1x32x512xi32, #tpu.memory_space<vmem>> -> memref<32x512xi32, #tpu.memory_space<vmem>>
    %dma_wait3A_304 = arith.constant 0 : i32
    %dma_wait3A_305 = tpu.memref_slice %arg2[%select_n3A, %add3A_265, %dma_wait3A_304] : memref<16x512x512xi32, #tpu.memory_space<hbm>> -> memref<1x32x512xi32, #tpu.memory_space<hbm>>
    %dma_wait3A_306 = tpu.memref_squeeze %dma_wait3A_305 : memref<1x32x512xi32, #tpu.memory_space<hbm>> -> memref<32x512xi32, #tpu.memory_space<hbm>>
    %dma_wait3A_307 = arith.constant 0 : i32
    %dma_wait3A_308 = arith.constant 0 : i32
    %dma_wait3A_309 = tpu.memref_slice %arg4[%dma_wait3A_299, %dma_wait3A_307, %dma_wait3A_308] : memref<2x32x512xi32, #tpu.memory_space<vmem>> -> memref<1x32x512xi32, #tpu.memory_space<vmem>>
    %dma_wait3A_310 = tpu.memref_squeeze %dma_wait3A_309 : memref<1x32x512xi32, #tpu.memory_space<vmem>> -> memref<32x512xi32, #tpu.memory_space<vmem>>
    %dma_wait3A_311 = arith.constant 0 : i32
    %dma_wait3A_312 = tpu.memref_slice %arg2[%select_n3A, %add3A_265, %dma_wait3A_311] : memref<16x512x512xi32, #tpu.memory_space<hbm>> -> memref<1x32x512xi32, #tpu.memory_space<hbm>>
    %dma_wait3A_313 = tpu.memref_squeeze %dma_wait3A_312 : memref<1x32x512xi32, #tpu.memory_space<hbm>> -> memref<32x512xi32, #tpu.memory_space<hbm>>
    tpu.wait_dma2 semaphore(%arg9 : memref<!tpu.dma_semaphore, #tpu.memory_space<semaphore_mem>>) src(%dma_wait3A_313 : memref<32x512xi32, #tpu.memory_space<hbm>>) dst(%dma_wait3A_310 : memref<32x512xi32, #tpu.memory_space<vmem>>)
    %parallel_loop3A_314 = arith.constant 0 : i32
    %parallel_loop3A_315 = arith.constant 16384 : i32
    %parallel_loop3A_316 = arith.constant 32 : i32
    scf.for %parallel_loop3A_1004 = %parallel_loop3A_314 to %parallel_loop3A_315 step %parallel_loop3A_316  : i32 {
      %parallel_loop3A_1005 = arith.constant 9 : i32
      %parallel_loop3A_1006 = arith.shrsi %parallel_loop3A_1004, %parallel_loop3A_1005 : i32
      %parallel_loop3A_1007 = arith.constant 511 : i32
      %parallel_loop3A_1008 = arith.andi %parallel_loop3A_1004, %parallel_loop3A_1007 : i32
      %parallel_loop3A_1009 = arith.constant 1 : i32
      %parallel_loop3A_1010 = arith.index_cast %parallel_loop3A_1009 : i32 to index
      %parallel_loop3A_1011 = arith.index_cast %parallel_loop3A_1006 : i32 to index
      %parallel_loop3A_1012 = arith.index_cast %parallel_loop3A_1008 : i32 to index
      %parallel_loop3A_1013 = tpu.vector_load %arg4[%parallel_loop3A_1010, %parallel_loop3A_1011, %parallel_loop3A_1012] {strides = array<i32>} : memref<2x32x512xi32, #tpu.memory_space<vmem>>, vector<16xi32>,
      %parallel_loop3A_1014 = arith.constant 16 : i32
      %parallel_loop3A_1015 = arith.addi %parallel_loop3A_1008, %parallel_loop3A_1014 : i32
      %parallel_loop3A_1016 = arith.constant 1 : i32
      %parallel_loop3A_1017 = arith.index_cast %parallel_loop3A_1016 : i32 to index
      %parallel_loop3A_1018 = arith.index_cast %parallel_loop3A_1006 : i32 to index
      %parallel_loop3A_1019 = arith.index_cast %parallel_loop3A_1015 : i32 to index
      %parallel_loop3A_1020 = tpu.vector_load %arg4[%parallel_loop3A_1017, %parallel_loop3A_1018, %parallel_loop3A_1019] {strides = array<i32>} : memref<2x32x512xi32, #tpu.memory_space<vmem>>, vector<16xi32>,
      %parallel_loop3A_1021 = arith.constant 5 : i32
      %parallel_loop3A_1022 = vector.broadcast %parallel_loop3A_1021 : i32 to vector<16xi32>
      %parallel_loop3A_1023 = arith.shli %parallel_loop3A_1013, %parallel_loop3A_1022 : vector<16xi32>
      %parallel_loop3A_1024 = arith.addi %mul3A_52, %parallel_loop3A_1023 : vector<16xi32>
      %parallel_loop3A_1025 = arith.addi %parallel_loop3A_1024, %parallel_loop3A_1020 : vector<16xi32>
      tpu.vector_store_idx %arg5[%parallel_loop3A_1025], %broadcast_in_dim3A_49 {add = true} : memref<16384xi32, #tpu.memory_space<vmem>>[vector<16xi32>], vector<16xi32>,
    } {sc.loop_unroll_factor = 4 : i64, sc.parallel_access}
    %parallel_loop3A_317 = arith.constant 0 : i32
    %parallel_loop3A_318 = arith.constant 1024 : i32
    %parallel_loop3A_319 = arith.constant 16 : i32
    scf.for %parallel_loop3A_1004 = %parallel_loop3A_317 to %parallel_loop3A_318 step %parallel_loop3A_319  : i32 {
      %parallel_loop3A_1005 = arith.index_cast %parallel_loop3A_1004 : i32 to index
      %parallel_loop3A_1006 = tpu.vector_load %arg5[%parallel_loop3A_1005] {strides = array<i32>} : memref<16384xi32, #tpu.memory_space<vmem>>, vector<16xi32>,
      %parallel_loop3A_1007 = arith.constant 1024 : i32
      %parallel_loop3A_1008 = arith.addi %parallel_loop3A_1007, %parallel_loop3A_1004 : i32
      %parallel_loop3A_1009 = arith.index_cast %parallel_loop3A_1008 : i32 to index
      %parallel_loop3A_1010 = tpu.vector_load %arg5[%parallel_loop3A_1009] {strides = array<i32>} : memref<16384xi32, #tpu.memory_space<vmem>>, vector<16xi32>,
      %parallel_loop3A_1011 = arith.addi %parallel_loop3A_1006, %parallel_loop3A_1010 : vector<16xi32>
      %parallel_loop3A_1012 = arith.constant 2048 : i32
      %parallel_loop3A_1013 = arith.addi %parallel_loop3A_1012, %parallel_loop3A_1004 : i32
      %parallel_loop3A_1014 = arith.index_cast %parallel_loop3A_1013 : i32 to index
      %parallel_loop3A_1015 = tpu.vector_load %arg5[%parallel_loop3A_1014] {strides = array<i32>} : memref<16384xi32, #tpu.memory_space<vmem>>, vector<16xi32>,
      %parallel_loop3A_1016 = arith.addi %parallel_loop3A_1011, %parallel_loop3A_1015 : vector<16xi32>
      %parallel_loop3A_1017 = arith.constant 3072 : i32
      %parallel_loop3A_1018 = arith.addi %parallel_loop3A_1017, %parallel_loop3A_1004 : i32
      %parallel_loop3A_1019 = arith.index_cast %parallel_loop3A_1018 : i32 to index
      %parallel_loop3A_1020 = tpu.vector_load %arg5[%parallel_loop3A_1019] {strides = array<i32>} : memref<16384xi32, #tpu.memory_space<vmem>>, vector<16xi32>,
      %parallel_loop3A_1021 = arith.addi %parallel_loop3A_1016, %parallel_loop3A_1020 : vector<16xi32>
      %parallel_loop3A_1022 = arith.constant 4096 : i32
      %parallel_loop3A_1023 = arith.addi %parallel_loop3A_1022, %parallel_loop3A_1004 : i32
      %parallel_loop3A_1024 = arith.index_cast %parallel_loop3A_1023 : i32 to index
      %parallel_loop3A_1025 = tpu.vector_load %arg5[%parallel_loop3A_1024] {strides = array<i32>} : memref<16384xi32, #tpu.memory_space<vmem>>, vector<16xi32>,
      %parallel_loop3A_1026 = arith.addi %parallel_loop3A_1021, %parallel_loop3A_1025 : vector<16xi32>
      %parallel_loop3A_1027 = arith.constant 5120 : i32
      %parallel_loop3A_1028 = arith.addi %parallel_loop3A_1027, %parallel_loop3A_1004 : i32
      %parallel_loop3A_1029 = arith.index_cast %parallel_loop3A_1028 : i32 to index
      %parallel_loop3A_1030 = tpu.vector_load %arg5[%parallel_loop3A_1029] {strides = array<i32>} : memref<16384xi32, #tpu.memory_space<vmem>>, vector<16xi32>,
      %parallel_loop3A_1031 = arith.addi %parallel_loop3A_1026, %parallel_loop3A_1030 : vector<16xi32>
      %parallel_loop3A_1032 = arith.constant 6144 : i32
      %parallel_loop3A_1033 = arith.addi %parallel_loop3A_1032, %parallel_loop3A_1004 : i32
      %parallel_loop3A_1034 = arith.index_cast %parallel_loop3A_1033 : i32 to index
      %parallel_loop3A_1035 = tpu.vector_load %arg5[%parallel_loop3A_1034] {strides = array<i32>} : memref<16384xi32, #tpu.memory_space<vmem>>, vector<16xi32>,
      %parallel_loop3A_1036 = arith.addi %parallel_loop3A_1031, %parallel_loop3A_1035 : vector<16xi32>
      %parallel_loop3A_1037 = arith.constant 7168 : i32
      %parallel_loop3A_1038 = arith.addi %parallel_loop3A_1037, %parallel_loop3A_1004 : i32
      %parallel_loop3A_1039 = arith.index_cast %parallel_loop3A_1038 : i32 to index
      %parallel_loop3A_1040 = tpu.vector_load %arg5[%parallel_loop3A_1039] {strides = array<i32>} : memref<16384xi32, #tpu.memory_space<vmem>>, vector<16xi32>,
      %parallel_loop3A_1041 = arith.addi %parallel_loop3A_1036, %parallel_loop3A_1040 : vector<16xi32>
      %parallel_loop3A_1042 = arith.constant 8192 : i32
      %parallel_loop3A_1043 = arith.addi %parallel_loop3A_1042, %parallel_loop3A_1004 : i32
      %parallel_loop3A_1044 = arith.index_cast %parallel_loop3A_1043 : i32 to index
      %parallel_loop3A_1045 = tpu.vector_load %arg5[%parallel_loop3A_1044] {strides = array<i32>} : memref<16384xi32, #tpu.memory_space<vmem>>, vector<16xi32>,
      %parallel_loop3A_1046 = arith.addi %parallel_loop3A_1041, %parallel_loop3A_1045 : vector<16xi32>
      %parallel_loop3A_1047 = arith.constant 9216 : i32
      %parallel_loop3A_1048 = arith.addi %parallel_loop3A_1047, %parallel_loop3A_1004 : i32
      %parallel_loop3A_1049 = arith.index_cast %parallel_loop3A_1048 : i32 to index
      %parallel_loop3A_1050 = tpu.vector_load %arg5[%parallel_loop3A_1049] {strides = array<i32>} : memref<16384xi32, #tpu.memory_space<vmem>>, vector<16xi32>,
      %parallel_loop3A_1051 = arith.addi %parallel_loop3A_1046, %parallel_loop3A_1050 : vector<16xi32>
      %parallel_loop3A_1052 = arith.constant 10240 : i32
      %parallel_loop3A_1053 = arith.addi %parallel_loop3A_1052, %parallel_loop3A_1004 : i32
      %parallel_loop3A_1054 = arith.index_cast %parallel_loop3A_1053 : i32 to index
      %parallel_loop3A_1055 = tpu.vector_load %arg5[%parallel_loop3A_1054] {strides = array<i32>} : memref<16384xi32, #tpu.memory_space<vmem>>, vector<16xi32>,
      %parallel_loop3A_1056 = arith.addi %parallel_loop3A_1051, %parallel_loop3A_1055 : vector<16xi32>
      %parallel_loop3A_1057 = arith.constant 11264 : i32
      %parallel_loop3A_1058 = arith.addi %parallel_loop3A_1057, %parallel_loop3A_1004 : i32
      %parallel_loop3A_1059 = arith.index_cast %parallel_loop3A_1058 : i32 to index
      %parallel_loop3A_1060 = tpu.vector_load %arg5[%parallel_loop3A_1059] {strides = array<i32>} : memref<16384xi32, #tpu.memory_space<vmem>>, vector<16xi32>,
      %parallel_loop3A_1061 = arith.addi %parallel_loop3A_1056, %parallel_loop3A_1060 : vector<16xi32>
      %parallel_loop3A_1062 = arith.constant 12288 : i32
      %parallel_loop3A_1063 = arith.addi %parallel_loop3A_1062, %parallel_loop3A_1004 : i32
      %parallel_loop3A_1064 = arith.index_cast %parallel_loop3A_1063 : i32 to index
      %parallel_loop3A_1065 = tpu.vector_load %arg5[%parallel_loop3A_1064] {strides = array<i32>} : memref<16384xi32, #tpu.memory_space<vmem>>, vector<16xi32>,
      %parallel_loop3A_1066 = arith.addi %parallel_loop3A_1061, %parallel_loop3A_1065 : vector<16xi32>
      %parallel_loop3A_1067 = arith.constant 13312 : i32
      %parallel_loop3A_1068 = arith.addi %parallel_loop3A_1067, %parallel_loop3A_1004 : i32
      %parallel_loop3A_1069 = arith.index_cast %parallel_loop3A_1068 : i32 to index
      %parallel_loop3A_1070 = tpu.vector_load %arg5[%parallel_loop3A_1069] {strides = array<i32>} : memref<16384xi32, #tpu.memory_space<vmem>>, vector<16xi32>,
      %parallel_loop3A_1071 = arith.addi %parallel_loop3A_1066, %parallel_loop3A_1070 : vector<16xi32>
      %parallel_loop3A_1072 = arith.constant 14336 : i32
      %parallel_loop3A_1073 = arith.addi %parallel_loop3A_1072, %parallel_loop3A_1004 : i32
      %parallel_loop3A_1074 = arith.index_cast %parallel_loop3A_1073 : i32 to index
      %parallel_loop3A_1075 = tpu.vector_load %arg5[%parallel_loop3A_1074] {strides = array<i32>} : memref<16384xi32, #tpu.memory_space<vmem>>, vector<16xi32>,
      %parallel_loop3A_1076 = arith.addi %parallel_loop3A_1071, %parallel_loop3A_1075 : vector<16xi32>
      %parallel_loop3A_1077 = arith.constant 15360 : i32
      %parallel_loop3A_1078 = arith.addi %parallel_loop3A_1077, %parallel_loop3A_1004 : i32
      %parallel_loop3A_1079 = arith.index_cast %parallel_loop3A_1078 : i32 to index
      %parallel_loop3A_1080 = tpu.vector_load %arg5[%parallel_loop3A_1079] {strides = array<i32>} : memref<16384xi32, #tpu.memory_space<vmem>>, vector<16xi32>,
      %parallel_loop3A_1081 = arith.addi %parallel_loop3A_1076, %parallel_loop3A_1080 : vector<16xi32>
      %parallel_loop3A_1082 = arith.index_cast %parallel_loop3A_1004 : i32 to index
      %parallel_loop3A_1083 = tpu.vector_load %arg6[%parallel_loop3A_1082] {strides = array<i32>} : memref<1024xi32, #tpu.memory_space<vmem>>, vector<16xi32>,
      tpu.vector_store %arg6[%parallel_loop3A_1082], %parallel_loop3A_1081 {strides = array<i32>} : memref<1024xi32, #tpu.memory_space<vmem>>, vector<16xi32>,
    } {sc.loop_unroll_factor = 2 : i64, sc.parallel_access}
    %broadcast_in_dim3A_320 = arith.constant 0 : i32
    %broadcast_in_dim3A_321 = vector.broadcast %broadcast_in_dim3A_320 : i32 to vector<16xi32>
    %broadcast_in_dim3A_322 = arith.constant 0 : i32
    %broadcast_in_dim3A_323 = vector.broadcast %broadcast_in_dim3A_322 : i32 to vector<16xi32>
    %broadcast_in_dim3A_324 = arith.constant 0 : i32
    %broadcast_in_dim3A_325 = vector.broadcast %broadcast_in_dim3A_324 : i32 to vector<16xi32>
    %broadcast_in_dim3A_326 = arith.constant 0 : i32
    %broadcast_in_dim3A_327 = vector.broadcast %broadcast_in_dim3A_326 : i32 to vector<16xi32>
    %iota3A_328 = tpu.iota {dimensions = array<i32: 0>} : vector<16xi32>
    %get3A = arith.constant 0 : index
    %get3A_329 = tpu.vector_load %arg6[%get3A] {strides = array<i32>} : memref<1024xi32, #tpu.memory_space<vmem>>, vector<16xi32>,
    %get3A_330 = arith.constant 16 : index
    %get3A_331 = tpu.vector_load %arg6[%get3A_330] {strides = array<i32>} : memref<1024xi32, #tpu.memory_space<vmem>>, vector<16xi32>,
    %add3A_332 = arith.addi %broadcast_in_dim3A_321, %get3A_329 : vector<16xi32>
    %add3A_333 = arith.addi %broadcast_in_dim3A_323, %get3A_331 : vector<16xi32>
    %reduce_sum3A = arith.constant true
    %reduce_sum3A_334 = vector.broadcast %reduce_sum3A : i1 to vector<16xi1>
    %reduce_sum3A_335 = tpu.scan <sum>, %get3A_329 masked %reduce_sum3A_334 : vector<16xi32>, vector<16xi1> -> vector<16xi32>
    %reduce_sum3A_336 = vector.extract %reduce_sum3A_335[15] : i32 from vector<16xi32>
    %reduce_sum3A_337 = arith.constant true
    %reduce_sum3A_338 = vector.broadcast %reduce_sum3A_337 : i1 to vector<16xi1>
    %reduce_sum3A_339 = tpu.scan <sum>, %get3A_331 masked %reduce_sum3A_338 : vector<16xi32>, vector<16xi1> -> vector<16xi32>
    %reduce_sum3A_340 = vector.extract %reduce_sum3A_339[15] : i32 from vector<16xi32>
    %add3A_341 = arith.addi %reduce_sum3A_336, %reduce_sum3A_340 : i32
    %eq3A_342 = arith.constant 0 : i32
    %eq3A_343 = vector.broadcast %eq3A_342 : i32 to vector<16xi32>
    %eq3A_344 = arith.cmpi eq, %iota3A_328, %eq3A_343 : vector<16xi32>
    %add3A_345 = vector.broadcast %add3A_341 : i32 to vector<16xi32>
    %add3A_346 = arith.addi %broadcast_in_dim3A_325, %add3A_345 : vector<16xi32>
    %select_n3A_347 = arith.select %eq3A_344, %add3A_346, %broadcast_in_dim3A_325 : vector<16xi1>, vector<16xi32>
    %get3A_348 = arith.constant 32 : index
    %get3A_349 = tpu.vector_load %arg6[%get3A_348] {strides = array<i32>} : memref<1024xi32, #tpu.memory_space<vmem>>, vector<16xi32>,
    %get3A_350 = arith.constant 48 : index
    %get3A_351 = tpu.vector_load %arg6[%get3A_350] {strides = array<i32>} : memref<1024xi32, #tpu.memory_space<vmem>>, vector<16xi32>,
    %add3A_352 = arith.addi %add3A_332, %get3A_349 : vector<16xi32>
    %add3A_353 = arith.addi %add3A_333, %get3A_351 : vector<16xi32>
    %reduce_sum3A_354 = arith.constant true
    %reduce_sum3A_355 = vector.broadcast %reduce_sum3A_354 : i1 to vector<16xi1>
    %reduce_sum3A_356 = tpu.scan <sum>, %get3A_349 masked %reduce_sum3A_355 : vector<16xi32>, vector<16xi1> -> vector<16xi32>
    %reduce_sum3A_357 = vector.extract %reduce_sum3A_356[15] : i32 from vector<16xi32>
    %reduce_sum3A_358 = arith.constant true
    %reduce_sum3A_359 = vector.broadcast %reduce_sum3A_358 : i1 to vector<16xi1>
    %reduce_sum3A_360 = tpu.scan <sum>, %get3A_351 masked %reduce_sum3A_359 : vector<16xi32>, vector<16xi1> -> vector<16xi32>
    %reduce_sum3A_361 = vector.extract %reduce_sum3A_360[15] : i32 from vector<16xi32>
    %add3A_362 = arith.addi %reduce_sum3A_357, %reduce_sum3A_361 : i32
    %eq3A_363 = arith.constant 1 : i32
    %eq3A_364 = vector.broadcast %eq3A_363 : i32 to vector<16xi32>
    %eq3A_365 = arith.cmpi eq, %iota3A_328, %eq3A_364 : vector<16xi32>
    %add3A_366 = vector.broadcast %add3A_362 : i32 to vector<16xi32>
    %add3A_367 = arith.addi %select_n3A_347, %add3A_366 : vector<16xi32>
    %select_n3A_368 = arith.select %eq3A_365, %add3A_367, %select_n3A_347 : vector<16xi1>, vector<16xi32>
    %get3A_369 = arith.constant 64 : index
    %get3A_370 = tpu.vector_load %arg6[%get3A_369] {strides = array<i32>} : memref<1024xi32, #tpu.memory_space<vmem>>, vector<16xi32>,
    %get3A_371 = arith.constant 80 : index
    %get3A_372 = tpu.vector_load %arg6[%get3A_371] {strides = array<i32>} : memref<1024xi32, #tpu.memory_space<vmem>>, vector<16xi32>,
    %add3A_373 = arith.addi %add3A_352, %get3A_370 : vector<16xi32>
    %add3A_374 = arith.addi %add3A_353, %get3A_372 : vector<16xi32>
    %reduce_sum3A_375 = arith.constant true
    %reduce_sum3A_376 = vector.broadcast %reduce_sum3A_375 : i1 to vector<16xi1>
    %reduce_sum3A_377 = tpu.scan <sum>, %get3A_370 masked %reduce_sum3A_376 : vector<16xi32>, vector<16xi1> -> vector<16xi32>
    %reduce_sum3A_378 = vector.extract %reduce_sum3A_377[15] : i32 from vector<16xi32>
    %reduce_sum3A_379 = arith.constant true
    %reduce_sum3A_380 = vector.broadcast %reduce_sum3A_379 : i1 to vector<16xi1>
    %reduce_sum3A_381 = tpu.scan <sum>, %get3A_372 masked %reduce_sum3A_380 : vector<16xi32>, vector<16xi1> -> vector<16xi32>
    %reduce_sum3A_382 = vector.extract %reduce_sum3A_381[15] : i32 from vector<16xi32>
    %add3A_383 = arith.addi %reduce_sum3A_378, %reduce_sum3A_382 : i32
    %eq3A_384 = arith.constant 2 : i32
    %eq3A_385 = vector.broadcast %eq3A_384 : i32 to vector<16xi32>
    %eq3A_386 = arith.cmpi eq, %iota3A_328, %eq3A_385 : vector<16xi32>
    %add3A_387 = vector.broadcast %add3A_383 : i32 to vector<16xi32>
    %add3A_388 = arith.addi %select_n3A_368, %add3A_387 : vector<16xi32>
    %select_n3A_389 = arith.select %eq3A_386, %add3A_388, %select_n3A_368 : vector<16xi1>, vector<16xi32>
    %get3A_390 = arith.constant 96 : index
    %get3A_391 = tpu.vector_load %arg6[%get3A_390] {strides = array<i32>} : memref<1024xi32, #tpu.memory_space<vmem>>, vector<16xi32>,
    %get3A_392 = arith.constant 112 : index
    %get3A_393 = tpu.vector_load %arg6[%get3A_392] {strides = array<i32>} : memref<1024xi32, #tpu.memory_space<vmem>>, vector<16xi32>,
    %add3A_394 = arith.addi %add3A_373, %get3A_391 : vector<16xi32>
    %add3A_395 = arith.addi %add3A_374, %get3A_393 : vector<16xi32>
    %reduce_sum3A_396 = arith.constant true
    %reduce_sum3A_397 = vector.broadcast %reduce_sum3A_396 : i1 to vector<16xi1>
    %reduce_sum3A_398 = tpu.scan <sum>, %get3A_391 masked %reduce_sum3A_397 : vector<16xi32>, vector<16xi1> -> vector<16xi32>
    %reduce_sum3A_399 = vector.extract %reduce_sum3A_398[15] : i32 from vector<16xi32>
    %reduce_sum3A_400 = arith.constant true
    %reduce_sum3A_401 = vector.broadcast %reduce_sum3A_400 : i1 to vector<16xi1>
    %reduce_sum3A_402 = tpu.scan <sum>, %get3A_393 masked %reduce_sum3A_401 : vector<16xi32>, vector<16xi1> -> vector<16xi32>
    %reduce_sum3A_403 = vector.extract %reduce_sum3A_402[15] : i32 from vector<16xi32>
    %add3A_404 = arith.addi %reduce_sum3A_399, %reduce_sum3A_403 : i32
    %eq3A_405 = arith.constant 3 : i32
    %eq3A_406 = vector.broadcast %eq3A_405 : i32 to vector<16xi32>
    %eq3A_407 = arith.cmpi eq, %iota3A_328, %eq3A_406 : vector<16xi32>
    %add3A_408 = vector.broadcast %add3A_404 : i32 to vector<16xi32>
    %add3A_409 = arith.addi %select_n3A_389, %add3A_408 : vector<16xi32>
    %select_n3A_410 = arith.select %eq3A_407, %add3A_409, %select_n3A_389 : vector<16xi1>, vector<16xi32>
    %get3A_411 = arith.constant 128 : index
    %get3A_412 = tpu.vector_load %arg6[%get3A_411] {strides = array<i32>} : memref<1024xi32, #tpu.memory_space<vmem>>, vector<16xi32>,
    %get3A_413 = arith.constant 144 : index
    %get3A_414 = tpu.vector_load %arg6[%get3A_413] {strides = array<i32>} : memref<1024xi32, #tpu.memory_space<vmem>>, vector<16xi32>,
    %add3A_415 = arith.addi %add3A_394, %get3A_412 : vector<16xi32>
    %add3A_416 = arith.addi %add3A_395, %get3A_414 : vector<16xi32>
    %reduce_sum3A_417 = arith.constant true
    %reduce_sum3A_418 = vector.broadcast %reduce_sum3A_417 : i1 to vector<16xi1>
    %reduce_sum3A_419 = tpu.scan <sum>, %get3A_412 masked %reduce_sum3A_418 : vector<16xi32>, vector<16xi1> -> vector<16xi32>
    %reduce_sum3A_420 = vector.extract %reduce_sum3A_419[15] : i32 from vector<16xi32>
    %reduce_sum3A_421 = arith.constant true
    %reduce_sum3A_422 = vector.broadcast %reduce_sum3A_421 : i1 to vector<16xi1>
    %reduce_sum3A_423 = tpu.scan <sum>, %get3A_414 masked %reduce_sum3A_422 : vector<16xi32>, vector<16xi1> -> vector<16xi32>
    %reduce_sum3A_424 = vector.extract %reduce_sum3A_423[15] : i32 from vector<16xi32>
    %add3A_425 = arith.addi %reduce_sum3A_420, %reduce_sum3A_424 : i32
    %eq3A_426 = arith.constant 4 : i32
    %eq3A_427 = vector.broadcast %eq3A_426 : i32 to vector<16xi32>
    %eq3A_428 = arith.cmpi eq, %iota3A_328, %eq3A_427 : vector<16xi32>
    %add3A_429 = vector.broadcast %add3A_425 : i32 to vector<16xi32>
    %add3A_430 = arith.addi %select_n3A_410, %add3A_429 : vector<16xi32>
    %select_n3A_431 = arith.select %eq3A_428, %add3A_430, %select_n3A_410 : vector<16xi1>, vector<16xi32>
    %get3A_432 = arith.constant 160 : index
    %get3A_433 = tpu.vector_load %arg6[%get3A_432] {strides = array<i32>} : memref<1024xi32, #tpu.memory_space<vmem>>, vector<16xi32>,
    %get3A_434 = arith.constant 176 : index
    %get3A_435 = tpu.vector_load %arg6[%get3A_434] {strides = array<i32>} : memref<1024xi32, #tpu.memory_space<vmem>>, vector<16xi32>,
    %add3A_436 = arith.addi %add3A_415, %get3A_433 : vector<16xi32>
    %add3A_437 = arith.addi %add3A_416, %get3A_435 : vector<16xi32>
    %reduce_sum3A_438 = arith.constant true
    %reduce_sum3A_439 = vector.broadcast %reduce_sum3A_438 : i1 to vector<16xi1>
    %reduce_sum3A_440 = tpu.scan <sum>, %get3A_433 masked %reduce_sum3A_439 : vector<16xi32>, vector<16xi1> -> vector<16xi32>
    %reduce_sum3A_441 = vector.extract %reduce_sum3A_440[15] : i32 from vector<16xi32>
    %reduce_sum3A_442 = arith.constant true
    %reduce_sum3A_443 = vector.broadcast %reduce_sum3A_442 : i1 to vector<16xi1>
    %reduce_sum3A_444 = tpu.scan <sum>, %get3A_435 masked %reduce_sum3A_443 : vector<16xi32>, vector<16xi1> -> vector<16xi32>
    %reduce_sum3A_445 = vector.extract %reduce_sum3A_444[15] : i32 from vector<16xi32>
    %add3A_446 = arith.addi %reduce_sum3A_441, %reduce_sum3A_445 : i32
    %eq3A_447 = arith.constant 5 : i32
    %eq3A_448 = vector.broadcast %eq3A_447 : i32 to vector<16xi32>
    %eq3A_449 = arith.cmpi eq, %iota3A_328, %eq3A_448 : vector<16xi32>
    %add3A_450 = vector.broadcast %add3A_446 : i32 to vector<16xi32>
    %add3A_451 = arith.addi %select_n3A_431, %add3A_450 : vector<16xi32>
    %select_n3A_452 = arith.select %eq3A_449, %add3A_451, %select_n3A_431 : vector<16xi1>, vector<16xi32>
    %get3A_453 = arith.constant 192 : index
    %get3A_454 = tpu.vector_load %arg6[%get3A_453] {strides = array<i32>} : memref<1024xi32, #tpu.memory_space<vmem>>, vector<16xi32>,
    %get3A_455 = arith.constant 208 : index
    %get3A_456 = tpu.vector_load %arg6[%get3A_455] {strides = array<i32>} : memref<1024xi32, #tpu.memory_space<vmem>>, vector<16xi32>,
    %add3A_457 = arith.addi %add3A_436, %get3A_454 : vector<16xi32>
    %add3A_458 = arith.addi %add3A_437, %get3A_456 : vector<16xi32>
    %reduce_sum3A_459 = arith.constant true
    %reduce_sum3A_460 = vector.broadcast %reduce_sum3A_459 : i1 to vector<16xi1>
    %reduce_sum3A_461 = tpu.scan <sum>, %get3A_454 masked %reduce_sum3A_460 : vector<16xi32>, vector<16xi1> -> vector<16xi32>
    %reduce_sum3A_462 = vector.extract %reduce_sum3A_461[15] : i32 from vector<16xi32>
    %reduce_sum3A_463 = arith.constant true
    %reduce_sum3A_464 = vector.broadcast %reduce_sum3A_463 : i1 to vector<16xi1>
    %reduce_sum3A_465 = tpu.scan <sum>, %get3A_456 masked %reduce_sum3A_464 : vector<16xi32>, vector<16xi1> -> vector<16xi32>
    %reduce_sum3A_466 = vector.extract %reduce_sum3A_465[15] : i32 from vector<16xi32>
    %add3A_467 = arith.addi %reduce_sum3A_462, %reduce_sum3A_466 : i32
    %eq3A_468 = arith.constant 6 : i32
    %eq3A_469 = vector.broadcast %eq3A_468 : i32 to vector<16xi32>
    %eq3A_470 = arith.cmpi eq, %iota3A_328, %eq3A_469 : vector<16xi32>
    %add3A_471 = vector.broadcast %add3A_467 : i32 to vector<16xi32>
    %add3A_472 = arith.addi %select_n3A_452, %add3A_471 : vector<16xi32>
    %select_n3A_473 = arith.select %eq3A_470, %add3A_472, %select_n3A_452 : vector<16xi1>, vector<16xi32>
    %get3A_474 = arith.constant 224 : index
    %get3A_475 = tpu.vector_load %arg6[%get3A_474] {strides = array<i32>} : memref<1024xi32, #tpu.memory_space<vmem>>, vector<16xi32>,
    %get3A_476 = arith.constant 240 : index
    %get3A_477 = tpu.vector_load %arg6[%get3A_476] {strides = array<i32>} : memref<1024xi32, #tpu.memory_space<vmem>>, vector<16xi32>,
    %add3A_478 = arith.addi %add3A_457, %get3A_475 : vector<16xi32>
    %add3A_479 = arith.addi %add3A_458, %get3A_477 : vector<16xi32>
    %reduce_sum3A_480 = arith.constant true
    %reduce_sum3A_481 = vector.broadcast %reduce_sum3A_480 : i1 to vector<16xi1>
    %reduce_sum3A_482 = tpu.scan <sum>, %get3A_475 masked %reduce_sum3A_481 : vector<16xi32>, vector<16xi1> -> vector<16xi32>
    %reduce_sum3A_483 = vector.extract %reduce_sum3A_482[15] : i32 from vector<16xi32>
    %reduce_sum3A_484 = arith.constant true
    %reduce_sum3A_485 = vector.broadcast %reduce_sum3A_484 : i1 to vector<16xi1>
    %reduce_sum3A_486 = tpu.scan <sum>, %get3A_477 masked %reduce_sum3A_485 : vector<16xi32>, vector<16xi1> -> vector<16xi32>
    %reduce_sum3A_487 = vector.extract %reduce_sum3A_486[15] : i32 from vector<16xi32>
    %add3A_488 = arith.addi %reduce_sum3A_483, %reduce_sum3A_487 : i32
    %eq3A_489 = arith.constant 7 : i32
    %eq3A_490 = vector.broadcast %eq3A_489 : i32 to vector<16xi32>
    %eq3A_491 = arith.cmpi eq, %iota3A_328, %eq3A_490 : vector<16xi32>
    %add3A_492 = vector.broadcast %add3A_488 : i32 to vector<16xi32>
    %add3A_493 = arith.addi %select_n3A_473, %add3A_492 : vector<16xi32>
    %select_n3A_494 = arith.select %eq3A_491, %add3A_493, %select_n3A_473 : vector<16xi1>, vector<16xi32>
    %get3A_495 = arith.constant 256 : index
    %get3A_496 = tpu.vector_load %arg6[%get3A_495] {strides = array<i32>} : memref<1024xi32, #tpu.memory_space<vmem>>, vector<16xi32>,
    %get3A_497 = arith.constant 272 : index
    %get3A_498 = tpu.vector_load %arg6[%get3A_497] {strides = array<i32>} : memref<1024xi32, #tpu.memory_space<vmem>>, vector<16xi32>,
    %add3A_499 = arith.addi %add3A_478, %get3A_496 : vector<16xi32>
    %add3A_500 = arith.addi %add3A_479, %get3A_498 : vector<16xi32>
    %reduce_sum3A_501 = arith.constant true
    %reduce_sum3A_502 = vector.broadcast %reduce_sum3A_501 : i1 to vector<16xi1>
    %reduce_sum3A_503 = tpu.scan <sum>, %get3A_496 masked %reduce_sum3A_502 : vector<16xi32>, vector<16xi1> -> vector<16xi32>
    %reduce_sum3A_504 = vector.extract %reduce_sum3A_503[15] : i32 from vector<16xi32>
    %reduce_sum3A_505 = arith.constant true
    %reduce_sum3A_506 = vector.broadcast %reduce_sum3A_505 : i1 to vector<16xi1>
    %reduce_sum3A_507 = tpu.scan <sum>, %get3A_498 masked %reduce_sum3A_506 : vector<16xi32>, vector<16xi1> -> vector<16xi32>
    %reduce_sum3A_508 = vector.extract %reduce_sum3A_507[15] : i32 from vector<16xi32>
    %add3A_509 = arith.addi %reduce_sum3A_504, %reduce_sum3A_508 : i32
    %eq3A_510 = arith.constant 8 : i32
    %eq3A_511 = vector.broadcast %eq3A_510 : i32 to vector<16xi32>
    %eq3A_512 = arith.cmpi eq, %iota3A_328, %eq3A_511 : vector<16xi32>
    %add3A_513 = vector.broadcast %add3A_509 : i32 to vector<16xi32>
    %add3A_514 = arith.addi %select_n3A_494, %add3A_513 : vector<16xi32>
    %select_n3A_515 = arith.select %eq3A_512, %add3A_514, %select_n3A_494 : vector<16xi1>, vector<16xi32>
    %get3A_516 = arith.constant 288 : index
    %get3A_517 = tpu.vector_load %arg6[%get3A_516] {strides = array<i32>} : memref<1024xi32, #tpu.memory_space<vmem>>, vector<16xi32>,
    %get3A_518 = arith.constant 304 : index
    %get3A_519 = tpu.vector_load %arg6[%get3A_518] {strides = array<i32>} : memref<1024xi32, #tpu.memory_space<vmem>>, vector<16xi32>,
    %add3A_520 = arith.addi %add3A_499, %get3A_517 : vector<16xi32>
    %add3A_521 = arith.addi %add3A_500, %get3A_519 : vector<16xi32>
    %reduce_sum3A_522 = arith.constant true
    %reduce_sum3A_523 = vector.broadcast %reduce_sum3A_522 : i1 to vector<16xi1>
    %reduce_sum3A_524 = tpu.scan <sum>, %get3A_517 masked %reduce_sum3A_523 : vector<16xi32>, vector<16xi1> -> vector<16xi32>
    %reduce_sum3A_525 = vector.extract %reduce_sum3A_524[15] : i32 from vector<16xi32>
    %reduce_sum3A_526 = arith.constant true
    %reduce_sum3A_527 = vector.broadcast %reduce_sum3A_526 : i1 to vector<16xi1>
    %reduce_sum3A_528 = tpu.scan <sum>, %get3A_519 masked %reduce_sum3A_527 : vector<16xi32>, vector<16xi1> -> vector<16xi32>
    %reduce_sum3A_529 = vector.extract %reduce_sum3A_528[15] : i32 from vector<16xi32>
    %add3A_530 = arith.addi %reduce_sum3A_525, %reduce_sum3A_529 : i32
    %eq3A_531 = arith.constant 9 : i32
    %eq3A_532 = vector.broadcast %eq3A_531 : i32 to vector<16xi32>
    %eq3A_533 = arith.cmpi eq, %iota3A_328, %eq3A_532 : vector<16xi32>
    %add3A_534 = vector.broadcast %add3A_530 : i32 to vector<16xi32>
    %add3A_535 = arith.addi %select_n3A_515, %add3A_534 : vector<16xi32>
    %select_n3A_536 = arith.select %eq3A_533, %add3A_535, %select_n3A_515 : vector<16xi1>, vector<16xi32>
    %get3A_537 = arith.constant 320 : index
    %get3A_538 = tpu.vector_load %arg6[%get3A_537] {strides = array<i32>} : memref<1024xi32, #tpu.memory_space<vmem>>, vector<16xi32>,
    %get3A_539 = arith.constant 336 : index
    %get3A_540 = tpu.vector_load %arg6[%get3A_539] {strides = array<i32>} : memref<1024xi32, #tpu.memory_space<vmem>>, vector<16xi32>,
    %add3A_541 = arith.addi %add3A_520, %get3A_538 : vector<16xi32>
    %add3A_542 = arith.addi %add3A_521, %get3A_540 : vector<16xi32>
    %reduce_sum3A_543 = arith.constant true
    %reduce_sum3A_544 = vector.broadcast %reduce_sum3A_543 : i1 to vector<16xi1>
    %reduce_sum3A_545 = tpu.scan <sum>, %get3A_538 masked %reduce_sum3A_544 : vector<16xi32>, vector<16xi1> -> vector<16xi32>
    %reduce_sum3A_546 = vector.extract %reduce_sum3A_545[15] : i32 from vector<16xi32>
    %reduce_sum3A_547 = arith.constant true
    %reduce_sum3A_548 = vector.broadcast %reduce_sum3A_547 : i1 to vector<16xi1>
    %reduce_sum3A_549 = tpu.scan <sum>, %get3A_540 masked %reduce_sum3A_548 : vector<16xi32>, vector<16xi1> -> vector<16xi32>
    %reduce_sum3A_550 = vector.extract %reduce_sum3A_549[15] : i32 from vector<16xi32>
    %add3A_551 = arith.addi %reduce_sum3A_546, %reduce_sum3A_550 : i32
    %eq3A_552 = arith.constant 10 : i32
    %eq3A_553 = vector.broadcast %eq3A_552 : i32 to vector<16xi32>
    %eq3A_554 = arith.cmpi eq, %iota3A_328, %eq3A_553 : vector<16xi32>
    %add3A_555 = vector.broadcast %add3A_551 : i32 to vector<16xi32>
    %add3A_556 = arith.addi %select_n3A_536, %add3A_555 : vector<16xi32>
    %select_n3A_557 = arith.select %eq3A_554, %add3A_556, %select_n3A_536 : vector<16xi1>, vector<16xi32>
    %get3A_558 = arith.constant 352 : index
    %get3A_559 = tpu.vector_load %arg6[%get3A_558] {strides = array<i32>} : memref<1024xi32, #tpu.memory_space<vmem>>, vector<16xi32>,
    %get3A_560 = arith.constant 368 : index
    %get3A_561 = tpu.vector_load %arg6[%get3A_560] {strides = array<i32>} : memref<1024xi32, #tpu.memory_space<vmem>>, vector<16xi32>,
    %add3A_562 = arith.addi %add3A_541, %get3A_559 : vector<16xi32>
    %add3A_563 = arith.addi %add3A_542, %get3A_561 : vector<16xi32>
    %reduce_sum3A_564 = arith.constant true
    %reduce_sum3A_565 = vector.broadcast %reduce_sum3A_564 : i1 to vector<16xi1>
    %reduce_sum3A_566 = tpu.scan <sum>, %get3A_559 masked %reduce_sum3A_565 : vector<16xi32>, vector<16xi1> -> vector<16xi32>
    %reduce_sum3A_567 = vector.extract %reduce_sum3A_566[15] : i32 from vector<16xi32>
    %reduce_sum3A_568 = arith.constant true
    %reduce_sum3A_569 = vector.broadcast %reduce_sum3A_568 : i1 to vector<16xi1>
    %reduce_sum3A_570 = tpu.scan <sum>, %get3A_561 masked %reduce_sum3A_569 : vector<16xi32>, vector<16xi1> -> vector<16xi32>
    %reduce_sum3A_571 = vector.extract %reduce_sum3A_570[15] : i32 from vector<16xi32>
    %add3A_572 = arith.addi %reduce_sum3A_567, %reduce_sum3A_571 : i32
    %eq3A_573 = arith.constant 11 : i32
    %eq3A_574 = vector.broadcast %eq3A_573 : i32 to vector<16xi32>
    %eq3A_575 = arith.cmpi eq, %iota3A_328, %eq3A_574 : vector<16xi32>
    %add3A_576 = vector.broadcast %add3A_572 : i32 to vector<16xi32>
    %add3A_577 = arith.addi %select_n3A_557, %add3A_576 : vector<16xi32>
    %select_n3A_578 = arith.select %eq3A_575, %add3A_577, %select_n3A_557 : vector<16xi1>, vector<16xi32>
    %get3A_579 = arith.constant 384 : index
    %get3A_580 = tpu.vector_load %arg6[%get3A_579] {strides = array<i32>} : memref<1024xi32, #tpu.memory_space<vmem>>, vector<16xi32>,
    %get3A_581 = arith.constant 400 : index
    %get3A_582 = tpu.vector_load %arg6[%get3A_581] {strides = array<i32>} : memref<1024xi32, #tpu.memory_space<vmem>>, vector<16xi32>,
    %add3A_583 = arith.addi %add3A_562, %get3A_580 : vector<16xi32>
    %add3A_584 = arith.addi %add3A_563, %get3A_582 : vector<16xi32>
    %reduce_sum3A_585 = arith.constant true
    %reduce_sum3A_586 = vector.broadcast %reduce_sum3A_585 : i1 to vector<16xi1>
    %reduce_sum3A_587 = tpu.scan <sum>, %get3A_580 masked %reduce_sum3A_586 : vector<16xi32>, vector<16xi1> -> vector<16xi32>
    %reduce_sum3A_588 = vector.extract %reduce_sum3A_587[15] : i32 from vector<16xi32>
    %reduce_sum3A_589 = arith.constant true
    %reduce_sum3A_590 = vector.broadcast %reduce_sum3A_589 : i1 to vector<16xi1>
    %reduce_sum3A_591 = tpu.scan <sum>, %get3A_582 masked %reduce_sum3A_590 : vector<16xi32>, vector<16xi1> -> vector<16xi32>
    %reduce_sum3A_592 = vector.extract %reduce_sum3A_591[15] : i32 from vector<16xi32>
    %add3A_593 = arith.addi %reduce_sum3A_588, %reduce_sum3A_592 : i32
    %eq3A_594 = arith.constant 12 : i32
    %eq3A_595 = vector.broadcast %eq3A_594 : i32 to vector<16xi32>
    %eq3A_596 = arith.cmpi eq, %iota3A_328, %eq3A_595 : vector<16xi32>
    %add3A_597 = vector.broadcast %add3A_593 : i32 to vector<16xi32>
    %add3A_598 = arith.addi %select_n3A_578, %add3A_597 : vector<16xi32>
    %select_n3A_599 = arith.select %eq3A_596, %add3A_598, %select_n3A_578 : vector<16xi1>, vector<16xi32>
    %get3A_600 = arith.constant 416 : index
    %get3A_601 = tpu.vector_load %arg6[%get3A_600] {strides = array<i32>} : memref<1024xi32, #tpu.memory_space<vmem>>, vector<16xi32>,
    %get3A_602 = arith.constant 432 : index
    %get3A_603 = tpu.vector_load %arg6[%get3A_602] {strides = array<i32>} : memref<1024xi32, #tpu.memory_space<vmem>>, vector<16xi32>,
    %add3A_604 = arith.addi %add3A_583, %get3A_601 : vector<16xi32>
    %add3A_605 = arith.addi %add3A_584, %get3A_603 : vector<16xi32>
    %reduce_sum3A_606 = arith.constant true
    %reduce_sum3A_607 = vector.broadcast %reduce_sum3A_606 : i1 to vector<16xi1>
    %reduce_sum3A_608 = tpu.scan <sum>, %get3A_601 masked %reduce_sum3A_607 : vector<16xi32>, vector<16xi1> -> vector<16xi32>
    %reduce_sum3A_609 = vector.extract %reduce_sum3A_608[15] : i32 from vector<16xi32>
    %reduce_sum3A_610 = arith.constant true
    %reduce_sum3A_611 = vector.broadcast %reduce_sum3A_610 : i1 to vector<16xi1>
    %reduce_sum3A_612 = tpu.scan <sum>, %get3A_603 masked %reduce_sum3A_611 : vector<16xi32>, vector<16xi1> -> vector<16xi32>
    %reduce_sum3A_613 = vector.extract %reduce_sum3A_612[15] : i32 from vector<16xi32>
    %add3A_614 = arith.addi %reduce_sum3A_609, %reduce_sum3A_613 : i32
    %eq3A_615 = arith.constant 13 : i32
    %eq3A_616 = vector.broadcast %eq3A_615 : i32 to vector<16xi32>
    %eq3A_617 = arith.cmpi eq, %iota3A_328, %eq3A_616 : vector<16xi32>
    %add3A_618 = vector.broadcast %add3A_614 : i32 to vector<16xi32>
    %add3A_619 = arith.addi %select_n3A_599, %add3A_618 : vector<16xi32>
    %select_n3A_620 = arith.select %eq3A_617, %add3A_619, %select_n3A_599 : vector<16xi1>, vector<16xi32>
    %get3A_621 = arith.constant 448 : index
    %get3A_622 = tpu.vector_load %arg6[%get3A_621] {strides = array<i32>} : memref<1024xi32, #tpu.memory_space<vmem>>, vector<16xi32>,
    %get3A_623 = arith.constant 464 : index
    %get3A_624 = tpu.vector_load %arg6[%get3A_623] {strides = array<i32>} : memref<1024xi32, #tpu.memory_space<vmem>>, vector<16xi32>,
    %add3A_625 = arith.addi %add3A_604, %get3A_622 : vector<16xi32>
    %add3A_626 = arith.addi %add3A_605, %get3A_624 : vector<16xi32>
    %reduce_sum3A_627 = arith.constant true
    %reduce_sum3A_628 = vector.broadcast %reduce_sum3A_627 : i1 to vector<16xi1>
    %reduce_sum3A_629 = tpu.scan <sum>, %get3A_622 masked %reduce_sum3A_628 : vector<16xi32>, vector<16xi1> -> vector<16xi32>
    %reduce_sum3A_630 = vector.extract %reduce_sum3A_629[15] : i32 from vector<16xi32>
    %reduce_sum3A_631 = arith.constant true
    %reduce_sum3A_632 = vector.broadcast %reduce_sum3A_631 : i1 to vector<16xi1>
    %reduce_sum3A_633 = tpu.scan <sum>, %get3A_624 masked %reduce_sum3A_632 : vector<16xi32>, vector<16xi1> -> vector<16xi32>
    %reduce_sum3A_634 = vector.extract %reduce_sum3A_633[15] : i32 from vector<16xi32>
    %add3A_635 = arith.addi %reduce_sum3A_630, %reduce_sum3A_634 : i32
    %eq3A_636 = arith.constant 14 : i32
    %eq3A_637 = vector.broadcast %eq3A_636 : i32 to vector<16xi32>
    %eq3A_638 = arith.cmpi eq, %iota3A_328, %eq3A_637 : vector<16xi32>
    %add3A_639 = vector.broadcast %add3A_635 : i32 to vector<16xi32>
    %add3A_640 = arith.addi %select_n3A_620, %add3A_639 : vector<16xi32>
    %select_n3A_641 = arith.select %eq3A_638, %add3A_640, %select_n3A_620 : vector<16xi1>, vector<16xi32>
    %get3A_642 = arith.constant 480 : index
    %get3A_643 = tpu.vector_load %arg6[%get3A_642] {strides = array<i32>} : memref<1024xi32, #tpu.memory_space<vmem>>, vector<16xi32>,
    %get3A_644 = arith.constant 496 : index
    %get3A_645 = tpu.vector_load %arg6[%get3A_644] {strides = array<i32>} : memref<1024xi32, #tpu.memory_space<vmem>>, vector<16xi32>,
    %add3A_646 = arith.addi %add3A_625, %get3A_643 : vector<16xi32>
    %add3A_647 = arith.addi %add3A_626, %get3A_645 : vector<16xi32>
    %reduce_sum3A_648 = arith.constant true
    %reduce_sum3A_649 = vector.broadcast %reduce_sum3A_648 : i1 to vector<16xi1>
    %reduce_sum3A_650 = tpu.scan <sum>, %get3A_643 masked %reduce_sum3A_649 : vector<16xi32>, vector<16xi1> -> vector<16xi32>
    %reduce_sum3A_651 = vector.extract %reduce_sum3A_650[15] : i32 from vector<16xi32>
    %reduce_sum3A_652 = arith.constant true
    %reduce_sum3A_653 = vector.broadcast %reduce_sum3A_652 : i1 to vector<16xi1>
    %reduce_sum3A_654 = tpu.scan <sum>, %get3A_645 masked %reduce_sum3A_653 : vector<16xi32>, vector<16xi1> -> vector<16xi32>
    %reduce_sum3A_655 = vector.extract %reduce_sum3A_654[15] : i32 from vector<16xi32>
    %add3A_656 = arith.addi %reduce_sum3A_651, %reduce_sum3A_655 : i32
    %eq3A_657 = arith.constant 15 : i32
    %eq3A_658 = vector.broadcast %eq3A_657 : i32 to vector<16xi32>
    %eq3A_659 = arith.cmpi eq, %iota3A_328, %eq3A_658 : vector<16xi32>
    %add3A_660 = vector.broadcast %add3A_656 : i32 to vector<16xi32>
    %add3A_661 = arith.addi %select_n3A_641, %add3A_660 : vector<16xi32>
    %select_n3A_662 = arith.select %eq3A_659, %add3A_661, %select_n3A_641 : vector<16xi1>, vector<16xi32>
    %get3A_663 = arith.constant 512 : index
    %get3A_664 = tpu.vector_load %arg6[%get3A_663] {strides = array<i32>} : memref<1024xi32, #tpu.memory_space<vmem>>, vector<16xi32>,
    %get3A_665 = arith.constant 528 : index
    %get3A_666 = tpu.vector_load %arg6[%get3A_665] {strides = array<i32>} : memref<1024xi32, #tpu.memory_space<vmem>>, vector<16xi32>,
    %add3A_667 = arith.addi %add3A_646, %get3A_664 : vector<16xi32>
    %add3A_668 = arith.addi %add3A_647, %get3A_666 : vector<16xi32>
    %reduce_sum3A_669 = arith.constant true
    %reduce_sum3A_670 = vector.broadcast %reduce_sum3A_669 : i1 to vector<16xi1>
    %reduce_sum3A_671 = tpu.scan <sum>, %get3A_664 masked %reduce_sum3A_670 : vector<16xi32>, vector<16xi1> -> vector<16xi32>
    %reduce_sum3A_672 = vector.extract %reduce_sum3A_671[15] : i32 from vector<16xi32>
    %reduce_sum3A_673 = arith.constant true
    %reduce_sum3A_674 = vector.broadcast %reduce_sum3A_673 : i1 to vector<16xi1>
    %reduce_sum3A_675 = tpu.scan <sum>, %get3A_666 masked %reduce_sum3A_674 : vector<16xi32>, vector<16xi1> -> vector<16xi32>
    %reduce_sum3A_676 = vector.extract %reduce_sum3A_675[15] : i32 from vector<16xi32>
    %add3A_677 = arith.addi %reduce_sum3A_672, %reduce_sum3A_676 : i32
    %eq3A_678 = arith.constant 0 : i32
    %eq3A_679 = vector.broadcast %eq3A_678 : i32 to vector<16xi32>
    %eq3A_680 = arith.cmpi eq, %iota3A_328, %eq3A_679 : vector<16xi32>
    %add3A_681 = vector.broadcast %add3A_677 : i32 to vector<16xi32>
    %add3A_682 = arith.addi %broadcast_in_dim3A_327, %add3A_681 : vector<16xi32>
    %select_n3A_683 = arith.select %eq3A_680, %add3A_682, %broadcast_in_dim3A_327 : vector<16xi1>, vector<16xi32>
    %get3A_684 = arith.constant 544 : index
    %get3A_685 = tpu.vector_load %arg6[%get3A_684] {strides = array<i32>} : memref<1024xi32, #tpu.memory_space<vmem>>, vector<16xi32>,
    %get3A_686 = arith.constant 560 : index
    %get3A_687 = tpu.vector_load %arg6[%get3A_686] {strides = array<i32>} : memref<1024xi32, #tpu.memory_space<vmem>>, vector<16xi32>,
    %add3A_688 = arith.addi %add3A_667, %get3A_685 : vector<16xi32>
    %add3A_689 = arith.addi %add3A_668, %get3A_687 : vector<16xi32>
    %reduce_sum3A_690 = arith.constant true
    %reduce_sum3A_691 = vector.broadcast %reduce_sum3A_690 : i1 to vector<16xi1>
    %reduce_sum3A_692 = tpu.scan <sum>, %get3A_685 masked %reduce_sum3A_691 : vector<16xi32>, vector<16xi1> -> vector<16xi32>
    %reduce_sum3A_693 = vector.extract %reduce_sum3A_692[15] : i32 from vector<16xi32>
    %reduce_sum3A_694 = arith.constant true
    %reduce_sum3A_695 = vector.broadcast %reduce_sum3A_694 : i1 to vector<16xi1>
    %reduce_sum3A_696 = tpu.scan <sum>, %get3A_687 masked %reduce_sum3A_695 : vector<16xi32>, vector<16xi1> -> vector<16xi32>
    %reduce_sum3A_697 = vector.extract %reduce_sum3A_696[15] : i32 from vector<16xi32>
    %add3A_698 = arith.addi %reduce_sum3A_693, %reduce_sum3A_697 : i32
    %eq3A_699 = arith.constant 1 : i32
    %eq3A_700 = vector.broadcast %eq3A_699 : i32 to vector<16xi32>
    %eq3A_701 = arith.cmpi eq, %iota3A_328, %eq3A_700 : vector<16xi32>
    %add3A_702 = vector.broadcast %add3A_698 : i32 to vector<16xi32>
    %add3A_703 = arith.addi %select_n3A_683, %add3A_702 : vector<16xi32>
    %select_n3A_704 = arith.select %eq3A_701, %add3A_703, %select_n3A_683 : vector<16xi1>, vector<16xi32>
    %get3A_705 = arith.constant 576 : index
    %get3A_706 = tpu.vector_load %arg6[%get3A_705] {strides = array<i32>} : memref<1024xi32, #tpu.memory_space<vmem>>, vector<16xi32>,
    %get3A_707 = arith.constant 592 : index
    %get3A_708 = tpu.vector_load %arg6[%get3A_707] {strides = array<i32>} : memref<1024xi32, #tpu.memory_space<vmem>>, vector<16xi32>,
    %add3A_709 = arith.addi %add3A_688, %get3A_706 : vector<16xi32>
    %add3A_710 = arith.addi %add3A_689, %get3A_708 : vector<16xi32>
    %reduce_sum3A_711 = arith.constant true
    %reduce_sum3A_712 = vector.broadcast %reduce_sum3A_711 : i1 to vector<16xi1>
    %reduce_sum3A_713 = tpu.scan <sum>, %get3A_706 masked %reduce_sum3A_712 : vector<16xi32>, vector<16xi1> -> vector<16xi32>
    %reduce_sum3A_714 = vector.extract %reduce_sum3A_713[15] : i32 from vector<16xi32>
    %reduce_sum3A_715 = arith.constant true
    %reduce_sum3A_716 = vector.broadcast %reduce_sum3A_715 : i1 to vector<16xi1>
    %reduce_sum3A_717 = tpu.scan <sum>, %get3A_708 masked %reduce_sum3A_716 : vector<16xi32>, vector<16xi1> -> vector<16xi32>
    %reduce_sum3A_718 = vector.extract %reduce_sum3A_717[15] : i32 from vector<16xi32>
    %add3A_719 = arith.addi %reduce_sum3A_714, %reduce_sum3A_718 : i32
    %eq3A_720 = arith.constant 2 : i32
    %eq3A_721 = vector.broadcast %eq3A_720 : i32 to vector<16xi32>
    %eq3A_722 = arith.cmpi eq, %iota3A_328, %eq3A_721 : vector<16xi32>
    %add3A_723 = vector.broadcast %add3A_719 : i32 to vector<16xi32>
    %add3A_724 = arith.addi %select_n3A_704, %add3A_723 : vector<16xi32>
    %select_n3A_725 = arith.select %eq3A_722, %add3A_724, %select_n3A_704 : vector<16xi1>, vector<16xi32>
    %get3A_726 = arith.constant 608 : index
    %get3A_727 = tpu.vector_load %arg6[%get3A_726] {strides = array<i32>} : memref<1024xi32, #tpu.memory_space<vmem>>, vector<16xi32>,
    %get3A_728 = arith.constant 624 : index
    %get3A_729 = tpu.vector_load %arg6[%get3A_728] {strides = array<i32>} : memref<1024xi32, #tpu.memory_space<vmem>>, vector<16xi32>,
    %add3A_730 = arith.addi %add3A_709, %get3A_727 : vector<16xi32>
    %add3A_731 = arith.addi %add3A_710, %get3A_729 : vector<16xi32>
    %reduce_sum3A_732 = arith.constant true
    %reduce_sum3A_733 = vector.broadcast %reduce_sum3A_732 : i1 to vector<16xi1>
    %reduce_sum3A_734 = tpu.scan <sum>, %get3A_727 masked %reduce_sum3A_733 : vector<16xi32>, vector<16xi1> -> vector<16xi32>
    %reduce_sum3A_735 = vector.extract %reduce_sum3A_734[15] : i32 from vector<16xi32>
    %reduce_sum3A_736 = arith.constant true
    %reduce_sum3A_737 = vector.broadcast %reduce_sum3A_736 : i1 to vector<16xi1>
    %reduce_sum3A_738 = tpu.scan <sum>, %get3A_729 masked %reduce_sum3A_737 : vector<16xi32>, vector<16xi1> -> vector<16xi32>
    %reduce_sum3A_739 = vector.extract %reduce_sum3A_738[15] : i32 from vector<16xi32>
    %add3A_740 = arith.addi %reduce_sum3A_735, %reduce_sum3A_739 : i32
    %eq3A_741 = arith.constant 3 : i32
    %eq3A_742 = vector.broadcast %eq3A_741 : i32 to vector<16xi32>
    %eq3A_743 = arith.cmpi eq, %iota3A_328, %eq3A_742 : vector<16xi32>
    %add3A_744 = vector.broadcast %add3A_740 : i32 to vector<16xi32>
    %add3A_745 = arith.addi %select_n3A_725, %add3A_744 : vector<16xi32>
    %select_n3A_746 = arith.select %eq3A_743, %add3A_745, %select_n3A_725 : vector<16xi1>, vector<16xi32>
    %get3A_747 = arith.constant 640 : index
    %get3A_748 = tpu.vector_load %arg6[%get3A_747] {strides = array<i32>} : memref<1024xi32, #tpu.memory_space<vmem>>, vector<16xi32>,
    %get3A_749 = arith.constant 656 : index
    %get3A_750 = tpu.vector_load %arg6[%get3A_749] {strides = array<i32>} : memref<1024xi32, #tpu.memory_space<vmem>>, vector<16xi32>,
    %add3A_751 = arith.addi %add3A_730, %get3A_748 : vector<16xi32>
    %add3A_752 = arith.addi %add3A_731, %get3A_750 : vector<16xi32>
    %reduce_sum3A_753 = arith.constant true
    %reduce_sum3A_754 = vector.broadcast %reduce_sum3A_753 : i1 to vector<16xi1>
    %reduce_sum3A_755 = tpu.scan <sum>, %get3A_748 masked %reduce_sum3A_754 : vector<16xi32>, vector<16xi1> -> vector<16xi32>
    %reduce_sum3A_756 = vector.extract %reduce_sum3A_755[15] : i32 from vector<16xi32>
    %reduce_sum3A_757 = arith.constant true
    %reduce_sum3A_758 = vector.broadcast %reduce_sum3A_757 : i1 to vector<16xi1>
    %reduce_sum3A_759 = tpu.scan <sum>, %get3A_750 masked %reduce_sum3A_758 : vector<16xi32>, vector<16xi1> -> vector<16xi32>
    %reduce_sum3A_760 = vector.extract %reduce_sum3A_759[15] : i32 from vector<16xi32>
    %add3A_761 = arith.addi %reduce_sum3A_756, %reduce_sum3A_760 : i32
    %eq3A_762 = arith.constant 4 : i32
    %eq3A_763 = vector.broadcast %eq3A_762 : i32 to vector<16xi32>
    %eq3A_764 = arith.cmpi eq, %iota3A_328, %eq3A_763 : vector<16xi32>
    %add3A_765 = vector.broadcast %add3A_761 : i32 to vector<16xi32>
    %add3A_766 = arith.addi %select_n3A_746, %add3A_765 : vector<16xi32>
    %select_n3A_767 = arith.select %eq3A_764, %add3A_766, %select_n3A_746 : vector<16xi1>, vector<16xi32>
    %get3A_768 = arith.constant 672 : index
    %get3A_769 = tpu.vector_load %arg6[%get3A_768] {strides = array<i32>} : memref<1024xi32, #tpu.memory_space<vmem>>, vector<16xi32>,
    %get3A_770 = arith.constant 688 : index
    %get3A_771 = tpu.vector_load %arg6[%get3A_770] {strides = array<i32>} : memref<1024xi32, #tpu.memory_space<vmem>>, vector<16xi32>,
    %add3A_772 = arith.addi %add3A_751, %get3A_769 : vector<16xi32>
    %add3A_773 = arith.addi %add3A_752, %get3A_771 : vector<16xi32>
    %reduce_sum3A_774 = arith.constant true
    %reduce_sum3A_775 = vector.broadcast %reduce_sum3A_774 : i1 to vector<16xi1>
    %reduce_sum3A_776 = tpu.scan <sum>, %get3A_769 masked %reduce_sum3A_775 : vector<16xi32>, vector<16xi1> -> vector<16xi32>
    %reduce_sum3A_777 = vector.extract %reduce_sum3A_776[15] : i32 from vector<16xi32>
    %reduce_sum3A_778 = arith.constant true
    %reduce_sum3A_779 = vector.broadcast %reduce_sum3A_778 : i1 to vector<16xi1>
    %reduce_sum3A_780 = tpu.scan <sum>, %get3A_771 masked %reduce_sum3A_779 : vector<16xi32>, vector<16xi1> -> vector<16xi32>
    %reduce_sum3A_781 = vector.extract %reduce_sum3A_780[15] : i32 from vector<16xi32>
    %add3A_782 = arith.addi %reduce_sum3A_777, %reduce_sum3A_781 : i32
    %eq3A_783 = arith.constant 5 : i32
    %eq3A_784 = vector.broadcast %eq3A_783 : i32 to vector<16xi32>
    %eq3A_785 = arith.cmpi eq, %iota3A_328, %eq3A_784 : vector<16xi32>
    %add3A_786 = vector.broadcast %add3A_782 : i32 to vector<16xi32>
    %add3A_787 = arith.addi %select_n3A_767, %add3A_786 : vector<16xi32>
    %select_n3A_788 = arith.select %eq3A_785, %add3A_787, %select_n3A_767 : vector<16xi1>, vector<16xi32>
    %get3A_789 = arith.constant 704 : index
    %get3A_790 = tpu.vector_load %arg6[%get3A_789] {strides = array<i32>} : memref<1024xi32, #tpu.memory_space<vmem>>, vector<16xi32>,
    %get3A_791 = arith.constant 720 : index
    %get3A_792 = tpu.vector_load %arg6[%get3A_791] {strides = array<i32>} : memref<1024xi32, #tpu.memory_space<vmem>>, vector<16xi32>,
    %add3A_793 = arith.addi %add3A_772, %get3A_790 : vector<16xi32>
    %add3A_794 = arith.addi %add3A_773, %get3A_792 : vector<16xi32>
    %reduce_sum3A_795 = arith.constant true
    %reduce_sum3A_796 = vector.broadcast %reduce_sum3A_795 : i1 to vector<16xi1>
    %reduce_sum3A_797 = tpu.scan <sum>, %get3A_790 masked %reduce_sum3A_796 : vector<16xi32>, vector<16xi1> -> vector<16xi32>
    %reduce_sum3A_798 = vector.extract %reduce_sum3A_797[15] : i32 from vector<16xi32>
    %reduce_sum3A_799 = arith.constant true
    %reduce_sum3A_800 = vector.broadcast %reduce_sum3A_799 : i1 to vector<16xi1>
    %reduce_sum3A_801 = tpu.scan <sum>, %get3A_792 masked %reduce_sum3A_800 : vector<16xi32>, vector<16xi1> -> vector<16xi32>
    %reduce_sum3A_802 = vector.extract %reduce_sum3A_801[15] : i32 from vector<16xi32>
    %add3A_803 = arith.addi %reduce_sum3A_798, %reduce_sum3A_802 : i32
    %eq3A_804 = arith.constant 6 : i32
    %eq3A_805 = vector.broadcast %eq3A_804 : i32 to vector<16xi32>
    %eq3A_806 = arith.cmpi eq, %iota3A_328, %eq3A_805 : vector<16xi32>
    %add3A_807 = vector.broadcast %add3A_803 : i32 to vector<16xi32>
    %add3A_808 = arith.addi %select_n3A_788, %add3A_807 : vector<16xi32>
    %select_n3A_809 = arith.select %eq3A_806, %add3A_808, %select_n3A_788 : vector<16xi1>, vector<16xi32>
    %get3A_810 = arith.constant 736 : index
    %get3A_811 = tpu.vector_load %arg6[%get3A_810] {strides = array<i32>} : memref<1024xi32, #tpu.memory_space<vmem>>, vector<16xi32>,
    %get3A_812 = arith.constant 752 : index
    %get3A_813 = tpu.vector_load %arg6[%get3A_812] {strides = array<i32>} : memref<1024xi32, #tpu.memory_space<vmem>>, vector<16xi32>,
    %add3A_814 = arith.addi %add3A_793, %get3A_811 : vector<16xi32>
    %add3A_815 = arith.addi %add3A_794, %get3A_813 : vector<16xi32>
    %reduce_sum3A_816 = arith.constant true
    %reduce_sum3A_817 = vector.broadcast %reduce_sum3A_816 : i1 to vector<16xi1>
    %reduce_sum3A_818 = tpu.scan <sum>, %get3A_811 masked %reduce_sum3A_817 : vector<16xi32>, vector<16xi1> -> vector<16xi32>
    %reduce_sum3A_819 = vector.extract %reduce_sum3A_818[15] : i32 from vector<16xi32>
    %reduce_sum3A_820 = arith.constant true
    %reduce_sum3A_821 = vector.broadcast %reduce_sum3A_820 : i1 to vector<16xi1>
    %reduce_sum3A_822 = tpu.scan <sum>, %get3A_813 masked %reduce_sum3A_821 : vector<16xi32>, vector<16xi1> -> vector<16xi32>
    %reduce_sum3A_823 = vector.extract %reduce_sum3A_822[15] : i32 from vector<16xi32>
    %add3A_824 = arith.addi %reduce_sum3A_819, %reduce_sum3A_823 : i32
    %eq3A_825 = arith.constant 7 : i32
    %eq3A_826 = vector.broadcast %eq3A_825 : i32 to vector<16xi32>
    %eq3A_827 = arith.cmpi eq, %iota3A_328, %eq3A_826 : vector<16xi32>
    %add3A_828 = vector.broadcast %add3A_824 : i32 to vector<16xi32>
    %add3A_829 = arith.addi %select_n3A_809, %add3A_828 : vector<16xi32>
    %select_n3A_830 = arith.select %eq3A_827, %add3A_829, %select_n3A_809 : vector<16xi1>, vector<16xi32>
    %get3A_831 = arith.constant 768 : index
    %get3A_832 = tpu.vector_load %arg6[%get3A_831] {strides = array<i32>} : memref<1024xi32, #tpu.memory_space<vmem>>, vector<16xi32>,
    %get3A_833 = arith.constant 784 : index
    %get3A_834 = tpu.vector_load %arg6[%get3A_833] {strides = array<i32>} : memref<1024xi32, #tpu.memory_space<vmem>>, vector<16xi32>,
    %add3A_835 = arith.addi %add3A_814, %get3A_832 : vector<16xi32>
    %add3A_836 = arith.addi %add3A_815, %get3A_834 : vector<16xi32>
    %reduce_sum3A_837 = arith.constant true
    %reduce_sum3A_838 = vector.broadcast %reduce_sum3A_837 : i1 to vector<16xi1>
    %reduce_sum3A_839 = tpu.scan <sum>, %get3A_832 masked %reduce_sum3A_838 : vector<16xi32>, vector<16xi1> -> vector<16xi32>
    %reduce_sum3A_840 = vector.extract %reduce_sum3A_839[15] : i32 from vector<16xi32>
    %reduce_sum3A_841 = arith.constant true
    %reduce_sum3A_842 = vector.broadcast %reduce_sum3A_841 : i1 to vector<16xi1>
    %reduce_sum3A_843 = tpu.scan <sum>, %get3A_834 masked %reduce_sum3A_842 : vector<16xi32>, vector<16xi1> -> vector<16xi32>
    %reduce_sum3A_844 = vector.extract %reduce_sum3A_843[15] : i32 from vector<16xi32>
    %add3A_845 = arith.addi %reduce_sum3A_840, %reduce_sum3A_844 : i32
    %eq3A_846 = arith.constant 8 : i32
    %eq3A_847 = vector.broadcast %eq3A_846 : i32 to vector<16xi32>
    %eq3A_848 = arith.cmpi eq, %iota3A_328, %eq3A_847 : vector<16xi32>
    %add3A_849 = vector.broadcast %add3A_845 : i32 to vector<16xi32>
    %add3A_850 = arith.addi %select_n3A_830, %add3A_849 : vector<16xi32>
    %select_n3A_851 = arith.select %eq3A_848, %add3A_850, %select_n3A_830 : vector<16xi1>, vector<16xi32>
    %get3A_852 = arith.constant 800 : index
    %get3A_853 = tpu.vector_load %arg6[%get3A_852] {strides = array<i32>} : memref<1024xi32, #tpu.memory_space<vmem>>, vector<16xi32>,
    %get3A_854 = arith.constant 816 : index
    %get3A_855 = tpu.vector_load %arg6[%get3A_854] {strides = array<i32>} : memref<1024xi32, #tpu.memory_space<vmem>>, vector<16xi32>,
    %add3A_856 = arith.addi %add3A_835, %get3A_853 : vector<16xi32>
    %add3A_857 = arith.addi %add3A_836, %get3A_855 : vector<16xi32>
    %reduce_sum3A_858 = arith.constant true
    %reduce_sum3A_859 = vector.broadcast %reduce_sum3A_858 : i1 to vector<16xi1>
    %reduce_sum3A_860 = tpu.scan <sum>, %get3A_853 masked %reduce_sum3A_859 : vector<16xi32>, vector<16xi1> -> vector<16xi32>
    %reduce_sum3A_861 = vector.extract %reduce_sum3A_860[15] : i32 from vector<16xi32>
    %reduce_sum3A_862 = arith.constant true
    %reduce_sum3A_863 = vector.broadcast %reduce_sum3A_862 : i1 to vector<16xi1>
    %reduce_sum3A_864 = tpu.scan <sum>, %get3A_855 masked %reduce_sum3A_863 : vector<16xi32>, vector<16xi1> -> vector<16xi32>
    %reduce_sum3A_865 = vector.extract %reduce_sum3A_864[15] : i32 from vector<16xi32>
    %add3A_866 = arith.addi %reduce_sum3A_861, %reduce_sum3A_865 : i32
    %eq3A_867 = arith.constant 9 : i32
    %eq3A_868 = vector.broadcast %eq3A_867 : i32 to vector<16xi32>
    %eq3A_869 = arith.cmpi eq, %iota3A_328, %eq3A_868 : vector<16xi32>
    %add3A_870 = vector.broadcast %add3A_866 : i32 to vector<16xi32>
    %add3A_871 = arith.addi %select_n3A_851, %add3A_870 : vector<16xi32>
    %select_n3A_872 = arith.select %eq3A_869, %add3A_871, %select_n3A_851 : vector<16xi1>, vector<16xi32>
    %get3A_873 = arith.constant 832 : index
    %get3A_874 = tpu.vector_load %arg6[%get3A_873] {strides = array<i32>} : memref<1024xi32, #tpu.memory_space<vmem>>, vector<16xi32>,
    %get3A_875 = arith.constant 848 : index
    %get3A_876 = tpu.vector_load %arg6[%get3A_875] {strides = array<i32>} : memref<1024xi32, #tpu.memory_space<vmem>>, vector<16xi32>,
    %add3A_877 = arith.addi %add3A_856, %get3A_874 : vector<16xi32>
    %add3A_878 = arith.addi %add3A_857, %get3A_876 : vector<16xi32>
    %reduce_sum3A_879 = arith.constant true
    %reduce_sum3A_880 = vector.broadcast %reduce_sum3A_879 : i1 to vector<16xi1>
    %reduce_sum3A_881 = tpu.scan <sum>, %get3A_874 masked %reduce_sum3A_880 : vector<16xi32>, vector<16xi1> -> vector<16xi32>
    %reduce_sum3A_882 = vector.extract %reduce_sum3A_881[15] : i32 from vector<16xi32>
    %reduce_sum3A_883 = arith.constant true
    %reduce_sum3A_884 = vector.broadcast %reduce_sum3A_883 : i1 to vector<16xi1>
    %reduce_sum3A_885 = tpu.scan <sum>, %get3A_876 masked %reduce_sum3A_884 : vector<16xi32>, vector<16xi1> -> vector<16xi32>
    %reduce_sum3A_886 = vector.extract %reduce_sum3A_885[15] : i32 from vector<16xi32>
    %add3A_887 = arith.addi %reduce_sum3A_882, %reduce_sum3A_886 : i32
    %eq3A_888 = arith.constant 10 : i32
    %eq3A_889 = vector.broadcast %eq3A_888 : i32 to vector<16xi32>
    %eq3A_890 = arith.cmpi eq, %iota3A_328, %eq3A_889 : vector<16xi32>
    %add3A_891 = vector.broadcast %add3A_887 : i32 to vector<16xi32>
    %add3A_892 = arith.addi %select_n3A_872, %add3A_891 : vector<16xi32>
    %select_n3A_893 = arith.select %eq3A_890, %add3A_892, %select_n3A_872 : vector<16xi1>, vector<16xi32>
    %get3A_894 = arith.constant 864 : index
    %get3A_895 = tpu.vector_load %arg6[%get3A_894] {strides = array<i32>} : memref<1024xi32, #tpu.memory_space<vmem>>, vector<16xi32>,
    %get3A_896 = arith.constant 880 : index
    %get3A_897 = tpu.vector_load %arg6[%get3A_896] {strides = array<i32>} : memref<1024xi32, #tpu.memory_space<vmem>>, vector<16xi32>,
    %add3A_898 = arith.addi %add3A_877, %get3A_895 : vector<16xi32>
    %add3A_899 = arith.addi %add3A_878, %get3A_897 : vector<16xi32>
    %reduce_sum3A_900 = arith.constant true
    %reduce_sum3A_901 = vector.broadcast %reduce_sum3A_900 : i1 to vector<16xi1>
    %reduce_sum3A_902 = tpu.scan <sum>, %get3A_895 masked %reduce_sum3A_901 : vector<16xi32>, vector<16xi1> -> vector<16xi32>
    %reduce_sum3A_903 = vector.extract %reduce_sum3A_902[15] : i32 from vector<16xi32>
    %reduce_sum3A_904 = arith.constant true
    %reduce_sum3A_905 = vector.broadcast %reduce_sum3A_904 : i1 to vector<16xi1>
    %reduce_sum3A_906 = tpu.scan <sum>, %get3A_897 masked %reduce_sum3A_905 : vector<16xi32>, vector<16xi1> -> vector<16xi32>
    %reduce_sum3A_907 = vector.extract %reduce_sum3A_906[15] : i32 from vector<16xi32>
    %add3A_908 = arith.addi %reduce_sum3A_903, %reduce_sum3A_907 : i32
    %eq3A_909 = arith.constant 11 : i32
    %eq3A_910 = vector.broadcast %eq3A_909 : i32 to vector<16xi32>
    %eq3A_911 = arith.cmpi eq, %iota3A_328, %eq3A_910 : vector<16xi32>
    %add3A_912 = vector.broadcast %add3A_908 : i32 to vector<16xi32>
    %add3A_913 = arith.addi %select_n3A_893, %add3A_912 : vector<16xi32>
    %select_n3A_914 = arith.select %eq3A_911, %add3A_913, %select_n3A_893 : vector<16xi1>, vector<16xi32>
    %get3A_915 = arith.constant 896 : index
    %get3A_916 = tpu.vector_load %arg6[%get3A_915] {strides = array<i32>} : memref<1024xi32, #tpu.memory_space<vmem>>, vector<16xi32>,
    %get3A_917 = arith.constant 912 : index
    %get3A_918 = tpu.vector_load %arg6[%get3A_917] {strides = array<i32>} : memref<1024xi32, #tpu.memory_space<vmem>>, vector<16xi32>,
    %add3A_919 = arith.addi %add3A_898, %get3A_916 : vector<16xi32>
    %add3A_920 = arith.addi %add3A_899, %get3A_918 : vector<16xi32>
    %reduce_sum3A_921 = arith.constant true
    %reduce_sum3A_922 = vector.broadcast %reduce_sum3A_921 : i1 to vector<16xi1>
    %reduce_sum3A_923 = tpu.scan <sum>, %get3A_916 masked %reduce_sum3A_922 : vector<16xi32>, vector<16xi1> -> vector<16xi32>
    %reduce_sum3A_924 = vector.extract %reduce_sum3A_923[15] : i32 from vector<16xi32>
    %reduce_sum3A_925 = arith.constant true
    %reduce_sum3A_926 = vector.broadcast %reduce_sum3A_925 : i1 to vector<16xi1>
    %reduce_sum3A_927 = tpu.scan <sum>, %get3A_918 masked %reduce_sum3A_926 : vector<16xi32>, vector<16xi1> -> vector<16xi32>
    %reduce_sum3A_928 = vector.extract %reduce_sum3A_927[15] : i32 from vector<16xi32>
    %add3A_929 = arith.addi %reduce_sum3A_924, %reduce_sum3A_928 : i32
    %eq3A_930 = arith.constant 12 : i32
    %eq3A_931 = vector.broadcast %eq3A_930 : i32 to vector<16xi32>
    %eq3A_932 = arith.cmpi eq, %iota3A_328, %eq3A_931 : vector<16xi32>
    %add3A_933 = vector.broadcast %add3A_929 : i32 to vector<16xi32>
    %add3A_934 = arith.addi %select_n3A_914, %add3A_933 : vector<16xi32>
    %select_n3A_935 = arith.select %eq3A_932, %add3A_934, %select_n3A_914 : vector<16xi1>, vector<16xi32>
    %get3A_936 = arith.constant 928 : index
    %get3A_937 = tpu.vector_load %arg6[%get3A_936] {strides = array<i32>} : memref<1024xi32, #tpu.memory_space<vmem>>, vector<16xi32>,
    %get3A_938 = arith.constant 944 : index
    %get3A_939 = tpu.vector_load %arg6[%get3A_938] {strides = array<i32>} : memref<1024xi32, #tpu.memory_space<vmem>>, vector<16xi32>,
    %add3A_940 = arith.addi %add3A_919, %get3A_937 : vector<16xi32>
    %add3A_941 = arith.addi %add3A_920, %get3A_939 : vector<16xi32>
    %reduce_sum3A_942 = arith.constant true
    %reduce_sum3A_943 = vector.broadcast %reduce_sum3A_942 : i1 to vector<16xi1>
    %reduce_sum3A_944 = tpu.scan <sum>, %get3A_937 masked %reduce_sum3A_943 : vector<16xi32>, vector<16xi1> -> vector<16xi32>
    %reduce_sum3A_945 = vector.extract %reduce_sum3A_944[15] : i32 from vector<16xi32>
    %reduce_sum3A_946 = arith.constant true
    %reduce_sum3A_947 = vector.broadcast %reduce_sum3A_946 : i1 to vector<16xi1>
    %reduce_sum3A_948 = tpu.scan <sum>, %get3A_939 masked %reduce_sum3A_947 : vector<16xi32>, vector<16xi1> -> vector<16xi32>
    %reduce_sum3A_949 = vector.extract %reduce_sum3A_948[15] : i32 from vector<16xi32>
    %add3A_950 = arith.addi %reduce_sum3A_945, %reduce_sum3A_949 : i32
    %eq3A_951 = arith.constant 13 : i32
    %eq3A_952 = vector.broadcast %eq3A_951 : i32 to vector<16xi32>
    %eq3A_953 = arith.cmpi eq, %iota3A_328, %eq3A_952 : vector<16xi32>
    %add3A_954 = vector.broadcast %add3A_950 : i32 to vector<16xi32>
    %add3A_955 = arith.addi %select_n3A_935, %add3A_954 : vector<16xi32>
    %select_n3A_956 = arith.select %eq3A_953, %add3A_955, %select_n3A_935 : vector<16xi1>, vector<16xi32>
    %get3A_957 = arith.constant 960 : index
    %get3A_958 = tpu.vector_load %arg6[%get3A_957] {strides = array<i32>} : memref<1024xi32, #tpu.memory_space<vmem>>, vector<16xi32>,
    %get3A_959 = arith.constant 976 : index
    %get3A_960 = tpu.vector_load %arg6[%get3A_959] {strides = array<i32>} : memref<1024xi32, #tpu.memory_space<vmem>>, vector<16xi32>,
    %add3A_961 = arith.addi %add3A_940, %get3A_958 : vector<16xi32>
    %add3A_962 = arith.addi %add3A_941, %get3A_960 : vector<16xi32>
    %reduce_sum3A_963 = arith.constant true
    %reduce_sum3A_964 = vector.broadcast %reduce_sum3A_963 : i1 to vector<16xi1>
    %reduce_sum3A_965 = tpu.scan <sum>, %get3A_958 masked %reduce_sum3A_964 : vector<16xi32>, vector<16xi1> -> vector<16xi32>
    %reduce_sum3A_966 = vector.extract %reduce_sum3A_965[15] : i32 from vector<16xi32>
    %reduce_sum3A_967 = arith.constant true
    %reduce_sum3A_968 = vector.broadcast %reduce_sum3A_967 : i1 to vector<16xi1>
    %reduce_sum3A_969 = tpu.scan <sum>, %get3A_960 masked %reduce_sum3A_968 : vector<16xi32>, vector<16xi1> -> vector<16xi32>
    %reduce_sum3A_970 = vector.extract %reduce_sum3A_969[15] : i32 from vector<16xi32>
    %add3A_971 = arith.addi %reduce_sum3A_966, %reduce_sum3A_970 : i32
    %eq3A_972 = arith.constant 14 : i32
    %eq3A_973 = vector.broadcast %eq3A_972 : i32 to vector<16xi32>
    %eq3A_974 = arith.cmpi eq, %iota3A_328, %eq3A_973 : vector<16xi32>
    %add3A_975 = vector.broadcast %add3A_971 : i32 to vector<16xi32>
    %add3A_976 = arith.addi %select_n3A_956, %add3A_975 : vector<16xi32>
    %select_n3A_977 = arith.select %eq3A_974, %add3A_976, %select_n3A_956 : vector<16xi1>, vector<16xi32>
    %get3A_978 = arith.constant 992 : index
    %get3A_979 = tpu.vector_load %arg6[%get3A_978] {strides = array<i32>} : memref<1024xi32, #tpu.memory_space<vmem>>, vector<16xi32>,
    %get3A_980 = arith.constant 1008 : index
    %get3A_981 = tpu.vector_load %arg6[%get3A_980] {strides = array<i32>} : memref<1024xi32, #tpu.memory_space<vmem>>, vector<16xi32>,
    %add3A_982 = arith.addi %add3A_961, %get3A_979 : vector<16xi32>
    %add3A_983 = arith.addi %add3A_962, %get3A_981 : vector<16xi32>
    %reduce_sum3A_984 = arith.constant true
    %reduce_sum3A_985 = vector.broadcast %reduce_sum3A_984 : i1 to vector<16xi1>
    %reduce_sum3A_986 = tpu.scan <sum>, %get3A_979 masked %reduce_sum3A_985 : vector<16xi32>, vector<16xi1> -> vector<16xi32>
    %reduce_sum3A_987 = vector.extract %reduce_sum3A_986[15] : i32 from vector<16xi32>
    %reduce_sum3A_988 = arith.constant true
    %reduce_sum3A_989 = vector.broadcast %reduce_sum3A_988 : i1 to vector<16xi1>
    %reduce_sum3A_990 = tpu.scan <sum>, %get3A_981 masked %reduce_sum3A_989 : vector<16xi32>, vector<16xi1> -> vector<16xi32>
    %reduce_sum3A_991 = vector.extract %reduce_sum3A_990[15] : i32 from vector<16xi32>
    %add3A_992 = arith.addi %reduce_sum3A_987, %reduce_sum3A_991 : i32
    %eq3A_993 = arith.constant 15 : i32
    %eq3A_994 = vector.broadcast %eq3A_993 : i32 to vector<16xi32>
    %eq3A_995 = arith.cmpi eq, %iota3A_328, %eq3A_994 : vector<16xi32>
    %add3A_996 = vector.broadcast %add3A_992 : i32 to vector<16xi32>
    %add3A_997 = arith.addi %select_n3A_977, %add3A_996 : vector<16xi32>
    %select_n3A_998 = arith.select %eq3A_995, %add3A_997, %select_n3A_977 : vector<16xi1>, vector<16xi32>
    %add3A_999 = arith.addi %select_n3A_662, %add3A_982 : vector<16xi32>
    %swap3A = arith.constant 0 : index
    %swap3A_1000 = tpu.vector_load %arg7[%swap3A] {strides = array<i32>} : memref<32xi32, #tpu.memory_space<vmem>>, vector<16xi32>,
    tpu.vector_store %arg7[%swap3A], %add3A_999 {strides = array<i32>} : memref<32xi32, #tpu.memory_space<vmem>>, vector<16xi32>,
    %add3A_1001 = arith.addi %select_n3A_998, %add3A_983 : vector<16xi32>
    %swap3A_1002 = arith.constant 16 : index
    %swap3A_1003 = tpu.vector_load %arg7[%swap3A_1002] {strides = array<i32>} : memref<32xi32, #tpu.memory_space<vmem>>, vector<16xi32>,
    tpu.vector_store %arg7[%swap3A_1002], %add3A_1001 {strides = array<i32>} : memref<32xi32, #tpu.memory_space<vmem>>, vector<16xi32>,
    "tpu.region"() ({
      %run_scoped3A = tpu.sem_alloc : memref<!tpu.dma_semaphore, #tpu.memory_space<semaphore_mem>>
      %dma_start3A_1004 = arith.constant 0 : i32
      %dma_start3A_1005 = tpu.memref_slice %arg3[%add3A, %dma_start3A_1004] : memref<32x32xi32, #tpu.memory_space<hbm>> -> memref<1x32xi32, #tpu.memory_space<hbm>>
      %dma_start3A_1006 = tpu.memref_squeeze %dma_start3A_1005 : memref<1x32xi32, #tpu.memory_space<hbm>> -> memref<32xi32, #tpu.memory_space<hbm>>
      %dma_start3A_1007 = arith.constant 0 : i32
      %dma_start3A_1008 = tpu.memref_slice %arg3[%add3A, %dma_start3A_1007] : memref<32x32xi32, #tpu.memory_space<hbm>> -> memref<1x32xi32, #tpu.memory_space<hbm>>
      %dma_start3A_1009 = tpu.memref_squeeze %dma_start3A_1008 : memref<1x32xi32, #tpu.memory_space<hbm>> -> memref<32xi32, #tpu.memory_space<hbm>>
      tpu.enqueue_dma source(%arg7 : memref<32xi32, #tpu.memory_space<vmem>>) target(%dma_start3A_1009 : memref<32xi32, #tpu.memory_space<hbm>>) target_semaphore(%run_scoped3A : memref<!tpu.dma_semaphore, #tpu.memory_space<semaphore_mem>>)
      %dma_wait3A_1010 = arith.constant 0 : i32
      %dma_wait3A_1011 = tpu.memref_slice %arg3[%add3A, %dma_wait3A_1010] : memref<32x32xi32, #tpu.memory_space<hbm>> -> memref<1x32xi32, #tpu.memory_space<hbm>>
      %dma_wait3A_1012 = tpu.memref_squeeze %dma_wait3A_1011 : memref<1x32xi32, #tpu.memory_space<hbm>> -> memref<32xi32, #tpu.memory_space<hbm>>
      %dma_wait3A_1013 = arith.constant 0 : i32
      %dma_wait3A_1014 = tpu.memref_slice %arg3[%add3A, %dma_wait3A_1013] : memref<32x32xi32, #tpu.memory_space<hbm>> -> memref<1x32xi32, #tpu.memory_space<hbm>>
      %dma_wait3A_1015 = tpu.memref_squeeze %dma_wait3A_1014 : memref<1x32xi32, #tpu.memory_space<hbm>> -> memref<32xi32, #tpu.memory_space<hbm>>
      tpu.wait_dma2 semaphore(%run_scoped3A : memref<!tpu.dma_semaphore, #tpu.memory_space<semaphore_mem>>) src(%arg7 : memref<32xi32, #tpu.memory_space<vmem>>) dst(%dma_wait3A_1015 : memref<32xi32, #tpu.memory_space<hbm>>)
      tpu.yield
    }) : () -> ()
    return
  }
}

#map = affine_map<(d0, d1) -> (0)>
#map1 = affine_map<(d0, d1) -> (0, 0)>
module attributes {stable_mosaic.version = 14 : i64} {
  func.func @_gather_kernel(%arg0: i32, %arg1: i32, %arg2: memref<1048576xi32, #tpu.memory_space<hbm>>, %arg3: memref<32x32xi32, #tpu.memory_space<hbm>>, %arg4: memref<32xf32, #tpu.memory_space<hbm>>, %arg5: memref<4194304xf32, #tpu.memory_space<hbm>>, %arg6: memref<32xf32, #tpu.memory_space<hbm>>, %arg7: memref<32x32xi32, #tpu.memory_space<vmem>>, %arg8: memref<32xf32, #tpu.memory_space<vmem>>, %arg9: memref<32xf32, #tpu.memory_space<vmem>>, %arg10: memref<16384xi32, #tpu.memory_space<vmem>>, %arg11: memref<65536xf32, #tpu.memory_space<vmem>>, %arg12: memref<!tpu.dma_semaphore, #tpu.memory_space<semaphore_mem>>, %arg13: memref<!tpu.dma_semaphore, #tpu.memory_space<semaphore_mem>>, %arg14: memref<!tpu.dma_semaphore, #tpu.memory_space<semaphore_mem>>, %arg15: memref<!tpu.dma_semaphore, #tpu.memory_space<semaphore_mem>>) attributes {dimension_semantics = [#tpu.dimension_semantics<core_parallel>, #tpu.dimension_semantics<subcore_parallel>], iteration_bounds = array<i64: 2, 16>, scalar_prefetch = 0 : i64, scratch_operands = 9 : i64, tpu.core_type = #tpu.core_type<sc_vector_subcore>, window_params = [{transform_indices = #map}, {transform_indices = #map1}, {transform_indices = #map}, {transform_indices = #map}, {transform_indices = #map}]} {
    %mul3A = arith.constant 2 : i32
    %mul3A_0 = arith.muli %arg1, %mul3A : i32
    %add3A = arith.addi %mul3A_0, %arg0 : i32
    %mul3A_1 = arith.constant 32768 : i32
    %mul3A_2 = arith.muli %add3A, %mul3A_1 : i32
    %dma_start3A = arith.constant 0 : i32
    %dma_start3A_3 = tpu.memref_slice %arg10[%dma_start3A] : memref<16384xi32, #tpu.memory_space<vmem>> -> memref<8192xi32, #tpu.memory_space<vmem>>
    %dma_start3A_4 = tpu.memref_slice %arg2[%mul3A_2] : memref<1048576xi32, #tpu.memory_space<hbm>> -> memref<8192xi32, #tpu.memory_space<hbm>>
    %dma_start3A_5 = arith.constant 0 : i32
    %dma_start3A_6 = tpu.memref_slice %arg10[%dma_start3A_5] : memref<16384xi32, #tpu.memory_space<vmem>> -> memref<8192xi32, #tpu.memory_space<vmem>>
    %dma_start3A_7 = tpu.memref_slice %arg2[%mul3A_2] : memref<1048576xi32, #tpu.memory_space<hbm>> -> memref<8192xi32, #tpu.memory_space<hbm>>
    tpu.enqueue_dma source(%dma_start3A_7 : memref<8192xi32, #tpu.memory_space<hbm>>) target(%dma_start3A_6 : memref<8192xi32, #tpu.memory_space<vmem>>) target_semaphore(%arg12 : memref<!tpu.dma_semaphore, #tpu.memory_space<semaphore_mem>>)
    "tpu.region"() ({
      %run_scoped3A = tpu.sem_alloc : memref<!tpu.dma_semaphore, #tpu.memory_space<semaphore_mem>>
      tpu.enqueue_dma source(%arg3 : memref<32x32xi32, #tpu.memory_space<hbm>>) target(%arg7 : memref<32x32xi32, #tpu.memory_space<vmem>>) target_semaphore(%run_scoped3A : memref<!tpu.dma_semaphore, #tpu.memory_space<semaphore_mem>>)
      tpu.wait_dma2 semaphore(%run_scoped3A : memref<!tpu.dma_semaphore, #tpu.memory_space<semaphore_mem>>) src(%arg3 : memref<32x32xi32, #tpu.memory_space<hbm>>) dst(%arg7 : memref<32x32xi32, #tpu.memory_space<vmem>>)
      tpu.yield
    }) : () -> ()
    "tpu.region"() ({
      %run_scoped3A = tpu.sem_alloc : memref<!tpu.dma_semaphore, #tpu.memory_space<semaphore_mem>>
      tpu.enqueue_dma source(%arg4 : memref<32xf32, #tpu.memory_space<hbm>>) target(%arg8 : memref<32xf32, #tpu.memory_space<vmem>>) target_semaphore(%run_scoped3A : memref<!tpu.dma_semaphore, #tpu.memory_space<semaphore_mem>>)
      tpu.wait_dma2 semaphore(%run_scoped3A : memref<!tpu.dma_semaphore, #tpu.memory_space<semaphore_mem>>) src(%arg4 : memref<32xf32, #tpu.memory_space<hbm>>) dst(%arg8 : memref<32xf32, #tpu.memory_space<vmem>>)
      tpu.yield
    }) : () -> ()
    %broadcast_in_dim3A = arith.constant 0 : i32
    %broadcast_in_dim3A_8 = vector.broadcast %broadcast_in_dim3A : i32 to vector<16xi32>
    %broadcast_in_dim3A_9 = arith.constant 0 : i32
    %broadcast_in_dim3A_10 = vector.broadcast %broadcast_in_dim3A_9 : i32 to vector<16xi32>
    %get3A = arith.constant 0 : i32
    %get3A_11 = arith.index_cast %get3A : i32 to index
    %get3A_12 = arith.constant 0 : index
    %get3A_13 = tpu.vector_load %arg7[%get3A_11, %get3A_12] {strides = array<i32>} : memref<32x32xi32, #tpu.memory_space<vmem>>, vector<16xi32>,
    %add3A_14 = arith.addi %broadcast_in_dim3A_8, %get3A_13 : vector<16xi32>
    %get3A_15 = arith.constant 0 : i32
    %get3A_16 = arith.index_cast %get3A_15 : i32 to index
    %get3A_17 = arith.constant 16 : index
    %get3A_18 = tpu.vector_load %arg7[%get3A_16, %get3A_17] {strides = array<i32>} : memref<32x32xi32, #tpu.memory_space<vmem>>, vector<16xi32>,
    %add3A_19 = arith.addi %broadcast_in_dim3A_10, %get3A_18 : vector<16xi32>
    %get3A_20 = arith.constant 1 : i32
    %get3A_21 = arith.index_cast %get3A_20 : i32 to index
    %get3A_22 = arith.constant 0 : index
    %get3A_23 = tpu.vector_load %arg7[%get3A_21, %get3A_22] {strides = array<i32>} : memref<32x32xi32, #tpu.memory_space<vmem>>, vector<16xi32>,
    %add3A_24 = arith.addi %add3A_14, %get3A_23 : vector<16xi32>
    %get3A_25 = arith.constant 1 : i32
    %get3A_26 = arith.index_cast %get3A_25 : i32 to index
    %get3A_27 = arith.constant 16 : index
    %get3A_28 = tpu.vector_load %arg7[%get3A_26, %get3A_27] {strides = array<i32>} : memref<32x32xi32, #tpu.memory_space<vmem>>, vector<16xi32>,
    %add3A_29 = arith.addi %add3A_19, %get3A_28 : vector<16xi32>
    %get3A_30 = arith.constant 2 : i32
    %get3A_31 = arith.index_cast %get3A_30 : i32 to index
    %get3A_32 = arith.constant 0 : index
    %get3A_33 = tpu.vector_load %arg7[%get3A_31, %get3A_32] {strides = array<i32>} : memref<32x32xi32, #tpu.memory_space<vmem>>, vector<16xi32>,
    %add3A_34 = arith.addi %add3A_24, %get3A_33 : vector<16xi32>
    %get3A_35 = arith.constant 2 : i32
    %get3A_36 = arith.index_cast %get3A_35 : i32 to index
    %get3A_37 = arith.constant 16 : index
    %get3A_38 = tpu.vector_load %arg7[%get3A_36, %get3A_37] {strides = array<i32>} : memref<32x32xi32, #tpu.memory_space<vmem>>, vector<16xi32>,
    %add3A_39 = arith.addi %add3A_29, %get3A_38 : vector<16xi32>
    %get3A_40 = arith.constant 3 : i32
    %get3A_41 = arith.index_cast %get3A_40 : i32 to index
    %get3A_42 = arith.constant 0 : index
    %get3A_43 = tpu.vector_load %arg7[%get3A_41, %get3A_42] {strides = array<i32>} : memref<32x32xi32, #tpu.memory_space<vmem>>, vector<16xi32>,
    %add3A_44 = arith.addi %add3A_34, %get3A_43 : vector<16xi32>
    %get3A_45 = arith.constant 3 : i32
    %get3A_46 = arith.index_cast %get3A_45 : i32 to index
    %get3A_47 = arith.constant 16 : index
    %get3A_48 = tpu.vector_load %arg7[%get3A_46, %get3A_47] {strides = array<i32>} : memref<32x32xi32, #tpu.memory_space<vmem>>, vector<16xi32>,
    %add3A_49 = arith.addi %add3A_39, %get3A_48 : vector<16xi32>
    %get3A_50 = arith.constant 4 : i32
    %get3A_51 = arith.index_cast %get3A_50 : i32 to index
    %get3A_52 = arith.constant 0 : index
    %get3A_53 = tpu.vector_load %arg7[%get3A_51, %get3A_52] {strides = array<i32>} : memref<32x32xi32, #tpu.memory_space<vmem>>, vector<16xi32>,
    %add3A_54 = arith.addi %add3A_44, %get3A_53 : vector<16xi32>
    %get3A_55 = arith.constant 4 : i32
    %get3A_56 = arith.index_cast %get3A_55 : i32 to index
    %get3A_57 = arith.constant 16 : index
    %get3A_58 = tpu.vector_load %arg7[%get3A_56, %get3A_57] {strides = array<i32>} : memref<32x32xi32, #tpu.memory_space<vmem>>, vector<16xi32>,
    %add3A_59 = arith.addi %add3A_49, %get3A_58 : vector<16xi32>
    %get3A_60 = arith.constant 5 : i32
    %get3A_61 = arith.index_cast %get3A_60 : i32 to index
    %get3A_62 = arith.constant 0 : index
    %get3A_63 = tpu.vector_load %arg7[%get3A_61, %get3A_62] {strides = array<i32>} : memref<32x32xi32, #tpu.memory_space<vmem>>, vector<16xi32>,
    %add3A_64 = arith.addi %add3A_54, %get3A_63 : vector<16xi32>
    %get3A_65 = arith.constant 5 : i32
    %get3A_66 = arith.index_cast %get3A_65 : i32 to index
    %get3A_67 = arith.constant 16 : index
    %get3A_68 = tpu.vector_load %arg7[%get3A_66, %get3A_67] {strides = array<i32>} : memref<32x32xi32, #tpu.memory_space<vmem>>, vector<16xi32>,
    %add3A_69 = arith.addi %add3A_59, %get3A_68 : vector<16xi32>
    %get3A_70 = arith.constant 6 : i32
    %get3A_71 = arith.index_cast %get3A_70 : i32 to index
    %get3A_72 = arith.constant 0 : index
    %get3A_73 = tpu.vector_load %arg7[%get3A_71, %get3A_72] {strides = array<i32>} : memref<32x32xi32, #tpu.memory_space<vmem>>, vector<16xi32>,
    %add3A_74 = arith.addi %add3A_64, %get3A_73 : vector<16xi32>
    %get3A_75 = arith.constant 6 : i32
    %get3A_76 = arith.index_cast %get3A_75 : i32 to index
    %get3A_77 = arith.constant 16 : index
    %get3A_78 = tpu.vector_load %arg7[%get3A_76, %get3A_77] {strides = array<i32>} : memref<32x32xi32, #tpu.memory_space<vmem>>, vector<16xi32>,
    %add3A_79 = arith.addi %add3A_69, %get3A_78 : vector<16xi32>
    %get3A_80 = arith.constant 7 : i32
    %get3A_81 = arith.index_cast %get3A_80 : i32 to index
    %get3A_82 = arith.constant 0 : index
    %get3A_83 = tpu.vector_load %arg7[%get3A_81, %get3A_82] {strides = array<i32>} : memref<32x32xi32, #tpu.memory_space<vmem>>, vector<16xi32>,
    %add3A_84 = arith.addi %add3A_74, %get3A_83 : vector<16xi32>
    %get3A_85 = arith.constant 7 : i32
    %get3A_86 = arith.index_cast %get3A_85 : i32 to index
    %get3A_87 = arith.constant 16 : index
    %get3A_88 = tpu.vector_load %arg7[%get3A_86, %get3A_87] {strides = array<i32>} : memref<32x32xi32, #tpu.memory_space<vmem>>, vector<16xi32>,
    %add3A_89 = arith.addi %add3A_79, %get3A_88 : vector<16xi32>
    %get3A_90 = arith.constant 8 : i32
    %get3A_91 = arith.index_cast %get3A_90 : i32 to index
    %get3A_92 = arith.constant 0 : index
    %get3A_93 = tpu.vector_load %arg7[%get3A_91, %get3A_92] {strides = array<i32>} : memref<32x32xi32, #tpu.memory_space<vmem>>, vector<16xi32>,
    %add3A_94 = arith.addi %add3A_84, %get3A_93 : vector<16xi32>
    %get3A_95 = arith.constant 8 : i32
    %get3A_96 = arith.index_cast %get3A_95 : i32 to index
    %get3A_97 = arith.constant 16 : index
    %get3A_98 = tpu.vector_load %arg7[%get3A_96, %get3A_97] {strides = array<i32>} : memref<32x32xi32, #tpu.memory_space<vmem>>, vector<16xi32>,
    %add3A_99 = arith.addi %add3A_89, %get3A_98 : vector<16xi32>
    %get3A_100 = arith.constant 9 : i32
    %get3A_101 = arith.index_cast %get3A_100 : i32 to index
    %get3A_102 = arith.constant 0 : index
    %get3A_103 = tpu.vector_load %arg7[%get3A_101, %get3A_102] {strides = array<i32>} : memref<32x32xi32, #tpu.memory_space<vmem>>, vector<16xi32>,
    %add3A_104 = arith.addi %add3A_94, %get3A_103 : vector<16xi32>
    %get3A_105 = arith.constant 9 : i32
    %get3A_106 = arith.index_cast %get3A_105 : i32 to index
    %get3A_107 = arith.constant 16 : index
    %get3A_108 = tpu.vector_load %arg7[%get3A_106, %get3A_107] {strides = array<i32>} : memref<32x32xi32, #tpu.memory_space<vmem>>, vector<16xi32>,
    %add3A_109 = arith.addi %add3A_99, %get3A_108 : vector<16xi32>
    %get3A_110 = arith.constant 10 : i32
    %get3A_111 = arith.index_cast %get3A_110 : i32 to index
    %get3A_112 = arith.constant 0 : index
    %get3A_113 = tpu.vector_load %arg7[%get3A_111, %get3A_112] {strides = array<i32>} : memref<32x32xi32, #tpu.memory_space<vmem>>, vector<16xi32>,
    %add3A_114 = arith.addi %add3A_104, %get3A_113 : vector<16xi32>
    %get3A_115 = arith.constant 10 : i32
    %get3A_116 = arith.index_cast %get3A_115 : i32 to index
    %get3A_117 = arith.constant 16 : index
    %get3A_118 = tpu.vector_load %arg7[%get3A_116, %get3A_117] {strides = array<i32>} : memref<32x32xi32, #tpu.memory_space<vmem>>, vector<16xi32>,
    %add3A_119 = arith.addi %add3A_109, %get3A_118 : vector<16xi32>
    %get3A_120 = arith.constant 11 : i32
    %get3A_121 = arith.index_cast %get3A_120 : i32 to index
    %get3A_122 = arith.constant 0 : index
    %get3A_123 = tpu.vector_load %arg7[%get3A_121, %get3A_122] {strides = array<i32>} : memref<32x32xi32, #tpu.memory_space<vmem>>, vector<16xi32>,
    %add3A_124 = arith.addi %add3A_114, %get3A_123 : vector<16xi32>
    %get3A_125 = arith.constant 11 : i32
    %get3A_126 = arith.index_cast %get3A_125 : i32 to index
    %get3A_127 = arith.constant 16 : index
    %get3A_128 = tpu.vector_load %arg7[%get3A_126, %get3A_127] {strides = array<i32>} : memref<32x32xi32, #tpu.memory_space<vmem>>, vector<16xi32>,
    %add3A_129 = arith.addi %add3A_119, %get3A_128 : vector<16xi32>
    %get3A_130 = arith.constant 12 : i32
    %get3A_131 = arith.index_cast %get3A_130 : i32 to index
    %get3A_132 = arith.constant 0 : index
    %get3A_133 = tpu.vector_load %arg7[%get3A_131, %get3A_132] {strides = array<i32>} : memref<32x32xi32, #tpu.memory_space<vmem>>, vector<16xi32>,
    %add3A_134 = arith.addi %add3A_124, %get3A_133 : vector<16xi32>
    %get3A_135 = arith.constant 12 : i32
    %get3A_136 = arith.index_cast %get3A_135 : i32 to index
    %get3A_137 = arith.constant 16 : index
    %get3A_138 = tpu.vector_load %arg7[%get3A_136, %get3A_137] {strides = array<i32>} : memref<32x32xi32, #tpu.memory_space<vmem>>, vector<16xi32>,
    %add3A_139 = arith.addi %add3A_129, %get3A_138 : vector<16xi32>
    %get3A_140 = arith.constant 13 : i32
    %get3A_141 = arith.index_cast %get3A_140 : i32 to index
    %get3A_142 = arith.constant 0 : index
    %get3A_143 = tpu.vector_load %arg7[%get3A_141, %get3A_142] {strides = array<i32>} : memref<32x32xi32, #tpu.memory_space<vmem>>, vector<16xi32>,
    %add3A_144 = arith.addi %add3A_134, %get3A_143 : vector<16xi32>
    %get3A_145 = arith.constant 13 : i32
    %get3A_146 = arith.index_cast %get3A_145 : i32 to index
    %get3A_147 = arith.constant 16 : index
    %get3A_148 = tpu.vector_load %arg7[%get3A_146, %get3A_147] {strides = array<i32>} : memref<32x32xi32, #tpu.memory_space<vmem>>, vector<16xi32>,
    %add3A_149 = arith.addi %add3A_139, %get3A_148 : vector<16xi32>
    %get3A_150 = arith.constant 14 : i32
    %get3A_151 = arith.index_cast %get3A_150 : i32 to index
    %get3A_152 = arith.constant 0 : index
    %get3A_153 = tpu.vector_load %arg7[%get3A_151, %get3A_152] {strides = array<i32>} : memref<32x32xi32, #tpu.memory_space<vmem>>, vector<16xi32>,
    %add3A_154 = arith.addi %add3A_144, %get3A_153 : vector<16xi32>
    %get3A_155 = arith.constant 14 : i32
    %get3A_156 = arith.index_cast %get3A_155 : i32 to index
    %get3A_157 = arith.constant 16 : index
    %get3A_158 = tpu.vector_load %arg7[%get3A_156, %get3A_157] {strides = array<i32>} : memref<32x32xi32, #tpu.memory_space<vmem>>, vector<16xi32>,
    %add3A_159 = arith.addi %add3A_149, %get3A_158 : vector<16xi32>
    %get3A_160 = arith.constant 15 : i32
    %get3A_161 = arith.index_cast %get3A_160 : i32 to index
    %get3A_162 = arith.constant 0 : index
    %get3A_163 = tpu.vector_load %arg7[%get3A_161, %get3A_162] {strides = array<i32>} : memref<32x32xi32, #tpu.memory_space<vmem>>, vector<16xi32>,
    %add3A_164 = arith.addi %add3A_154, %get3A_163 : vector<16xi32>
    %get3A_165 = arith.constant 15 : i32
    %get3A_166 = arith.index_cast %get3A_165 : i32 to index
    %get3A_167 = arith.constant 16 : index
    %get3A_168 = tpu.vector_load %arg7[%get3A_166, %get3A_167] {strides = array<i32>} : memref<32x32xi32, #tpu.memory_space<vmem>>, vector<16xi32>,
    %add3A_169 = arith.addi %add3A_159, %get3A_168 : vector<16xi32>
    %get3A_170 = arith.constant 16 : i32
    %get3A_171 = arith.index_cast %get3A_170 : i32 to index
    %get3A_172 = arith.constant 0 : index
    %get3A_173 = tpu.vector_load %arg7[%get3A_171, %get3A_172] {strides = array<i32>} : memref<32x32xi32, #tpu.memory_space<vmem>>, vector<16xi32>,
    %add3A_174 = arith.addi %add3A_164, %get3A_173 : vector<16xi32>
    %get3A_175 = arith.constant 16 : i32
    %get3A_176 = arith.index_cast %get3A_175 : i32 to index
    %get3A_177 = arith.constant 16 : index
    %get3A_178 = tpu.vector_load %arg7[%get3A_176, %get3A_177] {strides = array<i32>} : memref<32x32xi32, #tpu.memory_space<vmem>>, vector<16xi32>,
    %add3A_179 = arith.addi %add3A_169, %get3A_178 : vector<16xi32>
    %get3A_180 = arith.constant 17 : i32
    %get3A_181 = arith.index_cast %get3A_180 : i32 to index
    %get3A_182 = arith.constant 0 : index
    %get3A_183 = tpu.vector_load %arg7[%get3A_181, %get3A_182] {strides = array<i32>} : memref<32x32xi32, #tpu.memory_space<vmem>>, vector<16xi32>,
    %add3A_184 = arith.addi %add3A_174, %get3A_183 : vector<16xi32>
    %get3A_185 = arith.constant 17 : i32
    %get3A_186 = arith.index_cast %get3A_185 : i32 to index
    %get3A_187 = arith.constant 16 : index
    %get3A_188 = tpu.vector_load %arg7[%get3A_186, %get3A_187] {strides = array<i32>} : memref<32x32xi32, #tpu.memory_space<vmem>>, vector<16xi32>,
    %add3A_189 = arith.addi %add3A_179, %get3A_188 : vector<16xi32>
    %get3A_190 = arith.constant 18 : i32
    %get3A_191 = arith.index_cast %get3A_190 : i32 to index
    %get3A_192 = arith.constant 0 : index
    %get3A_193 = tpu.vector_load %arg7[%get3A_191, %get3A_192] {strides = array<i32>} : memref<32x32xi32, #tpu.memory_space<vmem>>, vector<16xi32>,
    %add3A_194 = arith.addi %add3A_184, %get3A_193 : vector<16xi32>
    %get3A_195 = arith.constant 18 : i32
    %get3A_196 = arith.index_cast %get3A_195 : i32 to index
    %get3A_197 = arith.constant 16 : index
    %get3A_198 = tpu.vector_load %arg7[%get3A_196, %get3A_197] {strides = array<i32>} : memref<32x32xi32, #tpu.memory_space<vmem>>, vector<16xi32>,
    %add3A_199 = arith.addi %add3A_189, %get3A_198 : vector<16xi32>
    %get3A_200 = arith.constant 19 : i32
    %get3A_201 = arith.index_cast %get3A_200 : i32 to index
    %get3A_202 = arith.constant 0 : index
    %get3A_203 = tpu.vector_load %arg7[%get3A_201, %get3A_202] {strides = array<i32>} : memref<32x32xi32, #tpu.memory_space<vmem>>, vector<16xi32>,
    %add3A_204 = arith.addi %add3A_194, %get3A_203 : vector<16xi32>
    %get3A_205 = arith.constant 19 : i32
    %get3A_206 = arith.index_cast %get3A_205 : i32 to index
    %get3A_207 = arith.constant 16 : index
    %get3A_208 = tpu.vector_load %arg7[%get3A_206, %get3A_207] {strides = array<i32>} : memref<32x32xi32, #tpu.memory_space<vmem>>, vector<16xi32>,
    %add3A_209 = arith.addi %add3A_199, %get3A_208 : vector<16xi32>
    %get3A_210 = arith.constant 20 : i32
    %get3A_211 = arith.index_cast %get3A_210 : i32 to index
    %get3A_212 = arith.constant 0 : index
    %get3A_213 = tpu.vector_load %arg7[%get3A_211, %get3A_212] {strides = array<i32>} : memref<32x32xi32, #tpu.memory_space<vmem>>, vector<16xi32>,
    %add3A_214 = arith.addi %add3A_204, %get3A_213 : vector<16xi32>
    %get3A_215 = arith.constant 20 : i32
    %get3A_216 = arith.index_cast %get3A_215 : i32 to index
    %get3A_217 = arith.constant 16 : index
    %get3A_218 = tpu.vector_load %arg7[%get3A_216, %get3A_217] {strides = array<i32>} : memref<32x32xi32, #tpu.memory_space<vmem>>, vector<16xi32>,
    %add3A_219 = arith.addi %add3A_209, %get3A_218 : vector<16xi32>
    %get3A_220 = arith.constant 21 : i32
    %get3A_221 = arith.index_cast %get3A_220 : i32 to index
    %get3A_222 = arith.constant 0 : index
    %get3A_223 = tpu.vector_load %arg7[%get3A_221, %get3A_222] {strides = array<i32>} : memref<32x32xi32, #tpu.memory_space<vmem>>, vector<16xi32>,
    %add3A_224 = arith.addi %add3A_214, %get3A_223 : vector<16xi32>
    %get3A_225 = arith.constant 21 : i32
    %get3A_226 = arith.index_cast %get3A_225 : i32 to index
    %get3A_227 = arith.constant 16 : index
    %get3A_228 = tpu.vector_load %arg7[%get3A_226, %get3A_227] {strides = array<i32>} : memref<32x32xi32, #tpu.memory_space<vmem>>, vector<16xi32>,
    %add3A_229 = arith.addi %add3A_219, %get3A_228 : vector<16xi32>
    %get3A_230 = arith.constant 22 : i32
    %get3A_231 = arith.index_cast %get3A_230 : i32 to index
    %get3A_232 = arith.constant 0 : index
    %get3A_233 = tpu.vector_load %arg7[%get3A_231, %get3A_232] {strides = array<i32>} : memref<32x32xi32, #tpu.memory_space<vmem>>, vector<16xi32>,
    %add3A_234 = arith.addi %add3A_224, %get3A_233 : vector<16xi32>
    %get3A_235 = arith.constant 22 : i32
    %get3A_236 = arith.index_cast %get3A_235 : i32 to index
    %get3A_237 = arith.constant 16 : index
    %get3A_238 = tpu.vector_load %arg7[%get3A_236, %get3A_237] {strides = array<i32>} : memref<32x32xi32, #tpu.memory_space<vmem>>, vector<16xi32>,
    %add3A_239 = arith.addi %add3A_229, %get3A_238 : vector<16xi32>
    %get3A_240 = arith.constant 23 : i32
    %get3A_241 = arith.index_cast %get3A_240 : i32 to index
    %get3A_242 = arith.constant 0 : index
    %get3A_243 = tpu.vector_load %arg7[%get3A_241, %get3A_242] {strides = array<i32>} : memref<32x32xi32, #tpu.memory_space<vmem>>, vector<16xi32>,
    %add3A_244 = arith.addi %add3A_234, %get3A_243 : vector<16xi32>
    %get3A_245 = arith.constant 23 : i32
    %get3A_246 = arith.index_cast %get3A_245 : i32 to index
    %get3A_247 = arith.constant 16 : index
    %get3A_248 = tpu.vector_load %arg7[%get3A_246, %get3A_247] {strides = array<i32>} : memref<32x32xi32, #tpu.memory_space<vmem>>, vector<16xi32>,
    %add3A_249 = arith.addi %add3A_239, %get3A_248 : vector<16xi32>
    %get3A_250 = arith.constant 24 : i32
    %get3A_251 = arith.index_cast %get3A_250 : i32 to index
    %get3A_252 = arith.constant 0 : index
    %get3A_253 = tpu.vector_load %arg7[%get3A_251, %get3A_252] {strides = array<i32>} : memref<32x32xi32, #tpu.memory_space<vmem>>, vector<16xi32>,
    %add3A_254 = arith.addi %add3A_244, %get3A_253 : vector<16xi32>
    %get3A_255 = arith.constant 24 : i32
    %get3A_256 = arith.index_cast %get3A_255 : i32 to index
    %get3A_257 = arith.constant 16 : index
    %get3A_258 = tpu.vector_load %arg7[%get3A_256, %get3A_257] {strides = array<i32>} : memref<32x32xi32, #tpu.memory_space<vmem>>, vector<16xi32>,
    %add3A_259 = arith.addi %add3A_249, %get3A_258 : vector<16xi32>
    %get3A_260 = arith.constant 25 : i32
    %get3A_261 = arith.index_cast %get3A_260 : i32 to index
    %get3A_262 = arith.constant 0 : index
    %get3A_263 = tpu.vector_load %arg7[%get3A_261, %get3A_262] {strides = array<i32>} : memref<32x32xi32, #tpu.memory_space<vmem>>, vector<16xi32>,
    %add3A_264 = arith.addi %add3A_254, %get3A_263 : vector<16xi32>
    %get3A_265 = arith.constant 25 : i32
    %get3A_266 = arith.index_cast %get3A_265 : i32 to index
    %get3A_267 = arith.constant 16 : index
    %get3A_268 = tpu.vector_load %arg7[%get3A_266, %get3A_267] {strides = array<i32>} : memref<32x32xi32, #tpu.memory_space<vmem>>, vector<16xi32>,
    %add3A_269 = arith.addi %add3A_259, %get3A_268 : vector<16xi32>
    %get3A_270 = arith.constant 26 : i32
    %get3A_271 = arith.index_cast %get3A_270 : i32 to index
    %get3A_272 = arith.constant 0 : index
    %get3A_273 = tpu.vector_load %arg7[%get3A_271, %get3A_272] {strides = array<i32>} : memref<32x32xi32, #tpu.memory_space<vmem>>, vector<16xi32>,
    %add3A_274 = arith.addi %add3A_264, %get3A_273 : vector<16xi32>
    %get3A_275 = arith.constant 26 : i32
    %get3A_276 = arith.index_cast %get3A_275 : i32 to index
    %get3A_277 = arith.constant 16 : index
    %get3A_278 = tpu.vector_load %arg7[%get3A_276, %get3A_277] {strides = array<i32>} : memref<32x32xi32, #tpu.memory_space<vmem>>, vector<16xi32>,
    %add3A_279 = arith.addi %add3A_269, %get3A_278 : vector<16xi32>
    %get3A_280 = arith.constant 27 : i32
    %get3A_281 = arith.index_cast %get3A_280 : i32 to index
    %get3A_282 = arith.constant 0 : index
    %get3A_283 = tpu.vector_load %arg7[%get3A_281, %get3A_282] {strides = array<i32>} : memref<32x32xi32, #tpu.memory_space<vmem>>, vector<16xi32>,
    %add3A_284 = arith.addi %add3A_274, %get3A_283 : vector<16xi32>
    %get3A_285 = arith.constant 27 : i32
    %get3A_286 = arith.index_cast %get3A_285 : i32 to index
    %get3A_287 = arith.constant 16 : index
    %get3A_288 = tpu.vector_load %arg7[%get3A_286, %get3A_287] {strides = array<i32>} : memref<32x32xi32, #tpu.memory_space<vmem>>, vector<16xi32>,
    %add3A_289 = arith.addi %add3A_279, %get3A_288 : vector<16xi32>
    %get3A_290 = arith.constant 28 : i32
    %get3A_291 = arith.index_cast %get3A_290 : i32 to index
    %get3A_292 = arith.constant 0 : index
    %get3A_293 = tpu.vector_load %arg7[%get3A_291, %get3A_292] {strides = array<i32>} : memref<32x32xi32, #tpu.memory_space<vmem>>, vector<16xi32>,
    %add3A_294 = arith.addi %add3A_284, %get3A_293 : vector<16xi32>
    %get3A_295 = arith.constant 28 : i32
    %get3A_296 = arith.index_cast %get3A_295 : i32 to index
    %get3A_297 = arith.constant 16 : index
    %get3A_298 = tpu.vector_load %arg7[%get3A_296, %get3A_297] {strides = array<i32>} : memref<32x32xi32, #tpu.memory_space<vmem>>, vector<16xi32>,
    %add3A_299 = arith.addi %add3A_289, %get3A_298 : vector<16xi32>
    %get3A_300 = arith.constant 29 : i32
    %get3A_301 = arith.index_cast %get3A_300 : i32 to index
    %get3A_302 = arith.constant 0 : index
    %get3A_303 = tpu.vector_load %arg7[%get3A_301, %get3A_302] {strides = array<i32>} : memref<32x32xi32, #tpu.memory_space<vmem>>, vector<16xi32>,
    %add3A_304 = arith.addi %add3A_294, %get3A_303 : vector<16xi32>
    %get3A_305 = arith.constant 29 : i32
    %get3A_306 = arith.index_cast %get3A_305 : i32 to index
    %get3A_307 = arith.constant 16 : index
    %get3A_308 = tpu.vector_load %arg7[%get3A_306, %get3A_307] {strides = array<i32>} : memref<32x32xi32, #tpu.memory_space<vmem>>, vector<16xi32>,
    %add3A_309 = arith.addi %add3A_299, %get3A_308 : vector<16xi32>
    %get3A_310 = arith.constant 30 : i32
    %get3A_311 = arith.index_cast %get3A_310 : i32 to index
    %get3A_312 = arith.constant 0 : index
    %get3A_313 = tpu.vector_load %arg7[%get3A_311, %get3A_312] {strides = array<i32>} : memref<32x32xi32, #tpu.memory_space<vmem>>, vector<16xi32>,
    %add3A_314 = arith.addi %add3A_304, %get3A_313 : vector<16xi32>
    %get3A_315 = arith.constant 30 : i32
    %get3A_316 = arith.index_cast %get3A_315 : i32 to index
    %get3A_317 = arith.constant 16 : index
    %get3A_318 = tpu.vector_load %arg7[%get3A_316, %get3A_317] {strides = array<i32>} : memref<32x32xi32, #tpu.memory_space<vmem>>, vector<16xi32>,
    %add3A_319 = arith.addi %add3A_309, %get3A_318 : vector<16xi32>
    %get3A_320 = arith.constant 31 : i32
    %get3A_321 = arith.index_cast %get3A_320 : i32 to index
    %get3A_322 = arith.constant 0 : index
    %get3A_323 = tpu.vector_load %arg7[%get3A_321, %get3A_322] {strides = array<i32>} : memref<32x32xi32, #tpu.memory_space<vmem>>, vector<16xi32>,
    %add3A_324 = arith.addi %add3A_314, %get3A_323 : vector<16xi32>
    %get3A_325 = arith.constant 31 : i32
    %get3A_326 = arith.index_cast %get3A_325 : i32 to index
    %get3A_327 = arith.constant 16 : index
    %get3A_328 = tpu.vector_load %arg7[%get3A_326, %get3A_327] {strides = array<i32>} : memref<32x32xi32, #tpu.memory_space<vmem>>, vector<16xi32>,
    %add3A_329 = arith.addi %add3A_319, %get3A_328 : vector<16xi32>
    %convert_element_type3A = arith.sitofp %add3A_324 : vector<16xi32> to vector<16xf32>
    %mul3A_330 = arith.constant 2.38418579E-7 : f32
    %mul3A_331 = vector.broadcast %mul3A_330 : f32 to vector<16xf32>
    %mul3A_332 = arith.mulf %convert_element_type3A, %mul3A_331 : vector<16xf32>
    %convert_element_type3A_333 = arith.sitofp %add3A_329 : vector<16xi32> to vector<16xf32>
    %mul3A_334 = arith.constant 2.38418579E-7 : f32
    %mul3A_335 = vector.broadcast %mul3A_334 : f32 to vector<16xf32>
    %mul3A_336 = arith.mulf %convert_element_type3A_333, %mul3A_335 : vector<16xf32>
    %mul3A_337 = arith.constant 0.00999999977 : f32
    %mul3A_338 = vector.broadcast %mul3A_337 : f32 to vector<16xf32>
    %mul3A_339 = arith.mulf %mul3A_338, %mul3A_332 : vector<16xf32>
    %get3A_340 = arith.constant 0 : index
    %get3A_341 = tpu.vector_load %arg8[%get3A_340] {strides = array<i32>} : memref<32xf32, #tpu.memory_space<vmem>>, vector<16xf32>,
    %mul3A_342 = arith.constant 9.900000e-01 : f32
    %mul3A_343 = vector.broadcast %mul3A_342 : f32 to vector<16xf32>
    %mul3A_344 = arith.mulf %mul3A_343, %get3A_341 : vector<16xf32>
    %add3A_345 = arith.addf %mul3A_339, %mul3A_344 : vector<16xf32>
    %mul3A_346 = arith.constant 0.00999999977 : f32
    %mul3A_347 = vector.broadcast %mul3A_346 : f32 to vector<16xf32>
    %mul3A_348 = arith.mulf %mul3A_347, %mul3A_336 : vector<16xf32>
    %get3A_349 = arith.constant 16 : index
    %get3A_350 = tpu.vector_load %arg8[%get3A_349] {strides = array<i32>} : memref<32xf32, #tpu.memory_space<vmem>>, vector<16xf32>,
    %mul3A_351 = arith.constant 9.900000e-01 : f32
    %mul3A_352 = vector.broadcast %mul3A_351 : f32 to vector<16xf32>
    %mul3A_353 = arith.mulf %mul3A_352, %get3A_350 : vector<16xf32>
    %add3A_354 = arith.addf %mul3A_348, %mul3A_353 : vector<16xf32>
    %iota3A = tpu.iota {dimensions = array<i32: 0>} : vector<16xi32>
    %lt3A = arith.constant 3 : i32
    %lt3A_355 = vector.broadcast %lt3A : i32 to vector<16xi32>
    %lt3A_356 = arith.cmpi slt, %iota3A, %lt3A_355 : vector<16xi32>
    %sub3A = arith.constant 1.000000e+00 : f32
    %sub3A_357 = vector.broadcast %sub3A : f32 to vector<16xf32>
    %sub3A_358 = arith.subf %sub3A_357, %add3A_345 : vector<16xf32>
    %div3A = arith.constant 5.000000e-01 : f32
    %div3A_359 = vector.broadcast %div3A : f32 to vector<16xf32>
    %div3A_360 = arith.divf %sub3A_358, %div3A_359 : vector<16xf32>
    %sub3A_361 = arith.constant 1.000000e+00 : f32
    %sub3A_362 = vector.broadcast %sub3A_361 : f32 to vector<16xf32>
    %sub3A_363 = arith.subf %sub3A_362, %add3A_354 : vector<16xf32>
    %div3A_364 = arith.constant 5.000000e-01 : f32
    %div3A_365 = vector.broadcast %div3A_364 : f32 to vector<16xf32>
    %div3A_366 = arith.divf %sub3A_363, %div3A_365 : vector<16xf32>
    %reduce_max3A = arith.constant true
    %reduce_max3A_367 = vector.broadcast %reduce_max3A : i1 to vector<16xi1>
    %reduce_max3A_368 = tpu.scan <max>, %div3A_360 masked %reduce_max3A_367 : vector<16xf32>, vector<16xi1> -> vector<16xf32>
    %reduce_max3A_369 = vector.extract %reduce_max3A_368[15] : f32 from vector<16xf32>
    %jit3A = arith.constant -1.000000e+30 : f32
    %broadcast_in_dim3A_370 = vector.broadcast %jit3A : f32 to vector<16xf32>
    %select_n3A = arith.select %lt3A_356, %div3A_366, %broadcast_in_dim3A_370 : vector<16xi1>, vector<16xf32>
    %reduce_max3A_371 = arith.constant true
    %reduce_max3A_372 = vector.broadcast %reduce_max3A_371 : i1 to vector<16xi1>
    %reduce_max3A_373 = tpu.scan <max>, %select_n3A masked %reduce_max3A_372 : vector<16xf32>, vector<16xi1> -> vector<16xf32>
    %reduce_max3A_374 = vector.extract %reduce_max3A_373[15] : f32 from vector<16xf32>
    %max3A = arith.maximumf %reduce_max3A_369, %reduce_max3A_374 : f32
    %sub3A_375 = vector.broadcast %max3A : f32 to vector<16xf32>
    %sub3A_376 = arith.subf %div3A_360, %sub3A_375 : vector<16xf32>
    %exp3A = math.exp %sub3A_376 : vector<16xf32>
    %sub3A_377 = vector.broadcast %max3A : f32 to vector<16xf32>
    %sub3A_378 = arith.subf %div3A_366, %sub3A_377 : vector<16xf32>
    %exp3A_379 = math.exp %sub3A_378 : vector<16xf32>
    %jit3A_380 = arith.constant 0.000000e+00 : f32
    %broadcast_in_dim3A_381 = vector.broadcast %jit3A_380 : f32 to vector<16xf32>
    %select_n3A_382 = arith.select %lt3A_356, %exp3A_379, %broadcast_in_dim3A_381 : vector<16xi1>, vector<16xf32>
    %reduce_sum3A = arith.constant true
    %reduce_sum3A_383 = vector.broadcast %reduce_sum3A : i1 to vector<16xi1>
    %reduce_sum3A_384 = tpu.scan <sum>, %exp3A masked %reduce_sum3A_383 : vector<16xf32>, vector<16xi1> -> vector<16xf32>
    %reduce_sum3A_385 = vector.extract %reduce_sum3A_384[15] : f32 from vector<16xf32>
    %reduce_sum3A_386 = arith.constant true
    %reduce_sum3A_387 = vector.broadcast %reduce_sum3A_386 : i1 to vector<16xi1>
    %reduce_sum3A_388 = tpu.scan <sum>, %select_n3A_382 masked %reduce_sum3A_387 : vector<16xf32>, vector<16xi1> -> vector<16xf32>
    %reduce_sum3A_389 = vector.extract %reduce_sum3A_388[15] : f32 from vector<16xf32>
    %add3A_390 = arith.addf %reduce_sum3A_385, %reduce_sum3A_389 : f32
    %div3A_391 = vector.broadcast %add3A_390 : f32 to vector<16xf32>
    %div3A_392 = arith.divf %exp3A, %div3A_391 : vector<16xf32>
    %div3A_393 = vector.broadcast %add3A_390 : f32 to vector<16xf32>
    %div3A_394 = arith.divf %select_n3A_382, %div3A_393 : vector<16xf32>
    %reduce_max3A_395 = arith.constant true
    %reduce_max3A_396 = vector.broadcast %reduce_max3A_395 : i1 to vector<16xi1>
    %reduce_max3A_397 = tpu.scan <max>, %div3A_392 masked %reduce_max3A_396 : vector<16xf32>, vector<16xi1> -> vector<16xf32>
    %reduce_max3A_398 = vector.extract %reduce_max3A_397[15] : f32 from vector<16xf32>
    %reduce_max3A_399 = arith.constant true
    %reduce_max3A_400 = vector.broadcast %reduce_max3A_399 : i1 to vector<16xi1>
    %reduce_max3A_401 = tpu.scan <max>, %div3A_394 masked %reduce_max3A_400 : vector<16xf32>, vector<16xi1> -> vector<16xf32>
    %reduce_max3A_402 = vector.extract %reduce_max3A_401[15] : f32 from vector<16xf32>
    %max3A_403 = arith.maximumf %reduce_max3A_398, %reduce_max3A_402 : f32
    %add3A_404 = arith.constant 1.000000e-07 : f32
    %add3A_405 = arith.addf %max3A_403, %add3A_404 : f32
    %div3A_406 = vector.broadcast %add3A_405 : f32 to vector<16xf32>
    %div3A_407 = arith.divf %div3A_392, %div3A_406 : vector<16xf32>
    %add3A_408 = arith.constant 1.000000e-07 : f32
    %add3A_409 = arith.addf %max3A_403, %add3A_408 : f32
    %div3A_410 = vector.broadcast %add3A_409 : f32 to vector<16xf32>
    %div3A_411 = arith.divf %div3A_394, %div3A_410 : vector<16xf32>
    %swap3A = arith.constant 0 : index
    %swap3A_412 = tpu.vector_load %arg9[%swap3A] {strides = array<i32>} : memref<32xf32, #tpu.memory_space<vmem>>, vector<16xf32>,
    tpu.vector_store %arg9[%swap3A], %div3A_407 {strides = array<i32>} : memref<32xf32, #tpu.memory_space<vmem>>, vector<16xf32>,
    %swap3A_413 = arith.constant 16 : index
    %swap3A_414 = tpu.vector_load %arg9[%swap3A_413] {strides = array<i32>} : memref<32xf32, #tpu.memory_space<vmem>>, vector<16xf32>,
    tpu.vector_store %arg9[%swap3A_413], %div3A_411 {strides = array<i32>} : memref<32xf32, #tpu.memory_space<vmem>>, vector<16xf32>,
    %eq3A = arith.constant 0 : i32
    %eq3A_415 = arith.cmpi eq, %add3A, %eq3A : i32
    %convert_element_type3A_416 = arith.extui %eq3A_415 : i1 to i32
    %cond3A = arith.constant 0 : i32
    %cond3A_417 = arith.cmpi ne, %convert_element_type3A_416, %cond3A : i32
    scf.if %cond3A_417 {
      %swap3A_734 = arith.constant 0 : index
      %swap3A_735 = tpu.vector_load %arg8[%swap3A_734] {strides = array<i32>} : memref<32xf32, #tpu.memory_space<vmem>>, vector<16xf32>,
      tpu.vector_store %arg8[%swap3A_734], %add3A_345 {strides = array<i32>} : memref<32xf32, #tpu.memory_space<vmem>>, vector<16xf32>,
      %swap3A_736 = arith.constant 16 : index
      %swap3A_737 = tpu.vector_load %arg8[%swap3A_736] {strides = array<i32>} : memref<32xf32, #tpu.memory_space<vmem>>, vector<16xf32>,
      tpu.vector_store %arg8[%swap3A_736], %add3A_354 {strides = array<i32>} : memref<32xf32, #tpu.memory_space<vmem>>, vector<16xf32>,
      "tpu.region"() ({
        %run_scoped3A = tpu.sem_alloc : memref<!tpu.dma_semaphore, #tpu.memory_space<semaphore_mem>>
        tpu.enqueue_dma source(%arg8 : memref<32xf32, #tpu.memory_space<vmem>>) target(%arg6 : memref<32xf32, #tpu.memory_space<hbm>>) target_semaphore(%run_scoped3A : memref<!tpu.dma_semaphore, #tpu.memory_space<semaphore_mem>>)
        tpu.wait_dma2 semaphore(%run_scoped3A : memref<!tpu.dma_semaphore, #tpu.memory_space<semaphore_mem>>) src(%arg8 : memref<32xf32, #tpu.memory_space<vmem>>) dst(%arg6 : memref<32xf32, #tpu.memory_space<hbm>>)
        tpu.yield
      }) : () -> ()
    } else {
    }
    %broadcast_in_dim3A_418 = arith.constant 255 : i32
    %broadcast_in_dim3A_419 = vector.broadcast %broadcast_in_dim3A_418 : i32 to vector<16xi32>
    %add3A_420 = arith.constant 8192 : i32
    %add3A_421 = arith.addi %mul3A_2, %add3A_420 : i32
    %dma_start3A_422 = arith.constant 8192 : i32
    %dma_start3A_423 = tpu.memref_slice %arg10[%dma_start3A_422] : memref<16384xi32, #tpu.memory_space<vmem>> -> memref<8192xi32, #tpu.memory_space<vmem>>
    %dma_start3A_424 = tpu.memref_slice %arg2[%add3A_421] : memref<1048576xi32, #tpu.memory_space<hbm>> -> memref<8192xi32, #tpu.memory_space<hbm>>
    %dma_start3A_425 = arith.constant 8192 : i32
    %dma_start3A_426 = tpu.memref_slice %arg10[%dma_start3A_425] : memref<16384xi32, #tpu.memory_space<vmem>> -> memref<8192xi32, #tpu.memory_space<vmem>>
    %dma_start3A_427 = tpu.memref_slice %arg2[%add3A_421] : memref<1048576xi32, #tpu.memory_space<hbm>> -> memref<8192xi32, #tpu.memory_space<hbm>>
    tpu.enqueue_dma source(%dma_start3A_427 : memref<8192xi32, #tpu.memory_space<hbm>>) target(%dma_start3A_426 : memref<8192xi32, #tpu.memory_space<vmem>>) target_semaphore(%arg13 : memref<!tpu.dma_semaphore, #tpu.memory_space<semaphore_mem>>)
    %dma_wait3A = arith.constant 0 : i32
    %dma_wait3A_428 = tpu.memref_slice %arg10[%dma_wait3A] : memref<16384xi32, #tpu.memory_space<vmem>> -> memref<8192xi32, #tpu.memory_space<vmem>>
    %dma_wait3A_429 = tpu.memref_slice %arg2[%mul3A_2] : memref<1048576xi32, #tpu.memory_space<hbm>> -> memref<8192xi32, #tpu.memory_space<hbm>>
    %dma_wait3A_430 = arith.constant 0 : i32
    %dma_wait3A_431 = tpu.memref_slice %arg10[%dma_wait3A_430] : memref<16384xi32, #tpu.memory_space<vmem>> -> memref<8192xi32, #tpu.memory_space<vmem>>
    %dma_wait3A_432 = tpu.memref_slice %arg2[%mul3A_2] : memref<1048576xi32, #tpu.memory_space<hbm>> -> memref<8192xi32, #tpu.memory_space<hbm>>
    tpu.wait_dma2 semaphore(%arg12 : memref<!tpu.dma_semaphore, #tpu.memory_space<semaphore_mem>>) src(%dma_wait3A_432 : memref<8192xi32, #tpu.memory_space<hbm>>) dst(%dma_wait3A_431 : memref<8192xi32, #tpu.memory_space<vmem>>)
    %parallel_loop3A = arith.constant 0 : i32
    %parallel_loop3A_433 = arith.constant 8192 : i32
    %parallel_loop3A_434 = arith.constant 16 : i32
    scf.for %parallel_loop3A_734 = %parallel_loop3A to %parallel_loop3A_433 step %parallel_loop3A_434  : i32 {
      %parallel_loop3A_735 = arith.constant 0 : i32
      %parallel_loop3A_736 = arith.addi %parallel_loop3A_735, %parallel_loop3A_734 : i32
      %parallel_loop3A_737 = arith.index_cast %parallel_loop3A_736 : i32 to index
      %parallel_loop3A_738 = tpu.vector_load %arg10[%parallel_loop3A_737] {strides = array<i32>} : memref<16384xi32, #tpu.memory_space<vmem>>, vector<16xi32>,
      %parallel_loop3A_739 = arith.constant 0 : i32
      %parallel_loop3A_740 = vector.broadcast %parallel_loop3A_739 : i32 to vector<16xi32>
      %parallel_loop3A_741 = arith.shrui %parallel_loop3A_738, %parallel_loop3A_740 : vector<16xi32>
      %parallel_loop3A_742 = arith.andi %parallel_loop3A_741, %broadcast_in_dim3A_419 : vector<16xi32>
      %parallel_loop3A_743 = tpu.vector_load_idx %arg9[%parallel_loop3A_742] : memref<32xf32, #tpu.memory_space<vmem>>[vector<16xi32>], vector<16xf32>,
      %parallel_loop3A_744 = arith.constant 0 : i32
      %parallel_loop3A_745 = arith.addi %parallel_loop3A_744, %parallel_loop3A_734 : i32
      %parallel_loop3A_746 = arith.index_cast %parallel_loop3A_745 : i32 to index
      %parallel_loop3A_747 = tpu.vector_load %arg11[%parallel_loop3A_746] {strides = array<i32>} : memref<65536xf32, #tpu.memory_space<vmem>>, vector<16xf32>,
      tpu.vector_store %arg11[%parallel_loop3A_746], %parallel_loop3A_743 {strides = array<i32>} : memref<65536xf32, #tpu.memory_space<vmem>>, vector<16xf32>,
      %parallel_loop3A_748 = arith.constant 8 : i32
      %parallel_loop3A_749 = vector.broadcast %parallel_loop3A_748 : i32 to vector<16xi32>
      %parallel_loop3A_750 = arith.shrui %parallel_loop3A_738, %parallel_loop3A_749 : vector<16xi32>
      %parallel_loop3A_751 = arith.andi %parallel_loop3A_750, %broadcast_in_dim3A_419 : vector<16xi32>
      %parallel_loop3A_752 = tpu.vector_load_idx %arg9[%parallel_loop3A_751] : memref<32xf32, #tpu.memory_space<vmem>>[vector<16xi32>], vector<16xf32>,
      %parallel_loop3A_753 = arith.constant 8192 : i32
      %parallel_loop3A_754 = arith.addi %parallel_loop3A_753, %parallel_loop3A_734 : i32
      %parallel_loop3A_755 = arith.index_cast %parallel_loop3A_754 : i32 to index
      %parallel_loop3A_756 = tpu.vector_load %arg11[%parallel_loop3A_755] {strides = array<i32>} : memref<65536xf32, #tpu.memory_space<vmem>>, vector<16xf32>,
      tpu.vector_store %arg11[%parallel_loop3A_755], %parallel_loop3A_752 {strides = array<i32>} : memref<65536xf32, #tpu.memory_space<vmem>>, vector<16xf32>,
      %parallel_loop3A_757 = arith.constant 16 : i32
      %parallel_loop3A_758 = vector.broadcast %parallel_loop3A_757 : i32 to vector<16xi32>
      %parallel_loop3A_759 = arith.shrui %parallel_loop3A_738, %parallel_loop3A_758 : vector<16xi32>
      %parallel_loop3A_760 = arith.andi %parallel_loop3A_759, %broadcast_in_dim3A_419 : vector<16xi32>
      %parallel_loop3A_761 = tpu.vector_load_idx %arg9[%parallel_loop3A_760] : memref<32xf32, #tpu.memory_space<vmem>>[vector<16xi32>], vector<16xf32>,
      %parallel_loop3A_762 = arith.constant 16384 : i32
      %parallel_loop3A_763 = arith.addi %parallel_loop3A_762, %parallel_loop3A_734 : i32
      %parallel_loop3A_764 = arith.index_cast %parallel_loop3A_763 : i32 to index
      %parallel_loop3A_765 = tpu.vector_load %arg11[%parallel_loop3A_764] {strides = array<i32>} : memref<65536xf32, #tpu.memory_space<vmem>>, vector<16xf32>,
      tpu.vector_store %arg11[%parallel_loop3A_764], %parallel_loop3A_761 {strides = array<i32>} : memref<65536xf32, #tpu.memory_space<vmem>>, vector<16xf32>,
      %parallel_loop3A_766 = arith.constant 24 : i32
      %parallel_loop3A_767 = vector.broadcast %parallel_loop3A_766 : i32 to vector<16xi32>
      %parallel_loop3A_768 = arith.shrui %parallel_loop3A_738, %parallel_loop3A_767 : vector<16xi32>
      %parallel_loop3A_769 = arith.andi %parallel_loop3A_768, %broadcast_in_dim3A_419 : vector<16xi32>
      %parallel_loop3A_770 = tpu.vector_load_idx %arg9[%parallel_loop3A_769] : memref<32xf32, #tpu.memory_space<vmem>>[vector<16xi32>], vector<16xf32>,
      %parallel_loop3A_771 = arith.constant 24576 : i32
      %parallel_loop3A_772 = arith.addi %parallel_loop3A_771, %parallel_loop3A_734 : i32
      %parallel_loop3A_773 = arith.index_cast %parallel_loop3A_772 : i32 to index
      %parallel_loop3A_774 = tpu.vector_load %arg11[%parallel_loop3A_773] {strides = array<i32>} : memref<65536xf32, #tpu.memory_space<vmem>>, vector<16xf32>,
      tpu.vector_store %arg11[%parallel_loop3A_773], %parallel_loop3A_770 {strides = array<i32>} : memref<65536xf32, #tpu.memory_space<vmem>>, vector<16xf32>,
    } {sc.loop_unroll_factor = 8 : i64, sc.parallel_access}
    %add3A_435 = arith.constant 0 : i32
    %add3A_436 = arith.addi %add3A_435, %mul3A_2 : i32
    %add3A_437 = arith.constant 0 : i32
    %add3A_438 = arith.addi %add3A_436, %add3A_437 : i32
    %dma_start3A_439 = arith.constant 0 : i32
    %dma_start3A_440 = tpu.memref_slice %arg11[%dma_start3A_439] : memref<65536xf32, #tpu.memory_space<vmem>> -> memref<8192xf32, #tpu.memory_space<vmem>>
    %dma_start3A_441 = tpu.memref_slice %arg5[%add3A_438] : memref<4194304xf32, #tpu.memory_space<hbm>> -> memref<8192xf32, #tpu.memory_space<hbm>>
    %dma_start3A_442 = tpu.memref_slice %arg5[%add3A_438] : memref<4194304xf32, #tpu.memory_space<hbm>> -> memref<8192xf32, #tpu.memory_space<hbm>>
    %dma_start3A_443 = arith.constant 0 : i32
    %dma_start3A_444 = tpu.memref_slice %arg11[%dma_start3A_443] : memref<65536xf32, #tpu.memory_space<vmem>> -> memref<8192xf32, #tpu.memory_space<vmem>>
    tpu.enqueue_dma source(%dma_start3A_444 : memref<8192xf32, #tpu.memory_space<vmem>>) target(%dma_start3A_442 : memref<8192xf32, #tpu.memory_space<hbm>>) target_semaphore(%arg14 : memref<!tpu.dma_semaphore, #tpu.memory_space<semaphore_mem>>)
    %add3A_445 = arith.constant 1048576 : i32
    %add3A_446 = arith.addi %add3A_445, %mul3A_2 : i32
    %add3A_447 = arith.constant 0 : i32
    %add3A_448 = arith.addi %add3A_446, %add3A_447 : i32
    %dma_start3A_449 = arith.constant 8192 : i32
    %dma_start3A_450 = tpu.memref_slice %arg11[%dma_start3A_449] : memref<65536xf32, #tpu.memory_space<vmem>> -> memref<8192xf32, #tpu.memory_space<vmem>>
    %dma_start3A_451 = tpu.memref_slice %arg5[%add3A_448] : memref<4194304xf32, #tpu.memory_space<hbm>> -> memref<8192xf32, #tpu.memory_space<hbm>>
    %dma_start3A_452 = tpu.memref_slice %arg5[%add3A_448] : memref<4194304xf32, #tpu.memory_space<hbm>> -> memref<8192xf32, #tpu.memory_space<hbm>>
    %dma_start3A_453 = arith.constant 8192 : i32
    %dma_start3A_454 = tpu.memref_slice %arg11[%dma_start3A_453] : memref<65536xf32, #tpu.memory_space<vmem>> -> memref<8192xf32, #tpu.memory_space<vmem>>
    tpu.enqueue_dma source(%dma_start3A_454 : memref<8192xf32, #tpu.memory_space<vmem>>) target(%dma_start3A_452 : memref<8192xf32, #tpu.memory_space<hbm>>) target_semaphore(%arg14 : memref<!tpu.dma_semaphore, #tpu.memory_space<semaphore_mem>>)
    %add3A_455 = arith.constant 2097152 : i32
    %add3A_456 = arith.addi %add3A_455, %mul3A_2 : i32
    %add3A_457 = arith.constant 0 : i32
    %add3A_458 = arith.addi %add3A_456, %add3A_457 : i32
    %dma_start3A_459 = arith.constant 16384 : i32
    %dma_start3A_460 = tpu.memref_slice %arg11[%dma_start3A_459] : memref<65536xf32, #tpu.memory_space<vmem>> -> memref<8192xf32, #tpu.memory_space<vmem>>
    %dma_start3A_461 = tpu.memref_slice %arg5[%add3A_458] : memref<4194304xf32, #tpu.memory_space<hbm>> -> memref<8192xf32, #tpu.memory_space<hbm>>
    %dma_start3A_462 = tpu.memref_slice %arg5[%add3A_458] : memref<4194304xf32, #tpu.memory_space<hbm>> -> memref<8192xf32, #tpu.memory_space<hbm>>
    %dma_start3A_463 = arith.constant 16384 : i32
    %dma_start3A_464 = tpu.memref_slice %arg11[%dma_start3A_463] : memref<65536xf32, #tpu.memory_space<vmem>> -> memref<8192xf32, #tpu.memory_space<vmem>>
    tpu.enqueue_dma source(%dma_start3A_464 : memref<8192xf32, #tpu.memory_space<vmem>>) target(%dma_start3A_462 : memref<8192xf32, #tpu.memory_space<hbm>>) target_semaphore(%arg14 : memref<!tpu.dma_semaphore, #tpu.memory_space<semaphore_mem>>)
    %add3A_465 = arith.constant 3145728 : i32
    %add3A_466 = arith.addi %add3A_465, %mul3A_2 : i32
    %add3A_467 = arith.constant 0 : i32
    %add3A_468 = arith.addi %add3A_466, %add3A_467 : i32
    %dma_start3A_469 = arith.constant 24576 : i32
    %dma_start3A_470 = tpu.memref_slice %arg11[%dma_start3A_469] : memref<65536xf32, #tpu.memory_space<vmem>> -> memref<8192xf32, #tpu.memory_space<vmem>>
    %dma_start3A_471 = tpu.memref_slice %arg5[%add3A_468] : memref<4194304xf32, #tpu.memory_space<hbm>> -> memref<8192xf32, #tpu.memory_space<hbm>>
    %dma_start3A_472 = tpu.memref_slice %arg5[%add3A_468] : memref<4194304xf32, #tpu.memory_space<hbm>> -> memref<8192xf32, #tpu.memory_space<hbm>>
    %dma_start3A_473 = arith.constant 24576 : i32
    %dma_start3A_474 = tpu.memref_slice %arg11[%dma_start3A_473] : memref<65536xf32, #tpu.memory_space<vmem>> -> memref<8192xf32, #tpu.memory_space<vmem>>
    tpu.enqueue_dma source(%dma_start3A_474 : memref<8192xf32, #tpu.memory_space<vmem>>) target(%dma_start3A_472 : memref<8192xf32, #tpu.memory_space<hbm>>) target_semaphore(%arg14 : memref<!tpu.dma_semaphore, #tpu.memory_space<semaphore_mem>>)
    %add3A_475 = arith.constant 16384 : i32
    %add3A_476 = arith.addi %mul3A_2, %add3A_475 : i32
    %dma_start3A_477 = arith.constant 0 : i32
    %dma_start3A_478 = tpu.memref_slice %arg10[%dma_start3A_477] : memref<16384xi32, #tpu.memory_space<vmem>> -> memref<8192xi32, #tpu.memory_space<vmem>>
    %dma_start3A_479 = tpu.memref_slice %arg2[%add3A_476] : memref<1048576xi32, #tpu.memory_space<hbm>> -> memref<8192xi32, #tpu.memory_space<hbm>>
    %dma_start3A_480 = arith.constant 0 : i32
    %dma_start3A_481 = tpu.memref_slice %arg10[%dma_start3A_480] : memref<16384xi32, #tpu.memory_space<vmem>> -> memref<8192xi32, #tpu.memory_space<vmem>>
    %dma_start3A_482 = tpu.memref_slice %arg2[%add3A_476] : memref<1048576xi32, #tpu.memory_space<hbm>> -> memref<8192xi32, #tpu.memory_space<hbm>>
    tpu.enqueue_dma source(%dma_start3A_482 : memref<8192xi32, #tpu.memory_space<hbm>>) target(%dma_start3A_481 : memref<8192xi32, #tpu.memory_space<vmem>>) target_semaphore(%arg12 : memref<!tpu.dma_semaphore, #tpu.memory_space<semaphore_mem>>)
    %dma_wait3A_483 = arith.constant 8192 : i32
    %dma_wait3A_484 = tpu.memref_slice %arg10[%dma_wait3A_483] : memref<16384xi32, #tpu.memory_space<vmem>> -> memref<8192xi32, #tpu.memory_space<vmem>>
    %dma_wait3A_485 = tpu.memref_slice %arg2[%add3A_421] : memref<1048576xi32, #tpu.memory_space<hbm>> -> memref<8192xi32, #tpu.memory_space<hbm>>
    %dma_wait3A_486 = arith.constant 8192 : i32
    %dma_wait3A_487 = tpu.memref_slice %arg10[%dma_wait3A_486] : memref<16384xi32, #tpu.memory_space<vmem>> -> memref<8192xi32, #tpu.memory_space<vmem>>
    %dma_wait3A_488 = tpu.memref_slice %arg2[%add3A_421] : memref<1048576xi32, #tpu.memory_space<hbm>> -> memref<8192xi32, #tpu.memory_space<hbm>>
    tpu.wait_dma2 semaphore(%arg13 : memref<!tpu.dma_semaphore, #tpu.memory_space<semaphore_mem>>) src(%dma_wait3A_488 : memref<8192xi32, #tpu.memory_space<hbm>>) dst(%dma_wait3A_487 : memref<8192xi32, #tpu.memory_space<vmem>>)
    %parallel_loop3A_489 = arith.constant 0 : i32
    %parallel_loop3A_490 = arith.constant 8192 : i32
    %parallel_loop3A_491 = arith.constant 16 : i32
    scf.for %parallel_loop3A_734 = %parallel_loop3A_489 to %parallel_loop3A_490 step %parallel_loop3A_491  : i32 {
      %parallel_loop3A_735 = arith.constant 8192 : i32
      %parallel_loop3A_736 = arith.addi %parallel_loop3A_735, %parallel_loop3A_734 : i32
      %parallel_loop3A_737 = arith.index_cast %parallel_loop3A_736 : i32 to index
      %parallel_loop3A_738 = tpu.vector_load %arg10[%parallel_loop3A_737] {strides = array<i32>} : memref<16384xi32, #tpu.memory_space<vmem>>, vector<16xi32>,
      %parallel_loop3A_739 = arith.constant 0 : i32
      %parallel_loop3A_740 = vector.broadcast %parallel_loop3A_739 : i32 to vector<16xi32>
      %parallel_loop3A_741 = arith.shrui %parallel_loop3A_738, %parallel_loop3A_740 : vector<16xi32>
      %parallel_loop3A_742 = arith.andi %parallel_loop3A_741, %broadcast_in_dim3A_419 : vector<16xi32>
      %parallel_loop3A_743 = tpu.vector_load_idx %arg9[%parallel_loop3A_742] : memref<32xf32, #tpu.memory_space<vmem>>[vector<16xi32>], vector<16xf32>,
      %parallel_loop3A_744 = arith.constant 32768 : i32
      %parallel_loop3A_745 = arith.addi %parallel_loop3A_744, %parallel_loop3A_734 : i32
      %parallel_loop3A_746 = arith.index_cast %parallel_loop3A_745 : i32 to index
      %parallel_loop3A_747 = tpu.vector_load %arg11[%parallel_loop3A_746] {strides = array<i32>} : memref<65536xf32, #tpu.memory_space<vmem>>, vector<16xf32>,
      tpu.vector_store %arg11[%parallel_loop3A_746], %parallel_loop3A_743 {strides = array<i32>} : memref<65536xf32, #tpu.memory_space<vmem>>, vector<16xf32>,
      %parallel_loop3A_748 = arith.constant 8 : i32
      %parallel_loop3A_749 = vector.broadcast %parallel_loop3A_748 : i32 to vector<16xi32>
      %parallel_loop3A_750 = arith.shrui %parallel_loop3A_738, %parallel_loop3A_749 : vector<16xi32>
      %parallel_loop3A_751 = arith.andi %parallel_loop3A_750, %broadcast_in_dim3A_419 : vector<16xi32>
      %parallel_loop3A_752 = tpu.vector_load_idx %arg9[%parallel_loop3A_751] : memref<32xf32, #tpu.memory_space<vmem>>[vector<16xi32>], vector<16xf32>,
      %parallel_loop3A_753 = arith.constant 40960 : i32
      %parallel_loop3A_754 = arith.addi %parallel_loop3A_753, %parallel_loop3A_734 : i32
      %parallel_loop3A_755 = arith.index_cast %parallel_loop3A_754 : i32 to index
      %parallel_loop3A_756 = tpu.vector_load %arg11[%parallel_loop3A_755] {strides = array<i32>} : memref<65536xf32, #tpu.memory_space<vmem>>, vector<16xf32>,
      tpu.vector_store %arg11[%parallel_loop3A_755], %parallel_loop3A_752 {strides = array<i32>} : memref<65536xf32, #tpu.memory_space<vmem>>, vector<16xf32>,
      %parallel_loop3A_757 = arith.constant 16 : i32
      %parallel_loop3A_758 = vector.broadcast %parallel_loop3A_757 : i32 to vector<16xi32>
      %parallel_loop3A_759 = arith.shrui %parallel_loop3A_738, %parallel_loop3A_758 : vector<16xi32>
      %parallel_loop3A_760 = arith.andi %parallel_loop3A_759, %broadcast_in_dim3A_419 : vector<16xi32>
      %parallel_loop3A_761 = tpu.vector_load_idx %arg9[%parallel_loop3A_760] : memref<32xf32, #tpu.memory_space<vmem>>[vector<16xi32>], vector<16xf32>,
      %parallel_loop3A_762 = arith.constant 49152 : i32
      %parallel_loop3A_763 = arith.addi %parallel_loop3A_762, %parallel_loop3A_734 : i32
      %parallel_loop3A_764 = arith.index_cast %parallel_loop3A_763 : i32 to index
      %parallel_loop3A_765 = tpu.vector_load %arg11[%parallel_loop3A_764] {strides = array<i32>} : memref<65536xf32, #tpu.memory_space<vmem>>, vector<16xf32>,
      tpu.vector_store %arg11[%parallel_loop3A_764], %parallel_loop3A_761 {strides = array<i32>} : memref<65536xf32, #tpu.memory_space<vmem>>, vector<16xf32>,
      %parallel_loop3A_766 = arith.constant 24 : i32
      %parallel_loop3A_767 = vector.broadcast %parallel_loop3A_766 : i32 to vector<16xi32>
      %parallel_loop3A_768 = arith.shrui %parallel_loop3A_738, %parallel_loop3A_767 : vector<16xi32>
      %parallel_loop3A_769 = arith.andi %parallel_loop3A_768, %broadcast_in_dim3A_419 : vector<16xi32>
      %parallel_loop3A_770 = tpu.vector_load_idx %arg9[%parallel_loop3A_769] : memref<32xf32, #tpu.memory_space<vmem>>[vector<16xi32>], vector<16xf32>,
      %parallel_loop3A_771 = arith.constant 57344 : i32
      %parallel_loop3A_772 = arith.addi %parallel_loop3A_771, %parallel_loop3A_734 : i32
      %parallel_loop3A_773 = arith.index_cast %parallel_loop3A_772 : i32 to index
      %parallel_loop3A_774 = tpu.vector_load %arg11[%parallel_loop3A_773] {strides = array<i32>} : memref<65536xf32, #tpu.memory_space<vmem>>, vector<16xf32>,
      tpu.vector_store %arg11[%parallel_loop3A_773], %parallel_loop3A_770 {strides = array<i32>} : memref<65536xf32, #tpu.memory_space<vmem>>, vector<16xf32>,
    } {sc.loop_unroll_factor = 8 : i64, sc.parallel_access}
    %add3A_492 = arith.constant 0 : i32
    %add3A_493 = arith.addi %add3A_492, %mul3A_2 : i32
    %add3A_494 = arith.constant 8192 : i32
    %add3A_495 = arith.addi %add3A_493, %add3A_494 : i32
    %dma_start3A_496 = arith.constant 32768 : i32
    %dma_start3A_497 = tpu.memref_slice %arg11[%dma_start3A_496] : memref<65536xf32, #tpu.memory_space<vmem>> -> memref<8192xf32, #tpu.memory_space<vmem>>
    %dma_start3A_498 = tpu.memref_slice %arg5[%add3A_495] : memref<4194304xf32, #tpu.memory_space<hbm>> -> memref<8192xf32, #tpu.memory_space<hbm>>
    %dma_start3A_499 = tpu.memref_slice %arg5[%add3A_495] : memref<4194304xf32, #tpu.memory_space<hbm>> -> memref<8192xf32, #tpu.memory_space<hbm>>
    %dma_start3A_500 = arith.constant 32768 : i32
    %dma_start3A_501 = tpu.memref_slice %arg11[%dma_start3A_500] : memref<65536xf32, #tpu.memory_space<vmem>> -> memref<8192xf32, #tpu.memory_space<vmem>>
    tpu.enqueue_dma source(%dma_start3A_501 : memref<8192xf32, #tpu.memory_space<vmem>>) target(%dma_start3A_499 : memref<8192xf32, #tpu.memory_space<hbm>>) target_semaphore(%arg15 : memref<!tpu.dma_semaphore, #tpu.memory_space<semaphore_mem>>)
    %add3A_502 = arith.constant 1048576 : i32
    %add3A_503 = arith.addi %add3A_502, %mul3A_2 : i32
    %add3A_504 = arith.constant 8192 : i32
    %add3A_505 = arith.addi %add3A_503, %add3A_504 : i32
    %dma_start3A_506 = arith.constant 40960 : i32
    %dma_start3A_507 = tpu.memref_slice %arg11[%dma_start3A_506] : memref<65536xf32, #tpu.memory_space<vmem>> -> memref<8192xf32, #tpu.memory_space<vmem>>
    %dma_start3A_508 = tpu.memref_slice %arg5[%add3A_505] : memref<4194304xf32, #tpu.memory_space<hbm>> -> memref<8192xf32, #tpu.memory_space<hbm>>
    %dma_start3A_509 = tpu.memref_slice %arg5[%add3A_505] : memref<4194304xf32, #tpu.memory_space<hbm>> -> memref<8192xf32, #tpu.memory_space<hbm>>
    %dma_start3A_510 = arith.constant 40960 : i32
    %dma_start3A_511 = tpu.memref_slice %arg11[%dma_start3A_510] : memref<65536xf32, #tpu.memory_space<vmem>> -> memref<8192xf32, #tpu.memory_space<vmem>>
    tpu.enqueue_dma source(%dma_start3A_511 : memref<8192xf32, #tpu.memory_space<vmem>>) target(%dma_start3A_509 : memref<8192xf32, #tpu.memory_space<hbm>>) target_semaphore(%arg15 : memref<!tpu.dma_semaphore, #tpu.memory_space<semaphore_mem>>)
    %add3A_512 = arith.constant 2097152 : i32
    %add3A_513 = arith.addi %add3A_512, %mul3A_2 : i32
    %add3A_514 = arith.constant 8192 : i32
    %add3A_515 = arith.addi %add3A_513, %add3A_514 : i32
    %dma_start3A_516 = arith.constant 49152 : i32
    %dma_start3A_517 = tpu.memref_slice %arg11[%dma_start3A_516] : memref<65536xf32, #tpu.memory_space<vmem>> -> memref<8192xf32, #tpu.memory_space<vmem>>
    %dma_start3A_518 = tpu.memref_slice %arg5[%add3A_515] : memref<4194304xf32, #tpu.memory_space<hbm>> -> memref<8192xf32, #tpu.memory_space<hbm>>
    %dma_start3A_519 = tpu.memref_slice %arg5[%add3A_515] : memref<4194304xf32, #tpu.memory_space<hbm>> -> memref<8192xf32, #tpu.memory_space<hbm>>
    %dma_start3A_520 = arith.constant 49152 : i32
    %dma_start3A_521 = tpu.memref_slice %arg11[%dma_start3A_520] : memref<65536xf32, #tpu.memory_space<vmem>> -> memref<8192xf32, #tpu.memory_space<vmem>>
    tpu.enqueue_dma source(%dma_start3A_521 : memref<8192xf32, #tpu.memory_space<vmem>>) target(%dma_start3A_519 : memref<8192xf32, #tpu.memory_space<hbm>>) target_semaphore(%arg15 : memref<!tpu.dma_semaphore, #tpu.memory_space<semaphore_mem>>)
    %add3A_522 = arith.constant 3145728 : i32
    %add3A_523 = arith.addi %add3A_522, %mul3A_2 : i32
    %add3A_524 = arith.constant 8192 : i32
    %add3A_525 = arith.addi %add3A_523, %add3A_524 : i32
    %dma_start3A_526 = arith.constant 57344 : i32
    %dma_start3A_527 = tpu.memref_slice %arg11[%dma_start3A_526] : memref<65536xf32, #tpu.memory_space<vmem>> -> memref<8192xf32, #tpu.memory_space<vmem>>
    %dma_start3A_528 = tpu.memref_slice %arg5[%add3A_525] : memref<4194304xf32, #tpu.memory_space<hbm>> -> memref<8192xf32, #tpu.memory_space<hbm>>
    %dma_start3A_529 = tpu.memref_slice %arg5[%add3A_525] : memref<4194304xf32, #tpu.memory_space<hbm>> -> memref<8192xf32, #tpu.memory_space<hbm>>
    %dma_start3A_530 = arith.constant 57344 : i32
    %dma_start3A_531 = tpu.memref_slice %arg11[%dma_start3A_530] : memref<65536xf32, #tpu.memory_space<vmem>> -> memref<8192xf32, #tpu.memory_space<vmem>>
    tpu.enqueue_dma source(%dma_start3A_531 : memref<8192xf32, #tpu.memory_space<vmem>>) target(%dma_start3A_529 : memref<8192xf32, #tpu.memory_space<hbm>>) target_semaphore(%arg15 : memref<!tpu.dma_semaphore, #tpu.memory_space<semaphore_mem>>)
    %add3A_532 = arith.constant 24576 : i32
    %add3A_533 = arith.addi %mul3A_2, %add3A_532 : i32
    %dma_start3A_534 = arith.constant 8192 : i32
    %dma_start3A_535 = tpu.memref_slice %arg10[%dma_start3A_534] : memref<16384xi32, #tpu.memory_space<vmem>> -> memref<8192xi32, #tpu.memory_space<vmem>>
    %dma_start3A_536 = tpu.memref_slice %arg2[%add3A_533] : memref<1048576xi32, #tpu.memory_space<hbm>> -> memref<8192xi32, #tpu.memory_space<hbm>>
    %dma_start3A_537 = arith.constant 8192 : i32
    %dma_start3A_538 = tpu.memref_slice %arg10[%dma_start3A_537] : memref<16384xi32, #tpu.memory_space<vmem>> -> memref<8192xi32, #tpu.memory_space<vmem>>
    %dma_start3A_539 = tpu.memref_slice %arg2[%add3A_533] : memref<1048576xi32, #tpu.memory_space<hbm>> -> memref<8192xi32, #tpu.memory_space<hbm>>
    tpu.enqueue_dma source(%dma_start3A_539 : memref<8192xi32, #tpu.memory_space<hbm>>) target(%dma_start3A_538 : memref<8192xi32, #tpu.memory_space<vmem>>) target_semaphore(%arg13 : memref<!tpu.dma_semaphore, #tpu.memory_space<semaphore_mem>>)
    %dma_wait3A_540 = arith.constant 0 : i32
    %dma_wait3A_541 = tpu.memref_slice %arg10[%dma_wait3A_540] : memref<16384xi32, #tpu.memory_space<vmem>> -> memref<8192xi32, #tpu.memory_space<vmem>>
    %dma_wait3A_542 = tpu.memref_slice %arg2[%add3A_476] : memref<1048576xi32, #tpu.memory_space<hbm>> -> memref<8192xi32, #tpu.memory_space<hbm>>
    %dma_wait3A_543 = arith.constant 0 : i32
    %dma_wait3A_544 = tpu.memref_slice %arg10[%dma_wait3A_543] : memref<16384xi32, #tpu.memory_space<vmem>> -> memref<8192xi32, #tpu.memory_space<vmem>>
    %dma_wait3A_545 = tpu.memref_slice %arg2[%add3A_476] : memref<1048576xi32, #tpu.memory_space<hbm>> -> memref<8192xi32, #tpu.memory_space<hbm>>
    tpu.wait_dma2 semaphore(%arg12 : memref<!tpu.dma_semaphore, #tpu.memory_space<semaphore_mem>>) src(%dma_wait3A_545 : memref<8192xi32, #tpu.memory_space<hbm>>) dst(%dma_wait3A_544 : memref<8192xi32, #tpu.memory_space<vmem>>)
    %dma_wait3A_546 = arith.constant 0 : i32
    %dma_wait3A_547 = tpu.memref_slice %arg11[%dma_wait3A_546] : memref<65536xf32, #tpu.memory_space<vmem>> -> memref<8192xf32, #tpu.memory_space<vmem>>
    %dma_wait3A_548 = tpu.memref_slice %arg5[%add3A_438] : memref<4194304xf32, #tpu.memory_space<hbm>> -> memref<8192xf32, #tpu.memory_space<hbm>>
    %dma_wait3A_549 = tpu.memref_slice %arg5[%add3A_438] : memref<4194304xf32, #tpu.memory_space<hbm>> -> memref<8192xf32, #tpu.memory_space<hbm>>
    %dma_wait3A_550 = arith.constant 0 : i32
    %dma_wait3A_551 = tpu.memref_slice %arg11[%dma_wait3A_550] : memref<65536xf32, #tpu.memory_space<vmem>> -> memref<8192xf32, #tpu.memory_space<vmem>>
    tpu.wait_dma2 semaphore(%arg14 : memref<!tpu.dma_semaphore, #tpu.memory_space<semaphore_mem>>) src(%dma_wait3A_551 : memref<8192xf32, #tpu.memory_space<vmem>>) dst(%dma_wait3A_549 : memref<8192xf32, #tpu.memory_space<hbm>>)
    %dma_wait3A_552 = arith.constant 8192 : i32
    %dma_wait3A_553 = tpu.memref_slice %arg11[%dma_wait3A_552] : memref<65536xf32, #tpu.memory_space<vmem>> -> memref<8192xf32, #tpu.memory_space<vmem>>
    %dma_wait3A_554 = tpu.memref_slice %arg5[%add3A_448] : memref<4194304xf32, #tpu.memory_space<hbm>> -> memref<8192xf32, #tpu.memory_space<hbm>>
    %dma_wait3A_555 = tpu.memref_slice %arg5[%add3A_448] : memref<4194304xf32, #tpu.memory_space<hbm>> -> memref<8192xf32, #tpu.memory_space<hbm>>
    %dma_wait3A_556 = arith.constant 8192 : i32
    %dma_wait3A_557 = tpu.memref_slice %arg11[%dma_wait3A_556] : memref<65536xf32, #tpu.memory_space<vmem>> -> memref<8192xf32, #tpu.memory_space<vmem>>
    tpu.wait_dma2 semaphore(%arg14 : memref<!tpu.dma_semaphore, #tpu.memory_space<semaphore_mem>>) src(%dma_wait3A_557 : memref<8192xf32, #tpu.memory_space<vmem>>) dst(%dma_wait3A_555 : memref<8192xf32, #tpu.memory_space<hbm>>)
    %dma_wait3A_558 = arith.constant 16384 : i32
    %dma_wait3A_559 = tpu.memref_slice %arg11[%dma_wait3A_558] : memref<65536xf32, #tpu.memory_space<vmem>> -> memref<8192xf32, #tpu.memory_space<vmem>>
    %dma_wait3A_560 = tpu.memref_slice %arg5[%add3A_458] : memref<4194304xf32, #tpu.memory_space<hbm>> -> memref<8192xf32, #tpu.memory_space<hbm>>
    %dma_wait3A_561 = tpu.memref_slice %arg5[%add3A_458] : memref<4194304xf32, #tpu.memory_space<hbm>> -> memref<8192xf32, #tpu.memory_space<hbm>>
    %dma_wait3A_562 = arith.constant 16384 : i32
    %dma_wait3A_563 = tpu.memref_slice %arg11[%dma_wait3A_562] : memref<65536xf32, #tpu.memory_space<vmem>> -> memref<8192xf32, #tpu.memory_space<vmem>>
    tpu.wait_dma2 semaphore(%arg14 : memref<!tpu.dma_semaphore, #tpu.memory_space<semaphore_mem>>) src(%dma_wait3A_563 : memref<8192xf32, #tpu.memory_space<vmem>>) dst(%dma_wait3A_561 : memref<8192xf32, #tpu.memory_space<hbm>>)
    %dma_wait3A_564 = arith.constant 24576 : i32
    %dma_wait3A_565 = tpu.memref_slice %arg11[%dma_wait3A_564] : memref<65536xf32, #tpu.memory_space<vmem>> -> memref<8192xf32, #tpu.memory_space<vmem>>
    %dma_wait3A_566 = tpu.memref_slice %arg5[%add3A_468] : memref<4194304xf32, #tpu.memory_space<hbm>> -> memref<8192xf32, #tpu.memory_space<hbm>>
    %dma_wait3A_567 = tpu.memref_slice %arg5[%add3A_468] : memref<4194304xf32, #tpu.memory_space<hbm>> -> memref<8192xf32, #tpu.memory_space<hbm>>
    %dma_wait3A_568 = arith.constant 24576 : i32
    %dma_wait3A_569 = tpu.memref_slice %arg11[%dma_wait3A_568] : memref<65536xf32, #tpu.memory_space<vmem>> -> memref<8192xf32, #tpu.memory_space<vmem>>
    tpu.wait_dma2 semaphore(%arg14 : memref<!tpu.dma_semaphore, #tpu.memory_space<semaphore_mem>>) src(%dma_wait3A_569 : memref<8192xf32, #tpu.memory_space<vmem>>) dst(%dma_wait3A_567 : memref<8192xf32, #tpu.memory_space<hbm>>)
    %parallel_loop3A_570 = arith.constant 0 : i32
    %parallel_loop3A_571 = arith.constant 8192 : i32
    %parallel_loop3A_572 = arith.constant 16 : i32
    scf.for %parallel_loop3A_734 = %parallel_loop3A_570 to %parallel_loop3A_571 step %parallel_loop3A_572  : i32 {
      %parallel_loop3A_735 = arith.constant 0 : i32
      %parallel_loop3A_736 = arith.addi %parallel_loop3A_735, %parallel_loop3A_734 : i32
      %parallel_loop3A_737 = arith.index_cast %parallel_loop3A_736 : i32 to index
      %parallel_loop3A_738 = tpu.vector_load %arg10[%parallel_loop3A_737] {strides = array<i32>} : memref<16384xi32, #tpu.memory_space<vmem>>, vector<16xi32>,
      %parallel_loop3A_739 = arith.constant 0 : i32
      %parallel_loop3A_740 = vector.broadcast %parallel_loop3A_739 : i32 to vector<16xi32>
      %parallel_loop3A_741 = arith.shrui %parallel_loop3A_738, %parallel_loop3A_740 : vector<16xi32>
      %parallel_loop3A_742 = arith.andi %parallel_loop3A_741, %broadcast_in_dim3A_419 : vector<16xi32>
      %parallel_loop3A_743 = tpu.vector_load_idx %arg9[%parallel_loop3A_742] : memref<32xf32, #tpu.memory_space<vmem>>[vector<16xi32>], vector<16xf32>,
      %parallel_loop3A_744 = arith.constant 0 : i32
      %parallel_loop3A_745 = arith.addi %parallel_loop3A_744, %parallel_loop3A_734 : i32
      %parallel_loop3A_746 = arith.index_cast %parallel_loop3A_745 : i32 to index
      %parallel_loop3A_747 = tpu.vector_load %arg11[%parallel_loop3A_746] {strides = array<i32>} : memref<65536xf32, #tpu.memory_space<vmem>>, vector<16xf32>,
      tpu.vector_store %arg11[%parallel_loop3A_746], %parallel_loop3A_743 {strides = array<i32>} : memref<65536xf32, #tpu.memory_space<vmem>>, vector<16xf32>,
      %parallel_loop3A_748 = arith.constant 8 : i32
      %parallel_loop3A_749 = vector.broadcast %parallel_loop3A_748 : i32 to vector<16xi32>
      %parallel_loop3A_750 = arith.shrui %parallel_loop3A_738, %parallel_loop3A_749 : vector<16xi32>
      %parallel_loop3A_751 = arith.andi %parallel_loop3A_750, %broadcast_in_dim3A_419 : vector<16xi32>
      %parallel_loop3A_752 = tpu.vector_load_idx %arg9[%parallel_loop3A_751] : memref<32xf32, #tpu.memory_space<vmem>>[vector<16xi32>], vector<16xf32>,
      %parallel_loop3A_753 = arith.constant 8192 : i32
      %parallel_loop3A_754 = arith.addi %parallel_loop3A_753, %parallel_loop3A_734 : i32
      %parallel_loop3A_755 = arith.index_cast %parallel_loop3A_754 : i32 to index
      %parallel_loop3A_756 = tpu.vector_load %arg11[%parallel_loop3A_755] {strides = array<i32>} : memref<65536xf32, #tpu.memory_space<vmem>>, vector<16xf32>,
      tpu.vector_store %arg11[%parallel_loop3A_755], %parallel_loop3A_752 {strides = array<i32>} : memref<65536xf32, #tpu.memory_space<vmem>>, vector<16xf32>,
      %parallel_loop3A_757 = arith.constant 16 : i32
      %parallel_loop3A_758 = vector.broadcast %parallel_loop3A_757 : i32 to vector<16xi32>
      %parallel_loop3A_759 = arith.shrui %parallel_loop3A_738, %parallel_loop3A_758 : vector<16xi32>
      %parallel_loop3A_760 = arith.andi %parallel_loop3A_759, %broadcast_in_dim3A_419 : vector<16xi32>
      %parallel_loop3A_761 = tpu.vector_load_idx %arg9[%parallel_loop3A_760] : memref<32xf32, #tpu.memory_space<vmem>>[vector<16xi32>], vector<16xf32>,
      %parallel_loop3A_762 = arith.constant 16384 : i32
      %parallel_loop3A_763 = arith.addi %parallel_loop3A_762, %parallel_loop3A_734 : i32
      %parallel_loop3A_764 = arith.index_cast %parallel_loop3A_763 : i32 to index
      %parallel_loop3A_765 = tpu.vector_load %arg11[%parallel_loop3A_764] {strides = array<i32>} : memref<65536xf32, #tpu.memory_space<vmem>>, vector<16xf32>,
      tpu.vector_store %arg11[%parallel_loop3A_764], %parallel_loop3A_761 {strides = array<i32>} : memref<65536xf32, #tpu.memory_space<vmem>>, vector<16xf32>,
      %parallel_loop3A_766 = arith.constant 24 : i32
      %parallel_loop3A_767 = vector.broadcast %parallel_loop3A_766 : i32 to vector<16xi32>
      %parallel_loop3A_768 = arith.shrui %parallel_loop3A_738, %parallel_loop3A_767 : vector<16xi32>
      %parallel_loop3A_769 = arith.andi %parallel_loop3A_768, %broadcast_in_dim3A_419 : vector<16xi32>
      %parallel_loop3A_770 = tpu.vector_load_idx %arg9[%parallel_loop3A_769] : memref<32xf32, #tpu.memory_space<vmem>>[vector<16xi32>], vector<16xf32>,
      %parallel_loop3A_771 = arith.constant 24576 : i32
      %parallel_loop3A_772 = arith.addi %parallel_loop3A_771, %parallel_loop3A_734 : i32
      %parallel_loop3A_773 = arith.index_cast %parallel_loop3A_772 : i32 to index
      %parallel_loop3A_774 = tpu.vector_load %arg11[%parallel_loop3A_773] {strides = array<i32>} : memref<65536xf32, #tpu.memory_space<vmem>>, vector<16xf32>,
      tpu.vector_store %arg11[%parallel_loop3A_773], %parallel_loop3A_770 {strides = array<i32>} : memref<65536xf32, #tpu.memory_space<vmem>>, vector<16xf32>,
    } {sc.loop_unroll_factor = 8 : i64, sc.parallel_access}
    %add3A_573 = arith.constant 0 : i32
    %add3A_574 = arith.addi %add3A_573, %mul3A_2 : i32
    %add3A_575 = arith.constant 16384 : i32
    %add3A_576 = arith.addi %add3A_574, %add3A_575 : i32
    %dma_start3A_577 = arith.constant 0 : i32
    %dma_start3A_578 = tpu.memref_slice %arg11[%dma_start3A_577] : memref<65536xf32, #tpu.memory_space<vmem>> -> memref<8192xf32, #tpu.memory_space<vmem>>
    %dma_start3A_579 = tpu.memref_slice %arg5[%add3A_576] : memref<4194304xf32, #tpu.memory_space<hbm>> -> memref<8192xf32, #tpu.memory_space<hbm>>
    %dma_start3A_580 = tpu.memref_slice %arg5[%add3A_576] : memref<4194304xf32, #tpu.memory_space<hbm>> -> memref<8192xf32, #tpu.memory_space<hbm>>
    %dma_start3A_581 = arith.constant 0 : i32
    %dma_start3A_582 = tpu.memref_slice %arg11[%dma_start3A_581] : memref<65536xf32, #tpu.memory_space<vmem>> -> memref<8192xf32, #tpu.memory_space<vmem>>
    tpu.enqueue_dma source(%dma_start3A_582 : memref<8192xf32, #tpu.memory_space<vmem>>) target(%dma_start3A_580 : memref<8192xf32, #tpu.memory_space<hbm>>) target_semaphore(%arg14 : memref<!tpu.dma_semaphore, #tpu.memory_space<semaphore_mem>>)
    %add3A_583 = arith.constant 1048576 : i32
    %add3A_584 = arith.addi %add3A_583, %mul3A_2 : i32
    %add3A_585 = arith.constant 16384 : i32
    %add3A_586 = arith.addi %add3A_584, %add3A_585 : i32
    %dma_start3A_587 = arith.constant 8192 : i32
    %dma_start3A_588 = tpu.memref_slice %arg11[%dma_start3A_587] : memref<65536xf32, #tpu.memory_space<vmem>> -> memref<8192xf32, #tpu.memory_space<vmem>>
    %dma_start3A_589 = tpu.memref_slice %arg5[%add3A_586] : memref<4194304xf32, #tpu.memory_space<hbm>> -> memref<8192xf32, #tpu.memory_space<hbm>>
    %dma_start3A_590 = tpu.memref_slice %arg5[%add3A_586] : memref<4194304xf32, #tpu.memory_space<hbm>> -> memref<8192xf32, #tpu.memory_space<hbm>>
    %dma_start3A_591 = arith.constant 8192 : i32
    %dma_start3A_592 = tpu.memref_slice %arg11[%dma_start3A_591] : memref<65536xf32, #tpu.memory_space<vmem>> -> memref<8192xf32, #tpu.memory_space<vmem>>
    tpu.enqueue_dma source(%dma_start3A_592 : memref<8192xf32, #tpu.memory_space<vmem>>) target(%dma_start3A_590 : memref<8192xf32, #tpu.memory_space<hbm>>) target_semaphore(%arg14 : memref<!tpu.dma_semaphore, #tpu.memory_space<semaphore_mem>>)
    %add3A_593 = arith.constant 2097152 : i32
    %add3A_594 = arith.addi %add3A_593, %mul3A_2 : i32
    %add3A_595 = arith.constant 16384 : i32
    %add3A_596 = arith.addi %add3A_594, %add3A_595 : i32
    %dma_start3A_597 = arith.constant 16384 : i32
    %dma_start3A_598 = tpu.memref_slice %arg11[%dma_start3A_597] : memref<65536xf32, #tpu.memory_space<vmem>> -> memref<8192xf32, #tpu.memory_space<vmem>>
    %dma_start3A_599 = tpu.memref_slice %arg5[%add3A_596] : memref<4194304xf32, #tpu.memory_space<hbm>> -> memref<8192xf32, #tpu.memory_space<hbm>>
    %dma_start3A_600 = tpu.memref_slice %arg5[%add3A_596] : memref<4194304xf32, #tpu.memory_space<hbm>> -> memref<8192xf32, #tpu.memory_space<hbm>>
    %dma_start3A_601 = arith.constant 16384 : i32
    %dma_start3A_602 = tpu.memref_slice %arg11[%dma_start3A_601] : memref<65536xf32, #tpu.memory_space<vmem>> -> memref<8192xf32, #tpu.memory_space<vmem>>
    tpu.enqueue_dma source(%dma_start3A_602 : memref<8192xf32, #tpu.memory_space<vmem>>) target(%dma_start3A_600 : memref<8192xf32, #tpu.memory_space<hbm>>) target_semaphore(%arg14 : memref<!tpu.dma_semaphore, #tpu.memory_space<semaphore_mem>>)
    %add3A_603 = arith.constant 3145728 : i32
    %add3A_604 = arith.addi %add3A_603, %mul3A_2 : i32
    %add3A_605 = arith.constant 16384 : i32
    %add3A_606 = arith.addi %add3A_604, %add3A_605 : i32
    %dma_start3A_607 = arith.constant 24576 : i32
    %dma_start3A_608 = tpu.memref_slice %arg11[%dma_start3A_607] : memref<65536xf32, #tpu.memory_space<vmem>> -> memref<8192xf32, #tpu.memory_space<vmem>>
    %dma_start3A_609 = tpu.memref_slice %arg5[%add3A_606] : memref<4194304xf32, #tpu.memory_space<hbm>> -> memref<8192xf32, #tpu.memory_space<hbm>>
    %dma_start3A_610 = tpu.memref_slice %arg5[%add3A_606] : memref<4194304xf32, #tpu.memory_space<hbm>> -> memref<8192xf32, #tpu.memory_space<hbm>>
    %dma_start3A_611 = arith.constant 24576 : i32
    %dma_start3A_612 = tpu.memref_slice %arg11[%dma_start3A_611] : memref<65536xf32, #tpu.memory_space<vmem>> -> memref<8192xf32, #tpu.memory_space<vmem>>
    tpu.enqueue_dma source(%dma_start3A_612 : memref<8192xf32, #tpu.memory_space<vmem>>) target(%dma_start3A_610 : memref<8192xf32, #tpu.memory_space<hbm>>) target_semaphore(%arg14 : memref<!tpu.dma_semaphore, #tpu.memory_space<semaphore_mem>>)
    %dma_wait3A_613 = arith.constant 8192 : i32
    %dma_wait3A_614 = tpu.memref_slice %arg10[%dma_wait3A_613] : memref<16384xi32, #tpu.memory_space<vmem>> -> memref<8192xi32, #tpu.memory_space<vmem>>
    %dma_wait3A_615 = tpu.memref_slice %arg2[%add3A_533] : memref<1048576xi32, #tpu.memory_space<hbm>> -> memref<8192xi32, #tpu.memory_space<hbm>>
    %dma_wait3A_616 = arith.constant 8192 : i32
    %dma_wait3A_617 = tpu.memref_slice %arg10[%dma_wait3A_616] : memref<16384xi32, #tpu.memory_space<vmem>> -> memref<8192xi32, #tpu.memory_space<vmem>>
    %dma_wait3A_618 = tpu.memref_slice %arg2[%add3A_533] : memref<1048576xi32, #tpu.memory_space<hbm>> -> memref<8192xi32, #tpu.memory_space<hbm>>
    tpu.wait_dma2 semaphore(%arg13 : memref<!tpu.dma_semaphore, #tpu.memory_space<semaphore_mem>>) src(%dma_wait3A_618 : memref<8192xi32, #tpu.memory_space<hbm>>) dst(%dma_wait3A_617 : memref<8192xi32, #tpu.memory_space<vmem>>)
    %dma_wait3A_619 = arith.constant 32768 : i32
    %dma_wait3A_620 = tpu.memref_slice %arg11[%dma_wait3A_619] : memref<65536xf32, #tpu.memory_space<vmem>> -> memref<8192xf32, #tpu.memory_space<vmem>>
    %dma_wait3A_621 = tpu.memref_slice %arg5[%add3A_495] : memref<4194304xf32, #tpu.memory_space<hbm>> -> memref<8192xf32, #tpu.memory_space<hbm>>
    %dma_wait3A_622 = tpu.memref_slice %arg5[%add3A_495] : memref<4194304xf32, #tpu.memory_space<hbm>> -> memref<8192xf32, #tpu.memory_space<hbm>>
    %dma_wait3A_623 = arith.constant 32768 : i32
    %dma_wait3A_624 = tpu.memref_slice %arg11[%dma_wait3A_623] : memref<65536xf32, #tpu.memory_space<vmem>> -> memref<8192xf32, #tpu.memory_space<vmem>>
    tpu.wait_dma2 semaphore(%arg15 : memref<!tpu.dma_semaphore, #tpu.memory_space<semaphore_mem>>) src(%dma_wait3A_624 : memref<8192xf32, #tpu.memory_space<vmem>>) dst(%dma_wait3A_622 : memref<8192xf32, #tpu.memory_space<hbm>>)
    %dma_wait3A_625 = arith.constant 40960 : i32
    %dma_wait3A_626 = tpu.memref_slice %arg11[%dma_wait3A_625] : memref<65536xf32, #tpu.memory_space<vmem>> -> memref<8192xf32, #tpu.memory_space<vmem>>
    %dma_wait3A_627 = tpu.memref_slice %arg5[%add3A_505] : memref<4194304xf32, #tpu.memory_space<hbm>> -> memref<8192xf32, #tpu.memory_space<hbm>>
    %dma_wait3A_628 = tpu.memref_slice %arg5[%add3A_505] : memref<4194304xf32, #tpu.memory_space<hbm>> -> memref<8192xf32, #tpu.memory_space<hbm>>
    %dma_wait3A_629 = arith.constant 40960 : i32
    %dma_wait3A_630 = tpu.memref_slice %arg11[%dma_wait3A_629] : memref<65536xf32, #tpu.memory_space<vmem>> -> memref<8192xf32, #tpu.memory_space<vmem>>
    tpu.wait_dma2 semaphore(%arg15 : memref<!tpu.dma_semaphore, #tpu.memory_space<semaphore_mem>>) src(%dma_wait3A_630 : memref<8192xf32, #tpu.memory_space<vmem>>) dst(%dma_wait3A_628 : memref<8192xf32, #tpu.memory_space<hbm>>)
    %dma_wait3A_631 = arith.constant 49152 : i32
    %dma_wait3A_632 = tpu.memref_slice %arg11[%dma_wait3A_631] : memref<65536xf32, #tpu.memory_space<vmem>> -> memref<8192xf32, #tpu.memory_space<vmem>>
    %dma_wait3A_633 = tpu.memref_slice %arg5[%add3A_515] : memref<4194304xf32, #tpu.memory_space<hbm>> -> memref<8192xf32, #tpu.memory_space<hbm>>
    %dma_wait3A_634 = tpu.memref_slice %arg5[%add3A_515] : memref<4194304xf32, #tpu.memory_space<hbm>> -> memref<8192xf32, #tpu.memory_space<hbm>>
    %dma_wait3A_635 = arith.constant 49152 : i32
    %dma_wait3A_636 = tpu.memref_slice %arg11[%dma_wait3A_635] : memref<65536xf32, #tpu.memory_space<vmem>> -> memref<8192xf32, #tpu.memory_space<vmem>>
    tpu.wait_dma2 semaphore(%arg15 : memref<!tpu.dma_semaphore, #tpu.memory_space<semaphore_mem>>) src(%dma_wait3A_636 : memref<8192xf32, #tpu.memory_space<vmem>>) dst(%dma_wait3A_634 : memref<8192xf32, #tpu.memory_space<hbm>>)
    %dma_wait3A_637 = arith.constant 57344 : i32
    %dma_wait3A_638 = tpu.memref_slice %arg11[%dma_wait3A_637] : memref<65536xf32, #tpu.memory_space<vmem>> -> memref<8192xf32, #tpu.memory_space<vmem>>
    %dma_wait3A_639 = tpu.memref_slice %arg5[%add3A_525] : memref<4194304xf32, #tpu.memory_space<hbm>> -> memref<8192xf32, #tpu.memory_space<hbm>>
    %dma_wait3A_640 = tpu.memref_slice %arg5[%add3A_525] : memref<4194304xf32, #tpu.memory_space<hbm>> -> memref<8192xf32, #tpu.memory_space<hbm>>
    %dma_wait3A_641 = arith.constant 57344 : i32
    %dma_wait3A_642 = tpu.memref_slice %arg11[%dma_wait3A_641] : memref<65536xf32, #tpu.memory_space<vmem>> -> memref<8192xf32, #tpu.memory_space<vmem>>
    tpu.wait_dma2 semaphore(%arg15 : memref<!tpu.dma_semaphore, #tpu.memory_space<semaphore_mem>>) src(%dma_wait3A_642 : memref<8192xf32, #tpu.memory_space<vmem>>) dst(%dma_wait3A_640 : memref<8192xf32, #tpu.memory_space<hbm>>)
    %parallel_loop3A_643 = arith.constant 0 : i32
    %parallel_loop3A_644 = arith.constant 8192 : i32
    %parallel_loop3A_645 = arith.constant 16 : i32
    scf.for %parallel_loop3A_734 = %parallel_loop3A_643 to %parallel_loop3A_644 step %parallel_loop3A_645  : i32 {
      %parallel_loop3A_735 = arith.constant 8192 : i32
      %parallel_loop3A_736 = arith.addi %parallel_loop3A_735, %parallel_loop3A_734 : i32
      %parallel_loop3A_737 = arith.index_cast %parallel_loop3A_736 : i32 to index
      %parallel_loop3A_738 = tpu.vector_load %arg10[%parallel_loop3A_737] {strides = array<i32>} : memref<16384xi32, #tpu.memory_space<vmem>>, vector<16xi32>,
      %parallel_loop3A_739 = arith.constant 0 : i32
      %parallel_loop3A_740 = vector.broadcast %parallel_loop3A_739 : i32 to vector<16xi32>
      %parallel_loop3A_741 = arith.shrui %parallel_loop3A_738, %parallel_loop3A_740 : vector<16xi32>
      %parallel_loop3A_742 = arith.andi %parallel_loop3A_741, %broadcast_in_dim3A_419 : vector<16xi32>
      %parallel_loop3A_743 = tpu.vector_load_idx %arg9[%parallel_loop3A_742] : memref<32xf32, #tpu.memory_space<vmem>>[vector<16xi32>], vector<16xf32>,
      %parallel_loop3A_744 = arith.constant 32768 : i32
      %parallel_loop3A_745 = arith.addi %parallel_loop3A_744, %parallel_loop3A_734 : i32
      %parallel_loop3A_746 = arith.index_cast %parallel_loop3A_745 : i32 to index
      %parallel_loop3A_747 = tpu.vector_load %arg11[%parallel_loop3A_746] {strides = array<i32>} : memref<65536xf32, #tpu.memory_space<vmem>>, vector<16xf32>,
      tpu.vector_store %arg11[%parallel_loop3A_746], %parallel_loop3A_743 {strides = array<i32>} : memref<65536xf32, #tpu.memory_space<vmem>>, vector<16xf32>,
      %parallel_loop3A_748 = arith.constant 8 : i32
      %parallel_loop3A_749 = vector.broadcast %parallel_loop3A_748 : i32 to vector<16xi32>
      %parallel_loop3A_750 = arith.shrui %parallel_loop3A_738, %parallel_loop3A_749 : vector<16xi32>
      %parallel_loop3A_751 = arith.andi %parallel_loop3A_750, %broadcast_in_dim3A_419 : vector<16xi32>
      %parallel_loop3A_752 = tpu.vector_load_idx %arg9[%parallel_loop3A_751] : memref<32xf32, #tpu.memory_space<vmem>>[vector<16xi32>], vector<16xf32>,
      %parallel_loop3A_753 = arith.constant 40960 : i32
      %parallel_loop3A_754 = arith.addi %parallel_loop3A_753, %parallel_loop3A_734 : i32
      %parallel_loop3A_755 = arith.index_cast %parallel_loop3A_754 : i32 to index
      %parallel_loop3A_756 = tpu.vector_load %arg11[%parallel_loop3A_755] {strides = array<i32>} : memref<65536xf32, #tpu.memory_space<vmem>>, vector<16xf32>,
      tpu.vector_store %arg11[%parallel_loop3A_755], %parallel_loop3A_752 {strides = array<i32>} : memref<65536xf32, #tpu.memory_space<vmem>>, vector<16xf32>,
      %parallel_loop3A_757 = arith.constant 16 : i32
      %parallel_loop3A_758 = vector.broadcast %parallel_loop3A_757 : i32 to vector<16xi32>
      %parallel_loop3A_759 = arith.shrui %parallel_loop3A_738, %parallel_loop3A_758 : vector<16xi32>
      %parallel_loop3A_760 = arith.andi %parallel_loop3A_759, %broadcast_in_dim3A_419 : vector<16xi32>
      %parallel_loop3A_761 = tpu.vector_load_idx %arg9[%parallel_loop3A_760] : memref<32xf32, #tpu.memory_space<vmem>>[vector<16xi32>], vector<16xf32>,
      %parallel_loop3A_762 = arith.constant 49152 : i32
      %parallel_loop3A_763 = arith.addi %parallel_loop3A_762, %parallel_loop3A_734 : i32
      %parallel_loop3A_764 = arith.index_cast %parallel_loop3A_763 : i32 to index
      %parallel_loop3A_765 = tpu.vector_load %arg11[%parallel_loop3A_764] {strides = array<i32>} : memref<65536xf32, #tpu.memory_space<vmem>>, vector<16xf32>,
      tpu.vector_store %arg11[%parallel_loop3A_764], %parallel_loop3A_761 {strides = array<i32>} : memref<65536xf32, #tpu.memory_space<vmem>>, vector<16xf32>,
      %parallel_loop3A_766 = arith.constant 24 : i32
      %parallel_loop3A_767 = vector.broadcast %parallel_loop3A_766 : i32 to vector<16xi32>
      %parallel_loop3A_768 = arith.shrui %parallel_loop3A_738, %parallel_loop3A_767 : vector<16xi32>
      %parallel_loop3A_769 = arith.andi %parallel_loop3A_768, %broadcast_in_dim3A_419 : vector<16xi32>
      %parallel_loop3A_770 = tpu.vector_load_idx %arg9[%parallel_loop3A_769] : memref<32xf32, #tpu.memory_space<vmem>>[vector<16xi32>], vector<16xf32>,
      %parallel_loop3A_771 = arith.constant 57344 : i32
      %parallel_loop3A_772 = arith.addi %parallel_loop3A_771, %parallel_loop3A_734 : i32
      %parallel_loop3A_773 = arith.index_cast %parallel_loop3A_772 : i32 to index
      %parallel_loop3A_774 = tpu.vector_load %arg11[%parallel_loop3A_773] {strides = array<i32>} : memref<65536xf32, #tpu.memory_space<vmem>>, vector<16xf32>,
      tpu.vector_store %arg11[%parallel_loop3A_773], %parallel_loop3A_770 {strides = array<i32>} : memref<65536xf32, #tpu.memory_space<vmem>>, vector<16xf32>,
    } {sc.loop_unroll_factor = 8 : i64, sc.parallel_access}
    %add3A_646 = arith.constant 0 : i32
    %add3A_647 = arith.addi %add3A_646, %mul3A_2 : i32
    %add3A_648 = arith.constant 24576 : i32
    %add3A_649 = arith.addi %add3A_647, %add3A_648 : i32
    %dma_start3A_650 = arith.constant 32768 : i32
    %dma_start3A_651 = tpu.memref_slice %arg11[%dma_start3A_650] : memref<65536xf32, #tpu.memory_space<vmem>> -> memref<8192xf32, #tpu.memory_space<vmem>>
    %dma_start3A_652 = tpu.memref_slice %arg5[%add3A_649] : memref<4194304xf32, #tpu.memory_space<hbm>> -> memref<8192xf32, #tpu.memory_space<hbm>>
    %dma_start3A_653 = tpu.memref_slice %arg5[%add3A_649] : memref<4194304xf32, #tpu.memory_space<hbm>> -> memref<8192xf32, #tpu.memory_space<hbm>>
    %dma_start3A_654 = arith.constant 32768 : i32
    %dma_start3A_655 = tpu.memref_slice %arg11[%dma_start3A_654] : memref<65536xf32, #tpu.memory_space<vmem>> -> memref<8192xf32, #tpu.memory_space<vmem>>
    tpu.enqueue_dma source(%dma_start3A_655 : memref<8192xf32, #tpu.memory_space<vmem>>) target(%dma_start3A_653 : memref<8192xf32, #tpu.memory_space<hbm>>) target_semaphore(%arg15 : memref<!tpu.dma_semaphore, #tpu.memory_space<semaphore_mem>>)
    %add3A_656 = arith.constant 1048576 : i32
    %add3A_657 = arith.addi %add3A_656, %mul3A_2 : i32
    %add3A_658 = arith.constant 24576 : i32
    %add3A_659 = arith.addi %add3A_657, %add3A_658 : i32
    %dma_start3A_660 = arith.constant 40960 : i32
    %dma_start3A_661 = tpu.memref_slice %arg11[%dma_start3A_660] : memref<65536xf32, #tpu.memory_space<vmem>> -> memref<8192xf32, #tpu.memory_space<vmem>>
    %dma_start3A_662 = tpu.memref_slice %arg5[%add3A_659] : memref<4194304xf32, #tpu.memory_space<hbm>> -> memref<8192xf32, #tpu.memory_space<hbm>>
    %dma_start3A_663 = tpu.memref_slice %arg5[%add3A_659] : memref<4194304xf32, #tpu.memory_space<hbm>> -> memref<8192xf32, #tpu.memory_space<hbm>>
    %dma_start3A_664 = arith.constant 40960 : i32
    %dma_start3A_665 = tpu.memref_slice %arg11[%dma_start3A_664] : memref<65536xf32, #tpu.memory_space<vmem>> -> memref<8192xf32, #tpu.memory_space<vmem>>
    tpu.enqueue_dma source(%dma_start3A_665 : memref<8192xf32, #tpu.memory_space<vmem>>) target(%dma_start3A_663 : memref<8192xf32, #tpu.memory_space<hbm>>) target_semaphore(%arg15 : memref<!tpu.dma_semaphore, #tpu.memory_space<semaphore_mem>>)
    %add3A_666 = arith.constant 2097152 : i32
    %add3A_667 = arith.addi %add3A_666, %mul3A_2 : i32
    %add3A_668 = arith.constant 24576 : i32
    %add3A_669 = arith.addi %add3A_667, %add3A_668 : i32
    %dma_start3A_670 = arith.constant 49152 : i32
    %dma_start3A_671 = tpu.memref_slice %arg11[%dma_start3A_670] : memref<65536xf32, #tpu.memory_space<vmem>> -> memref<8192xf32, #tpu.memory_space<vmem>>
    %dma_start3A_672 = tpu.memref_slice %arg5[%add3A_669] : memref<4194304xf32, #tpu.memory_space<hbm>> -> memref<8192xf32, #tpu.memory_space<hbm>>
    %dma_start3A_673 = tpu.memref_slice %arg5[%add3A_669] : memref<4194304xf32, #tpu.memory_space<hbm>> -> memref<8192xf32, #tpu.memory_space<hbm>>
    %dma_start3A_674 = arith.constant 49152 : i32
    %dma_start3A_675 = tpu.memref_slice %arg11[%dma_start3A_674] : memref<65536xf32, #tpu.memory_space<vmem>> -> memref<8192xf32, #tpu.memory_space<vmem>>
    tpu.enqueue_dma source(%dma_start3A_675 : memref<8192xf32, #tpu.memory_space<vmem>>) target(%dma_start3A_673 : memref<8192xf32, #tpu.memory_space<hbm>>) target_semaphore(%arg15 : memref<!tpu.dma_semaphore, #tpu.memory_space<semaphore_mem>>)
    %add3A_676 = arith.constant 3145728 : i32
    %add3A_677 = arith.addi %add3A_676, %mul3A_2 : i32
    %add3A_678 = arith.constant 24576 : i32
    %add3A_679 = arith.addi %add3A_677, %add3A_678 : i32
    %dma_start3A_680 = arith.constant 57344 : i32
    %dma_start3A_681 = tpu.memref_slice %arg11[%dma_start3A_680] : memref<65536xf32, #tpu.memory_space<vmem>> -> memref<8192xf32, #tpu.memory_space<vmem>>
    %dma_start3A_682 = tpu.memref_slice %arg5[%add3A_679] : memref<4194304xf32, #tpu.memory_space<hbm>> -> memref<8192xf32, #tpu.memory_space<hbm>>
    %dma_start3A_683 = tpu.memref_slice %arg5[%add3A_679] : memref<4194304xf32, #tpu.memory_space<hbm>> -> memref<8192xf32, #tpu.memory_space<hbm>>
    %dma_start3A_684 = arith.constant 57344 : i32
    %dma_start3A_685 = tpu.memref_slice %arg11[%dma_start3A_684] : memref<65536xf32, #tpu.memory_space<vmem>> -> memref<8192xf32, #tpu.memory_space<vmem>>
    tpu.enqueue_dma source(%dma_start3A_685 : memref<8192xf32, #tpu.memory_space<vmem>>) target(%dma_start3A_683 : memref<8192xf32, #tpu.memory_space<hbm>>) target_semaphore(%arg15 : memref<!tpu.dma_semaphore, #tpu.memory_space<semaphore_mem>>)
    %dma_wait3A_686 = arith.constant 0 : i32
    %dma_wait3A_687 = tpu.memref_slice %arg11[%dma_wait3A_686] : memref<65536xf32, #tpu.memory_space<vmem>> -> memref<8192xf32, #tpu.memory_space<vmem>>
    %dma_wait3A_688 = tpu.memref_slice %arg5[%add3A_576] : memref<4194304xf32, #tpu.memory_space<hbm>> -> memref<8192xf32, #tpu.memory_space<hbm>>
    %dma_wait3A_689 = tpu.memref_slice %arg5[%add3A_576] : memref<4194304xf32, #tpu.memory_space<hbm>> -> memref<8192xf32, #tpu.memory_space<hbm>>
    %dma_wait3A_690 = arith.constant 0 : i32
    %dma_wait3A_691 = tpu.memref_slice %arg11[%dma_wait3A_690] : memref<65536xf32, #tpu.memory_space<vmem>> -> memref<8192xf32, #tpu.memory_space<vmem>>
    tpu.wait_dma2 semaphore(%arg14 : memref<!tpu.dma_semaphore, #tpu.memory_space<semaphore_mem>>) src(%dma_wait3A_691 : memref<8192xf32, #tpu.memory_space<vmem>>) dst(%dma_wait3A_689 : memref<8192xf32, #tpu.memory_space<hbm>>)
    %dma_wait3A_692 = arith.constant 8192 : i32
    %dma_wait3A_693 = tpu.memref_slice %arg11[%dma_wait3A_692] : memref<65536xf32, #tpu.memory_space<vmem>> -> memref<8192xf32, #tpu.memory_space<vmem>>
    %dma_wait3A_694 = tpu.memref_slice %arg5[%add3A_586] : memref<4194304xf32, #tpu.memory_space<hbm>> -> memref<8192xf32, #tpu.memory_space<hbm>>
    %dma_wait3A_695 = tpu.memref_slice %arg5[%add3A_586] : memref<4194304xf32, #tpu.memory_space<hbm>> -> memref<8192xf32, #tpu.memory_space<hbm>>
    %dma_wait3A_696 = arith.constant 8192 : i32
    %dma_wait3A_697 = tpu.memref_slice %arg11[%dma_wait3A_696] : memref<65536xf32, #tpu.memory_space<vmem>> -> memref<8192xf32, #tpu.memory_space<vmem>>
    tpu.wait_dma2 semaphore(%arg14 : memref<!tpu.dma_semaphore, #tpu.memory_space<semaphore_mem>>) src(%dma_wait3A_697 : memref<8192xf32, #tpu.memory_space<vmem>>) dst(%dma_wait3A_695 : memref<8192xf32, #tpu.memory_space<hbm>>)
    %dma_wait3A_698 = arith.constant 16384 : i32
    %dma_wait3A_699 = tpu.memref_slice %arg11[%dma_wait3A_698] : memref<65536xf32, #tpu.memory_space<vmem>> -> memref<8192xf32, #tpu.memory_space<vmem>>
    %dma_wait3A_700 = tpu.memref_slice %arg5[%add3A_596] : memref<4194304xf32, #tpu.memory_space<hbm>> -> memref<8192xf32, #tpu.memory_space<hbm>>
    %dma_wait3A_701 = tpu.memref_slice %arg5[%add3A_596] : memref<4194304xf32, #tpu.memory_space<hbm>> -> memref<8192xf32, #tpu.memory_space<hbm>>
    %dma_wait3A_702 = arith.constant 16384 : i32
    %dma_wait3A_703 = tpu.memref_slice %arg11[%dma_wait3A_702] : memref<65536xf32, #tpu.memory_space<vmem>> -> memref<8192xf32, #tpu.memory_space<vmem>>
    tpu.wait_dma2 semaphore(%arg14 : memref<!tpu.dma_semaphore, #tpu.memory_space<semaphore_mem>>) src(%dma_wait3A_703 : memref<8192xf32, #tpu.memory_space<vmem>>) dst(%dma_wait3A_701 : memref<8192xf32, #tpu.memory_space<hbm>>)
    %dma_wait3A_704 = arith.constant 24576 : i32
    %dma_wait3A_705 = tpu.memref_slice %arg11[%dma_wait3A_704] : memref<65536xf32, #tpu.memory_space<vmem>> -> memref<8192xf32, #tpu.memory_space<vmem>>
    %dma_wait3A_706 = tpu.memref_slice %arg5[%add3A_606] : memref<4194304xf32, #tpu.memory_space<hbm>> -> memref<8192xf32, #tpu.memory_space<hbm>>
    %dma_wait3A_707 = tpu.memref_slice %arg5[%add3A_606] : memref<4194304xf32, #tpu.memory_space<hbm>> -> memref<8192xf32, #tpu.memory_space<hbm>>
    %dma_wait3A_708 = arith.constant 24576 : i32
    %dma_wait3A_709 = tpu.memref_slice %arg11[%dma_wait3A_708] : memref<65536xf32, #tpu.memory_space<vmem>> -> memref<8192xf32, #tpu.memory_space<vmem>>
    tpu.wait_dma2 semaphore(%arg14 : memref<!tpu.dma_semaphore, #tpu.memory_space<semaphore_mem>>) src(%dma_wait3A_709 : memref<8192xf32, #tpu.memory_space<vmem>>) dst(%dma_wait3A_707 : memref<8192xf32, #tpu.memory_space<hbm>>)
    %dma_wait3A_710 = arith.constant 32768 : i32
    %dma_wait3A_711 = tpu.memref_slice %arg11[%dma_wait3A_710] : memref<65536xf32, #tpu.memory_space<vmem>> -> memref<8192xf32, #tpu.memory_space<vmem>>
    %dma_wait3A_712 = tpu.memref_slice %arg5[%add3A_649] : memref<4194304xf32, #tpu.memory_space<hbm>> -> memref<8192xf32, #tpu.memory_space<hbm>>
    %dma_wait3A_713 = tpu.memref_slice %arg5[%add3A_649] : memref<4194304xf32, #tpu.memory_space<hbm>> -> memref<8192xf32, #tpu.memory_space<hbm>>
    %dma_wait3A_714 = arith.constant 32768 : i32
    %dma_wait3A_715 = tpu.memref_slice %arg11[%dma_wait3A_714] : memref<65536xf32, #tpu.memory_space<vmem>> -> memref<8192xf32, #tpu.memory_space<vmem>>
    tpu.wait_dma2 semaphore(%arg15 : memref<!tpu.dma_semaphore, #tpu.memory_space<semaphore_mem>>) src(%dma_wait3A_715 : memref<8192xf32, #tpu.memory_space<vmem>>) dst(%dma_wait3A_713 : memref<8192xf32, #tpu.memory_space<hbm>>)
    %dma_wait3A_716 = arith.constant 40960 : i32
    %dma_wait3A_717 = tpu.memref_slice %arg11[%dma_wait3A_716] : memref<65536xf32, #tpu.memory_space<vmem>> -> memref<8192xf32, #tpu.memory_space<vmem>>
    %dma_wait3A_718 = tpu.memref_slice %arg5[%add3A_659] : memref<4194304xf32, #tpu.memory_space<hbm>> -> memref<8192xf32, #tpu.memory_space<hbm>>
    %dma_wait3A_719 = tpu.memref_slice %arg5[%add3A_659] : memref<4194304xf32, #tpu.memory_space<hbm>> -> memref<8192xf32, #tpu.memory_space<hbm>>
    %dma_wait3A_720 = arith.constant 40960 : i32
    %dma_wait3A_721 = tpu.memref_slice %arg11[%dma_wait3A_720] : memref<65536xf32, #tpu.memory_space<vmem>> -> memref<8192xf32, #tpu.memory_space<vmem>>
    tpu.wait_dma2 semaphore(%arg15 : memref<!tpu.dma_semaphore, #tpu.memory_space<semaphore_mem>>) src(%dma_wait3A_721 : memref<8192xf32, #tpu.memory_space<vmem>>) dst(%dma_wait3A_719 : memref<8192xf32, #tpu.memory_space<hbm>>)
    %dma_wait3A_722 = arith.constant 49152 : i32
    %dma_wait3A_723 = tpu.memref_slice %arg11[%dma_wait3A_722] : memref<65536xf32, #tpu.memory_space<vmem>> -> memref<8192xf32, #tpu.memory_space<vmem>>
    %dma_wait3A_724 = tpu.memref_slice %arg5[%add3A_669] : memref<4194304xf32, #tpu.memory_space<hbm>> -> memref<8192xf32, #tpu.memory_space<hbm>>
    %dma_wait3A_725 = tpu.memref_slice %arg5[%add3A_669] : memref<4194304xf32, #tpu.memory_space<hbm>> -> memref<8192xf32, #tpu.memory_space<hbm>>
    %dma_wait3A_726 = arith.constant 49152 : i32
    %dma_wait3A_727 = tpu.memref_slice %arg11[%dma_wait3A_726] : memref<65536xf32, #tpu.memory_space<vmem>> -> memref<8192xf32, #tpu.memory_space<vmem>>
    tpu.wait_dma2 semaphore(%arg15 : memref<!tpu.dma_semaphore, #tpu.memory_space<semaphore_mem>>) src(%dma_wait3A_727 : memref<8192xf32, #tpu.memory_space<vmem>>) dst(%dma_wait3A_725 : memref<8192xf32, #tpu.memory_space<hbm>>)
    %dma_wait3A_728 = arith.constant 57344 : i32
    %dma_wait3A_729 = tpu.memref_slice %arg11[%dma_wait3A_728] : memref<65536xf32, #tpu.memory_space<vmem>> -> memref<8192xf32, #tpu.memory_space<vmem>>
    %dma_wait3A_730 = tpu.memref_slice %arg5[%add3A_679] : memref<4194304xf32, #tpu.memory_space<hbm>> -> memref<8192xf32, #tpu.memory_space<hbm>>
    %dma_wait3A_731 = tpu.memref_slice %arg5[%add3A_679] : memref<4194304xf32, #tpu.memory_space<hbm>> -> memref<8192xf32, #tpu.memory_space<hbm>>
    %dma_wait3A_732 = arith.constant 57344 : i32
    %dma_wait3A_733 = tpu.memref_slice %arg11[%dma_wait3A_732] : memref<65536xf32, #tpu.memory_space<vmem>> -> memref<8192xf32, #tpu.memory_space<vmem>>
    tpu.wait_dma2 semaphore(%arg15 : memref<!tpu.dma_semaphore, #tpu.memory_space<semaphore_mem>>) src(%dma_wait3A_733 : memref<8192xf32, #tpu.memory_space<vmem>>) dst(%dma_wait3A_731 : memref<8192xf32, #tpu.memory_space<hbm>>)
    return
  }
}

</mosaic_0001>

<sc_bundles>
// kernel: kernel.4.cloned.1.call-start
scs
__scs_entry_jumppad:
0x0: {  	(pc) =	sbr.rel $0x88, $3  }
0x1: {  	(tag) =	ssettag $0x0;
	lr =	simm.s32 $0x1  }
0x2: {  	[smem:$0x3F9F] =	sst lr;
	_ =	strace $0xD0000000  }
0x3: {  	_ = 	snop  }
0x4: {  	_ = 	snop  }
0x5: {  	_ = 	snop  }
0x6: {  	_ = 	snop  }
0x7: {  	_ = 	snop  }
__scs_overlays_trampoline_lowered:
0x8: {  	[smem:$0x3FAE] =	sst s0  }
0x9: {  	[smem:$0x3FAF] =	sst s1  }
0xa: {  	[smem:$0x3FB0] =	sst s2  }
0xb: {  	[smem:$0x3FB1] =	sst s3  }
0xc: {  	[smem:$0x3FB2] =	sst s4  }
0xd: {  	[smem:$0x3FB3] =	sst s5  }
0xe: {  	[smem:$0x3FB4] =	sst s6  }
0xf: {  	[smem:$0x3FB5] =	sst s7  }
0x10: {  	[smem:$0x3FB6] =	sst s8  }
0x11: {  	[smem:$0x3FB7] =	sst s9;
	s0 =	simm.s32 @!p0 $0x0  }
0x12: {  	s1 =	sld [smem:$0x3F9D];
	s0 =	simm.s32 @p0 $0x1  }
0x13: {  	[smem:$0x3FB8] =	sst s0;
	s0 =	simm.s32 @!p1 $0x0  }
0x14: {  	s2 =	sld [smem:$0x3F9C];
	s0 =	simm.s32 @p1 $0x1  }
0x15: {  	[smem:$0x3FB9] =	sst s0;
	s0 =	simm.s32 @!p2 $0x0  }
0x16: {  	s3 =	sld [smem:$0x3FDB];
	s0 =	simm.s32 @p2 $0x1  }
0x17: {  	s4 =	simm.s32 $0x1BF5;
	[smem:$0x3FBB] =	sst s0  }
0x18: {  	s0 =	sld [smem:$0x3F9E];
	_ =	swait.ge [sflag:s4], $0x0  }
0x19: {  	s7 =	sld [smem:$0x3F9F]  }
0x1a: {  	s8 =	sadd.s32 $0xFFFFE003, lr  }
0x1b: {  	s9 =	sadd.s32 $0xFFFFFEF7, lr;
	s5 =	simm.s32 $0xFFFFFFFF;
	p2 =	slt.u32 s8, $0xFFFFF086  }
0x1c: {  	p1 =	slt.u32 s9, $0xF7A;
	s5 =	simm.s32 @!p2 $0x0  }
0x1d: {  	s5 =	simm.s32 @p1 $0x1;
	p0 =	seq.s32 s7, s2  }
0x1e: {  	s7 =	smul.u32 @!p0 $0xF7A, s2;
	p2 =	seq.s32 @!p0 s5, $0x0  }
0x1f: {  	s9 =	smul.u32 $0xF7A, s1;
	s8 =	simm.s32 @!p0 $0x1BF5;
	p2 =	por !p2, p0  }
0x20: {  	[sflag:s8] =	ssyncset.s32 @!p0 $0xFFFFF086;
	s6 =	sadd.s32 @!p0 s3, s7;
	s7 =	simm.s32 @!p0 $0x108  }
0x21: {  	s3 =	sadd.s32 s3, s9;
	s6 =	sadd.s32 @!p0 $0x88, s6;
	s7 =	simm.s32 @p2 $0x1082  }
0x22: {  	[simem:s7], [sflag:s8] =	dma.local @!p0 [hbm:s6], $0xF7A  }
0x23: {  	s9 =	sor.u32 $0xD0000000, s2;
	s6 =	simm.s32 $0x108;
	_ =	swait.ge @!p0 [sflag:s8], $0x0  }
0x24: {  	s3 =	sadd.s32 $0x88, s3;
	s6 =	simm.s32 @!p1 $0x1082;
	[sflag:s4] =	ssyncset.s32 $0xFFFFF086  }
0x25: {  	[simem:s6], [sflag:s4] =	dma.local [hbm:s3], $0xF7A  }
0x26: {  	[smem:$0x3F9F] =	sst s1;
	(tag) =	ssettag s2;
	_ =	strace s9  }
0x27: {  	s1 =	sld [smem:$0x3FAF]  }
0x28: {  	s2 =	sld [smem:$0x3FB0]  }
0x29: {  	s4 =	sld [smem:$0x3FB2]  }
0x2a: {  	p0 =	seq.s32 s5, $0x0;
	s5 =	sld [smem:$0x3FB3]  }
0x2b: {  	s6 =	sld [smem:$0x3FB4]  }
0x2c: {  	s7 =	sld [smem:$0x3FB5]  }
0x2d: {  	s3 =	simm.s32 $0x108;
	s8 =	sld [smem:$0x3FB6]  }
0x2e: {  	s3 =	simm.s32 @!p0 $0x1082;
	s9 =	sld [smem:$0x3FB7]  }
0x2f: {  	lr =	sadd.s32 s0, s3;
	s0 =	sld [smem:$0x3FAE]  }
0x30: {  	s3 =	sld [smem:$0x3FB1]  }
0x31: {  	[smem:$0x3FBA] =	sst s10  }
0x32: {  	s10 =	sld [smem:$0x3FB8];
	_ =	sdelay $0x3  }
0x33: {  	p0 =	seq.s32 s10, $0x1;
	s10 =	sld [smem:$0x3FBA];
	_ =	sdelay $0x3  }
0x34: {  	[smem:$0x3FBA] =	sst s10  }
0x35: {  	s10 =	sld [smem:$0x3FB9];
	_ =	sdelay $0x3  }
0x36: {  	p1 =	seq.s32 s10, $0x1;
	s10 =	sld [smem:$0x3FBA];
	_ =	sdelay $0x3  }
0x37: {  	[smem:$0x3FBA] =	sst s10  }
0x38: {  	s10 =	sld [smem:$0x3FBB]  }
0x39: {  	_ = 	snop;
	(pc) =	sbr.ind lr, $3  }
0x3a: {  	_ = 	snop  }
0x3b: {  	_ = 	snop  }
0x3c: {  	p2 =	seq.s32 s10, $0x1;
	s10 =	sld [smem:$0x3FBA]  }
0x3d: {  	_ =	shalt  }
0x3e: {  	_ =	shalt  }
0x3f: {  	_ =	shalt  }
0x40: {  	_ =	shalt  }
0x41: {  	_ =	shalt  }
0x42: {  	_ =	shalt  }
0x43: {  	_ =	shalt  }
0x44: {  	_ =	shalt  }
0x45: {  	_ =	shalt  }
0x46: {  	_ =	shalt  }
0x47: {  	_ =	shalt  }
0x48: {  	_ =	shalt  }
0x49: {  	_ =	shalt  }
0x4a: {  	_ =	shalt  }
0x4b: {  	_ =	shalt  }
0x4c: {  	_ =	shalt  }
0x4d: {  	_ =	shalt  }
0x4e: {  	_ =	shalt  }
0x4f: {  	_ =	shalt  }
0x50: {  	_ =	shalt  }
0x51: {  	_ =	shalt  }
0x52: {  	_ =	shalt  }
0x53: {  	_ =	shalt  }
0x54: {  	_ =	shalt  }
0x55: {  	_ =	shalt  }
0x56: {  	_ =	shalt  }
0x57: {  	_ =	shalt  }
0x58: {  	_ =	shalt  }
0x59: {  	_ =	shalt  }
0x5a: {  	_ =	shalt  }
0x5b: {  	_ =	shalt  }
0x5c: {  	_ =	shalt  }
0x5d: {  	_ =	shalt  }
0x5e: {  	_ =	shalt  }
0x5f: {  	_ =	shalt  }
0x60: {  	_ =	shalt  }
0x61: {  	_ =	shalt  }
0x62: {  	_ =	shalt  }
0x63: {  	_ =	shalt  }
0x64: {  	_ =	shalt  }
0x65: {  	_ =	shalt  }
0x66: {  	_ =	shalt  }
0x67: {  	_ =	shalt  }
0x68: {  	_ =	shalt  }
0x69: {  	_ =	shalt  }
0x6a: {  	_ =	shalt  }
0x6b: {  	_ =	shalt  }
0x6c: {  	_ =	shalt  }
0x6d: {  	_ =	shalt  }
0x6e: {  	_ =	shalt  }
0x6f: {  	_ =	shalt  }
0x70: {  	_ =	shalt  }
0x71: {  	_ =	shalt  }
0x72: {  	_ =	shalt  }
0x73: {  	_ =	shalt  }
0x74: {  	_ =	shalt  }
0x75: {  	_ =	shalt  }
0x76: {  	_ =	shalt  }
0x77: {  	_ =	shalt  }
0x78: {  	_ =	shalt  }
0x79: {  	_ =	shalt  }
0x7a: {  	_ =	shalt  }
0x7b: {  	_ =	shalt  }
0x7c: {  	_ =	shalt  }
0x7d: {  	_ =	shalt  }
0x7e: {  	_ =	shalt  }
0x7f: {  	_ =	shalt  }
0x80: {  	_ =	shalt  }
0x81: {  	_ =	shalt  }
0x82: {  	_ =	shalt  }
0x83: {  	_ =	shalt  }
0x84: {  	_ =	shalt  }
0x85: {  	_ =	shalt  }
0x86: {  	_ =	shalt  }
0x87: {  	_ =	shalt  }
.Lfunc_end0:
.L_simem_size_0:
called_computation_lowered:
.L_overlay_start_0:
0x88: {  	s2 =	sld [smem:$0x3FD9]  }
0x89: {  	s3 =	sld [smem:$0x3FFE];
	_ =	sdelay $0x1  }
0x8a: {  	s1 =	srdreg.scid  }
0x8b: {  	s0 =	sand.u32 $0x1, s1  }
0x8c: {  	s17 =	sshll.u32 s0, $0xA;
	s2 =	sadd.s32 s3, s2  }
0x8d: {  	s2 =	sadd.s32 s2, s17  }
0x8e: {  	[smem:$0x3FC6] =	sst s2  }
0x8f: {  	_ = 	snop  }
0x90: {  	s2 =	sld [smem:$0x3FC9];
	(tm) =	ssettm $0x1  }
0x91: {  	s18 =	sld [smem:$0x3FFB];
	_ =	sdelay $0x3  }
0x92: {  	_ =	strace s18  }
0x93: {  	s3 =	sld [smem:$0x3FFC];
	_ =	sdelay $0x3  }
0x94: {  	_ =	strace s3  }
0x95: {  	s3 =	sld [smem:$0x3FFD];
	_ =	sdelay $0x3  }
0x96: {  	_ =	strace s3  }
0x97: {  	_ =	strace $0x8FFFFFFF  }
0x98: {  	s19 =	sld [smem:$0x3FDB];
	_ =	sdelay $0x1  }
0x99: {  	s4 =	simm.s32 $_scs_section_size  }
0x9a: {  	s5 =	simm.s32 $_size__tile_overlayer_lowered;
	s6 =	simm.s32 $_tile_overlayer_lowered  }
0x9b: {  	s22 =	simm.s32 $0x1BFF;
	s21 =	sshll.u32 s6, $0x1;
	s3 =	sadd.s32 s4, s19  }
0x9c: {  	s7 =	simm.s32 $0x0;
	s20 =	sshll.u32 s5, $0x1;
	s5 =	sadd.s32 s21, s3  }
0x9d: {  	[timem:s7], [sflag:s22] =	dma.local [hbm:s5], s20  }
0x9e: {  	_ =	swait.ge [sflag:s22], s20  }
0x9f: {  	s4 =	ssub.s32 $0x0, s20;
	[sflag:s22] =	ssyncset.done $0x0  }
0xa0: {  	[sflag:s22] =	ssyncadd.s32 s4;
	_ =	sdelay $0x1  }
0xa1: {  	s23 =	simm.s32 $0x1B8B  }
0xa2: {  	_ =	swait.ge [sflag:s23], $0x1  }
0xa3: {  	[sflag:s23] =	ssyncset.done $0x0  }
0xa4: {  	s25 =	simm.s32 $0x1B8E;
	s24 =	sld [smem:$0x3FFE];
	[sflag:s23] =	ssyncadd.s32 $0xFFFFFFFF  }
0xa5: {  	s26 =	simm.s32 $execute0_lowered;
	[smem:$0x3FD2] =	sst s25  }
0xa6: {  	s5 =	sshll.u32 s26, $0x1;
	_ =	strace $0x80000046;
	[dreg:$0x1] =	wrdreg $0xFFFFFFFF  }
0xa7: {  	s28 =	simm.s32 $_size_execute0_lowered;
	s3 =	sadd.s32 s3, s5;
	[dreg:$0x0] =	wrdreg $0x0  }
0xa8: {  	s5 =	sshll.u32 s28, $0x1;
	[dreg:$0x2] =	wrdreg s3  }
0xa9: {  	[dreg:$0x3] =	wrdreg s5  }
0xaa: {  	[dreg:$0x4] =	wrdreg $0xC0  }
0xab: {  	_ =	task [dreg:s7], $0x5FFFF  }
0xac: {  	[dreg:$0x1] =	wrdreg $0xFFFFFFFF  }
0xad: {  	[dreg:$0x0] =	wrdreg $0x60  }
0xae: {  	[dreg:$0x2] =	wrdreg s2  }
0xaf: {  	[dreg:$0x3] =	wrdreg s24  }
0xb0: {  	[dreg:$0x4] =	wrdreg $0x9  }
0xb1: {  	_ =	task.clear_ibuf [dreg:s7], $0x5FFFF;
	_ =	strace $0x90000046  }
0xb2: {  	s29 =	simm.s32 $0x9;
	_ =	strace $0x80000048  }
0xb3: {  	_ =	swait.ge [sflag:s29], $0x1  }
0xb4: {  	[sflag:s29] =	ssyncadd.s32 $0xFFFFFFFF  }
0xb5: {  	_ =	strace $0x90000048  }
0xb6: {  	_ =	sfence  }
0xb7: {  	s30 =	sld [smem:$0x0];
	_ =	sdelay $0x2  }
0xb8: {  	s31 =	sshll.u32 s1, $0xD;
	s1 =	sshrl.u32 s1, $0x2  }
0xb9: {  	s3 =	sand.u32 $0x4000, s31;
	s1 =	sadd.s32 s1, s30  }
0xba: {  	s0 =	sor.u32 s3, s0;
	s1 =	sshll.u32 s1, $0x11  }
0xbb: {  	s0 =	sor.u32 s1, s0  }
0xbc: {  	s0 =	sadd.s32 $0x8F2B, s0  }
0xbd: {  	[sflag:s0] =	ssyncadd.remote.s32 $0x1  }
0xbe: {  	_ =	sfence.sel $0xFFFF  }
0xbf: {  	[dreg:$0x0] =	wrdreg $0xFFFFFFFF;
	(pc) =	sbr.abs _section_cstart, $3  }
0xc0: {  	[dreg:$0x1] =	wrdreg $0xFFFFFFFF  }
0xc1: {  	_ =	task.clear_ibuf [dreg:s7], $0x2FFFF;
	_ =	strace $0x9FFFFFFF  }
0xc2: {  	(tm) =	ssettm $0x7FFFFFFF  }
0xc3: {  	_ =	shalt  }
tec
execute0_lowered:
.L_overlay_start_1:
0x0: {  	(tag) =	ssettag $0x1  }
0x1: {  	s0 =	srdreg.scid;
	s5 =	stileid.u32  }
0x2: {  	s0 =	sand.u32 $0x1, s0;
	s1 =	sshll.u32 s5, $0x1  }
0x3: {  	s1 =	sor.u32 s0, s1  }
0x4: {  	p1 =	seq.s32 s0, $0x1;
	p0 =	seq.s32 s1, $0x0  }
0x5: {  	p0 =	por !p0, !p1  }
0x6: {  	s4 =	simm.s32 $0x1;
	p0 =	por !p0, !p0  }
0x7: {  	s2 =	rddreg [dreg:$0x0];
	s4 =	simm.s32 @!p0 $0x0  }
0x8: {  	s3 =	rddreg [dreg:$0x1];
	s4 =	ssub.s32 s5, s4  }
0x9: {  	s6 =	simm.s32 $0x0;
	s23 =	sshll.u32 s0, $0x11;
	s4 =	sshll.u32 s4, $0x12  }
0xa: {  	s14 =	simm.s32 $0x4000;
	s1 =	sshll.u32 s1, $0x4;
	s4 =	sor.u32 s23, s4  }
0xb: {  	s15 =	simm.s32 $0x8000;
	s1 =	sadd.s32 s1, s3;
	s4 =	sshrl.u32 s4, $0x3  }
0xc: {  	[smem:$0x7FF] =	sst s6;
	s1 =	sadd.s32 $0x1000, s1;
	s4 =	sadd.s32 s2, s4  }
0xd: {  	_ =	strace $0x80000047;
	[dreg:$0xa] =	wrdreg s1;
	s2 =	sadd.s32 $0x800, s4  }
0xe: {  	s16 =	simm.s32 $0x2;
	s25 =	sadd.s32 $0x1000, s4;
	[dreg:$0x3] =	wrdreg s2  }
0xf: {  	v0 =	vlaneseq.u32;
	v1 =	vimm.s32 $0x0;
	v3 =	vimm.s32 $0x1;
	s18 =	simm.s32 $0x3;
	s26 =	sadd.s32 $0x1800, s4;
	[dreg:$0x4] =	wrdreg s25  }
0x10: {  	vm0 =	vcmask $0x300;
	vm1 =	vcmask $0x33C;
	vm2 =	vcmask $0x73C;
	s19 =	simm.s32 $0x0;
	s28 =	sadd.s32 $0x2000, s4;
	[dreg:$0x5] =	wrdreg s26  }
0x11: {  	vm3 =	vcmask $0xB3C;
	vm4 =	vcmask $0xF3C;
	vm5 =	vcmask $0x133C;
	s0 =	ssub.s32 $0x2, s0;
	s29 =	sadd.s32 $0x2800, s4;
	[dreg:$0x6] =	wrdreg s28  }
0x12: {  	vm6 =	vcmask $0x173C;
	vm7 =	vcmask $0x1B3C;
	vm8 =	vcmask $0x1F3C;
	s24 =	sshrl.u32 s0, $0x1;
	s30 =	sadd.s32 $0x3000, s4;
	[dreg:$0x7] =	wrdreg s29  }
0x13: {  	vm9 =	vcmask $0x233C;
	vm10 =	vcmask $0x273C;
	v2 =	vmul.u32 $0x400, v0;
	s0 =	ssub.s32 s0, s24;
	s31 =	sadd.s32 $0x3800, s4;
	[dreg:$0x8] =	wrdreg s30  }
0x14: {  	vm11 =	vcmask $0x2B3C;
	vm12 =	vcmask $0x2F3C;
	vm13 =	vcmask $0x333C;
	s3 =	simm.s32 $0x1;
	s13 =	smax.u32 s0, $0x1;
	[dreg:$0x9] =	wrdreg s31  }
.LBB2_1:
0x15: {  	[tilespmem:s6], [sflag:$0x1] =	stream.linear.gather [hbm4b:s4+s6], $0x4000, $0x38;
	[tilespmem:$0xC480] =	vst v63  }
0x16: {  	s0 =	simm.s32 $0x8040  }
0x17: {  	[tilespmem:s0+$0xFFFFFFC0] =	vst v1  }
0x18: {  	[tilespmem:s0+$0x30] =	vst v1  }
0x19: {  	[tilespmem:s0+$0x20] =	vst v1  }
0x1a: {  	[tilespmem:s0+$0x10] =	vst v1  }
0x1b: {  	[tilespmem:s0+$0x0] =	vst v1  }
0x1c: {  	[tilespmem:s0+$0xFFFFFFF0] =	vst v1  }
0x1d: {  	s1 =	simm.s32 $0x0;
	[tilespmem:s0+$0xFFFFFFE0] =	vst v1  }
.LBB2_2:
0x1e: {  	s1 =	sadd.s32 $0x80, s1;
	[tilespmem:s0+$0xFFFFFFD0] =	vst v1;
	s0 =	sadd.s32 $0x80, s0  }
0x1f: {  	[tilespmem:s0+$0xFFFFFFC0] =	vst v1;
	p0 =	slt.u32 s1, $0x3F80  }
0x20: {  	[tilespmem:s0+$0x30] =	vst v1  }
.Ltmp0:
0x21: {  	[tilespmem:s0+$0x20] =	vst v1;
	(pc) =	sbr.rel @p0 .LBB2_2-.Ltmp0, $4  }
0x22: {  	[tilespmem:s0+$0x10] =	vst v1  }
0x23: {  	[tilespmem:s0+$0x0] =	vst v1  }
0x24: {  	[tilespmem:s0+$0xFFFFFFF0] =	vst v1  }
0x25: {  	[tilespmem:s0+$0xFFFFFFE0] =	vst v1  }
0x26: {  	[tilespmem:s0+$0xFFFFFFD0] =	vst v1;
	s28 =	simm.s32 $0x0  }
0x27: {  	s29 =	simm.s32 $0x0;
	s1 =	rddreg [dreg:$0x3];
	s2 =	sand.u32 $0x3000, s28  }
0x28: {  	[tilespmem:s14], [sflag:$0x2] =	stream.linear.gather [hbm4b:s1+s28], $0x4000, $0x38;
	[tilespmem:$0xC480] =	vst v63  }
0x29: {  	s1 =	sand.u32 $0x3000, s29;
	s2 =	sshrl.u32 s2, $0x2;
	_ =	swait.ge [sflag:s3], $0x4000  }
0x2a: {  	s0 =	sand.u32 $0x380, s28;
	s1 =	sor.u32 s2, s1;
	[sflag:s3] =	ssyncset.done $0x0  }
0x2b: {  	s2 =	sor.u32 s0, s1;
	[sflag:s3] =	ssyncadd.s32 $0xFFFFC000  }
0x2c: {  	v4 =	vld [tilespmem:s2+$0x60]  }
0x2d: {  	v5 =	vld [tilespmem:s2+$0x70];
	_ =	sdelay $0x2  }
0x2e: {  	v6 =	vld [tilespmem:s2+$0x0]  }
0x2f: {  	s30 =	simm.s32 $0x1000;
	v7 =	vld [tilespmem:s2+$0x20];
	v4 =	vshll.u32 v4, $0x5  }
0x30: {  	s0 =	simm.s32 $0x80;
	s1 =	sand.u32 $0x3000, s30;
	v8 =	vld [tilespmem:s2+$0x10];
	v4 =	vadd.s32 v5, v4  }
0x31: {  	s5 =	sand.u32 $0x3000, s0;
	s6 =	sshrl.u32 s1, $0x2;
	s1 =	simm.s32 $0x20;
	v9 =	vld [tilespmem:s2+$0x30];
	v4 =	vadd.s32 v2, v4  }
0x32: {  	s5 =	sor.u32 s6, s5;
	s31 =	sand.u32 $0x380, s1;
	v12 =	vld [tilespmem:s2+$0x50]  }
0x33: {  	v5 =	vld [tilespmem:s2+$0x40];
	s2 =	sor.u32 s31, s5  }
0x34: {  	v13 =	vld [tilespmem:s2+$0x60]  }
0x35: {  	v14 =	vld [tilespmem:s2+$0x70]  }
0x36: {  	[tilespmem:v4+s15+$0x0] =	vst.idx.add.s32.msk $0xffff, v3;
	v4 =	vshll.u32 v6, $0x5  }
0x37: {  	v11 =	vld [tilespmem:s2+$0x0];
	v6 =	vshll.u32 v7, $0x5;
	v4 =	vadd.s32 v8, v4  }
0x38: {  	v10 =	vld [tilespmem:s2+$0x20];
	v5 =	vshll.u32 v5, $0x5;
	v6 =	vadd.s32 v9, v6;
	v4 =	vadd.s32 v2, v4  }
0x39: {  	v7 =	vld [tilespmem:s2+$0x40];
	v8 =	vadd.s32 v12, v5;
	v5 =	vadd.s32 v2, v6  }
0x3a: {  	v9 =	vld [tilespmem:s2+$0x10];
	v12 =	vshll.u32 v13, $0x5;
	v6 =	vadd.s32 v2, v8  }
0x3b: {  	s5 =	simm.s32 $0x2000;
	v8 =	vld [tilespmem:s2+$0x30];
	v12 =	vadd.s32 v14, v12  }
.LBB2_4:
0x3c: {  	s0 =	sadd.s32 $0x80, s0;
	s6 =	sand.u32 $0x3000, s5;
	v11 =	vshll.u32 v11, $0x5;
	v13 =	vld [tilespmem:s2+$0x50];
	v12 =	vadd.s32 v2, v12  }
0x3d: {  	s1 =	sadd.s32 $0x20, s1;
	s2 =	sand.u32 $0x3000, s0;
	s6 =	sshrl.u32 s6, $0x2;
	v10 =	vshll.u32 v10, $0x5;
	[tilespmem:v4+s15+$0x0] =	vst.idx.add.s32.msk $0xffff, v3  }
0x3e: {  	s7 =	sand.u32 $0x380, s1;
	p0 =	slt.u32 s0, $0x3F80;
	s2 =	sor.u32 s6, s2;
	v7 =	vshll.u32 v7, $0x5;
	[tilespmem:v5+s15+$0x0] =	vst.idx.add.s32.msk $0xffff, v3  }
0x3f: {  	s2 =	sor.u32 s7, s2;
	v4 =	vadd.s32 v9, v11;
	[tilespmem:v6+s15+$0x0] =	vst.idx.add.s32.msk $0xffff, v3  }
0x40: {  	v14 =	vld [tilespmem:s2+$0x60];
	v4 =	vadd.s32 v2, v4;
	v5 =	vadd.s32 v8, v10  }
0x41: {  	v5 =	vadd.s32 v2, v5;
	v6 =	vadd.s32 v13, v7;
	[tilespmem:v12+s15+$0x0] =	vst.idx.add.s32.msk $0xffff, v3  }
0x42: {  	v12 =	vld [tilespmem:s2+$0x70];
	v6 =	vadd.s32 v2, v6  }
.Ltmp1:
0x43: {  	v11 =	vld [tilespmem:s2+$0x0];
	(pc) =	sbr.rel @p0 .LBB2_4-.Ltmp1, $4  }
0x44: {  	v10 =	vld [tilespmem:s2+$0x20]  }
0x45: {  	v7 =	vld [tilespmem:s2+$0x40]  }
0x46: {  	v13 =	vshll.u32 v14, $0x5;
	v9 =	vld [tilespmem:s2+$0x10]  }
0x47: {  	s5 =	sadd.s32 $0x1000, s5;
	v8 =	vld [tilespmem:s2+$0x30];
	v12 =	vadd.s32 v12, v13  }
0x48: {  	v13 =	vld [tilespmem:s2+$0x50];
	_ =	sdelay $0x1  }
0x49: {  	v11 =	vshll.u32 v11, $0x5  }
0x4a: {  	v12 =	vadd.s32 v2, v12;
	v10 =	vshll.u32 v10, $0x5;
	v9 =	vadd.s32 v9, v11  }
0x4b: {  	v7 =	vshll.u32 v7, $0x5;
	v9 =	vadd.s32 v2, v9;
	v8 =	vadd.s32 v8, v10  }
0x4c: {  	[tilespmem:v4+s15+$0x0] =	vst.idx.add.s32.msk $0xffff, v3;
	v4 =	vadd.s32 v2, v8;
	v7 =	vadd.s32 v13, v7  }
0x4d: {  	[tilespmem:v5+s15+$0x0] =	vst.idx.add.s32.msk $0xffff, v3;
	v5 =	vadd.s32 v2, v7  }
0x4e: {  	[tilespmem:v6+s15+$0x0] =	vst.idx.add.s32.msk $0xffff, v3  }
0x4f: {  	[tilespmem:v12+s15+$0x0] =	vst.idx.add.s32.msk $0xffff, v3  }
0x50: {  	[tilespmem:v9+s15+$0x0] =	vst.idx.add.s32.msk $0xffff, v3  }
0x51: {  	[tilespmem:v4+s15+$0x0] =	vst.idx.add.s32.msk $0xffff, v3  }
0x52: {  	s0 =	simm.s32 $0x0;
	[tilespmem:v5+s15+$0x0] =	vst.idx.add.s32.msk $0xffff, v3  }
0x53: {  	s28 =	simm.s32 $0x0;
	s29 =	sand.u32 $0x3000, s0;
	s1 =	rddreg [dreg:$0x4]  }
0x54: {  	[tilespmem:s0], [sflag:$0x1] =	stream.linear.gather [hbm4b:s1+s0], $0x4000, $0x38;
	[tilespmem:$0xC480] =	vst v63  }
0x55: {  	s2 =	sshrl.u32 s29, $0x2;
	s1 =	sand.u32 $0x3000, s28;
	_ =	swait.ge [sflag:s16], $0x4000  }
0x56: {  	s0 =	sand.u32 $0x380, s0;
	s1 =	sor.u32 s2, s1;
	[sflag:s16] =	ssyncset.done $0x0  }
0x57: {  	s2 =	sor.u32 s0, s1;
	[sflag:s16] =	ssyncadd.s32 $0xFFFFC000  }
0x58: {  	v4 =	vld [tilespmem:s2+$0x4060]  }
0x59: {  	v5 =	vld [tilespmem:s2+$0x4070];
	_ =	sdelay $0x2  }
0x5a: {  	v6 =	vld [tilespmem:s2+$0x4000]  }
0x5b: {  	s30 =	simm.s32 $0x1000;
	v7 =	vld [tilespmem:s2+$0x4020];
	v4 =	vshll.u32 v4, $0x5  }
0x5c: {  	s0 =	simm.s32 $0x80;
	s1 =	sand.u32 $0x3000, s30;
	v8 =	vld [tilespmem:s2+$0x4010];
	v4 =	vadd.s32 v5, v4  }
0x5d: {  	s5 =	sand.u32 $0x3000, s0;
	s6 =	sshrl.u32 s1, $0x2;
	s1 =	simm.s32 $0x20;
	v9 =	vld [tilespmem:s2+$0x4030];
	v4 =	vadd.s32 v2, v4  }
0x5e: {  	s5 =	sor.u32 s6, s5;
	s31 =	sand.u32 $0x380, s1;
	v12 =	vld [tilespmem:s2+$0x4050]  }
0x5f: {  	v5 =	vld [tilespmem:s2+$0x4040];
	s2 =	sor.u32 s31, s5  }
0x60: {  	v13 =	vld [tilespmem:s2+$0x4060]  }
0x61: {  	v14 =	vld [tilespmem:s2+$0x4070]  }
0x62: {  	[tilespmem:v4+s15+$0x0] =	vst.idx.add.s32.msk $0xffff, v3;
	v4 =	vshll.u32 v6, $0x5  }
0x63: {  	v11 =	vld [tilespmem:s2+$0x4000];
	v6 =	vshll.u32 v7, $0x5;
	v4 =	vadd.s32 v8, v4  }
0x64: {  	v10 =	vld [tilespmem:s2+$0x4020];
	v5 =	vshll.u32 v5, $0x5;
	v6 =	vadd.s32 v9, v6;
	v4 =	vadd.s32 v2, v4  }
0x65: {  	v7 =	vld [tilespmem:s2+$0x4040];
	v8 =	vadd.s32 v12, v5;
	v5 =	vadd.s32 v2, v6  }
0x66: {  	v9 =	vld [tilespmem:s2+$0x4010];
	v12 =	vshll.u32 v13, $0x5;
	v6 =	vadd.s32 v2, v8  }
0x67: {  	s5 =	simm.s32 $0x2000;
	v8 =	vld [tilespmem:s2+$0x4030];
	v12 =	vadd.s32 v14, v12  }
.LBB2_6:
0x68: {  	s0 =	sadd.s32 $0x80, s0;
	s6 =	sand.u32 $0x3000, s5;
	v11 =	vshll.u32 v11, $0x5;
	v13 =	vld [tilespmem:s2+$0x4050];
	v12 =	vadd.s32 v2, v12  }
0x69: {  	s1 =	sadd.s32 $0x20, s1;
	s2 =	sand.u32 $0x3000, s0;
	s6 =	sshrl.u32 s6, $0x2;
	v10 =	vshll.u32 v10, $0x5;
	[tilespmem:v4+s15+$0x0] =	vst.idx.add.s32.msk $0xffff, v3  }
0x6a: {  	s7 =	sand.u32 $0x380, s1;
	p0 =	slt.u32 s0, $0x3F80;
	s2 =	sor.u32 s6, s2;
	v7 =	vshll.u32 v7, $0x5;
	[tilespmem:v5+s15+$0x0] =	vst.idx.add.s32.msk $0xffff, v3  }
0x6b: {  	s2 =	sor.u32 s7, s2;
	v4 =	vadd.s32 v9, v11;
	[tilespmem:v6+s15+$0x0] =	vst.idx.add.s32.msk $0xffff, v3  }
0x6c: {  	v14 =	vld [tilespmem:s2+$0x4060];
	v4 =	vadd.s32 v2, v4;
	v5 =	vadd.s32 v8, v10  }
0x6d: {  	v5 =	vadd.s32 v2, v5;
	v6 =	vadd.s32 v13, v7;
	[tilespmem:v12+s15+$0x0] =	vst.idx.add.s32.msk $0xffff, v3  }
0x6e: {  	v12 =	vld [tilespmem:s2+$0x4070];
	v6 =	vadd.s32 v2, v6  }
.Ltmp2:
0x6f: {  	v11 =	vld [tilespmem:s2+$0x4000];
	(pc) =	sbr.rel @p0 .LBB2_6-.Ltmp2, $4  }
0x70: {  	v10 =	vld [tilespmem:s2+$0x4020]  }
0x71: {  	v7 =	vld [tilespmem:s2+$0x4040]  }
0x72: {  	v13 =	vshll.u32 v14, $0x5;
	v9 =	vld [tilespmem:s2+$0x4010]  }
0x73: {  	s5 =	sadd.s32 $0x1000, s5;
	v8 =	vld [tilespmem:s2+$0x4030];
	v12 =	vadd.s32 v12, v13  }
0x74: {  	v13 =	vld [tilespmem:s2+$0x4050];
	_ =	sdelay $0x1  }
0x75: {  	v11 =	vshll.u32 v11, $0x5  }
0x76: {  	v12 =	vadd.s32 v2, v12;
	v10 =	vshll.u32 v10, $0x5;
	v9 =	vadd.s32 v9, v11  }
0x77: {  	v7 =	vshll.u32 v7, $0x5;
	v9 =	vadd.s32 v2, v9;
	v8 =	vadd.s32 v8, v10  }
0x78: {  	[tilespmem:v4+s15+$0x0] =	vst.idx.add.s32.msk $0xffff, v3;
	v4 =	vadd.s32 v2, v8;
	v7 =	vadd.s32 v13, v7  }
0x79: {  	[tilespmem:v5+s15+$0x0] =	vst.idx.add.s32.msk $0xffff, v3;
	v5 =	vadd.s32 v2, v7  }
0x7a: {  	[tilespmem:v6+s15+$0x0] =	vst.idx.add.s32.msk $0xffff, v3  }
0x7b: {  	[tilespmem:v12+s15+$0x0] =	vst.idx.add.s32.msk $0xffff, v3  }
0x7c: {  	[tilespmem:v9+s15+$0x0] =	vst.idx.add.s32.msk $0xffff, v3  }
0x7d: {  	[tilespmem:v4+s15+$0x0] =	vst.idx.add.s32.msk $0xffff, v3  }
0x7e: {  	s0 =	simm.s32 $0x0;
	[tilespmem:v5+s15+$0x0] =	vst.idx.add.s32.msk $0xffff, v3  }
0x7f: {  	s28 =	simm.s32 $0x0;
	s29 =	sand.u32 $0x3000, s0;
	s1 =	rddreg [dreg:$0x5]  }
0x80: {  	[tilespmem:s14], [sflag:$0x2] =	stream.linear.gather [hbm4b:s1+s0], $0x4000, $0x38;
	[tilespmem:$0xC480] =	vst v63  }
0x81: {  	s2 =	sshrl.u32 s29, $0x2;
	s1 =	sand.u32 $0x3000, s28;
	_ =	swait.ge [sflag:s3], $0x4000  }
0x82: {  	s0 =	sand.u32 $0x380, s0;
	s1 =	sor.u32 s2, s1;
	[sflag:s3] =	ssyncset.done $0x0  }
0x83: {  	s2 =	sor.u32 s0, s1;
	[sflag:s3] =	ssyncadd.s32 $0xFFFFC000  }
0x84: {  	v4 =	vld [tilespmem:s2+$0x60]  }
0x85: {  	v5 =	vld [tilespmem:s2+$0x70];
	_ =	sdelay $0x2  }
0x86: {  	v6 =	vld [tilespmem:s2+$0x0]  }
0x87: {  	s30 =	simm.s32 $0x1000;
	v7 =	vld [tilespmem:s2+$0x20];
	v4 =	vshll.u32 v4, $0x5  }
0x88: {  	s0 =	simm.s32 $0x80;
	s1 =	sand.u32 $0x3000, s30;
	v8 =	vld [tilespmem:s2+$0x10];
	v4 =	vadd.s32 v5, v4  }
0x89: {  	s5 =	sand.u32 $0x3000, s0;
	s6 =	sshrl.u32 s1, $0x2;
	s1 =	simm.s32 $0x20;
	v9 =	vld [tilespmem:s2+$0x30];
	v4 =	vadd.s32 v2, v4  }
0x8a: {  	s5 =	sor.u32 s6, s5;
	s31 =	sand.u32 $0x380, s1;
	v12 =	vld [tilespmem:s2+$0x50]  }
0x8b: {  	v5 =	vld [tilespmem:s2+$0x40];
	s2 =	sor.u32 s31, s5  }
0x8c: {  	v13 =	vld [tilespmem:s2+$0x60]  }
0x8d: {  	v14 =	vld [tilespmem:s2+$0x70]  }
0x8e: {  	[tilespmem:v4+s15+$0x0] =	vst.idx.add.s32.msk $0xffff, v3;
	v4 =	vshll.u32 v6, $0x5  }
0x8f: {  	v11 =	vld [tilespmem:s2+$0x0];
	v6 =	vshll.u32 v7, $0x5;
	v4 =	vadd.s32 v8, v4  }
0x90: {  	v10 =	vld [tilespmem:s2+$0x20];
	v5 =	vshll.u32 v5, $0x5;
	v6 =	vadd.s32 v9, v6;
	v4 =	vadd.s32 v2, v4  }
0x91: {  	v7 =	vld [tilespmem:s2+$0x40];
	v8 =	vadd.s32 v12, v5;
	v5 =	vadd.s32 v2, v6  }
0x92: {  	v9 =	vld [tilespmem:s2+$0x10];
	v12 =	vshll.u32 v13, $0x5;
	v6 =	vadd.s32 v2, v8  }
0x93: {  	s5 =	simm.s32 $0x2000;
	v8 =	vld [tilespmem:s2+$0x30];
	v12 =	vadd.s32 v14, v12  }
.LBB2_8:
0x94: {  	s0 =	sadd.s32 $0x80, s0;
	s6 =	sand.u32 $0x3000, s5;
	v11 =	vshll.u32 v11, $0x5;
	v13 =	vld [tilespmem:s2+$0x50];
	v12 =	vadd.s32 v2, v12  }
0x95: {  	s1 =	sadd.s32 $0x20, s1;
	s2 =	sand.u32 $0x3000, s0;
	s6 =	sshrl.u32 s6, $0x2;
	v10 =	vshll.u32 v10, $0x5;
	[tilespmem:v4+s15+$0x0] =	vst.idx.add.s32.msk $0xffff, v3  }
0x96: {  	s7 =	sand.u32 $0x380, s1;
	p0 =	slt.u32 s0, $0x3F80;
	s2 =	sor.u32 s6, s2;
	v7 =	vshll.u32 v7, $0x5;
	[tilespmem:v5+s15+$0x0] =	vst.idx.add.s32.msk $0xffff, v3  }
0x97: {  	s2 =	sor.u32 s7, s2;
	v4 =	vadd.s32 v9, v11;
	[tilespmem:v6+s15+$0x0] =	vst.idx.add.s32.msk $0xffff, v3  }
0x98: {  	v14 =	vld [tilespmem:s2+$0x60];
	v4 =	vadd.s32 v2, v4;
	v5 =	vadd.s32 v8, v10  }
0x99: {  	v5 =	vadd.s32 v2, v5;
	v6 =	vadd.s32 v13, v7;
	[tilespmem:v12+s15+$0x0] =	vst.idx.add.s32.msk $0xffff, v3  }
0x9a: {  	v12 =	vld [tilespmem:s2+$0x70];
	v6 =	vadd.s32 v2, v6  }
.Ltmp3:
0x9b: {  	v11 =	vld [tilespmem:s2+$0x0];
	(pc) =	sbr.rel @p0 .LBB2_8-.Ltmp3, $4  }
0x9c: {  	v10 =	vld [tilespmem:s2+$0x20]  }
0x9d: {  	v7 =	vld [tilespmem:s2+$0x40]  }
0x9e: {  	v13 =	vshll.u32 v14, $0x5;
	v9 =	vld [tilespmem:s2+$0x10]  }
0x9f: {  	s5 =	sadd.s32 $0x1000, s5;
	v8 =	vld [tilespmem:s2+$0x30];
	v12 =	vadd.s32 v12, v13  }
0xa0: {  	v13 =	vld [tilespmem:s2+$0x50];
	_ =	sdelay $0x1  }
0xa1: {  	v11 =	vshll.u32 v11, $0x5  }
0xa2: {  	v12 =	vadd.s32 v2, v12;
	v10 =	vshll.u32 v10, $0x5;
	v9 =	vadd.s32 v9, v11  }
0xa3: {  	v7 =	vshll.u32 v7, $0x5;
	v9 =	vadd.s32 v2, v9;
	v8 =	vadd.s32 v8, v10  }
0xa4: {  	[tilespmem:v4+s15+$0x0] =	vst.idx.add.s32.msk $0xffff, v3;
	v4 =	vadd.s32 v2, v8;
	v7 =	vadd.s32 v13, v7  }
0xa5: {  	[tilespmem:v5+s15+$0x0] =	vst.idx.add.s32.msk $0xffff, v3;
	v5 =	vadd.s32 v2, v7  }
0xa6: {  	[tilespmem:v6+s15+$0x0] =	vst.idx.add.s32.msk $0xffff, v3  }
0xa7: {  	[tilespmem:v12+s15+$0x0] =	vst.idx.add.s32.msk $0xffff, v3  }
0xa8: {  	[tilespmem:v9+s15+$0x0] =	vst.idx.add.s32.msk $0xffff, v3  }
0xa9: {  	[tilespmem:v4+s15+$0x0] =	vst.idx.add.s32.msk $0xffff, v3  }
0xaa: {  	s0 =	simm.s32 $0x0;
	[tilespmem:v5+s15+$0x0] =	vst.idx.add.s32.msk $0xffff, v3  }
0xab: {  	s28 =	simm.s32 $0x0;
	s29 =	sand.u32 $0x3000, s0;
	s1 =	rddreg [dreg:$0x6]  }
0xac: {  	[tilespmem:s0], [sflag:$0x1] =	stream.linear.gather [hbm4b:s1+s0], $0x4000, $0x38;
	[tilespmem:$0xC480] =	vst v63  }
0xad: {  	s2 =	sshrl.u32 s29, $0x2;
	s1 =	sand.u32 $0x3000, s28;
	_ =	swait.ge [sflag:s16], $0x4000  }
0xae: {  	s0 =	sand.u32 $0x380, s0;
	s1 =	sor.u32 s2, s1;
	[sflag:s16] =	ssyncset.done $0x0  }
0xaf: {  	s2 =	sor.u32 s0, s1;
	[sflag:s16] =	ssyncadd.s32 $0xFFFFC000  }
0xb0: {  	v4 =	vld [tilespmem:s2+$0x4060]  }
0xb1: {  	v5 =	vld [tilespmem:s2+$0x4070];
	_ =	sdelay $0x2  }
0xb2: {  	v6 =	vld [tilespmem:s2+$0x4000]  }
0xb3: {  	s30 =	simm.s32 $0x1000;
	v7 =	vld [tilespmem:s2+$0x4020];
	v4 =	vshll.u32 v4, $0x5  }
0xb4: {  	s0 =	simm.s32 $0x80;
	s1 =	sand.u32 $0x3000, s30;
	v8 =	vld [tilespmem:s2+$0x4010];
	v4 =	vadd.s32 v5, v4  }
0xb5: {  	s5 =	sand.u32 $0x3000, s0;
	s6 =	sshrl.u32 s1, $0x2;
	s1 =	simm.s32 $0x20;
	v9 =	vld [tilespmem:s2+$0x4030];
	v4 =	vadd.s32 v2, v4  }
0xb6: {  	s5 =	sor.u32 s6, s5;
	s31 =	sand.u32 $0x380, s1;
	v12 =	vld [tilespmem:s2+$0x4050]  }
0xb7: {  	v5 =	vld [tilespmem:s2+$0x4040];
	s2 =	sor.u32 s31, s5  }
0xb8: {  	v13 =	vld [tilespmem:s2+$0x4060]  }
0xb9: {  	v14 =	vld [tilespmem:s2+$0x4070]  }
0xba: {  	[tilespmem:v4+s15+$0x0] =	vst.idx.add.s32.msk $0xffff, v3;
	v4 =	vshll.u32 v6, $0x5  }
0xbb: {  	v11 =	vld [tilespmem:s2+$0x4000];
	v6 =	vshll.u32 v7, $0x5;
	v4 =	vadd.s32 v8, v4  }
0xbc: {  	v10 =	vld [tilespmem:s2+$0x4020];
	v5 =	vshll.u32 v5, $0x5;
	v6 =	vadd.s32 v9, v6;
	v4 =	vadd.s32 v2, v4  }
0xbd: {  	v7 =	vld [tilespmem:s2+$0x4040];
	v8 =	vadd.s32 v12, v5;
	v5 =	vadd.s32 v2, v6  }
0xbe: {  	v9 =	vld [tilespmem:s2+$0x4010];
	v12 =	vshll.u32 v13, $0x5;
	v6 =	vadd.s32 v2, v8  }
0xbf: {  	s5 =	simm.s32 $0x2000;
	v8 =	vld [tilespmem:s2+$0x4030];
	v12 =	vadd.s32 v14, v12  }
.LBB2_10:
0xc0: {  	s0 =	sadd.s32 $0x80, s0;
	s6 =	sand.u32 $0x3000, s5;
	v11 =	vshll.u32 v11, $0x5;
	v13 =	vld [tilespmem:s2+$0x4050];
	v12 =	vadd.s32 v2, v12  }
0xc1: {  	s1 =	sadd.s32 $0x20, s1;
	s2 =	sand.u32 $0x3000, s0;
	s6 =	sshrl.u32 s6, $0x2;
	v10 =	vshll.u32 v10, $0x5;
	[tilespmem:v4+s15+$0x0] =	vst.idx.add.s32.msk $0xffff, v3  }
0xc2: {  	s7 =	sand.u32 $0x380, s1;
	p0 =	slt.u32 s0, $0x3F80;
	s2 =	sor.u32 s6, s2;
	v7 =	vshll.u32 v7, $0x5;
	[tilespmem:v5+s15+$0x0] =	vst.idx.add.s32.msk $0xffff, v3  }
0xc3: {  	s2 =	sor.u32 s7, s2;
	v4 =	vadd.s32 v9, v11;
	[tilespmem:v6+s15+$0x0] =	vst.idx.add.s32.msk $0xffff, v3  }
0xc4: {  	v14 =	vld [tilespmem:s2+$0x4060];
	v4 =	vadd.s32 v2, v4;
	v5 =	vadd.s32 v8, v10  }
0xc5: {  	v5 =	vadd.s32 v2, v5;
	v6 =	vadd.s32 v13, v7;
	[tilespmem:v12+s15+$0x0] =	vst.idx.add.s32.msk $0xffff, v3  }
0xc6: {  	v12 =	vld [tilespmem:s2+$0x4070];
	v6 =	vadd.s32 v2, v6  }
.Ltmp4:
0xc7: {  	v11 =	vld [tilespmem:s2+$0x4000];
	(pc) =	sbr.rel @p0 .LBB2_10-.Ltmp4, $4  }
0xc8: {  	v10 =	vld [tilespmem:s2+$0x4020]  }
0xc9: {  	v7 =	vld [tilespmem:s2+$0x4040]  }
0xca: {  	v13 =	vshll.u32 v14, $0x5;
	v9 =	vld [tilespmem:s2+$0x4010]  }
0xcb: {  	s5 =	sadd.s32 $0x1000, s5;
	v8 =	vld [tilespmem:s2+$0x4030];
	v12 =	vadd.s32 v12, v13  }
0xcc: {  	v13 =	vld [tilespmem:s2+$0x4050];
	_ =	sdelay $0x1  }
0xcd: {  	v11 =	vshll.u32 v11, $0x5  }
0xce: {  	v12 =	vadd.s32 v2, v12;
	v10 =	vshll.u32 v10, $0x5;
	v9 =	vadd.s32 v9, v11  }
0xcf: {  	v7 =	vshll.u32 v7, $0x5;
	v9 =	vadd.s32 v2, v9;
	v8 =	vadd.s32 v8, v10  }
0xd0: {  	[tilespmem:v4+s15+$0x0] =	vst.idx.add.s32.msk $0xffff, v3;
	v4 =	vadd.s32 v2, v8;
	v7 =	vadd.s32 v13, v7  }
0xd1: {  	[tilespmem:v5+s15+$0x0] =	vst.idx.add.s32.msk $0xffff, v3;
	v5 =	vadd.s32 v2, v7  }
0xd2: {  	[tilespmem:v6+s15+$0x0] =	vst.idx.add.s32.msk $0xffff, v3  }
0xd3: {  	[tilespmem:v12+s15+$0x0] =	vst.idx.add.s32.msk $0xffff, v3  }
0xd4: {  	[tilespmem:v9+s15+$0x0] =	vst.idx.add.s32.msk $0xffff, v3  }
0xd5: {  	[tilespmem:v4+s15+$0x0] =	vst.idx.add.s32.msk $0xffff, v3  }
0xd6: {  	s0 =	simm.s32 $0x0;
	[tilespmem:v5+s15+$0x0] =	vst.idx.add.s32.msk $0xffff, v3  }
0xd7: {  	s28 =	simm.s32 $0x0;
	s29 =	sand.u32 $0x3000, s0;
	s1 =	rddreg [dreg:$0x7]  }
0xd8: {  	[tilespmem:s14], [sflag:$0x2] =	stream.linear.gather [hbm4b:s1+s0], $0x4000, $0x38;
	[tilespmem:$0xC480] =	vst v63  }
0xd9: {  	s2 =	sshrl.u32 s29, $0x2;
	s1 =	sand.u32 $0x3000, s28;
	_ =	swait.ge [sflag:s3], $0x4000  }
0xda: {  	s0 =	sand.u32 $0x380, s0;
	s1 =	sor.u32 s2, s1;
	[sflag:s3] =	ssyncset.done $0x0  }
0xdb: {  	s2 =	sor.u32 s0, s1;
	[sflag:s3] =	ssyncadd.s32 $0xFFFFC000  }
0xdc: {  	v4 =	vld [tilespmem:s2+$0x60]  }
0xdd: {  	v5 =	vld [tilespmem:s2+$0x70];
	_ =	sdelay $0x2  }
0xde: {  	v6 =	vld [tilespmem:s2+$0x0]  }
0xdf: {  	s30 =	simm.s32 $0x1000;
	v7 =	vld [tilespmem:s2+$0x20];
	v4 =	vshll.u32 v4, $0x5  }
0xe0: {  	s0 =	simm.s32 $0x80;
	s1 =	sand.u32 $0x3000, s30;
	v8 =	vld [tilespmem:s2+$0x10];
	v4 =	vadd.s32 v5, v4  }
0xe1: {  	s5 =	sand.u32 $0x3000, s0;
	s6 =	sshrl.u32 s1, $0x2;
	s1 =	simm.s32 $0x20;
	v9 =	vld [tilespmem:s2+$0x30];
	v4 =	vadd.s32 v2, v4  }
0xe2: {  	s5 =	sor.u32 s6, s5;
	s31 =	sand.u32 $0x380, s1;
	v12 =	vld [tilespmem:s2+$0x50]  }
0xe3: {  	v5 =	vld [tilespmem:s2+$0x40];
	s2 =	sor.u32 s31, s5  }
0xe4: {  	v13 =	vld [tilespmem:s2+$0x60]  }
0xe5: {  	v14 =	vld [tilespmem:s2+$0x70]  }
0xe6: {  	[tilespmem:v4+s15+$0x0] =	vst.idx.add.s32.msk $0xffff, v3;
	v4 =	vshll.u32 v6, $0x5  }
0xe7: {  	v11 =	vld [tilespmem:s2+$0x0];
	v6 =	vshll.u32 v7, $0x5;
	v4 =	vadd.s32 v8, v4  }
0xe8: {  	v10 =	vld [tilespmem:s2+$0x20];
	v5 =	vshll.u32 v5, $0x5;
	v6 =	vadd.s32 v9, v6;
	v4 =	vadd.s32 v2, v4  }
0xe9: {  	v7 =	vld [tilespmem:s2+$0x40];
	v8 =	vadd.s32 v12, v5;
	v5 =	vadd.s32 v2, v6  }
0xea: {  	v9 =	vld [tilespmem:s2+$0x10];
	v12 =	vshll.u32 v13, $0x5;
	v6 =	vadd.s32 v2, v8  }
0xeb: {  	s5 =	simm.s32 $0x2000;
	v8 =	vld [tilespmem:s2+$0x30];
	v12 =	vadd.s32 v14, v12  }
.LBB2_12:
0xec: {  	s0 =	sadd.s32 $0x80, s0;
	s6 =	sand.u32 $0x3000, s5;
	v11 =	vshll.u32 v11, $0x5;
	v13 =	vld [tilespmem:s2+$0x50];
	v12 =	vadd.s32 v2, v12  }
0xed: {  	s1 =	sadd.s32 $0x20, s1;
	s2 =	sand.u32 $0x3000, s0;
	s6 =	sshrl.u32 s6, $0x2;
	v10 =	vshll.u32 v10, $0x5;
	[tilespmem:v4+s15+$0x0] =	vst.idx.add.s32.msk $0xffff, v3  }
0xee: {  	s7 =	sand.u32 $0x380, s1;
	p0 =	slt.u32 s0, $0x3F80;
	s2 =	sor.u32 s6, s2;
	v7 =	vshll.u32 v7, $0x5;
	[tilespmem:v5+s15+$0x0] =	vst.idx.add.s32.msk $0xffff, v3  }
0xef: {  	s2 =	sor.u32 s7, s2;
	v4 =	vadd.s32 v9, v11;
	[tilespmem:v6+s15+$0x0] =	vst.idx.add.s32.msk $0xffff, v3  }
0xf0: {  	v14 =	vld [tilespmem:s2+$0x60];
	v4 =	vadd.s32 v2, v4;
	v5 =	vadd.s32 v8, v10  }
0xf1: {  	v5 =	vadd.s32 v2, v5;
	v6 =	vadd.s32 v13, v7;
	[tilespmem:v12+s15+$0x0] =	vst.idx.add.s32.msk $0xffff, v3  }
0xf2: {  	v12 =	vld [tilespmem:s2+$0x70];
	v6 =	vadd.s32 v2, v6  }
.Ltmp5:
0xf3: {  	v11 =	vld [tilespmem:s2+$0x0];
	(pc) =	sbr.rel @p0 .LBB2_12-.Ltmp5, $4  }
0xf4: {  	v10 =	vld [tilespmem:s2+$0x20]  }
0xf5: {  	v7 =	vld [tilespmem:s2+$0x40]  }
0xf6: {  	v13 =	vshll.u32 v14, $0x5;
	v9 =	vld [tilespmem:s2+$0x10]  }
0xf7: {  	s5 =	sadd.s32 $0x1000, s5;
	v8 =	vld [tilespmem:s2+$0x30];
	v12 =	vadd.s32 v12, v13  }
0xf8: {  	v13 =	vld [tilespmem:s2+$0x50];
	_ =	sdelay $0x1  }
0xf9: {  	v11 =	vshll.u32 v11, $0x5  }
0xfa: {  	v12 =	vadd.s32 v2, v12;
	v10 =	vshll.u32 v10, $0x5;
	v9 =	vadd.s32 v9, v11  }
0xfb: {  	v7 =	vshll.u32 v7, $0x5;
	v9 =	vadd.s32 v2, v9;
	v8 =	vadd.s32 v8, v10  }
0xfc: {  	[tilespmem:v4+s15+$0x0] =	vst.idx.add.s32.msk $0xffff, v3;
	v4 =	vadd.s32 v2, v8;
	v7 =	vadd.s32 v13, v7  }
0xfd: {  	[tilespmem:v5+s15+$0x0] =	vst.idx.add.s32.msk $0xffff, v3;
	v5 =	vadd.s32 v2, v7  }
0xfe: {  	[tilespmem:v6+s15+$0x0] =	vst.idx.add.s32.msk $0xffff, v3  }
0xff: {  	[tilespmem:v12+s15+$0x0] =	vst.idx.add.s32.msk $0xffff, v3  }
0x100: {  	[tilespmem:v9+s15+$0x0] =	vst.idx.add.s32.msk $0xffff, v3  }
0x101: {  	[tilespmem:v4+s15+$0x0] =	vst.idx.add.s32.msk $0xffff, v3  }
0x102: {  	s0 =	simm.s32 $0x0;
	[tilespmem:v5+s15+$0x0] =	vst.idx.add.s32.msk $0xffff, v3  }
0x103: {  	s28 =	simm.s32 $0x0;
	s29 =	sand.u32 $0x3000, s0;
	s1 =	rddreg [dreg:$0x8]  }
0x104: {  	[tilespmem:s0], [sflag:$0x1] =	stream.linear.gather [hbm4b:s1+s0], $0x4000, $0x38;
	[tilespmem:$0xC480] =	vst v63  }
0x105: {  	s2 =	sshrl.u32 s29, $0x2;
	s1 =	sand.u32 $0x3000, s28;
	_ =	swait.ge [sflag:s16], $0x4000  }
0x106: {  	s0 =	sand.u32 $0x380, s0;
	s1 =	sor.u32 s2, s1;
	[sflag:s16] =	ssyncset.done $0x0  }
0x107: {  	s2 =	sor.u32 s0, s1;
	[sflag:s16] =	ssyncadd.s32 $0xFFFFC000  }
0x108: {  	v4 =	vld [tilespmem:s2+$0x4060]  }
0x109: {  	v5 =	vld [tilespmem:s2+$0x4070];
	_ =	sdelay $0x2  }
0x10a: {  	v6 =	vld [tilespmem:s2+$0x4000]  }
0x10b: {  	s30 =	simm.s32 $0x1000;
	v7 =	vld [tilespmem:s2+$0x4020];
	v4 =	vshll.u32 v4, $0x5  }
0x10c: {  	s0 =	simm.s32 $0x80;
	s1 =	sand.u32 $0x3000, s30;
	v8 =	vld [tilespmem:s2+$0x4010];
	v4 =	vadd.s32 v5, v4  }
0x10d: {  	s5 =	sand.u32 $0x3000, s0;
	s6 =	sshrl.u32 s1, $0x2;
	s1 =	simm.s32 $0x20;
	v9 =	vld [tilespmem:s2+$0x4030];
	v4 =	vadd.s32 v2, v4  }
0x10e: {  	s5 =	sor.u32 s6, s5;
	s31 =	sand.u32 $0x380, s1;
	v12 =	vld [tilespmem:s2+$0x4050]  }
0x10f: {  	v5 =	vld [tilespmem:s2+$0x4040];
	s2 =	sor.u32 s31, s5  }
0x110: {  	v13 =	vld [tilespmem:s2+$0x4060]  }
0x111: {  	v14 =	vld [tilespmem:s2+$0x4070]  }
0x112: {  	[tilespmem:v4+s15+$0x0] =	vst.idx.add.s32.msk $0xffff, v3;
	v4 =	vshll.u32 v6, $0x5  }
0x113: {  	v11 =	vld [tilespmem:s2+$0x4000];
	v6 =	vshll.u32 v7, $0x5;
	v4 =	vadd.s32 v8, v4  }
0x114: {  	v10 =	vld [tilespmem:s2+$0x4020];
	v5 =	vshll.u32 v5, $0x5;
	v6 =	vadd.s32 v9, v6;
	v4 =	vadd.s32 v2, v4  }
0x115: {  	v7 =	vld [tilespmem:s2+$0x4040];
	v8 =	vadd.s32 v12, v5;
	v5 =	vadd.s32 v2, v6  }
0x116: {  	v9 =	vld [tilespmem:s2+$0x4010];
	v12 =	vshll.u32 v13, $0x5;
	v6 =	vadd.s32 v2, v8  }
0x117: {  	s5 =	simm.s32 $0x2000;
	v8 =	vld [tilespmem:s2+$0x4030];
	v12 =	vadd.s32 v14, v12  }
.LBB2_14:
0x118: {  	s0 =	sadd.s32 $0x80, s0;
	s6 =	sand.u32 $0x3000, s5;
	v11 =	vshll.u32 v11, $0x5;
	v13 =	vld [tilespmem:s2+$0x4050];
	v12 =	vadd.s32 v2, v12  }
0x119: {  	s1 =	sadd.s32 $0x20, s1;
	s2 =	sand.u32 $0x3000, s0;
	s6 =	sshrl.u32 s6, $0x2;
	v10 =	vshll.u32 v10, $0x5;
	[tilespmem:v4+s15+$0x0] =	vst.idx.add.s32.msk $0xffff, v3  }
0x11a: {  	s7 =	sand.u32 $0x380, s1;
	p0 =	slt.u32 s0, $0x3F80;
	s2 =	sor.u32 s6, s2;
	v7 =	vshll.u32 v7, $0x5;
	[tilespmem:v5+s15+$0x0] =	vst.idx.add.s32.msk $0xffff, v3  }
0x11b: {  	s2 =	sor.u32 s7, s2;
	v4 =	vadd.s32 v9, v11;
	[tilespmem:v6+s15+$0x0] =	vst.idx.add.s32.msk $0xffff, v3  }
0x11c: {  	v14 =	vld [tilespmem:s2+$0x4060];
	v4 =	vadd.s32 v2, v4;
	v5 =	vadd.s32 v8, v10  }
0x11d: {  	v5 =	vadd.s32 v2, v5;
	v6 =	vadd.s32 v13, v7;
	[tilespmem:v12+s15+$0x0] =	vst.idx.add.s32.msk $0xffff, v3  }
0x11e: {  	v12 =	vld [tilespmem:s2+$0x4070];
	v6 =	vadd.s32 v2, v6  }
.Ltmp6:
0x11f: {  	v11 =	vld [tilespmem:s2+$0x4000];
	(pc) =	sbr.rel @p0 .LBB2_14-.Ltmp6, $4  }
0x120: {  	v10 =	vld [tilespmem:s2+$0x4020]  }
0x121: {  	v7 =	vld [tilespmem:s2+$0x4040]  }
0x122: {  	v13 =	vshll.u32 v14, $0x5;
	v9 =	vld [tilespmem:s2+$0x4010]  }
0x123: {  	s5 =	sadd.s32 $0x1000, s5;
	v8 =	vld [tilespmem:s2+$0x4030];
	v12 =	vadd.s32 v12, v13  }
0x124: {  	v13 =	vld [tilespmem:s2+$0x4050];
	_ =	sdelay $0x1  }
0x125: {  	v11 =	vshll.u32 v11, $0x5  }
0x126: {  	v12 =	vadd.s32 v2, v12;
	v10 =	vshll.u32 v10, $0x5;
	v9 =	vadd.s32 v9, v11  }
0x127: {  	v7 =	vshll.u32 v7, $0x5;
	v9 =	vadd.s32 v2, v9;
	v8 =	vadd.s32 v8, v10  }
0x128: {  	[tilespmem:v4+s15+$0x0] =	vst.idx.add.s32.msk $0xffff, v3;
	v4 =	vadd.s32 v2, v8;
	v7 =	vadd.s32 v13, v7  }
0x129: {  	[tilespmem:v5+s15+$0x0] =	vst.idx.add.s32.msk $0xffff, v3;
	v5 =	vadd.s32 v2, v7  }
0x12a: {  	[tilespmem:v6+s15+$0x0] =	vst.idx.add.s32.msk $0xffff, v3  }
0x12b: {  	[tilespmem:v12+s15+$0x0] =	vst.idx.add.s32.msk $0xffff, v3  }
0x12c: {  	[tilespmem:v9+s15+$0x0] =	vst.idx.add.s32.msk $0xffff, v3  }
0x12d: {  	[tilespmem:v4+s15+$0x0] =	vst.idx.add.s32.msk $0xffff, v3  }
0x12e: {  	s0 =	simm.s32 $0x0;
	[tilespmem:v5+s15+$0x0] =	vst.idx.add.s32.msk $0xffff, v3  }
0x12f: {  	s28 =	simm.s32 $0x0;
	s29 =	sand.u32 $0x3000, s0;
	s1 =	rddreg [dreg:$0x9]  }
0x130: {  	[tilespmem:s14], [sflag:$0x2] =	stream.linear.gather [hbm4b:s1+s0], $0x4000, $0x38;
	[tilespmem:$0xC480] =	vst v63  }
0x131: {  	s2 =	sshrl.u32 s29, $0x2;
	s1 =	sand.u32 $0x3000, s28;
	_ =	swait.ge [sflag:s3], $0x4000  }
0x132: {  	s0 =	sand.u32 $0x380, s0;
	s1 =	sor.u32 s2, s1;
	[sflag:s3] =	ssyncset.done $0x0  }
0x133: {  	s2 =	sor.u32 s0, s1;
	[sflag:s3] =	ssyncadd.s32 $0xFFFFC000  }
0x134: {  	v4 =	vld [tilespmem:s2+$0x60]  }
0x135: {  	v5 =	vld [tilespmem:s2+$0x70];
	_ =	sdelay $0x2  }
0x136: {  	v6 =	vld [tilespmem:s2+$0x0]  }
0x137: {  	s30 =	simm.s32 $0x1000;
	v7 =	vld [tilespmem:s2+$0x20];
	v4 =	vshll.u32 v4, $0x5  }
0x138: {  	s0 =	simm.s32 $0x80;
	s1 =	sand.u32 $0x3000, s30;
	v8 =	vld [tilespmem:s2+$0x10];
	v4 =	vadd.s32 v5, v4  }
0x139: {  	s5 =	sand.u32 $0x3000, s0;
	s6 =	sshrl.u32 s1, $0x2;
	s1 =	simm.s32 $0x20;
	v9 =	vld [tilespmem:s2+$0x30];
	v4 =	vadd.s32 v2, v4  }
0x13a: {  	s5 =	sor.u32 s6, s5;
	s31 =	sand.u32 $0x380, s1;
	v12 =	vld [tilespmem:s2+$0x50]  }
0x13b: {  	v5 =	vld [tilespmem:s2+$0x40];
	s2 =	sor.u32 s31, s5  }
0x13c: {  	v13 =	vld [tilespmem:s2+$0x60]  }
0x13d: {  	v14 =	vld [tilespmem:s2+$0x70]  }
0x13e: {  	[tilespmem:v4+s15+$0x0] =	vst.idx.add.s32.msk $0xffff, v3;
	v4 =	vshll.u32 v6, $0x5  }
0x13f: {  	v11 =	vld [tilespmem:s2+$0x0];
	v6 =	vshll.u32 v7, $0x5;
	v4 =	vadd.s32 v8, v4  }
0x140: {  	v10 =	vld [tilespmem:s2+$0x20];
	v5 =	vshll.u32 v5, $0x5;
	v6 =	vadd.s32 v9, v6;
	v4 =	vadd.s32 v2, v4  }
0x141: {  	v7 =	vld [tilespmem:s2+$0x40];
	v8 =	vadd.s32 v12, v5;
	v5 =	vadd.s32 v2, v6  }
0x142: {  	v9 =	vld [tilespmem:s2+$0x10];
	v12 =	vshll.u32 v13, $0x5;
	v6 =	vadd.s32 v2, v8  }
0x143: {  	s5 =	simm.s32 $0x2000;
	v8 =	vld [tilespmem:s2+$0x30];
	v12 =	vadd.s32 v14, v12  }
.LBB2_16:
0x144: {  	s0 =	sadd.s32 $0x80, s0;
	s6 =	sand.u32 $0x3000, s5;
	v11 =	vshll.u32 v11, $0x5;
	v13 =	vld [tilespmem:s2+$0x50];
	v12 =	vadd.s32 v2, v12  }
0x145: {  	s1 =	sadd.s32 $0x20, s1;
	s2 =	sand.u32 $0x3000, s0;
	s6 =	sshrl.u32 s6, $0x2;
	v10 =	vshll.u32 v10, $0x5;
	[tilespmem:v4+s15+$0x0] =	vst.idx.add.s32.msk $0xffff, v3  }
0x146: {  	s7 =	sand.u32 $0x380, s1;
	p0 =	slt.u32 s0, $0x3F80;
	s2 =	sor.u32 s6, s2;
	v7 =	vshll.u32 v7, $0x5;
	[tilespmem:v5+s15+$0x0] =	vst.idx.add.s32.msk $0xffff, v3  }
0x147: {  	s2 =	sor.u32 s7, s2;
	v4 =	vadd.s32 v9, v11;
	[tilespmem:v6+s15+$0x0] =	vst.idx.add.s32.msk $0xffff, v3  }
0x148: {  	v14 =	vld [tilespmem:s2+$0x60];
	v4 =	vadd.s32 v2, v4;
	v5 =	vadd.s32 v8, v10  }
0x149: {  	v5 =	vadd.s32 v2, v5;
	v6 =	vadd.s32 v13, v7;
	[tilespmem:v12+s15+$0x0] =	vst.idx.add.s32.msk $0xffff, v3  }
0x14a: {  	v12 =	vld [tilespmem:s2+$0x70];
	v6 =	vadd.s32 v2, v6  }
.Ltmp7:
0x14b: {  	v11 =	vld [tilespmem:s2+$0x0];
	(pc) =	sbr.rel @p0 .LBB2_16-.Ltmp7, $4  }
0x14c: {  	v10 =	vld [tilespmem:s2+$0x20]  }
0x14d: {  	v7 =	vld [tilespmem:s2+$0x40]  }
0x14e: {  	v13 =	vshll.u32 v14, $0x5;
	v9 =	vld [tilespmem:s2+$0x10]  }
0x14f: {  	s5 =	sadd.s32 $0x1000, s5;
	v8 =	vld [tilespmem:s2+$0x30];
	v12 =	vadd.s32 v12, v13  }
0x150: {  	v13 =	vld [tilespmem:s2+$0x50];
	_ =	sdelay $0x1  }
0x151: {  	v11 =	vshll.u32 v11, $0x5  }
0x152: {  	v12 =	vadd.s32 v2, v12;
	v10 =	vshll.u32 v10, $0x5;
	v9 =	vadd.s32 v9, v11  }
0x153: {  	v7 =	vshll.u32 v7, $0x5;
	v9 =	vadd.s32 v2, v9;
	v8 =	vadd.s32 v8, v10  }
0x154: {  	[tilespmem:v4+s15+$0x0] =	vst.idx.add.s32.msk $0xffff, v3;
	v4 =	vadd.s32 v2, v8;
	v7 =	vadd.s32 v13, v7  }
0x155: {  	[tilespmem:v5+s15+$0x0] =	vst.idx.add.s32.msk $0xffff, v3;
	v5 =	vadd.s32 v2, v7  }
0x156: {  	[tilespmem:v6+s15+$0x0] =	vst.idx.add.s32.msk $0xffff, v3  }
0x157: {  	[tilespmem:v12+s15+$0x0] =	vst.idx.add.s32.msk $0xffff, v3  }
0x158: {  	[tilespmem:v9+s15+$0x0] =	vst.idx.add.s32.msk $0xffff, v3  }
0x159: {  	s0 =	simm.s32 $0x0;
	[tilespmem:v4+s15+$0x0] =	vst.idx.add.s32.msk $0xffff, v3  }
0x15a: {  	s1 =	simm.s32 $0x0;
	s29 =	sand.u32 $0x3000, s0;
	[tilespmem:v5+s15+$0x0] =	vst.idx.add.s32.msk $0xffff, v3  }
0x15b: {  	s1 =	sand.u32 $0x3000, s1;
	s2 =	sshrl.u32 s29, $0x2;
	_ =	swait.ge [sflag:s16], $0x4000  }
0x15c: {  	s0 =	sand.u32 $0x380, s0;
	s1 =	sor.u32 s2, s1;
	[sflag:s16] =	ssyncset.done $0x0  }
0x15d: {  	s2 =	sor.u32 s0, s1;
	[sflag:s16] =	ssyncadd.s32 $0xFFFFC000  }
0x15e: {  	v4 =	vld [tilespmem:s2+$0x4060]  }
0x15f: {  	v5 =	vld [tilespmem:s2+$0x4070];
	_ =	sdelay $0x2  }
0x160: {  	v6 =	vld [tilespmem:s2+$0x4000]  }
0x161: {  	s30 =	simm.s32 $0x1000;
	v7 =	vld [tilespmem:s2+$0x4020];
	v4 =	vshll.u32 v4, $0x5  }
0x162: {  	s0 =	simm.s32 $0x80;
	s1 =	sand.u32 $0x3000, s30;
	v8 =	vld [tilespmem:s2+$0x4010];
	v4 =	vadd.s32 v5, v4  }
0x163: {  	s5 =	sand.u32 $0x3000, s0;
	s6 =	sshrl.u32 s1, $0x2;
	s1 =	simm.s32 $0x20;
	v9 =	vld [tilespmem:s2+$0x4030];
	v4 =	vadd.s32 v2, v4  }
0x164: {  	s5 =	sor.u32 s6, s5;
	s31 =	sand.u32 $0x380, s1;
	v12 =	vld [tilespmem:s2+$0x4050]  }
0x165: {  	v5 =	vld [tilespmem:s2+$0x4040];
	s2 =	sor.u32 s31, s5  }
0x166: {  	v13 =	vld [tilespmem:s2+$0x4060]  }
0x167: {  	v14 =	vld [tilespmem:s2+$0x4070]  }
0x168: {  	[tilespmem:v4+s15+$0x0] =	vst.idx.add.s32.msk $0xffff, v3;
	v4 =	vshll.u32 v6, $0x5  }
0x169: {  	v11 =	vld [tilespmem:s2+$0x4000];
	v6 =	vshll.u32 v7, $0x5;
	v4 =	vadd.s32 v8, v4  }
0x16a: {  	v10 =	vld [tilespmem:s2+$0x4020];
	v5 =	vshll.u32 v5, $0x5;
	v6 =	vadd.s32 v9, v6;
	v4 =	vadd.s32 v2, v4  }
0x16b: {  	v7 =	vld [tilespmem:s2+$0x4040];
	v8 =	vadd.s32 v12, v5;
	v5 =	vadd.s32 v2, v6  }
0x16c: {  	v9 =	vld [tilespmem:s2+$0x4010];
	v12 =	vshll.u32 v13, $0x5;
	v6 =	vadd.s32 v2, v8  }
0x16d: {  	s5 =	simm.s32 $0x2000;
	v8 =	vld [tilespmem:s2+$0x4030];
	v12 =	vadd.s32 v14, v12  }
.LBB2_18:
0x16e: {  	s0 =	sadd.s32 $0x80, s0;
	s6 =	sand.u32 $0x3000, s5;
	v11 =	vshll.u32 v11, $0x5;
	v13 =	vld [tilespmem:s2+$0x4050];
	v12 =	vadd.s32 v2, v12  }
0x16f: {  	s1 =	sadd.s32 $0x20, s1;
	s2 =	sand.u32 $0x3000, s0;
	s6 =	sshrl.u32 s6, $0x2;
	v10 =	vshll.u32 v10, $0x5;
	[tilespmem:v4+s15+$0x0] =	vst.idx.add.s32.msk $0xffff, v3  }
0x170: {  	s7 =	sand.u32 $0x380, s1;
	p0 =	slt.u32 s0, $0x3F80;
	s2 =	sor.u32 s6, s2;
	v7 =	vshll.u32 v7, $0x5;
	[tilespmem:v5+s15+$0x0] =	vst.idx.add.s32.msk $0xffff, v3  }
0x171: {  	s2 =	sor.u32 s7, s2;
	v4 =	vadd.s32 v9, v11;
	[tilespmem:v6+s15+$0x0] =	vst.idx.add.s32.msk $0xffff, v3  }
0x172: {  	v14 =	vld [tilespmem:s2+$0x4060];
	v4 =	vadd.s32 v2, v4;
	v5 =	vadd.s32 v8, v10  }
0x173: {  	v5 =	vadd.s32 v2, v5;
	v6 =	vadd.s32 v13, v7;
	[tilespmem:v12+s15+$0x0] =	vst.idx.add.s32.msk $0xffff, v3  }
0x174: {  	v12 =	vld [tilespmem:s2+$0x4070];
	v6 =	vadd.s32 v2, v6  }
.Ltmp8:
0x175: {  	v11 =	vld [tilespmem:s2+$0x4000];
	(pc) =	sbr.rel @p0 .LBB2_18-.Ltmp8, $4  }
0x176: {  	v10 =	vld [tilespmem:s2+$0x4020]  }
0x177: {  	v7 =	vld [tilespmem:s2+$0x4040]  }
0x178: {  	v13 =	vshll.u32 v14, $0x5;
	v9 =	vld [tilespmem:s2+$0x4010]  }
0x179: {  	s5 =	sadd.s32 $0x1000, s5;
	v8 =	vld [tilespmem:s2+$0x4030];
	v12 =	vadd.s32 v12, v13  }
0x17a: {  	v13 =	vld [tilespmem:s2+$0x4050];
	_ =	sdelay $0x1  }
0x17b: {  	v11 =	vshll.u32 v11, $0x5  }
0x17c: {  	v12 =	vadd.s32 v2, v12;
	v10 =	vshll.u32 v10, $0x5;
	v9 =	vadd.s32 v9, v11  }
0x17d: {  	v7 =	vshll.u32 v7, $0x5;
	v9 =	vadd.s32 v2, v9;
	v8 =	vadd.s32 v8, v10  }
0x17e: {  	[tilespmem:v4+s15+$0x0] =	vst.idx.add.s32.msk $0xffff, v3;
	v4 =	vadd.s32 v2, v8;
	v7 =	vadd.s32 v13, v7  }
0x17f: {  	[tilespmem:v5+s15+$0x0] =	vst.idx.add.s32.msk $0xffff, v3;
	v5 =	vadd.s32 v2, v7  }
0x180: {  	[tilespmem:v6+s15+$0x0] =	vst.idx.add.s32.msk $0xffff, v3  }
0x181: {  	[tilespmem:v12+s15+$0x0] =	vst.idx.add.s32.msk $0xffff, v3  }
0x182: {  	[tilespmem:v9+s15+$0x0] =	vst.idx.add.s32.msk $0xffff, v3  }
0x183: {  	[tilespmem:v4+s15+$0x0] =	vst.idx.add.s32.msk $0xffff, v3  }
0x184: {  	s20 =	simm.s32 $0xA010;
	s21 =	simm.s32 $0x0;
	[tilespmem:v5+s15+$0x0] =	vst.idx.add.s32.msk $0xffff, v3  }
0x185: {  	s0 =	sand.u32 $0x3E0, s21;
	v4 =	vld [tilespmem:s20+$0xFFFFDFF0]  }
0x186: {  	v5 =	vld [tilespmem:s0+$0x8400]  }
0x187: {  	v6 =	vld [tilespmem:s0+$0x8800]  }
0x188: {  	v7 =	vld [tilespmem:s0+$0x8C00]  }
0x189: {  	v8 =	vld [tilespmem:s0+$0x9000]  }
0x18a: {  	v9 =	vld [tilespmem:s0+$0x9400]  }
0x18b: {  	v10 =	vld [tilespmem:s0+$0x9800]  }
0x18c: {  	v11 =	vld [tilespmem:s0+$0x9C00]  }
0x18d: {  	v12 =	vld [tilespmem:s0+$0xA000]  }
0x18e: {  	v63 =	vld [tilespmem:s0+$0xA400]  }
0x18f: {  	v14 =	vld [tilespmem:s0+$0xA800]  }
0x190: {  	v15 =	vld [tilespmem:s0+$0xAC00]  }
0x191: {  	v16 =	vld [tilespmem:s0+$0xB000]  }
0x192: {  	v17 =	vld [tilespmem:s0+$0xB400]  }
0x193: {  	v18 =	vld [tilespmem:s0+$0xB800]  }
0x194: {  	v19 =	vld [tilespmem:s0+$0xBC00];
	v4 =	vadd.s32 v4, v5  }
0x195: {  	v5 =	vld [tilespmem:s20+$0xFFFFE000];
	v4 =	vadd.s32 v6, v4  }
0x196: {  	v6 =	vld [tilespmem:s20+$0xFFFFE400];
	v4 =	vadd.s32 v7, v4  }
0x197: {  	v7 =	vld [tilespmem:s20+$0xFFFFE800];
	v4 =	vadd.s32 v8, v4  }
0x198: {  	v8 =	vld [tilespmem:s20+$0xFFFFEC00];
	v4 =	vadd.s32 v9, v4  }
0x199: {  	v9 =	vld [tilespmem:s20+$0xFFFFF000];
	v4 =	vadd.s32 v10, v4  }
0x19a: {  	v10 =	vld [tilespmem:s20+$0xFFFFF400];
	v4 =	vadd.s32 v11, v4  }
0x19b: {  	v5 =	vadd.s32 v5, v6;
	v11 =	vld [tilespmem:s20+$0xFFFFF800];
	v4 =	vadd.s32 v12, v4  }
0x19c: {  	v5 =	vadd.s32 v7, v5;
	v7 =	vld [tilespmem:s20+$0xFFFFFC00];
	v4 =	vadd.s32 v63, v4  }
0x19d: {  	v5 =	vadd.s32 v8, v5;
	v8 =	vld [tilespmem:s20+$0x0];
	v4 =	vadd.s32 v14, v4  }
0x19e: {  	p0 =	por $0x1, $0x1;
	v5 =	vadd.s32 v9, v5;
	v9 =	vld [tilespmem:s20+$0x400];
	v4 =	vadd.s32 v15, v4  }
.Ltmp9:
0x19f: {  	v6 =	vld [tilespmem:s20+$0x800];
	v5 =	vadd.s32 v10, v5;
	v4 =	vadd.s32 v16, v4;
	(pc) =	sbr.rel @!p0 .LBB2_21-.Ltmp9, $4  }
0x1a0: {  	v5 =	vadd.s32 v11, v5;
	v10 =	vadd.s32 v17, v4;
	v4 =	vld [tilespmem:s20+$0xC00]  }
0x1a1: {  	v7 =	vadd.s32 v7, v5;
	v5 =	vld [tilespmem:s20+$0x1000];
	v10 =	vadd.s32 v18, v10  }
0x1a2: {  	s22 =	simm.s32 $0xC010;
	v8 =	vadd.s32 v8, v7;
	v7 =	vld [tilespmem:s20+$0x1400];
	v10 =	vadd.s32 v19, v10  }
0x1a3: {  	v9 =	vadd.s32 v9, v8;
	v8 =	vld [tilespmem:s20+$0x1800];
	[tilespmem:s22+$0xFFFFFFF0] =	vst v10  }
.LBB2_20:
0x1a4: {  	s21 =	sadd.s32 $0x20, s21;
	v6 =	vadd.s32 v6, v9;
	v9 =	vld [tilespmem:s20+$0x1C00];
	s20 =	sadd.s32 $0x20, s20  }
0x1a5: {  	v10 =	vld [tilespmem:s20+$0xFFFFDFF0];
	s0 =	sand.u32 $0x3E0, s21;
	p0 =	slt.u32 s21, $0x3E0;
	v4 =	vadd.s32 v4, v6  }
0x1a6: {  	v6 =	vld [tilespmem:s0+$0x8400];
	v4 =	vadd.s32 v5, v4  }
0x1a7: {  	v5 =	vld [tilespmem:s0+$0x8800];
	v4 =	vadd.s32 v7, v4  }
0x1a8: {  	v7 =	vld [tilespmem:s0+$0x8C00];
	v4 =	vadd.s32 v8, v4  }
0x1a9: {  	v8 =	vld [tilespmem:s0+$0x9000];
	v4 =	vadd.s32 v9, v4  }
0x1aa: {  	v9 =	vld [tilespmem:s0+$0x9400];
	[tilespmem:s22+$0x0] =	vst v4  }
0x1ab: {  	v4 =	vadd.s32 v10, v6;
	v6 =	vld [tilespmem:s0+$0x9800]  }
0x1ac: {  	v4 =	vadd.s32 v5, v4;
	v5 =	vld [tilespmem:s0+$0x9C00]  }
0x1ad: {  	v4 =	vadd.s32 v7, v4;
	v7 =	vld [tilespmem:s0+$0xA000]  }
0x1ae: {  	v4 =	vadd.s32 v8, v4;
	v8 =	vld [tilespmem:s0+$0xA400]  }
0x1af: {  	v4 =	vadd.s32 v9, v4;
	v9 =	vld [tilespmem:s0+$0xA800]  }
0x1b0: {  	v4 =	vadd.s32 v6, v4;
	v6 =	vld [tilespmem:s0+$0xAC00]  }
0x1b1: {  	v4 =	vadd.s32 v5, v4;
	v5 =	vld [tilespmem:s0+$0xB000]  }
0x1b2: {  	v4 =	vadd.s32 v7, v4;
	v7 =	vld [tilespmem:s0+$0xB400]  }
0x1b3: {  	v4 =	vadd.s32 v8, v4;
	v8 =	vld [tilespmem:s0+$0xB800]  }
0x1b4: {  	v4 =	vadd.s32 v9, v4;
	v9 =	vld [tilespmem:s0+$0xBC00]  }
0x1b5: {  	v4 =	vadd.s32 v6, v4;
	v6 =	vld [tilespmem:s20+$0xFFFFE000]  }
0x1b6: {  	v4 =	vadd.s32 v5, v4;
	v5 =	vld [tilespmem:s20+$0xFFFFE400]  }
0x1b7: {  	v4 =	vadd.s32 v7, v4;
	v7 =	vld [tilespmem:s20+$0xFFFFE800]  }
0x1b8: {  	v4 =	vadd.s32 v8, v4;
	v8 =	vld [tilespmem:s20+$0xFFFFEC00]  }
0x1b9: {  	s22 =	sadd.s32 $0x20, s22;
	v4 =	vadd.s32 v9, v4;
	v9 =	vld [tilespmem:s20+$0xFFFFF000]  }
0x1ba: {  	[tilespmem:s22+$0xFFFFFFF0] =	vst v4;
	v4 =	vld [tilespmem:s20+$0xFFFFF400]  }
0x1bb: {  	v5 =	vadd.s32 v6, v5;
	v10 =	vld [tilespmem:s20+$0xFFFFF800]  }
0x1bc: {  	v5 =	vadd.s32 v7, v5;
	v7 =	vld [tilespmem:s20+$0xFFFFFC00]  }
0x1bd: {  	v5 =	vadd.s32 v8, v5;
	v8 =	vld [tilespmem:s20+$0x0]  }
0x1be: {  	v5 =	vadd.s32 v9, v5;
	v9 =	vld [tilespmem:s20+$0x400]  }
.Ltmp10:
0x1bf: {  	v4 =	vadd.s32 v4, v5;
	v6 =	vld [tilespmem:s20+$0x800];
	(pc) =	sbr.rel @p0 .LBB2_20-.Ltmp10, $4  }
0x1c0: {  	v5 =	vadd.s32 v10, v4;
	v4 =	vld [tilespmem:s20+$0xC00]  }
0x1c1: {  	v7 =	vadd.s32 v7, v5;
	v5 =	vld [tilespmem:s20+$0x1000]  }
0x1c2: {  	v8 =	vadd.s32 v8, v7;
	v7 =	vld [tilespmem:s20+$0x1400]  }
0x1c3: {  	v9 =	vadd.s32 v9, v8;
	v8 =	vld [tilespmem:s20+$0x1800]  }
.LBB2_21:
0x1c4: {  	v6 =	vadd.s32 v6, v9;
	v50 =	vld [tilespmem:s20+$0x1C00]  }
0x1c5: {  	v4 =	vadd.s32 v4, v6  }
0x1c6: {  	v4 =	vadd.s32 v5, v4  }
0x1c7: {  	v4 =	vadd.s32 v7, v4  }
0x1c8: {  	v4 =	vadd.s32 v8, v4  }
0x1c9: {  	v4 =	vadd.s32 v50, v4  }
0x1ca: {  	[tilespmem:s22+$0x0] =	vst v4  }
0x1cb: {  	v41 =	vld [tilespmem:$0xC000]  }
0x1cc: {  	v42 =	vld [tilespmem:$0xC010]  }
0x1cd: {  	v43 =	vld [tilespmem:$0xC020]  }
0x1ce: {  	v44 =	vld [tilespmem:$0xC030]  }
0x1cf: {  	v37 =	vld [tilespmem:$0xC040]  }
0x1d0: {  	v33 =	vld [tilespmem:$0xC050];
	(xrf0) =	vadd.scan.msk.s32 $0xffff, v41  }
0x1d1: {  	v34 =	vld [tilespmem:$0xC060];
	(xrf0) =	vadd.scan.msk.s32 $0xffff, v42  }
0x1d2: {  	v30 =	vld [tilespmem:$0xC070];
	(xrf0) =	vadd.scan.msk.s32 $0xffff, v43  }
0x1d3: {  	v26 =	vld [tilespmem:$0xC080];
	(xrf0) =	vadd.scan.msk.s32 $0xffff, v44  }
0x1d4: {  	v27 =	vld [tilespmem:$0xC090];
	(xrf0) =	vadd.scan.msk.s32 $0xffff, v37  }
0x1d5: {  	v23 =	vld [tilespmem:$0xC0A0];
	(xrf0) =	vadd.scan.msk.s32 $0xffff, v33  }
0x1d6: {  	v15 =	vld [tilespmem:$0xC0B0];
	v4, _, _ =	vpop (xrf0);
	(xrf0) =	vadd.scan.msk.s32 $0xffff, v34  }
0x1d7: {  	v22 =	vld [tilespmem:$0xC0C0];
	(v2sf) =	vpush v4, $0xF;
	v4, _, _ =	vpop (xrf0);
	(xrf0) =	vadd.scan.msk.s32 $0xffff, v30  }
0x1d8: {  	v16 =	vld [tilespmem:$0xC0D0];
	(v2sf) =	vpush v4, $0xF;
	v4, _, _ =	vpop (xrf0);
	(xrf0) =	vadd.scan.msk.s32 $0xffff, v26  }
0x1d9: {  	v10 =	vld [tilespmem:$0xC0E0];
	(v2sf) =	vpush v4, $0xF;
	v4, _, _ =	vpop (xrf0);
	(xrf0) =	vadd.scan.msk.s32 $0xffff, v27  }
0x1da: {  	v21 =	vld [tilespmem:$0xC0F0];
	(v2sf) =	vpush v4, $0xF;
	v4, _, _ =	vpop (xrf0);
	(xrf0) =	vadd.scan.msk.s32 $0xffff, v23  }
0x1db: {  	v13 =	vld [tilespmem:$0xC100];
	(v2sf) =	vpush v4, $0xF;
	v4, _, _ =	vpop (xrf0);
	(xrf0) =	vadd.scan.msk.s32 $0xffff, v15  }
0x1dc: {  	v7 =	vld [tilespmem:$0xC110];
	(v2sf) =	vpush v4, $0xF;
	v4, _, _ =	vpop (xrf0);
	(xrf0) =	vadd.scan.msk.s32 $0xffff, v22  }
0x1dd: {  	v17 =	vld [tilespmem:$0xC120];
	(v2sf) =	vpush v4, $0xF;
	v4, _, _ =	vpop (xrf0);
	(xrf0) =	vadd.scan.msk.s32 $0xffff, v16  }
0x1de: {  	v11 =	vld [tilespmem:$0xC130];
	(v2sf) =	vpush v4, $0xF;
	v4, _, _ =	vpop (xrf0);
	(xrf0) =	vadd.scan.msk.s32 $0xffff, v10  }
0x1df: {  	(v2sf) =	vpush v4, $0xF;
	v5, _, _ =	vpop (xrf0);
	(xrf0) =	vadd.scan.msk.s32 $0xffff, v21;
	v4 =	vld [tilespmem:$0xC140]  }
0x1e0: {  	v12 =	vld [tilespmem:$0xC150];
	(v2sf) =	vpush v5, $0xF;
	v5, _, _ =	vpop (xrf0);
	(xrf0) =	vadd.scan.msk.s32 $0xffff, v13  }
0x1e1: {  	v8 =	vld [tilespmem:$0xC160];
	(v2sf) =	vpush v5, $0xF;
	v5, _, _ =	vpop (xrf0);
	(xrf0) =	vadd.scan.msk.s32 $0xffff, v7  }
0x1e2: {  	(v2sf) =	vpush v5, $0xF;
	v51, _, _ =	vpop (xrf0);
	(xrf0) =	vadd.scan.msk.s32 $0xffff, v17;
	v5 =	vld [tilespmem:$0xC170]  }
0x1e3: {  	v14 =	vld [tilespmem:$0xC180];
	(v2sf) =	vpush v51, $0xF;
	v52, _, _ =	vpop (xrf0);
	(xrf0) =	vadd.scan.msk.s32 $0xffff, v11  }
0x1e4: {  	v9 =	vld [tilespmem:$0xC190];
	(v2sf) =	vpush v52, $0xF;
	v53, _, _ =	vpop (xrf0);
	(xrf0) =	vadd.scan.msk.s32 $0xffff, v4  }
0x1e5: {  	v6 =	vld [tilespmem:$0xC1A0];
	(v2sf) =	vpush v53, $0xF;
	v18, _, _ =	vpop (xrf0);
	(xrf0) =	vadd.scan.msk.s32 $0xffff, v12  }
0x1e6: {  	s29 =	spop (v2sf);
	(v2sf) =	vpush v18, $0xF;
	v19, _, _ =	vpop (xrf0);
	(xrf0) =	vadd.scan.msk.s32 $0xffff, v8;
	v18 =	vld [tilespmem:$0xC1B0]  }
0x1e7: {  	s5 =	spop (v2sf);
	(v2sf) =	vpush v19, $0xF;
	v20, _, _ =	vpop (xrf0);
	(xrf0) =	vadd.scan.msk.s32 $0xffff, v5;
	v19 =	vld [tilespmem:$0xC1C0]  }
0x1e8: {  	s21 =	spop (v2sf);
	(v2sf) =	vpush v20, $0xF;
	v24, _, _ =	vpop (xrf0);
	(xrf0) =	vadd.scan.msk.s32 $0xffff, v14;
	v20 =	vld [tilespmem:$0xC1D0]  }
0x1e9: {  	s0 =	spop (v2sf);
	(v2sf) =	vpush v24, $0xF;
	v25, _, _ =	vpop (xrf0);
	(xrf0) =	vadd.scan.msk.s32 $0xffff, v9;
	v24 =	vld [tilespmem:$0xC1E0]  }
0x1ea: {  	s22 =	spop (v2sf);
	(v2sf) =	vpush v25, $0xF;
	v28, _, _ =	vpop (xrf0);
	(xrf0) =	vadd.scan.msk.s32 $0xffff, v6;
	v25 =	vld [tilespmem:$0xC1F0]  }
0x1eb: {  	s24 =	spop (v2sf);
	(v2sf) =	vpush v28, $0xF;
	v29, _, _ =	vpop (xrf0);
	(xrf0) =	vadd.scan.msk.s32 $0xffff, v18;
	v28 =	vld [tilespmem:$0xC200]  }
0x1ec: {  	s1 =	spop (v2sf);
	(v2sf) =	vpush v29, $0xF;
	v31, _, _ =	vpop (xrf0);
	(xrf0) =	vadd.scan.msk.s32 $0xffff, v19;
	v29 =	vld [tilespmem:$0xC210]  }
0x1ed: {  	s30 =	spop (v2sf);
	(v2sf) =	vpush v31, $0xF;
	v32, _, _ =	vpop (xrf0);
	(xrf0) =	vadd.scan.msk.s32 $0xffff, v20;
	v31 =	vld [tilespmem:$0xC220]  }
0x1ee: {  	s25 =	spop (v2sf);
	(v2sf) =	vpush v32, $0xF;
	v35, _, _ =	vpop (xrf0);
	(xrf0) =	vadd.scan.msk.s32 $0xffff, v24;
	v32 =	vld [tilespmem:$0xC230]  }
0x1ef: {  	s8 =	spop (v2sf);
	(v2sf) =	vpush v35, $0xF;
	v36, _, _ =	vpop (xrf0);
	(xrf0) =	vadd.scan.msk.s32 $0xffff, v25;
	v35 =	vld [tilespmem:$0xC240]  }
0x1f0: {  	s31 =	spop (v2sf);
	(v2sf) =	vpush v36, $0xF;
	v38, _, _ =	vpop (xrf0);
	(xrf0) =	vadd.scan.msk.s32 $0xffff, v28;
	v36 =	vld [tilespmem:$0xC250]  }
0x1f1: {  	s11 =	spop (v2sf);
	(v2sf) =	vpush v38, $0xF;
	v39, _, _ =	vpop (xrf0);
	(xrf0) =	vadd.scan.msk.s32 $0xffff, v29;
	v38 =	vld [tilespmem:$0xC260]  }
0x1f2: {  	v40 =	vld [tilespmem:$0xC270];
	s9 =	spop (v2sf);
	(v2sf) =	vpush v39, $0xF;
	v54, _, _ =	vpop (xrf0);
	(xrf0) =	vadd.scan.msk.s32 $0xffff, v31  }
0x1f3: {  	v39 =	vld [tilespmem:$0xC280];
	s12 =	spop (v2sf);
	(v2sf) =	vpush v54, $0xF;
	v45, _, _ =	vpop (xrf0);
	(xrf0) =	vadd.scan.msk.s32 $0xffff, v32  }
0x1f4: {  	v46 =	vld [tilespmem:$0xC290];
	s6 =	spop (v2sf);
	(v2sf) =	vpush v45, $0xF;
	v55, _, _ =	vpop (xrf0);
	(xrf0) =	vadd.scan.msk.s32 $0xffff, v35  }
0x1f5: {  	v45 =	vld [tilespmem:$0xC2A0];
	s10 =	spop (v2sf);
	(v2sf) =	vpush v55, $0xF;
	v47, _, _ =	vpop (xrf0);
	(xrf0) =	vadd.scan.msk.s32 $0xffff, v36  }
0x1f6: {  	v48 =	vld [tilespmem:$0xC2B0];
	s17 =	spop (v2sf);
	(v2sf) =	vpush v47, $0xF;
	v56, _, _ =	vpop (xrf0);
	(xrf0) =	vadd.scan.msk.s32 $0xffff, v38  }
0x1f7: {  	v47 =	vld [tilespmem:$0xC2C0];
	s7 =	spop (v2sf);
	(v2sf) =	vpush v56, $0xF;
	v49, _, _ =	vpop (xrf0);
	(xrf0) =	vadd.scan.msk.s32 $0xffff, v40  }
0x1f8: {  	v50 =	vld [tilespmem:$0xC2D0];
	s26 =	spop (v2sf);
	(v2sf) =	vpush v49, $0xF;
	v57, _, _ =	vpop (xrf0);
	(xrf0) =	vadd.scan.msk.s32 $0xffff, v39  }
0x1f9: {  	v49 =	vld [tilespmem:$0xC2E0];
	s2 =	spop (v2sf);
	(v2sf) =	vpush v57, $0xF;
	v51, _, _ =	vpop (xrf0);
	(xrf0) =	vadd.scan.msk.s32 $0xffff, v46  }
0x1fa: {  	v52 =	vld [tilespmem:$0xC2F0];
	s23 =	spop (v2sf);
	(v2sf) =	vpush v51, $0xF;
	v58, _, _ =	vpop (xrf0);
	(xrf0) =	vadd.scan.msk.s32 $0xffff, v45  }
0x1fb: {  	s5 =	sadd.s32 s29, s5;
	v51 =	vld [tilespmem:$0xC300];
	s29 =	spop (v2sf);
	(v2sf) =	vpush v58, $0xF;
	v53, _, _ =	vpop (xrf0);
	(xrf0) =	vadd.scan.msk.s32 $0xffff, v48  }
0x1fc: {  	v54 =	vld [tilespmem:$0xC310];
	v55 =	vmov s5;
	s20 =	spop (v2sf);
	(v2sf) =	vpush v53, $0xF;
	v59, _, _ =	vpop (xrf0);
	(xrf0) =	vadd.scan.msk.s32 $0xffff, v47  }
0x1fd: {  	s0 =	sadd.s32 s21, s0;
	v55 =	vnsel vm0, $0x0, v55;
	v53 =	vld [tilespmem:$0xC320];
	s28 =	spop (v2sf);
	(v2sf) =	vpush v59, $0xF;
	v56, _, _ =	vpop (xrf0);
	(xrf0) =	vadd.scan.msk.s32 $0xffff, v50  }
0x1fe: {  	s24 =	sadd.s32 s22, s24;
	v57 =	vnsel vm1, s0, v55;
	v55 =	vld [tilespmem:$0xC330];
	s21 =	spop (v2sf);
	(v2sf) =	vpush v56, $0xF;
	v60, _, _ =	vpop (xrf0);
	(xrf0) =	vadd.scan.msk.s32 $0xffff, v49  }
0x1ff: {  	s1 =	sadd.s32 s1, s30;
	v57 =	vnsel vm2, s24, v57;
	v56 =	vld [tilespmem:$0xC340];
	s30 =	spop (v2sf);
	(v2sf) =	vpush v60, $0xF;
	v58, _, _ =	vpop (xrf0);
	(xrf0) =	vadd.scan.msk.s32 $0xffff, v52  }
0x200: {  	s5 =	sadd.s32 s25, s8;
	v59 =	vnsel vm3, s1, v57;
	v57 =	vld [tilespmem:$0xC350];
	s22 =	spop (v2sf);
	(v2sf) =	vpush v58, $0xF;
	v61, _, _ =	vpop (xrf0);
	(xrf0) =	vadd.scan.msk.s32 $0xffff, v51  }
0x201: {  	s8 =	sadd.s32 s31, s11;
	v59 =	vnsel vm4, s5, v59;
	v58 =	vld [tilespmem:$0xC360];
	s31 =	spop (v2sf);
	(v2sf) =	vpush v61, $0xF;
	v60, _, _ =	vpop (xrf0);
	(xrf0) =	vadd.scan.msk.s32 $0xffff, v54  }
0x202: {  	vm14 =	veq.s32 v0, $0xE;
	v61 =	vnsel vm5, s8, v59;
	v59 =	vld [tilespmem:$0xC370];
	s24 =	spop (v2sf);
	(v2sf) =	vpush v60, $0xF;
	v60, _, _ =	vpop (xrf0);
	(xrf0) =	vadd.scan.msk.s32 $0xffff, v53  }
0x203: {  	vm15 =	veq.s32 v0, $0xF;
	v42 =	vadd.s32 v42, v44;
	s9 =	sadd.s32 s9, s12;
	s0 =	spop (v2sf);
	(v2sf) =	vpush v60, $0xF;
	v62, _, _ =	vpop (xrf0);
	(xrf0) =	vadd.scan.msk.s32 $0xffff, v55;
	v60 =	vld [tilespmem:$0xC380]  }
0x204: {  	v43 =	vadd.s32 v41, v43;
	v41 =	vld [tilespmem:$0xC390];
	s10 =	sadd.s32 s6, s10;
	v61 =	vnsel vm6, s9, v61;
	s25 =	spop (v2sf);
	(v2sf) =	vpush v62, $0xF;
	v44, _, _ =	vpop (xrf0);
	(xrf0) =	vadd.scan.msk.s32 $0xffff, v56  }
0x205: {  	v43 =	vadd.s32 v37, v43;
	v37 =	vld [tilespmem:$0xC3A0];
	v61 =	vnsel vm7, s10, v61;
	s5 =	spop (v2sf);
	(v2sf) =	vpush v44, $0xF;
	v62, _, _ =	vpop (xrf0);
	(xrf0) =	vadd.scan.msk.s32 $0xffff, v57  }
0x206: {  	v42 =	vadd.s32 v33, v42;
	v33 =	vld [tilespmem:$0xC3B0];
	v34 =	vadd.s32 v34, v43;
	s1 =	spop (v2sf);
	(v2sf) =	vpush v62, $0xF;
	v63, _, _ =	vpop (xrf0);
	(xrf0) =	vadd.scan.msk.s32 $0xffff, v58  }
0x207: {  	v42 =	vadd.s32 v30, v42;
	v30 =	vld [tilespmem:$0xC3C0];
	v34 =	vadd.s32 v26, v34;
	s11 =	sadd.s32 s17, s7;
	s17 =	spop (v2sf);
	(v2sf) =	vpush v63, $0xF;
	v63, _, _ =	vpop (xrf0);
	(xrf0) =	vadd.scan.msk.s32 $0xffff, v59  }
0x208: {  	v26 =	vld [tilespmem:$0xC3D0];
	v27 =	vadd.s32 v27, v42;
	s12 =	sadd.s32 s26, s2;
	v62 =	vnsel vm8, s11, v61;
	s2 =	spop (v2sf);
	(v2sf) =	vpush v63, $0xF;
	v61, _, _ =	vpop (xrf0);
	(xrf0) =	vadd.scan.msk.s32 $0xffff, v60  }
0x209: {  	v34 =	vadd.s32 v23, v34;
	v23 =	vld [tilespmem:$0xC3E0];
	v27 =	vadd.s32 v15, v27;
	s6 =	spop (v2sf);
	(v2sf) =	vpush v61, $0xF;
	v63, _, _ =	vpop (xrf0);
	(xrf0) =	vadd.scan.msk.s32 $0xffff, v41  }
0x20a: {  	v15 =	vld [tilespmem:$0xC3F0];
	v22 =	vadd.s32 v22, v34;
	v16 =	vadd.s32 v16, v27;
	s7 =	spop (v2sf);
	(v2sf) =	vpush v63, $0xF;
	v61, _, _ =	vpop (xrf0);
	(xrf0) =	vadd.scan.msk.s32 $0xffff, v37  }
0x20b: {  	v10 =	vadd.s32 v10, v22;
	v16 =	vadd.s32 v21, v16;
	s8 =	spop (v2sf);
	(v2sf) =	vpush v61, $0xF;
	v63, _, _ =	vpop (xrf0);
	(xrf0) =	vadd.scan.msk.s32 $0xffff, v33  }
0x20c: {  	v10 =	vadd.s32 v13, v10;
	v7 =	vadd.s32 v7, v16;
	s9 =	spop (v2sf);
	(v2sf) =	vpush v63, $0xF;
	v42, _, _ =	vpop (xrf0);
	(xrf0) =	vadd.scan.msk.s32 $0xffff, v30  }
0x20d: {  	v10 =	vadd.s32 v17, v10;
	v7 =	vadd.s32 v11, v7;
	s10 =	spop (v2sf);
	(v2sf) =	vpush v42, $0xF;
	v44, _, _ =	vpop (xrf0);
	(xrf0) =	vadd.scan.msk.s32 $0xffff, v26  }
0x20e: {  	v7 =	vadd.s32 v12, v7;
	v4 =	vadd.s32 v4, v10;
	s11 =	spop (v2sf);
	(v2sf) =	vpush v44, $0xF;
	v61, _, _ =	vpop (xrf0);
	(xrf0) =	vadd.scan.msk.s32 $0xffff, v23  }
0x20f: {  	v4 =	vadd.s32 v8, v4;
	s26 =	sadd.s32 s23, s29;
	v62 =	vnsel vm9, s12, v62;
	s12 =	spop (v2sf);
	(v2sf) =	vpush v61, $0xF;
	v63, _, _ =	vpop (xrf0);
	(xrf0) =	vadd.scan.msk.s32 $0xffff, v15  }
0x210: {  	v4 =	vadd.s32 v14, v4;
	s29 =	sadd.s32 s20, s28;
	v62 =	vnsel vm10, s26, v62;
	v21, _, _ =	vpop (xrf0);
	s20 =	spop (v2sf);
	(v2sf) =	vpush v63, $0xF  }
0x211: {  	v5 =	vadd.s32 v5, v7;
	s31 =	sadd.s32 s22, s31;
	v43 =	vnsel vm11, s29, v62;
	v22, _, _ =	vpop (xrf0);
	s22 =	spop (v2sf);
	(v2sf) =	vpush v21, $0xF  }
0x212: {  	v4 =	vadd.s32 v6, v4;
	v5 =	vadd.s32 v9, v5;
	v34, _, _ =	vpop (xrf0);
	s23 =	spop (v2sf);
	(v2sf) =	vpush v22, $0xF  }
0x213: {  	v5 =	vadd.s32 v18, v5;
	v4 =	vadd.s32 v19, v4;
	s30 =	sadd.s32 s21, s30;
	v42, _, _ =	vpop (xrf0);
	s26 =	spop (v2sf);
	(v2sf) =	vpush v34, $0xF  }
0x214: {  	v5 =	vadd.s32 v20, v5;
	v62 =	vnsel vm12, s30, v43;
	v43, _, _ =	vpop (xrf0);
	(v2sf) =	vpush v42, $0xF;
	s28 =	spop (v2sf)  }
0x215: {  	v4 =	vadd.s32 v24, v4;
	v5 =	vadd.s32 v25, v5;
	s29 =	spop (v2sf);
	(v2sf) =	vpush v43, $0xF;
	v61, _, _ =	vpop (xrf0)  }
0x216: {  	v4 =	vadd.s32 v28, v4;
	v5 =	vadd.s32 v29, v5;
	s1 =	sadd.s32 s1, s17;
	(v2sf) =	vpush v61, $0xF;
	s30 =	spop (v2sf)  }
0x217: {  	v4 =	vadd.s32 v31, v4;
	v27 =	vnsel vm13, s31, v62;
	v62 =	vmov s1;
	s31 =	spop (v2sf)  }
0x218: {  	v5 =	vadd.s32 v32, v5;
	v4 =	vadd.s32 v35, v4;
	s0 =	sadd.s32 s24, s0;
	s2 =	sadd.s32 s2, s6;
	v7 =	vnsel vm0, $0x0, v62;
	s6 =	spop (v2sf)  }
0x219: {  	v5 =	vadd.s32 v36, v5;
	s5 =	sadd.s32 s25, s5;
	v8 =	vsel vm14, s0, v27;
	s7 =	sadd.s32 s7, s8;
	v7 =	vnsel vm1, s2, v7;
	s8 =	spop (v2sf)  }
0x21a: {  	v4 =	vadd.s32 v38, v4;
	v44 =	vsel vm15, s5, v8;
	v7 =	vnsel vm2, s7, v7;
	s9 =	sadd.s32 s9, s10;
	s10 =	spop (v2sf)  }
0x21b: {  	v5 =	vadd.s32 v40, v5;
	v7 =	vnsel vm3, s9, v7;
	v4 =	vadd.s32 v44, v4;
	s11 =	sadd.s32 s11, s12;
	s12 =	spop (v2sf)  }
0x21c: {  	v5 =	vadd.s32 v46, v5;
	v4 =	vadd.s32 v39, v4;
	v63 =	vnsel vm4, s11, v7;
	s24 =	sadd.s32 s20, s22;
	s25 =	spop (v2sf)  }
0x21d: {  	v5 =	vadd.s32 v48, v5;
	v4 =	vadd.s32 v45, v4;
	v6 =	vnsel vm5, s24, v63;
	s0 =	sadd.s32 s23, s26;
	s26 =	spop (v2sf)  }
0x21e: {  	v5 =	vadd.s32 v50, v5;
	v4 =	vadd.s32 v47, v4;
	v6 =	vnsel vm6, s0, v6;
	s28 =	sadd.s32 s28, s29;
	s29 =	spop (v2sf)  }
0x21f: {  	v5 =	vadd.s32 v52, v5;
	v4 =	vadd.s32 v49, v4;
	v6 =	vnsel vm7, s28, v6;
	s30 =	sadd.s32 s30, s31;
	s31 =	spop (v2sf)  }
0x220: {  	v5 =	vadd.s32 v54, v5;
	v4 =	vadd.s32 v51, v4;
	v6 =	vnsel vm8, s30, v6;
	s7 =	sadd.s32 s6, s8;
	s11 =	spop (v2sf)  }
0x221: {  	v5 =	vadd.s32 v55, v5;
	v4 =	vadd.s32 v53, v4;
	v6 =	vnsel vm9, s7, v6;
	s12 =	sadd.s32 s10, s12;
	s17 =	spop (v2sf)  }
0x222: {  	v5 =	vadd.s32 v57, v5;
	v4 =	vadd.s32 v56, v4;
	v6 =	vnsel vm10, s12, v6;
	s20 =	sadd.s32 s25, s26;
	s21 =	spop (v2sf)  }
0x223: {  	v5 =	vadd.s32 v59, v5;
	v4 =	vadd.s32 v58, v4;
	v6 =	vnsel vm11, s20, v6;
	s22 =	sadd.s32 s29, s31;
	s23 =	spop (v2sf)  }
0x224: {  	v5 =	vadd.s32 v41, v5;
	v4 =	vadd.s32 v60, v4;
	v6 =	vnsel vm12, s22, v6;
	s24 =	sadd.s32 s11, s17;
	s25 =	spop (v2sf)  }
0x225: {  	v5 =	vadd.s32 v33, v5;
	v4 =	vadd.s32 v37, v4;
	v6 =	vnsel vm13, s24, v6;
	s26 =	sadd.s32 s21, s23;
	s28 =	spop (v2sf)  }
0x226: {  	v5 =	vadd.s32 v26, v5;
	v4 =	vadd.s32 v30, v4;
	v6 =	vsel vm14, s26, v6;
	s29 =	sadd.s32 s25, s28  }
0x227: {  	s19 =	sadd.s32 $0x1, s19;
	v5 =	vadd.s32 v15, v5;
	v4 =	vadd.s32 v23, v4;
	v6 =	vsel vm15, s29, v6  }
0x228: {  	p0 =	sne.s32 s19, s13;
	s30 =	rddreg [dreg:$0xa];
	[tilespmem:$0xC400] =	vst v4;
	v4 =	vadd.s32 v6, v5  }
.Ltmp11:
0x229: {  	s6 =	simm.s32 $0x0;
	s31 =	simm.s32 $0xC400;
	[tilespmem:$0xC410] =	vst v4;
	(pc) =	sbr.rel @p0 .LBB2_1-.Ltmp11, $4  }
0x22a: {  	[hbm4b:s30+s6] =	stream.linear.scatter [tilespmem:s31], [sflag:$0x3], $0x80, $0x38;
	[tilespmem:$0xC480] =	vst v63  }
0x22b: {  	_ =	swait.ge [sflag:s18], $0x80  }
0x22c: {  	[sflag:s18] =	ssyncset.done $0x0  }
0x22d: {  	[sflag:s18] =	ssyncadd.s32 $0xFFFFFF80  }
0x22e: {  	_ =	sfence.sel $0x180000  }
0x22f: {  	[bflag:$0x0] =	sbarrier.arrive $0xFFFF  }
0x230: {  	_ =	strace $0x90000047  }
0x231: {  	s0 =	stileid.u32;
	[bflag:$0x2] =	sbarrier.arrive $0xFFFF  }
0x232: {  	p0 =	sne.s32 s0, $0x0;
	s0 =	rddreg [dreg:$0x2]  }
0x233: {  	s0 =	sadd.s32 @!p0 $0x100000, s0  }
0x234: {  	[sflag:s0] =	ssyncadd.tile.s32 @!p0 $0x1;
	_ =	shalt  }
.Lfunc_end2:
_tile_overlayer_lowered:
.L_overlay_start_2:
0x235: {  	(tag) =	ssettag $0x2  }
0x236: {  	s0 =	rddreg [dreg:$0x0];
	s2 =	stileid.u32  }
0x237: {  	s1 =	rddreg [dreg:$0x1];
	p0 =	sne.s32 s2, $0x0  }
0x238: {  	s3 =	rddreg [dreg:$0x2];
	[bflag:$0x3] =	sbarrier.arrive $0xFFFF;
	s2 =	simm.s32 @!p0 $0x1C03  }
0x239: {  	[timem:s3], [sflag:s2] =	dma.local @!p0 [hbm:s0], s1  }
0x23a: {  	s0 =	simm.s32 @!p0 $0x3  }
0x23b: {  	_ =	swait.ge @!p0 [sflag:s0], s1  }
0x23c: {  	s1 =	ssub.s32 @!p0 $0x0, s1;
	[sflag:s0] =	ssyncset.done @!p0 $0x0  }
0x23d: {  	[sflag:s0] =	ssyncadd.s32 @!p0 s1  }
0x23e: {  	[bflag:$0x3] =	sbarrier.arrive $0xFFFF  }
0x23f: {  	_ =	shalt  }

// kernel: kernel.7.cloned.1.call-start
scs
__scs_entry_jumppad:
0x0: {  	(pc) =	sbr.rel $0x88, $3  }
0x1: {  	(tag) =	ssettag $0x0;
	lr =	simm.s32 $0x1  }
0x2: {  	[smem:$0x3F9F] =	sst lr;
	_ =	strace $0xD0000000  }
0x3: {  	_ = 	snop  }
0x4: {  	_ = 	snop  }
0x5: {  	_ = 	snop  }
0x6: {  	_ = 	snop  }
0x7: {  	_ = 	snop  }
__scs_overlays_trampoline_lowered:
0x8: {  	[smem:$0x3FAE] =	sst s0  }
0x9: {  	[smem:$0x3FAF] =	sst s1  }
0xa: {  	[smem:$0x3FB0] =	sst s2  }
0xb: {  	[smem:$0x3FB1] =	sst s3  }
0xc: {  	[smem:$0x3FB2] =	sst s4  }
0xd: {  	[smem:$0x3FB3] =	sst s5  }
0xe: {  	[smem:$0x3FB4] =	sst s6  }
0xf: {  	[smem:$0x3FB5] =	sst s7  }
0x10: {  	[smem:$0x3FB6] =	sst s8  }
0x11: {  	[smem:$0x3FB7] =	sst s9;
	s0 =	simm.s32 @!p0 $0x0  }
0x12: {  	s1 =	sld [smem:$0x3F9D];
	s0 =	simm.s32 @p0 $0x1  }
0x13: {  	[smem:$0x3FB8] =	sst s0;
	s0 =	simm.s32 @!p1 $0x0  }
0x14: {  	s2 =	sld [smem:$0x3F9C];
	s0 =	simm.s32 @p1 $0x1  }
0x15: {  	[smem:$0x3FB9] =	sst s0;
	s0 =	simm.s32 @!p2 $0x0  }
0x16: {  	s3 =	sld [smem:$0x3FDB];
	s0 =	simm.s32 @p2 $0x1  }
0x17: {  	s4 =	simm.s32 $0x1BF5;
	[smem:$0x3FBB] =	sst s0  }
0x18: {  	s0 =	sld [smem:$0x3F9E];
	_ =	swait.ge [sflag:s4], $0x0  }
0x19: {  	s7 =	sld [smem:$0x3F9F]  }
0x1a: {  	s8 =	sadd.s32 $0xFFFFE003, lr  }
0x1b: {  	s9 =	sadd.s32 $0xFFFFFEF7, lr;
	s5 =	simm.s32 $0xFFFFFFFF;
	p2 =	slt.u32 s8, $0xFFFFF086  }
0x1c: {  	p1 =	slt.u32 s9, $0xF7A;
	s5 =	simm.s32 @!p2 $0x0  }
0x1d: {  	s5 =	simm.s32 @p1 $0x1;
	p0 =	seq.s32 s7, s2  }
0x1e: {  	s7 =	smul.u32 @!p0 $0xF7A, s2;
	p2 =	seq.s32 @!p0 s5, $0x0  }
0x1f: {  	s9 =	smul.u32 $0xF7A, s1;
	s8 =	simm.s32 @!p0 $0x1BF5;
	p2 =	por !p2, p0  }
0x20: {  	[sflag:s8] =	ssyncset.s32 @!p0 $0xFFFFF086;
	s6 =	sadd.s32 @!p0 s3, s7;
	s7 =	simm.s32 @!p0 $0x108  }
0x21: {  	s3 =	sadd.s32 s3, s9;
	s6 =	sadd.s32 @!p0 $0x88, s6;
	s7 =	simm.s32 @p2 $0x1082  }
0x22: {  	[simem:s7], [sflag:s8] =	dma.local @!p0 [hbm:s6], $0xF7A  }
0x23: {  	s9 =	sor.u32 $0xD0000000, s2;
	s6 =	simm.s32 $0x108;
	_ =	swait.ge @!p0 [sflag:s8], $0x0  }
0x24: {  	s3 =	sadd.s32 $0x88, s3;
	s6 =	simm.s32 @!p1 $0x1082;
	[sflag:s4] =	ssyncset.s32 $0xFFFFF086  }
0x25: {  	[simem:s6], [sflag:s4] =	dma.local [hbm:s3], $0xF7A  }
0x26: {  	[smem:$0x3F9F] =	sst s1;
	(tag) =	ssettag s2;
	_ =	strace s9  }
0x27: {  	s1 =	sld [smem:$0x3FAF]  }
0x28: {  	s2 =	sld [smem:$0x3FB0]  }
0x29: {  	s4 =	sld [smem:$0x3FB2]  }
0x2a: {  	p0 =	seq.s32 s5, $0x0;
	s5 =	sld [smem:$0x3FB3]  }
0x2b: {  	s6 =	sld [smem:$0x3FB4]  }
0x2c: {  	s7 =	sld [smem:$0x3FB5]  }
0x2d: {  	s3 =	simm.s32 $0x108;
	s8 =	sld [smem:$0x3FB6]  }
0x2e: {  	s3 =	simm.s32 @!p0 $0x1082;
	s9 =	sld [smem:$0x3FB7]  }
0x2f: {  	lr =	sadd.s32 s0, s3;
	s0 =	sld [smem:$0x3FAE]  }
0x30: {  	s3 =	sld [smem:$0x3FB1]  }
0x31: {  	[smem:$0x3FBA] =	sst s10  }
0x32: {  	s10 =	sld [smem:$0x3FB8];
	_ =	sdelay $0x3  }
0x33: {  	p0 =	seq.s32 s10, $0x1;
	s10 =	sld [smem:$0x3FBA];
	_ =	sdelay $0x3  }
0x34: {  	[smem:$0x3FBA] =	sst s10  }
0x35: {  	s10 =	sld [smem:$0x3FB9];
	_ =	sdelay $0x3  }
0x36: {  	p1 =	seq.s32 s10, $0x1;
	s10 =	sld [smem:$0x3FBA];
	_ =	sdelay $0x3  }
0x37: {  	[smem:$0x3FBA] =	sst s10  }
0x38: {  	s10 =	sld [smem:$0x3FBB]  }
0x39: {  	_ = 	snop;
	(pc) =	sbr.ind lr, $3  }
0x3a: {  	_ = 	snop  }
0x3b: {  	_ = 	snop  }
0x3c: {  	p2 =	seq.s32 s10, $0x1;
	s10 =	sld [smem:$0x3FBA]  }
0x3d: {  	_ =	shalt  }
0x3e: {  	_ =	shalt  }
0x3f: {  	_ =	shalt  }
0x40: {  	_ =	shalt  }
0x41: {  	_ =	shalt  }
0x42: {  	_ =	shalt  }
0x43: {  	_ =	shalt  }
0x44: {  	_ =	shalt  }
0x45: {  	_ =	shalt  }
0x46: {  	_ =	shalt  }
0x47: {  	_ =	shalt  }
0x48: {  	_ =	shalt  }
0x49: {  	_ =	shalt  }
0x4a: {  	_ =	shalt  }
0x4b: {  	_ =	shalt  }
0x4c: {  	_ =	shalt  }
0x4d: {  	_ =	shalt  }
0x4e: {  	_ =	shalt  }
0x4f: {  	_ =	shalt  }
0x50: {  	_ =	shalt  }
0x51: {  	_ =	shalt  }
0x52: {  	_ =	shalt  }
0x53: {  	_ =	shalt  }
0x54: {  	_ =	shalt  }
0x55: {  	_ =	shalt  }
0x56: {  	_ =	shalt  }
0x57: {  	_ =	shalt  }
0x58: {  	_ =	shalt  }
0x59: {  	_ =	shalt  }
0x5a: {  	_ =	shalt  }
0x5b: {  	_ =	shalt  }
0x5c: {  	_ =	shalt  }
0x5d: {  	_ =	shalt  }
0x5e: {  	_ =	shalt  }
0x5f: {  	_ =	shalt  }
0x60: {  	_ =	shalt  }
0x61: {  	_ =	shalt  }
0x62: {  	_ =	shalt  }
0x63: {  	_ =	shalt  }
0x64: {  	_ =	shalt  }
0x65: {  	_ =	shalt  }
0x66: {  	_ =	shalt  }
0x67: {  	_ =	shalt  }
0x68: {  	_ =	shalt  }
0x69: {  	_ =	shalt  }
0x6a: {  	_ =	shalt  }
0x6b: {  	_ =	shalt  }
0x6c: {  	_ =	shalt  }
0x6d: {  	_ =	shalt  }
0x6e: {  	_ =	shalt  }
0x6f: {  	_ =	shalt  }
0x70: {  	_ =	shalt  }
0x71: {  	_ =	shalt  }
0x72: {  	_ =	shalt  }
0x73: {  	_ =	shalt  }
0x74: {  	_ =	shalt  }
0x75: {  	_ =	shalt  }
0x76: {  	_ =	shalt  }
0x77: {  	_ =	shalt  }
0x78: {  	_ =	shalt  }
0x79: {  	_ =	shalt  }
0x7a: {  	_ =	shalt  }
0x7b: {  	_ =	shalt  }
0x7c: {  	_ =	shalt  }
0x7d: {  	_ =	shalt  }
0x7e: {  	_ =	shalt  }
0x7f: {  	_ =	shalt  }
0x80: {  	_ =	shalt  }
0x81: {  	_ =	shalt  }
0x82: {  	_ =	shalt  }
0x83: {  	_ =	shalt  }
0x84: {  	_ =	shalt  }
0x85: {  	_ =	shalt  }
0x86: {  	_ =	shalt  }
0x87: {  	_ =	shalt  }
.Lfunc_end0:
.L_simem_size_0:
called_computation.1_lowered:
.L_overlay_start_0:
0x88: {  	s2 =	sld [smem:$0x3FD9]  }
0x89: {  	s3 =	sld [smem:$0x3FFE];
	_ =	sdelay $0x1  }
0x8a: {  	s1 =	srdreg.scid  }
0x8b: {  	s0 =	sand.u32 $0x1, s1  }
0x8c: {  	s14 =	sshll.u32 s0, $0xA;
	s2 =	sadd.s32 s3, s2  }
0x8d: {  	s2 =	sadd.s32 s2, s14  }
0x8e: {  	[smem:$0x3FC6] =	sst s2  }
0x8f: {  	_ = 	snop  }
0x90: {  	s2 =	sld [smem:$0x3FD0];
	_ =	sdelay $0x2  }
0x91: {  	s15 =	simm.s32 $0xA;
	s4 =	simm.s32 $0x10  }
0x92: {  	[smem:s4], [sflag:s15] =	dma.local [hbm:s2], $0x1  }
0x93: {  	_ =	swait.eq [sflag:s15], $0x1  }
0x94: {  	[sflag:s15] =	ssyncset.done $0x0  }
0x95: {  	s16 =	sld [smem:$0x10];
	[sflag:s15] =	ssyncadd.s32 $0xFFFFFFFF  }
0x96: {  	s17 =	sld [smem:$0x11];
	(tm) =	ssettm $0x1  }
0x97: {  	s18 =	sld [smem:$0x3FFB];
	_ =	sdelay $0x3  }
0x98: {  	_ =	strace s18  }
0x99: {  	s4 =	sld [smem:$0x3FFC];
	_ =	sdelay $0x3  }
0x9a: {  	_ =	strace s4  }
0x9b: {  	s4 =	sld [smem:$0x3FFD];
	_ =	sdelay $0x3  }
0x9c: {  	_ =	strace s4  }
0x9d: {  	_ =	strace $0x8FFFFFFF  }
0x9e: {  	s19 =	sld [smem:$0x3FDB];
	_ =	sdelay $0x1  }
0x9f: {  	s5 =	simm.s32 $_scs_section_size  }
0xa0: {  	s6 =	simm.s32 $_size__tile_overlayer_lowered;
	s7 =	simm.s32 $_tile_overlayer_lowered  }
0xa1: {  	s22 =	simm.s32 $0x1BFF;
	s21 =	sshll.u32 s7, $0x1;
	s4 =	sadd.s32 s5, s19  }
0xa2: {  	s8 =	simm.s32 $0x0;
	s20 =	sshll.u32 s6, $0x1;
	s6 =	sadd.s32 s21, s4  }
0xa3: {  	[timem:s8], [sflag:s22] =	dma.local [hbm:s6], s20  }
0xa4: {  	_ =	swait.ge [sflag:s22], s20  }
0xa5: {  	s5 =	ssub.s32 $0x0, s20;
	[sflag:s22] =	ssyncset.done $0x0  }
0xa6: {  	[sflag:s22] =	ssyncadd.s32 s5;
	_ =	sdelay $0x1  }
0xa7: {  	s23 =	simm.s32 $0x1B8B  }
0xa8: {  	_ =	swait.ge [sflag:s23], $0x1  }
0xa9: {  	[sflag:s23] =	ssyncset.done $0x0  }
0xaa: {  	s25 =	simm.s32 $0x1B8E;
	s24 =	sld [smem:$0x3FFE];
	[sflag:s23] =	ssyncadd.s32 $0xFFFFFFFF  }
0xab: {  	s26 =	simm.s32 $execute0_lowered;
	[smem:$0x3FD2] =	sst s25  }
0xac: {  	s6 =	sshll.u32 s26, $0x1;
	_ =	strace $0x80000049;
	[dreg:$0x1] =	wrdreg $0xFFFFFFFF  }
0xad: {  	s28 =	simm.s32 $_size_execute0_lowered;
	s4 =	sadd.s32 s4, s6;
	[dreg:$0x0] =	wrdreg $0x0  }
0xae: {  	s6 =	sshll.u32 s28, $0x1;
	[dreg:$0x2] =	wrdreg s4  }
0xaf: {  	[dreg:$0x3] =	wrdreg s6  }
0xb0: {  	[dreg:$0x4] =	wrdreg $0xC0  }
0xb1: {  	_ =	task [dreg:s8], $0x5FFFF  }
0xb2: {  	[dreg:$0x1] =	wrdreg $0xFFFFFFFF  }
0xb3: {  	[dreg:$0x0] =	wrdreg $0x60  }
0xb4: {  	[dreg:$0x2] =	wrdreg s24  }
0xb5: {  	[dreg:$0x3] =	wrdreg s16  }
0xb6: {  	[dreg:$0x4] =	wrdreg s17  }
0xb7: {  	[dreg:$0x5] =	wrdreg $0x9  }
0xb8: {  	_ =	task.clear_ibuf [dreg:s8], $0x6FFFF;
	_ =	strace $0x90000049  }
0xb9: {  	s29 =	simm.s32 $0x9;
	_ =	strace $0x8000004B  }
0xba: {  	_ =	swait.ge [sflag:s29], $0x1  }
0xbb: {  	[sflag:s29] =	ssyncadd.s32 $0xFFFFFFFF  }
0xbc: {  	_ =	strace $0x9000004B  }
0xbd: {  	_ =	sfence  }
0xbe: {  	s30 =	sld [smem:$0x0];
	_ =	sdelay $0x2  }
0xbf: {  	s31 =	sshll.u32 s1, $0xD;
	s1 =	sshrl.u32 s1, $0x2  }
0xc0: {  	s3 =	sand.u32 $0x4000, s31;
	s1 =	sadd.s32 s1, s30  }
0xc1: {  	s0 =	sor.u32 s3, s0;
	s1 =	sshll.u32 s1, $0x11  }
0xc2: {  	s0 =	sor.u32 s1, s0  }
0xc3: {  	s0 =	sadd.s32 $0x8F2B, s0  }
0xc4: {  	[sflag:s0] =	ssyncadd.remote.s32 $0x1  }
0xc5: {  	_ =	sfence.sel $0xFFFF  }
0xc6: {  	[dreg:$0x0] =	wrdreg $0xFFFFFFFF;
	(pc) =	sbr.abs _section_cstart, $3  }
0xc7: {  	[dreg:$0x1] =	wrdreg $0xFFFFFFFF  }
0xc8: {  	_ =	task.clear_ibuf [dreg:s8], $0x2FFFF;
	_ =	strace $0x9FFFFFFF  }
0xc9: {  	(tm) =	ssettm $0x7FFFFFFF  }
tec
execute0_lowered:
.L_overlay_start_1:
0x0: {  	(tag) =	ssettag $0x1  }
0x1: {  	s0 =	rddreg [dreg:$0x0]  }
0x2: {  	s1 =	rddreg [dreg:$0x1]  }
0x3: {  	s3 =	simm.s32 $0x0;
	s2 =	srdreg.scid;
	s4 =	stileid.u32  }
0x4: {  	s29 =	simm.s32 $0x5;
	s28 =	simm.s32 $0xF100;
	s10 =	simm.s32 $0x13100  }
0x5: {  	s31 =	simm.s32 $0x3;
	s11 =	simm.s32 $0x4;
	[smem:$0x7FF] =	sst s3  }
0x6: {  	s2 =	sand.u32 $0x1, s2;
	s4 =	sshll.u32 s4, $0x1;
	s5 =	sadd.s32 $0x1200, s0  }
0x7: {  	s12 =	sadd.s32 $0x1000, s0;
	s0 =	sadd.s32 $0x21200, s0;
	_ =	strace $0x8000004A  }
0x8: {  	s6 =	ssub.s32 $0x2, s2;
	s2 =	sor.u32 s2, s4;
	[dreg:$0x4] =	wrdreg s12  }
0x9: {  	[dreg:$0x5] =	wrdreg s0;
	s0 =	simm.s32 $0x1;
	s12 =	simm.s32 $0x0  }
0xa: {  	s13 =	sshrl.u32 s6, $0x1;
	s7 =	sshll.u32 s2, $0xC;
	p0 =	sne.s32 s2, $0x0  }
0xb: {  	s2 =	simm.s32 $0x1080;
	s14 =	ssub.s32 s6, s13;
	s19 =	sor.u32 $0x400, s7  }
0xc: {  	s20 =	sadd.s32 s5, s7;
	s8 =	sadd.s32 s1, s7;
	s24 =	sor.u32 $0x800, s7  }
0xd: {  	v0 =	vimm.f32 $5.000000000e-01;
	s30 =	sor.u32 $0xC00, s7;
	s6 =	simm.s32 $0x2;
	s7 =	simm.s32 $0xD100  }
0xe: {  	(erf) = vrcp.f32 v0;
	[dreg:$0x6] =	wrdreg s20;
	s21 =	sadd.s32 s5, s19;
	s22 =	sadd.s32 $0x20000, s8  }
0xf: {  	s23 =	sadd.s32 $0x40000, s8;
	s9 =	sadd.s32 $0x60000, s8;
	[dreg:$0x7] =	wrdreg s21  }
0x10: {  	s25 =	sadd.s32 s5, s24;
	s4 =	sadd.s32 s1, s19;
	[dreg:$0x8] =	wrdreg s22  }
0x11: {  	s26 =	sadd.s32 $0x20400, s8;
	s15 =	sadd.s32 $0x40400, s8;
	[dreg:$0x9] =	wrdreg s23  }
0x12: {  	s16 =	sadd.s32 $0x60400, s8;
	s17 =	sadd.s32 s5, s30;
	[dreg:$0xa] =	wrdreg s9  }
0x13: {  	s18 =	sadd.s32 s1, s24;
	s19 =	sadd.s32 $0x20800, s8;
	[dreg:$0xb] =	wrdreg s25  }
0x14: {  	s20 =	sadd.s32 $0x40800, s8;
	s24 =	sadd.s32 $0x40C00, s8;
	[dreg:$0xc] =	wrdreg s4  }
0x15: {  	s5 =	simm.s32 $0xB100;
	[dreg:$0xd] =	wrdreg s26;
	s21 =	sadd.s32 $0x60800, s8  }
0x16: {  	s22 =	sadd.s32 s1, s30;
	s23 =	sadd.s32 $0x20C00, s8;
	s25 =	smax.u32 s14, $0x1  }
0x17: {  	vm0 =	vmmov $0x7;
	s26 =	sadd.s32 $0x60C00, s8;
	s4 =	simm.s32 $0x9100;
	s9 =	simm.s32 $0x11100;
	v0 =	vpop (erf)  }
.LBB2_1:
0x18: {  	s1 =	rddreg [dreg:$0x6];
	s13 =	simm.s32 $0x1100  }
0x19: {  	[tilespmem:s13], [sflag:$0x1] =	stream.linear.gather [hbm4b:s1+s3], $0x2000, $0x38;
	[tilespmem:$0x15100] =	vst v63  }
0x1a: {  	s14 =	rddreg [dreg:$0x4]  }
0x1b: {  	[tilespmem:s3], [sflag:$0x5] =	stream.linear.gather [hbm4b:s14+s3], $0x1000, $0x38;
	[tilespmem:$0x15100] =	vst v63  }
0x1c: {  	_ =	swait.ge [sflag:s29], $0x1000  }
0x1d: {  	[sflag:s29] =	ssyncset.done $0x0  }
0x1e: {  	s14 =	simm.s32 $0x1000;
	s13 =	rddreg [dreg:$0x5];
	[sflag:s29] =	ssyncadd.s32 $0xFFFFF000  }
0x1f: {  	[tilespmem:s14], [sflag:$0x5] =	stream.linear.gather [hbm4b:s13+s3], $0x80, $0x38;
	[tilespmem:$0x15100] =	vst v63  }
0x20: {  	_ =	swait.ge [sflag:s29], $0x80  }
0x21: {  	[sflag:s29] =	ssyncset.done $0x0  }
0x22: {  	[sflag:s29] =	ssyncadd.s32 $0xFFFFFF80  }
0x23: {  	v1 =	vld [tilespmem:$0x0]  }
0x24: {  	v2 =	vld [tilespmem:$0x10]  }
0x25: {  	v3 =	vld [tilespmem:$0x80]  }
0x26: {  	v4 =	vld [tilespmem:$0x90]  }
0x27: {  	v5 =	vld [tilespmem:$0x100]  }
0x28: {  	v6 =	vld [tilespmem:$0x110]  }
0x29: {  	v7 =	vld [tilespmem:$0x180]  }
0x2a: {  	v8 =	vld [tilespmem:$0x190]  }
0x2b: {  	v9 =	vld [tilespmem:$0x200]  }
0x2c: {  	v10 =	vld [tilespmem:$0x210]  }
0x2d: {  	v11 =	vld [tilespmem:$0x280]  }
0x2e: {  	v12 =	vld [tilespmem:$0x290]  }
0x2f: {  	v13 =	vld [tilespmem:$0x300]  }
0x30: {  	v14 =	vld [tilespmem:$0x310]  }
0x31: {  	v15 =	vld [tilespmem:$0x380]  }
0x32: {  	v16 =	vld [tilespmem:$0x390]  }
0x33: {  	v17 =	vld [tilespmem:$0x400]  }
0x34: {  	v18 =	vld [tilespmem:$0x410]  }
0x35: {  	v19 =	vld [tilespmem:$0x480]  }
0x36: {  	v20 =	vld [tilespmem:$0x490]  }
0x37: {  	v21 =	vld [tilespmem:$0x500]  }
0x38: {  	v22 =	vld [tilespmem:$0x510]  }
0x39: {  	v23 =	vld [tilespmem:$0x580]  }
0x3a: {  	v24 =	vld [tilespmem:$0x590]  }
0x3b: {  	v25 =	vld [tilespmem:$0x600]  }
0x3c: {  	v26 =	vld [tilespmem:$0x610]  }
0x3d: {  	v27 =	vld [tilespmem:$0x680]  }
0x3e: {  	v28 =	vld [tilespmem:$0x690]  }
0x3f: {  	v29 =	vld [tilespmem:$0x700]  }
0x40: {  	v30 =	vld [tilespmem:$0x710]  }
0x41: {  	v31 =	vld [tilespmem:$0x780]  }
0x42: {  	v32 =	vld [tilespmem:$0x790]  }
0x43: {  	v33 =	vld [tilespmem:$0x800]  }
0x44: {  	v34 =	vld [tilespmem:$0x810]  }
0x45: {  	v35 =	vld [tilespmem:$0x880]  }
0x46: {  	v36 =	vld [tilespmem:$0x890]  }
0x47: {  	v37 =	vld [tilespmem:$0x900]  }
0x48: {  	v62 =	vld [tilespmem:$0xB80];
	v1 =	vadd.s32 v1, v3  }
0x49: {  	v63 =	vld [tilespmem:$0xB90];
	v2 =	vadd.s32 v2, v4;
	v1 =	vadd.s32 v5, v1  }
0x4a: {  	v3 =	vld [tilespmem:$0x910];
	v2 =	vadd.s32 v6, v2;
	v1 =	vadd.s32 v7, v1  }
0x4b: {  	v4 =	vld [tilespmem:$0x980];
	v2 =	vadd.s32 v8, v2;
	v1 =	vadd.s32 v9, v1  }
0x4c: {  	v5 =	vld [tilespmem:$0x990];
	v2 =	vadd.s32 v10, v2;
	v1 =	vadd.s32 v11, v1  }
0x4d: {  	v6 =	vld [tilespmem:$0xA00];
	v2 =	vadd.s32 v12, v2;
	v1 =	vadd.s32 v13, v1  }
0x4e: {  	v7 =	vld [tilespmem:$0xA10];
	v2 =	vadd.s32 v14, v2;
	v1 =	vadd.s32 v15, v1  }
0x4f: {  	v8 =	vld [tilespmem:$0xA80];
	v2 =	vadd.s32 v16, v2;
	v1 =	vadd.s32 v17, v1  }
0x50: {  	v9 =	vld [tilespmem:$0xA90];
	v2 =	vadd.s32 v18, v2;
	v1 =	vadd.s32 v19, v1  }
0x51: {  	v10 =	vld [tilespmem:$0xB00];
	v2 =	vadd.s32 v20, v2;
	v1 =	vadd.s32 v21, v1  }
0x52: {  	v11 =	vld [tilespmem:$0xB10];
	v2 =	vadd.s32 v22, v2;
	v1 =	vadd.s32 v23, v1  }
0x53: {  	v2 =	vadd.s32 v24, v2;
	v1 =	vadd.s32 v25, v1;
	v25 =	vld [tilespmem:$0xC00]  }
0x54: {  	v2 =	vadd.s32 v26, v2;
	v1 =	vadd.s32 v27, v1;
	v27 =	vld [tilespmem:$0xC10]  }
0x55: {  	v2 =	vadd.s32 v28, v2;
	v1 =	vadd.s32 v29, v1;
	v29 =	vld [tilespmem:$0xC80]  }
0x56: {  	v2 =	vadd.s32 v30, v2;
	v1 =	vadd.s32 v31, v1;
	v31 =	vld [tilespmem:$0xC90]  }
0x57: {  	v2 =	vadd.s32 v32, v2;
	v1 =	vadd.s32 v33, v1;
	v33 =	vld [tilespmem:$0xD00]  }
0x58: {  	v2 =	vadd.s32 v34, v2;
	v1 =	vadd.s32 v35, v1;
	v35 =	vld [tilespmem:$0xD10]  }
0x59: {  	v2 =	vadd.s32 v36, v2;
	v1 =	vadd.s32 v37, v1;
	v37 =	vld [tilespmem:$0xD80]  }
0x5a: {  	v2 =	vadd.s32 v3, v2;
	v3 =	vld [tilespmem:$0xD90]  }
0x5b: {  	v1 =	vadd.s32 v4, v1;
	v2 =	vadd.s32 v5, v2;
	v4 =	vld [tilespmem:$0xE00]  }
0x5c: {  	v5 =	vld [tilespmem:$0xE10];
	v1 =	vadd.s32 v6, v1;
	v2 =	vadd.s32 v7, v2  }
0x5d: {  	v6 =	vld [tilespmem:$0xE80];
	v1 =	vadd.s32 v8, v1;
	v2 =	vadd.s32 v9, v2  }
0x5e: {  	v7 =	vld [tilespmem:$0xE90];
	v1 =	vadd.s32 v10, v1;
	v2 =	vadd.s32 v11, v2  }
0x5f: {  	v8 =	vld [tilespmem:$0xF00];
	v1 =	vadd.s32 v62, v1;
	v2 =	vadd.s32 v63, v2  }
0x60: {  	v9 =	vld [tilespmem:$0xF10];
	v1 =	vadd.s32 v25, v1;
	v2 =	vadd.s32 v27, v2  }
0x61: {  	v10 =	vld [tilespmem:$0xF80];
	v1 =	vadd.s32 v29, v1;
	v2 =	vadd.s32 v31, v2  }
0x62: {  	v11 =	vld [tilespmem:$0xF90];
	v1 =	vadd.s32 v33, v1;
	v2 =	vadd.s32 v35, v2  }
0x63: {  	v1 =	vadd.s32 v37, v1;
	v2 =	vadd.s32 v3, v2  }
0x64: {  	v1 =	vadd.s32 v4, v1;
	v2 =	vadd.s32 v5, v2  }
0x65: {  	v3 =	vld [tilespmem:$0x1000];
	v1 =	vadd.s32 v6, v1;
	v2 =	vadd.s32 v7, v2  }
0x66: {  	v4 =	vld [tilespmem:$0x1010];
	v1 =	vadd.s32 v8, v1;
	v2 =	vadd.s32 v9, v2  }
0x67: {  	v1 =	vadd.s32 v10, v1;
	v2 =	vadd.s32 v11, v2  }
0x68: {  	v1 =	vcvt.s32.f32 v1;
	v2 =	vcvt.s32.f32 v2;
	_ =	sdelay $0x1  }
0x69: {  	v1 =	vmul.f32 $2.384185790e-07, v1;
	v2 =	vmul.f32 $2.384185790e-07, v2  }
0x6a: {  	v3 =	vmul.f32 $9.900000090e-01, v3;
	v4 =	vmul.f32 $9.900000090e-01, v4  }
0x6b: {  	v1 =	vmul.f32 $9.999999770e-03, v1;
	v2 =	vmul.f32 $9.999999770e-03, v2;
	_ =	sdelay $0x1  }
0x6c: {  	v1 =	vadd.f32 v1, v3;
	v2 =	vadd.f32 v2, v4;
	_ =	sdelay $0x1  }
0x6d: {  	v3 =	vsub.f32 $1.000000000e+00, v1;
	v4 =	vsub.f32 $1.000000000e+00, v2;
	_ =	sdelay $0x1  }
0x6e: {  	v3 =	vmul.f32 v3, v0;
	v4 =	vmul.f32 v4, v0;
	_ =	sdelay $0x1  }
0x6f: {  	(xrf0) =	vmax.scan.msk.f32 $0xffff, v3;
	v5 =	vnsel vm0, $0xF149F2CA, v4  }
0x70: {  	(xrf0) =	vmax.scan.msk.f32 $0xffff, v5;
	_ =	sdelay $0x4  }
0x71: {  	v5, _, _ =	vpop (xrf0)  }
0x72: {  	(v2sf) =	vpush v5, $0xF;
	v5, _, _ =	vpop (xrf0)  }
0x73: {  	(v2sf) =	vpush v5, $0xF;
	_ =	sdelay $0xd  }
0x74: {  	s13 =	spop (v2sf)  }
0x75: {  	s14 =	spop (v2sf)  }
0x76: {  	s1 =	smax.f32 s13, s14  }
0x77: {  	v5 =	vmov s1  }
0x78: {  	v3 =	vsub.f32 v3, v5  }
0x79: {  	v4 =	vsub.f32 v4, v5  }
0x7a: {  	v3 =	vmul.f32 $1.442695020e+00, v3  }
0x7b: {  	v4 =	vmul.f32 $1.442695020e+00, v4  }
0x7c: {  	(erf) = vpow2.f32 v3  }
0x7d: {  	(erf) = vpow2.f32 v4;
	_ =	sdelay $0x7  }
0x7e: {  	v3 =	vpop (erf)  }
0x7f: {  	v4 =	vpop (erf)  }
0x80: {  	(xrf2) =	vadd.scan.msk.f32 $0xffff, v3;
	v4 =	vnsel vm0, $0x0, v4  }
0x81: {  	(xrf2) =	vadd.scan.msk.f32 $0xffff, v4;
	_ =	sdelay $0x8  }
0x82: {  	v5, _, _ =	vpop (xrf2)  }
0x83: {  	(v2sf) =	vpush v5, $0xF;
	v5, _, _ =	vpop (xrf2)  }
0x84: {  	(v2sf) =	vpush v5, $0xF;
	_ =	sdelay $0xd  }
0x85: {  	s13 =	spop (v2sf)  }
0x86: {  	s14 =	spop (v2sf)  }
0x87: {  	s1 =	sadd.f32 s14, s13;
	_ =	sdelay $0x1  }
0x88: {  	v5 =	vmov s1  }
0x89: {  	(erf) = vrcp.f32 v5;
	_ =	sdelay $0x8  }
0x8a: {  	v5 =	vpop (erf)  }
0x8b: {  	v3 =	vmul.f32 v5, v3  }
0x8c: {  	v4 =	vmul.f32 v5, v4  }
0x8d: {  	(xrf0) =	vmax.scan.msk.f32 $0xffff, v3  }
0x8e: {  	(xrf0) =	vmax.scan.msk.f32 $0xffff, v4;
	_ =	sdelay $0x4  }
0x8f: {  	v5, _, _ =	vpop (xrf0)  }
0x90: {  	(v2sf) =	vpush v5, $0xF;
	v5, _, _ =	vpop (xrf0)  }
0x91: {  	(v2sf) =	vpush v5, $0xF;
	_ =	sdelay $0xd  }
0x92: {  	s13 =	spop (v2sf)  }
0x93: {  	s14 =	spop (v2sf)  }
0x94: {  	s1 =	smax.f32 s13, s14  }
0x95: {  	s1 =	sadd.f32 $1.000000010e-07, s1;
	_ =	sdelay $0x1  }
0x96: {  	v5 =	vmov s1  }
0x97: {  	(erf) = vrcp.f32 v5;
	_ =	sdelay $0x8  }
0x98: {  	v5 =	vpop (erf)  }
0x99: {  	[tilespmem:$0x1000] =	vst @!p0 v1;
	v3 =	vmul.f32 v5, v3  }
0x9a: {  	[tilespmem:$0x1010] =	vst @!p0 v2;
	v4 =	vmul.f32 v5, v4  }
0x9b: {  	[tilespmem:$0x1080] =	vst v3  }
0x9c: {  	s13 =	simm.s32 @!p0 $0x1000;
	s14 =	rddreg [dreg:$0x2];
	s1 =	simm.s32 @!p0 $0x0;
	[tilespmem:$0x1090] =	vst v4  }
0x9d: {  	[hbm4b:s14+s1] =	stream.linear.scatter @!p0 [tilespmem:s13], [sflag:$0x5], $0x80, $0x38;
	[tilespmem:$0x15100] =	vst v63  }
0x9e: {  	s1 =	simm.s32 @!p0 $0x5  }
0x9f: {  	_ =	swait.ge @!p0 [sflag:s1], $0x80  }
0xa0: {  	[sflag:s1] =	ssyncset.done @!p0 $0x0  }
0xa1: {  	s14 =	simm.s32 $0x3100;
	s13 =	rddreg [dreg:$0x7];
	[sflag:s1] =	ssyncadd.s32 @!p0 $0xFFFFFF80  }
0xa2: {  	[tilespmem:s14], [sflag:$0x2] =	stream.linear.gather [hbm4b:s13+s3], $0x2000, $0x38;
	[tilespmem:$0x15100] =	vst v63  }
0xa3: {  	_ =	swait.ge [sflag:s0], $0x2000  }
0xa4: {  	[sflag:s0] =	ssyncset.done $0x0  }
0xa5: {  	s13 =	simm.s32 $0x0;
	[sflag:s0] =	ssyncadd.s32 $0xFFFFE000  }
0xa6: {  	v1 =	vld [tilespmem:s13+$0x1170]  }
0xa7: {  	v2 =	vld [tilespmem:s13+$0x1100]  }
0xa8: {  	v3 =	vld [tilespmem:s13+$0x1110]  }
0xa9: {  	v4 =	vld [tilespmem:s13+$0x1120]  }
0xaa: {  	v5 =	vld [tilespmem:s13+$0x1130]  }
0xab: {  	v9 =	vld [tilespmem:s13+$0x1140];
	v6 =	vand.u32 $0xFF, v1  }
0xac: {  	v10 =	vld [tilespmem:s13+$0x1150];
	v7 =	vand.u32 $0xFF, v2  }
0xad: {  	v11 =	vld [tilespmem:s13+$0x1160];
	v8 =	vand.u32 $0xFF, v3  }
0xae: {  	v38 =	vand.u32 $0xFF, v4  }
0xaf: {  	v39 =	vand.u32 $0xFF, v5  }
0xb0: {  	v40 =	vand.u32 $0xFF, v9;
	v6 =	vld.idx.msk [tilespmem:v6+s2+$0x0], $0xffff  }
0xb1: {  	v41 =	vand.u32 $0xFF, v10;
	v7 =	vld.idx.msk [tilespmem:v7+s2+$0x0], $0xffff  }
0xb2: {  	v42 =	vshrl.u32 v1, $0x8;
	v44 =	vand.u32 $0xFF, v11;
	v8 =	vld.idx.msk [tilespmem:v8+s2+$0x0], $0xffff  }
0xb3: {  	v43 =	vshrl.u32 v2, $0x8;
	v16 =	vand.u32 $0xFF, v42;
	v12 =	vld.idx.msk [tilespmem:v38+s2+$0x0], $0xffff  }
0xb4: {  	v45 =	vshrl.u32 v3, $0x8;
	v17 =	vand.u32 $0xFF, v43;
	v13 =	vld.idx.msk [tilespmem:v39+s2+$0x0], $0xffff  }
0xb5: {  	v46 =	vshrl.u32 v4, $0x8;
	v19 =	vand.u32 $0xFF, v45;
	v14 =	vld.idx.msk [tilespmem:v40+s2+$0x0], $0xffff  }
0xb6: {  	v48 =	vshrl.u32 v9, $0x8;
	v20 =	vand.u32 $0xFF, v46;
	v15 =	vld.idx.msk [tilespmem:v41+s2+$0x0], $0xffff;
	[tilespmem:s13+$0x5170] =	vst v6  }
0xb7: {  	v51 =	vshrl.u32 v10, $0x8;
	v49 =	vand.u32 $0xFF, v48;
	[tilespmem:s13+$0x5110] =	vst v8;
	v8 =	vld.idx.msk [tilespmem:v44+s2+$0x0], $0xffff  }
0xb8: {  	v47 =	vshrl.u32 v5, $0x8;
	v21 =	vand.u32 $0xFF, v51;
	[tilespmem:s13+$0x5100] =	vst v7;
	v7 =	vld.idx.msk [tilespmem:v16+s2+$0x0], $0xffff  }
0xb9: {  	v53 =	vshrl.u32 v11, $0x8;
	v6 =	vand.u32 $0xFF, v47;
	[tilespmem:s13+$0x5120] =	vst v12;
	v17 =	vld.idx.msk [tilespmem:v17+s2+$0x0], $0xffff  }
0xba: {  	v50 =	vshrl.u32 v1, $0x10;
	v18 =	vand.u32 $0xFF, v53;
	[tilespmem:s13+$0x5130] =	vst v13;
	v19 =	vld.idx.msk [tilespmem:v19+s2+$0x0], $0xffff  }
0xbb: {  	v54 =	vshrl.u32 v2, $0x10;
	v52 =	vand.u32 $0xFF, v50;
	[tilespmem:s13+$0x5140] =	vst v14;
	v20 =	vld.idx.msk [tilespmem:v20+s2+$0x0], $0xffff  }
0xbc: {  	v55 =	vshrl.u32 v3, $0x10;
	v13 =	vand.u32 $0xFF, v54;
	[tilespmem:s13+$0x5150] =	vst v15;
	v16 =	vld.idx.msk [tilespmem:v49+s2+$0x0], $0xffff  }
0xbd: {  	v56 =	vshrl.u32 v4, $0x10;
	v14 =	vand.u32 $0xFF, v55;
	v57 =	vld.idx.msk [tilespmem:v21+s2+$0x0], $0xffff;
	[tilespmem:s13+$0x5160] =	vst v8  }
0xbe: {  	v58 =	vshrl.u32 v9, $0x10;
	v15 =	vand.u32 $0xFF, v56;
	v6 =	vld.idx.msk [tilespmem:v6+s2+$0x0], $0xffff;
	[tilespmem:s13+$0x7170] =	vst v7  }
0xbf: {  	v7 =	vshrl.u32 v5, $0x10;
	[tilespmem:s13+$0x7100] =	vst v17;
	v18 =	vld.idx.msk [tilespmem:v18+s2+$0x0], $0xffff;
	v17 =	vand.u32 $0xFF, v58  }
0xc0: {  	v59 =	vshrl.u32 v10, $0x10;
	[tilespmem:s13+$0x7110] =	vst v19;
	v8 =	vld.idx.msk [tilespmem:v52+s2+$0x0], $0xffff;
	v7 =	vand.u32 $0xFF, v7  }
0xc1: {  	[tilespmem:s13+$0x7120] =	vst v20;
	v19 =	vand.u32 $0xFF, v59;
	v13 =	vld.idx.msk [tilespmem:v13+s2+$0x0], $0xffff  }
0xc2: {  	v1 =	vshrl.u32 v1, $0x18;
	[tilespmem:s13+$0x7140] =	vst v16;
	v14 =	vld.idx.msk [tilespmem:v14+s2+$0x0], $0xffff  }
0xc3: {  	v60 =	vshrl.u32 v11, $0x10;
	v3 =	vshrl.u32 v3, $0x18;
	[tilespmem:s13+$0x7150] =	vst v57;
	v15 =	vld.idx.msk [tilespmem:v15+s2+$0x0], $0xffff  }
0xc4: {  	[tilespmem:s13+$0x7130] =	vst v6;
	v6 =	vand.u32 $0xFF, v60;
	v17 =	vld.idx.msk [tilespmem:v17+s2+$0x0], $0xffff  }
0xc5: {  	v2 =	vshrl.u32 v2, $0x18;
	[tilespmem:s13+$0x7160] =	vst v18;
	v61 =	vld.idx.msk [tilespmem:v7+s2+$0x0], $0xffff  }
0xc6: {  	v62 =	vshrl.u32 v4, $0x18;
	[tilespmem:s13+$0x9170] =	vst v8;
	v8 =	vld.idx.msk [tilespmem:v19+s2+$0x0], $0xffff  }
0xc7: {  	v63 =	vshrl.u32 v5, $0x18;
	[tilespmem:s13+$0x9110] =	vst v14;
	v1 =	vld.idx.msk [tilespmem:v1+s2+$0x0], $0xffff  }
0xc8: {  	[tilespmem:s13+$0x9100] =	vst v13;
	v5 =	vld.idx.msk [tilespmem:v3+s2+$0x0], $0xffff;
	v3 =	vshrl.u32 v9, $0x18  }
0xc9: {  	[tilespmem:s13+$0x9120] =	vst v15;
	v7 =	vld.idx.msk [tilespmem:v6+s2+$0x0], $0xffff  }
0xca: {  	v4 =	vld.idx.msk [tilespmem:v2+s2+$0x0], $0xffff;
	[tilespmem:s13+$0x9140] =	vst v17  }
0xcb: {  	v6 =	vld.idx.msk [tilespmem:v62+s2+$0x0], $0xffff;
	[tilespmem:s13+$0x9130] =	vst v61  }
0xcc: {  	s30 =	simm.s32 $0x200;
	s1 =	simm.s32 $0x0;
	v2 =	vshrl.u32 v10, $0x18;
	[tilespmem:s13+$0xB170] =	vst v1;
	v1 =	vshrl.u32 v11, $0x18;
	v9 =	vld.idx.msk [tilespmem:v63+s2+$0x0], $0xffff  }
.LBB2_2:
0xcd: {  	s14 =	sshra.s32 s30, $0x2;
	s1 =	sadd.s32 $0x80, s1;
	v3 =	vld.idx.msk [tilespmem:v3+s2+$0x0], $0xffff;
	[tilespmem:s13+$0x9150] =	vst v8  }
0xce: {  	v8 =	vld [tilespmem:s14+$0x1170];
	p1 =	slt.u32 s1, $0x1F80;
	[tilespmem:s13+$0x9160] =	vst v7  }
0xcf: {  	v7 =	vld [tilespmem:s14+$0x1100];
	[tilespmem:s13+$0xB100] =	vst v4  }
0xd0: {  	v4 =	vld [tilespmem:s14+$0x1110];
	[tilespmem:s13+$0xB110] =	vst v5  }
0xd1: {  	v5 =	vld [tilespmem:s14+$0x1120];
	[tilespmem:s13+$0xB120] =	vst v6  }
0xd2: {  	v6 =	vld [tilespmem:s14+$0x1130];
	[tilespmem:s13+$0xB130] =	vst v9  }
0xd3: {  	v9 =	vld [tilespmem:s14+$0x1140];
	v10 =	vand.u32 $0xFF, v8;
	[tilespmem:s13+$0xB140] =	vst v3  }
0xd4: {  	v3 =	vand.u32 $0xFF, v7;
	v11 =	vshrl.u32 v7, $0x8;
	v12 =	vshrl.u32 v7, $0x10;
	v13 =	vld [tilespmem:s14+$0x1150]  }
0xd5: {  	v11 =	vand.u32 $0xFF, v11;
	v14 =	vand.u32 $0xFF, v4;
	v15 =	vshrl.u32 v4, $0x8;
	v16 =	vld [tilespmem:s14+$0x1160]  }
0xd6: {  	v15 =	vand.u32 $0xFF, v15;
	v17 =	vand.u32 $0xFF, v5;
	v18 =	vshrl.u32 v5, $0x8;
	v2 =	vld.idx.msk [tilespmem:v2+s2+$0x0], $0xffff  }
0xd7: {  	v18 =	vand.u32 $0xFF, v18;
	v19 =	vand.u32 $0xFF, v6;
	v20 =	vshrl.u32 v6, $0x8;
	v1 =	vld.idx.msk [tilespmem:v1+s2+$0x0], $0xffff  }
0xd8: {  	v20 =	vand.u32 $0xFF, v20;
	v21 =	vand.u32 $0xFF, v9;
	v22 =	vshrl.u32 v9, $0x8;
	v10 =	vld.idx.msk [tilespmem:v10+s2+$0x0], $0xffff  }
0xd9: {  	v25 =	vshrl.u32 v8, $0x8;
	v3 =	vld.idx.msk [tilespmem:v3+s2+$0x0], $0xffff;
	v23 =	vand.u32 $0xFF, v13;
	v24 =	vshrl.u32 v13, $0x8  }
0xda: {  	v25 =	vand.u32 $0xFF, v25;
	v14 =	vld.idx.msk [tilespmem:v14+s2+$0x0], $0xffff;
	v26 =	vand.u32 $0xFF, v16;
	v27 =	vshrl.u32 v16, $0x8  }
0xdb: {  	v22 =	vand.u32 $0xFF, v22;
	v24 =	vand.u32 $0xFF, v24;
	v17 =	vld.idx.msk [tilespmem:v17+s2+$0x0], $0xffff;
	v27 =	vand.u32 $0xFF, v27  }
0xdc: {  	v28 =	vshrl.u32 v4, $0x10;
	v29 =	vshrl.u32 v5, $0x10;
	v30 =	vshrl.u32 v6, $0x10;
	v19 =	vld.idx.msk [tilespmem:v19+s2+$0x0], $0xffff;
	[tilespmem:s13+$0xB150] =	vst v2  }
0xdd: {  	v31 =	vshrl.u32 v13, $0x10;
	v32 =	vshrl.u32 v16, $0x10;
	v2 =	vshrl.u32 v9, $0x10;
	v21 =	vld.idx.msk [tilespmem:v21+s2+$0x0], $0xffff;
	[tilespmem:s13+$0xB160] =	vst v1;
	s13 =	smov.u32 s14  }
0xde: {  	v12 =	vand.u32 $0xFF, v12;
	v28 =	vand.u32 $0xFF, v28;
	v29 =	vand.u32 $0xFF, v29;
	v23 =	vld.idx.msk [tilespmem:v23+s2+$0x0], $0xffff;
	[tilespmem:s13+$0x5170] =	vst v10  }
0xdf: {  	v31 =	vand.u32 $0xFF, v31;
	v10 =	vand.u32 $0xFF, v30;
	v30 =	vand.u32 $0xFF, v2;
	[tilespmem:s13+$0x5100] =	vst v3;
	v25 =	vld.idx.msk [tilespmem:v25+s2+$0x0], $0xffff  }
0xe0: {  	v33 =	vshrl.u32 v7, $0x18;
	v1 =	vshrl.u32 v8, $0x10;
	[tilespmem:s13+$0x5110] =	vst v14;
	v7 =	vld.idx.msk [tilespmem:v26+s2+$0x0], $0xffff;
	v14 =	vand.u32 $0xFF, v32  }
0xe1: {  	v26 =	vshrl.u32 v4, $0x18;
	v4 =	vand.u32 $0xFF, v1;
	v11 =	vld.idx.msk [tilespmem:v11+s2+$0x0], $0xffff;
	[tilespmem:s13+$0x5120] =	vst v17;
	v17 =	vshrl.u32 v5, $0x18  }
0xe2: {  	v2 =	vshrl.u32 v13, $0x18;
	v3 =	vshrl.u32 v9, $0x18;
	v5 =	vld.idx.msk [tilespmem:v15+s2+$0x0], $0xffff;
	[tilespmem:s13+$0x5130] =	vst v19;
	v15 =	vshrl.u32 v6, $0x18  }
0xe3: {  	v1 =	vshrl.u32 v16, $0x18;
	v6 =	vld.idx.msk [tilespmem:v18+s2+$0x0], $0xffff;
	[tilespmem:s13+$0x5140] =	vst v21  }
0xe4: {  	v9 =	vld.idx.msk [tilespmem:v20+s2+$0x0], $0xffff;
	[tilespmem:s13+$0x5150] =	vst v23  }
0xe5: {  	v13 =	vld.idx.msk [tilespmem:v22+s2+$0x0], $0xffff;
	[tilespmem:s13+$0x7170] =	vst v25  }
0xe6: {  	[tilespmem:s13+$0x5160] =	vst v7;
	v4 =	vld.idx.msk [tilespmem:v4+s2+$0x0], $0xffff  }
0xe7: {  	[tilespmem:s13+$0x7100] =	vst v11;
	v7 =	vld.idx.msk [tilespmem:v24+s2+$0x0], $0xffff  }
0xe8: {  	v8 =	vshrl.u32 v8, $0x18;
	[tilespmem:s13+$0x7110] =	vst v5;
	v5 =	vld.idx.msk [tilespmem:v27+s2+$0x0], $0xffff  }
0xe9: {  	v11 =	vld.idx.msk [tilespmem:v12+s2+$0x0], $0xffff;
	[tilespmem:s13+$0x7120] =	vst v6  }
0xea: {  	v6 =	vld.idx.msk [tilespmem:v28+s2+$0x0], $0xffff;
	[tilespmem:s13+$0x7130] =	vst v9  }
0xeb: {  	v9 =	vld.idx.msk [tilespmem:v29+s2+$0x0], $0xffff;
	[tilespmem:s13+$0x7140] =	vst v13  }
0xec: {  	v10 =	vld.idx.msk [tilespmem:v10+s2+$0x0], $0xffff;
	[tilespmem:s13+$0x9170] =	vst v4  }
0xed: {  	[tilespmem:s13+$0x7150] =	vst v7;
	v12 =	vld.idx.msk [tilespmem:v8+s2+$0x0], $0xffff  }
0xee: {  	v13 =	vld.idx.msk [tilespmem:v30+s2+$0x0], $0xffff;
	[tilespmem:s13+$0x7160] =	vst v5  }
0xef: {  	[tilespmem:s13+$0x9100] =	vst v11;
	v8 =	vld.idx.msk [tilespmem:v31+s2+$0x0], $0xffff  }
.Ltmp0:
0xf0: {  	[tilespmem:s13+$0x9110] =	vst v6;
	v7 =	vld.idx.msk [tilespmem:v14+s2+$0x0], $0xffff;
	(pc) =	sbr.rel @p1 .LBB2_2-.Ltmp0, $4  }
0xf1: {  	v4 =	vld.idx.msk [tilespmem:v33+s2+$0x0], $0xffff;
	[tilespmem:s13+$0x9120] =	vst v9  }
0xf2: {  	v5 =	vld.idx.msk [tilespmem:v26+s2+$0x0], $0xffff;
	[tilespmem:s13+$0x9130] =	vst v10  }
0xf3: {  	v6 =	vld.idx.msk [tilespmem:v17+s2+$0x0], $0xffff;
	[tilespmem:s13+$0xB170] =	vst v12  }
0xf4: {  	s30 =	sadd.s32 $0x200, s30;
	v9 =	vld.idx.msk [tilespmem:v15+s2+$0x0], $0xffff;
	[tilespmem:s13+$0x9140] =	vst v13  }
0xf5: {  	_ =	sdelay $0x2  }
0xf6: {  	[tilespmem:s13+$0x9150] =	vst v8  }
0xf7: {  	v3 =	vld.idx.msk [tilespmem:v3+s2+$0x0], $0xffff;
	[tilespmem:s13+$0x9160] =	vst v7  }
0xf8: {  	[tilespmem:s13+$0xB100] =	vst v4;
	v2 =	vld.idx.msk [tilespmem:v2+s2+$0x0], $0xffff  }
0xf9: {  	v1 =	vld.idx.msk [tilespmem:v1+s2+$0x0], $0xffff;
	[tilespmem:s13+$0xB110] =	vst v5  }
0xfa: {  	[tilespmem:s13+$0xB120] =	vst v6  }
0xfb: {  	[tilespmem:s13+$0xB130] =	vst v9  }
0xfc: {  	[tilespmem:s13+$0xB140] =	vst v3  }
0xfd: {  	[tilespmem:s13+$0xB150] =	vst v2  }
0xfe: {  	s1 =	simm.s32 $0x0;
	s14 =	simm.s32 $0x5100;
	[tilespmem:s13+$0xB160] =	vst v1  }
0xff: {  	[hbm4b:s8+s1] =	stream.linear.scatter [tilespmem:s14], [sflag:$0x3], $0x2000, $0x38;
	[tilespmem:$0x15100] =	vst v63  }
0x100: {  	s13 =	rddreg [dreg:$0x8];
	s14 =	simm.s32 $0x7100  }
0x101: {  	[hbm4b:s13+s1] =	stream.linear.scatter [tilespmem:s14], [sflag:$0x3], $0x2000, $0x38;
	[tilespmem:$0x15100] =	vst v63  }
0x102: {  	s14 =	rddreg [dreg:$0x9]  }
0x103: {  	[hbm4b:s14+s1] =	stream.linear.scatter [tilespmem:s4], [sflag:$0x3], $0x2000, $0x38;
	[tilespmem:$0x15100] =	vst v63  }
0x104: {  	s14 =	rddreg [dreg:$0xa]  }
0x105: {  	[hbm4b:s14+s1] =	stream.linear.scatter [tilespmem:s5], [sflag:$0x3], $0x2000, $0x38;
	[tilespmem:$0x15100] =	vst v63  }
0x106: {  	s13 =	rddreg [dreg:$0xb];
	s14 =	simm.s32 $0x1100  }
0x107: {  	[tilespmem:s14], [sflag:$0x1] =	stream.linear.gather [hbm4b:s13+s1], $0x2000, $0x38;
	[tilespmem:$0x15100] =	vst v63  }
0x108: {  	_ =	swait.ge [sflag:s6], $0x2000  }
0x109: {  	[sflag:s6] =	ssyncset.done $0x0  }
0x10a: {  	s13 =	simm.s32 $0x0;
	[sflag:s6] =	ssyncadd.s32 $0xFFFFE000  }
0x10b: {  	v1 =	vld [tilespmem:s13+$0x3170]  }
0x10c: {  	v2 =	vld [tilespmem:s13+$0x3100]  }
0x10d: {  	v3 =	vld [tilespmem:s13+$0x3110]  }
0x10e: {  	v4 =	vld [tilespmem:s13+$0x3120]  }
0x10f: {  	v5 =	vld [tilespmem:s13+$0x3130]  }
0x110: {  	v9 =	vld [tilespmem:s13+$0x3140];
	v6 =	vand.u32 $0xFF, v1  }
0x111: {  	v10 =	vld [tilespmem:s13+$0x3150];
	v7 =	vand.u32 $0xFF, v2  }
0x112: {  	v11 =	vld [tilespmem:s13+$0x3160];
	v8 =	vand.u32 $0xFF, v3  }
0x113: {  	v12 =	vand.u32 $0xFF, v4  }
0x114: {  	v13 =	vand.u32 $0xFF, v5  }
0x115: {  	v14 =	vand.u32 $0xFF, v9;
	v6 =	vld.idx.msk [tilespmem:v6+s2+$0x0], $0xffff  }
0x116: {  	v15 =	vand.u32 $0xFF, v10;
	v7 =	vld.idx.msk [tilespmem:v7+s2+$0x0], $0xffff  }
0x117: {  	v16 =	vshrl.u32 v1, $0x8;
	v18 =	vand.u32 $0xFF, v11;
	v8 =	vld.idx.msk [tilespmem:v8+s2+$0x0], $0xffff  }
0x118: {  	v17 =	vshrl.u32 v2, $0x8;
	v16 =	vand.u32 $0xFF, v16;
	v12 =	vld.idx.msk [tilespmem:v12+s2+$0x0], $0xffff  }
0x119: {  	v19 =	vshrl.u32 v3, $0x8;
	v17 =	vand.u32 $0xFF, v17;
	v13 =	vld.idx.msk [tilespmem:v13+s2+$0x0], $0xffff  }
0x11a: {  	v20 =	vshrl.u32 v4, $0x8;
	v19 =	vand.u32 $0xFF, v19;
	v14 =	vld.idx.msk [tilespmem:v14+s2+$0x0], $0xffff  }
0x11b: {  	v48 =	vshrl.u32 v9, $0x8;
	v20 =	vand.u32 $0xFF, v20;
	v15 =	vld.idx.msk [tilespmem:v15+s2+$0x0], $0xffff;
	[tilespmem:s13+$0xD170] =	vst v6  }
0x11c: {  	v21 =	vshrl.u32 v5, $0x8;
	v49 =	vand.u32 $0xFF, v48;
	[tilespmem:s13+$0xD110] =	vst v8;
	v8 =	vld.idx.msk [tilespmem:v18+s2+$0x0], $0xffff  }
0x11d: {  	v51 =	vshrl.u32 v10, $0x8;
	v6 =	vand.u32 $0xFF, v21;
	[tilespmem:s13+$0xD100] =	vst v7;
	v7 =	vld.idx.msk [tilespmem:v16+s2+$0x0], $0xffff  }
0x11e: {  	v53 =	vshrl.u32 v11, $0x8;
	[tilespmem:s13+$0xD120] =	vst v12;
	v21 =	vand.u32 $0xFF, v51;
	v17 =	vld.idx.msk [tilespmem:v17+s2+$0x0], $0xffff  }
0x11f: {  	v50 =	vshrl.u32 v1, $0x10;
	[tilespmem:s13+$0xD130] =	vst v13;
	v18 =	vand.u32 $0xFF, v53;
	v19 =	vld.idx.msk [tilespmem:v19+s2+$0x0], $0xffff  }
0x120: {  	v54 =	vshrl.u32 v2, $0x10;
	v52 =	vand.u32 $0xFF, v50;
	[tilespmem:s13+$0xD140] =	vst v14;
	v20 =	vld.idx.msk [tilespmem:v20+s2+$0x0], $0xffff  }
0x121: {  	v55 =	vshrl.u32 v3, $0x10;
	v13 =	vand.u32 $0xFF, v54;
	[tilespmem:s13+$0xD150] =	vst v15;
	v16 =	vld.idx.msk [tilespmem:v49+s2+$0x0], $0xffff  }
0x122: {  	v56 =	vshrl.u32 v4, $0x10;
	v14 =	vand.u32 $0xFF, v55;
	v6 =	vld.idx.msk [tilespmem:v6+s2+$0x0], $0xffff;
	[tilespmem:s13+$0xD160] =	vst v8  }
0x123: {  	v58 =	vshrl.u32 v9, $0x10;
	v15 =	vand.u32 $0xFF, v56;
	v57 =	vld.idx.msk [tilespmem:v21+s2+$0x0], $0xffff;
	[tilespmem:s13+$0xF170] =	vst v7  }
0x124: {  	v7 =	vshrl.u32 v5, $0x10;
	[tilespmem:s13+$0xF100] =	vst v17;
	v18 =	vld.idx.msk [tilespmem:v18+s2+$0x0], $0xffff;
	v17 =	vand.u32 $0xFF, v58  }
0x125: {  	v59 =	vshrl.u32 v10, $0x10;
	[tilespmem:s13+$0xF110] =	vst v19;
	v8 =	vld.idx.msk [tilespmem:v52+s2+$0x0], $0xffff;
	v7 =	vand.u32 $0xFF, v7  }
0x126: {  	[tilespmem:s13+$0xF120] =	vst v20;
	v19 =	vand.u32 $0xFF, v59;
	v13 =	vld.idx.msk [tilespmem:v13+s2+$0x0], $0xffff  }
0x127: {  	v1 =	vshrl.u32 v1, $0x18;
	[tilespmem:s13+$0xF140] =	vst v16;
	v14 =	vld.idx.msk [tilespmem:v14+s2+$0x0], $0xffff  }
0x128: {  	v60 =	vshrl.u32 v11, $0x10;
	v3 =	vshrl.u32 v3, $0x18;
	v15 =	vld.idx.msk [tilespmem:v15+s2+$0x0], $0xffff;
	[tilespmem:s13+$0xF130] =	vst v6  }
0x129: {  	v6 =	vand.u32 $0xFF, v60;
	[tilespmem:s13+$0xF150] =	vst v57;
	v17 =	vld.idx.msk [tilespmem:v17+s2+$0x0], $0xffff  }
0x12a: {  	v2 =	vshrl.u32 v2, $0x18;
	[tilespmem:s13+$0xF160] =	vst v18;
	v61 =	vld.idx.msk [tilespmem:v7+s2+$0x0], $0xffff  }
0x12b: {  	v62 =	vshrl.u32 v4, $0x18;
	[tilespmem:s13+$0x11170] =	vst v8;
	v8 =	vld.idx.msk [tilespmem:v19+s2+$0x0], $0xffff  }
0x12c: {  	v63 =	vshrl.u32 v5, $0x18;
	[tilespmem:s13+$0x11110] =	vst v14;
	v1 =	vld.idx.msk [tilespmem:v1+s2+$0x0], $0xffff  }
0x12d: {  	[tilespmem:s13+$0x11100] =	vst v13;
	v5 =	vld.idx.msk [tilespmem:v3+s2+$0x0], $0xffff;
	v3 =	vshrl.u32 v9, $0x18  }
0x12e: {  	[tilespmem:s13+$0x11120] =	vst v15;
	v7 =	vld.idx.msk [tilespmem:v6+s2+$0x0], $0xffff  }
0x12f: {  	v4 =	vld.idx.msk [tilespmem:v2+s2+$0x0], $0xffff;
	[tilespmem:s13+$0x11140] =	vst v17  }
0x130: {  	v6 =	vld.idx.msk [tilespmem:v62+s2+$0x0], $0xffff;
	[tilespmem:s13+$0x11130] =	vst v61  }
0x131: {  	s30 =	simm.s32 $0x200;
	s1 =	simm.s32 $0x0;
	v2 =	vshrl.u32 v10, $0x18;
	[tilespmem:s13+$0x13170] =	vst v1;
	v1 =	vshrl.u32 v11, $0x18;
	v9 =	vld.idx.msk [tilespmem:v63+s2+$0x0], $0xffff  }
.LBB2_4:
0x132: {  	s14 =	sshra.s32 s30, $0x2;
	s1 =	sadd.s32 $0x80, s1;
	v3 =	vld.idx.msk [tilespmem:v3+s2+$0x0], $0xffff;
	[tilespmem:s13+$0x11150] =	vst v8  }
0x133: {  	v8 =	vld [tilespmem:s14+$0x3170];
	p1 =	slt.u32 s1, $0x1F80;
	[tilespmem:s13+$0x11160] =	vst v7  }
0x134: {  	v7 =	vld [tilespmem:s14+$0x3100];
	[tilespmem:s13+$0x13100] =	vst v4  }
0x135: {  	v4 =	vld [tilespmem:s14+$0x3110];
	[tilespmem:s13+$0x13110] =	vst v5  }
0x136: {  	v5 =	vld [tilespmem:s14+$0x3120];
	[tilespmem:s13+$0x13120] =	vst v6  }
0x137: {  	v6 =	vld [tilespmem:s14+$0x3130];
	[tilespmem:s13+$0x13130] =	vst v9  }
0x138: {  	v9 =	vld [tilespmem:s14+$0x3140];
	v10 =	vand.u32 $0xFF, v8;
	[tilespmem:s13+$0x13140] =	vst v3  }
0x139: {  	v3 =	vand.u32 $0xFF, v7;
	v11 =	vshrl.u32 v7, $0x8;
	v12 =	vshrl.u32 v7, $0x10;
	v13 =	vld [tilespmem:s14+$0x3150]  }
0x13a: {  	v11 =	vand.u32 $0xFF, v11;
	v14 =	vand.u32 $0xFF, v4;
	v15 =	vshrl.u32 v4, $0x8;
	v16 =	vld [tilespmem:s14+$0x3160]  }
0x13b: {  	v15 =	vand.u32 $0xFF, v15;
	v17 =	vand.u32 $0xFF, v5;
	v18 =	vshrl.u32 v5, $0x8;
	v2 =	vld.idx.msk [tilespmem:v2+s2+$0x0], $0xffff  }
0x13c: {  	v18 =	vand.u32 $0xFF, v18;
	v19 =	vand.u32 $0xFF, v6;
	v20 =	vshrl.u32 v6, $0x8;
	v1 =	vld.idx.msk [tilespmem:v1+s2+$0x0], $0xffff  }
0x13d: {  	v20 =	vand.u32 $0xFF, v20;
	v21 =	vand.u32 $0xFF, v9;
	v22 =	vshrl.u32 v9, $0x8;
	v10 =	vld.idx.msk [tilespmem:v10+s2+$0x0], $0xffff  }
0x13e: {  	v25 =	vshrl.u32 v8, $0x8;
	v3 =	vld.idx.msk [tilespmem:v3+s2+$0x0], $0xffff;
	v23 =	vand.u32 $0xFF, v13;
	v24 =	vshrl.u32 v13, $0x8  }
0x13f: {  	v25 =	vand.u32 $0xFF, v25;
	v14 =	vld.idx.msk [tilespmem:v14+s2+$0x0], $0xffff;
	v26 =	vand.u32 $0xFF, v16;
	v27 =	vshrl.u32 v16, $0x8  }
0x140: {  	v22 =	vand.u32 $0xFF, v22;
	v24 =	vand.u32 $0xFF, v24;
	v17 =	vld.idx.msk [tilespmem:v17+s2+$0x0], $0xffff;
	v27 =	vand.u32 $0xFF, v27  }
0x141: {  	v28 =	vshrl.u32 v4, $0x10;
	v29 =	vshrl.u32 v5, $0x10;
	v30 =	vshrl.u32 v6, $0x10;
	v19 =	vld.idx.msk [tilespmem:v19+s2+$0x0], $0xffff;
	[tilespmem:s13+$0x13150] =	vst v2  }
0x142: {  	v31 =	vshrl.u32 v13, $0x10;
	v32 =	vshrl.u32 v16, $0x10;
	v2 =	vshrl.u32 v9, $0x10;
	v21 =	vld.idx.msk [tilespmem:v21+s2+$0x0], $0xffff;
	[tilespmem:s13+$0x13160] =	vst v1;
	s13 =	smov.u32 s14  }
0x143: {  	v12 =	vand.u32 $0xFF, v12;
	v28 =	vand.u32 $0xFF, v28;
	v29 =	vand.u32 $0xFF, v29;
	v23 =	vld.idx.msk [tilespmem:v23+s2+$0x0], $0xffff;
	[tilespmem:s13+$0xD170] =	vst v10  }
0x144: {  	v31 =	vand.u32 $0xFF, v31;
	v10 =	vand.u32 $0xFF, v30;
	v30 =	vand.u32 $0xFF, v2;
	[tilespmem:s13+$0xD100] =	vst v3;
	v25 =	vld.idx.msk [tilespmem:v25+s2+$0x0], $0xffff  }
0x145: {  	v33 =	vshrl.u32 v7, $0x18;
	v1 =	vshrl.u32 v8, $0x10;
	[tilespmem:s13+$0xD110] =	vst v14;
	v7 =	vld.idx.msk [tilespmem:v26+s2+$0x0], $0xffff;
	v14 =	vand.u32 $0xFF, v32  }
0x146: {  	v26 =	vshrl.u32 v4, $0x18;
	v4 =	vand.u32 $0xFF, v1;
	v11 =	vld.idx.msk [tilespmem:v11+s2+$0x0], $0xffff;
	[tilespmem:s13+$0xD120] =	vst v17;
	v17 =	vshrl.u32 v5, $0x18  }
0x147: {  	v2 =	vshrl.u32 v13, $0x18;
	v3 =	vshrl.u32 v9, $0x18;
	v5 =	vld.idx.msk [tilespmem:v15+s2+$0x0], $0xffff;
	[tilespmem:s13+$0xD130] =	vst v19;
	v15 =	vshrl.u32 v6, $0x18  }
0x148: {  	v1 =	vshrl.u32 v16, $0x18;
	v6 =	vld.idx.msk [tilespmem:v18+s2+$0x0], $0xffff;
	[tilespmem:s13+$0xD140] =	vst v21  }
0x149: {  	v9 =	vld.idx.msk [tilespmem:v20+s2+$0x0], $0xffff;
	[tilespmem:s13+$0xD150] =	vst v23  }
0x14a: {  	v13 =	vld.idx.msk [tilespmem:v22+s2+$0x0], $0xffff;
	[tilespmem:s13+$0xF170] =	vst v25  }
0x14b: {  	[tilespmem:s13+$0xD160] =	vst v7;
	v4 =	vld.idx.msk [tilespmem:v4+s2+$0x0], $0xffff  }
0x14c: {  	[tilespmem:s13+$0xF100] =	vst v11;
	v7 =	vld.idx.msk [tilespmem:v24+s2+$0x0], $0xffff  }
0x14d: {  	v8 =	vshrl.u32 v8, $0x18;
	[tilespmem:s13+$0xF110] =	vst v5;
	v5 =	vld.idx.msk [tilespmem:v27+s2+$0x0], $0xffff  }
0x14e: {  	v11 =	vld.idx.msk [tilespmem:v12+s2+$0x0], $0xffff;
	[tilespmem:s13+$0xF120] =	vst v6  }
0x14f: {  	v6 =	vld.idx.msk [tilespmem:v28+s2+$0x0], $0xffff;
	[tilespmem:s13+$0xF130] =	vst v9  }
0x150: {  	v9 =	vld.idx.msk [tilespmem:v29+s2+$0x0], $0xffff;
	[tilespmem:s13+$0xF140] =	vst v13  }
0x151: {  	v10 =	vld.idx.msk [tilespmem:v10+s2+$0x0], $0xffff;
	[tilespmem:s13+$0x11170] =	vst v4  }
0x152: {  	[tilespmem:s13+$0xF150] =	vst v7;
	v12 =	vld.idx.msk [tilespmem:v8+s2+$0x0], $0xffff  }
0x153: {  	v13 =	vld.idx.msk [tilespmem:v30+s2+$0x0], $0xffff;
	[tilespmem:s13+$0xF160] =	vst v5  }
0x154: {  	[tilespmem:s13+$0x11100] =	vst v11;
	v8 =	vld.idx.msk [tilespmem:v31+s2+$0x0], $0xffff  }
.Ltmp1:
0x155: {  	[tilespmem:s13+$0x11110] =	vst v6;
	v7 =	vld.idx.msk [tilespmem:v14+s2+$0x0], $0xffff;
	(pc) =	sbr.rel @p1 .LBB2_4-.Ltmp1, $4  }
0x156: {  	v4 =	vld.idx.msk [tilespmem:v33+s2+$0x0], $0xffff;
	[tilespmem:s13+$0x11120] =	vst v9  }
0x157: {  	v5 =	vld.idx.msk [tilespmem:v26+s2+$0x0], $0xffff;
	[tilespmem:s13+$0x11130] =	vst v10  }
0x158: {  	v6 =	vld.idx.msk [tilespmem:v17+s2+$0x0], $0xffff;
	[tilespmem:s13+$0x13170] =	vst v12  }
0x159: {  	s30 =	sadd.s32 $0x200, s30;
	v9 =	vld.idx.msk [tilespmem:v15+s2+$0x0], $0xffff;
	[tilespmem:s13+$0x11140] =	vst v13  }
0x15a: {  	_ =	sdelay $0x2  }
0x15b: {  	[tilespmem:s13+$0x11150] =	vst v8  }
0x15c: {  	v3 =	vld.idx.msk [tilespmem:v3+s2+$0x0], $0xffff;
	[tilespmem:s13+$0x11160] =	vst v7  }
0x15d: {  	[tilespmem:s13+$0x13100] =	vst v4;
	v2 =	vld.idx.msk [tilespmem:v2+s2+$0x0], $0xffff  }
0x15e: {  	v1 =	vld.idx.msk [tilespmem:v1+s2+$0x0], $0xffff;
	[tilespmem:s13+$0x13110] =	vst v5  }
0x15f: {  	[tilespmem:s13+$0x13120] =	vst v6  }
0x160: {  	[tilespmem:s13+$0x13130] =	vst v9  }
0x161: {  	[tilespmem:s13+$0x13140] =	vst v3  }
0x162: {  	[tilespmem:s13+$0x13150] =	vst v2  }
0x163: {  	[tilespmem:s13+$0x13160] =	vst v1  }
0x164: {  	s1 =	simm.s32 $0x0;
	s13 =	rddreg [dreg:$0xc]  }
0x165: {  	[hbm4b:s13+s1] =	stream.linear.scatter [tilespmem:s7], [sflag:$0x4], $0x2000, $0x38;
	[tilespmem:$0x15100] =	vst v63  }
0x166: {  	s14 =	rddreg [dreg:$0xd]  }
0x167: {  	[hbm4b:s14+s1] =	stream.linear.scatter [tilespmem:s28], [sflag:$0x4], $0x2000, $0x38;
	[tilespmem:$0x15100] =	vst v63  }
0x168: {  	_ = 	snop  }
0x169: {  	[hbm4b:s15+s1] =	stream.linear.scatter [tilespmem:s9], [sflag:$0x4], $0x2000, $0x38;
	[tilespmem:$0x15100] =	vst v63  }
0x16a: {  	_ = 	snop  }
0x16b: {  	[hbm4b:s16+s1] =	stream.linear.scatter [tilespmem:s10], [sflag:$0x4], $0x2000, $0x38;
	[tilespmem:$0x15100] =	vst v63  }
0x16c: {  	s14 =	simm.s32 $0x3100  }
0x16d: {  	[tilespmem:s14], [sflag:$0x2] =	stream.linear.gather [hbm4b:s17+s1], $0x2000, $0x38;
	[tilespmem:$0x15100] =	vst v63  }
0x16e: {  	_ =	swait.ge [sflag:s0], $0x2000  }
0x16f: {  	[sflag:s0] =	ssyncset.done $0x0  }
0x170: {  	[sflag:s0] =	ssyncadd.s32 $0xFFFFE000  }
0x171: {  	_ =	swait.ge [sflag:s31], $0x2000  }
0x172: {  	[sflag:s31] =	ssyncset.done $0x0  }
0x173: {  	[sflag:s31] =	ssyncadd.s32 $0xFFFFE000  }
0x174: {  	_ =	swait.ge [sflag:s31], $0x2000  }
0x175: {  	[sflag:s31] =	ssyncset.done $0x0  }
0x176: {  	[sflag:s31] =	ssyncadd.s32 $0xFFFFE000  }
0x177: {  	_ =	swait.ge [sflag:s31], $0x2000  }
0x178: {  	[sflag:s31] =	ssyncset.done $0x0  }
0x179: {  	[sflag:s31] =	ssyncadd.s32 $0xFFFFE000  }
0x17a: {  	_ =	swait.ge [sflag:s31], $0x2000  }
0x17b: {  	[sflag:s31] =	ssyncset.done $0x0  }
0x17c: {  	s13 =	simm.s32 $0x0;
	[sflag:s31] =	ssyncadd.s32 $0xFFFFE000  }
0x17d: {  	v1 =	vld [tilespmem:s13+$0x1170]  }
0x17e: {  	v2 =	vld [tilespmem:s13+$0x1100]  }
0x17f: {  	v3 =	vld [tilespmem:s13+$0x1110]  }
0x180: {  	v4 =	vld [tilespmem:s13+$0x1120]  }
0x181: {  	v5 =	vld [tilespmem:s13+$0x1130]  }
0x182: {  	v9 =	vld [tilespmem:s13+$0x1140];
	v6 =	vand.u32 $0xFF, v1  }
0x183: {  	v10 =	vld [tilespmem:s13+$0x1150];
	v7 =	vand.u32 $0xFF, v2  }
0x184: {  	v11 =	vld [tilespmem:s13+$0x1160];
	v8 =	vand.u32 $0xFF, v3  }
0x185: {  	v12 =	vand.u32 $0xFF, v4  }
0x186: {  	v13 =	vand.u32 $0xFF, v5  }
0x187: {  	v14 =	vand.u32 $0xFF, v9;
	v6 =	vld.idx.msk [tilespmem:v6+s2+$0x0], $0xffff  }
0x188: {  	v15 =	vand.u32 $0xFF, v10;
	v7 =	vld.idx.msk [tilespmem:v7+s2+$0x0], $0xffff  }
0x189: {  	v16 =	vshrl.u32 v1, $0x8;
	v18 =	vand.u32 $0xFF, v11;
	v8 =	vld.idx.msk [tilespmem:v8+s2+$0x0], $0xffff  }
0x18a: {  	v17 =	vshrl.u32 v2, $0x8;
	v16 =	vand.u32 $0xFF, v16;
	v12 =	vld.idx.msk [tilespmem:v12+s2+$0x0], $0xffff  }
0x18b: {  	v19 =	vshrl.u32 v3, $0x8;
	v17 =	vand.u32 $0xFF, v17;
	v13 =	vld.idx.msk [tilespmem:v13+s2+$0x0], $0xffff  }
0x18c: {  	v20 =	vshrl.u32 v4, $0x8;
	v19 =	vand.u32 $0xFF, v19;
	v14 =	vld.idx.msk [tilespmem:v14+s2+$0x0], $0xffff  }
0x18d: {  	v48 =	vshrl.u32 v9, $0x8;
	v20 =	vand.u32 $0xFF, v20;
	v15 =	vld.idx.msk [tilespmem:v15+s2+$0x0], $0xffff;
	[tilespmem:s13+$0x5170] =	vst v6  }
0x18e: {  	v21 =	vshrl.u32 v5, $0x8;
	v49 =	vand.u32 $0xFF, v48;
	[tilespmem:s13+$0x5110] =	vst v8;
	v8 =	vld.idx.msk [tilespmem:v18+s2+$0x0], $0xffff  }
0x18f: {  	v51 =	vshrl.u32 v10, $0x8;
	v6 =	vand.u32 $0xFF, v21;
	[tilespmem:s13+$0x5100] =	vst v7;
	v7 =	vld.idx.msk [tilespmem:v16+s2+$0x0], $0xffff  }
0x190: {  	v53 =	vshrl.u32 v11, $0x8;
	[tilespmem:s13+$0x5120] =	vst v12;
	v21 =	vand.u32 $0xFF, v51;
	v17 =	vld.idx.msk [tilespmem:v17+s2+$0x0], $0xffff  }
0x191: {  	v50 =	vshrl.u32 v1, $0x10;
	[tilespmem:s13+$0x5130] =	vst v13;
	v18 =	vand.u32 $0xFF, v53;
	v19 =	vld.idx.msk [tilespmem:v19+s2+$0x0], $0xffff  }
0x192: {  	v54 =	vshrl.u32 v2, $0x10;
	v52 =	vand.u32 $0xFF, v50;
	[tilespmem:s13+$0x5140] =	vst v14;
	v20 =	vld.idx.msk [tilespmem:v20+s2+$0x0], $0xffff  }
0x193: {  	v55 =	vshrl.u32 v3, $0x10;
	v13 =	vand.u32 $0xFF, v54;
	[tilespmem:s13+$0x5150] =	vst v15;
	v16 =	vld.idx.msk [tilespmem:v49+s2+$0x0], $0xffff  }
0x194: {  	v56 =	vshrl.u32 v4, $0x10;
	v14 =	vand.u32 $0xFF, v55;
	v6 =	vld.idx.msk [tilespmem:v6+s2+$0x0], $0xffff;
	[tilespmem:s13+$0x5160] =	vst v8  }
0x195: {  	v58 =	vshrl.u32 v9, $0x10;
	v15 =	vand.u32 $0xFF, v56;
	v57 =	vld.idx.msk [tilespmem:v21+s2+$0x0], $0xffff;
	[tilespmem:s13+$0x7170] =	vst v7  }
0x196: {  	v7 =	vshrl.u32 v5, $0x10;
	[tilespmem:s13+$0x7100] =	vst v17;
	v18 =	vld.idx.msk [tilespmem:v18+s2+$0x0], $0xffff;
	v17 =	vand.u32 $0xFF, v58  }
0x197: {  	v59 =	vshrl.u32 v10, $0x10;
	[tilespmem:s13+$0x7110] =	vst v19;
	v8 =	vld.idx.msk [tilespmem:v52+s2+$0x0], $0xffff;
	v7 =	vand.u32 $0xFF, v7  }
0x198: {  	[tilespmem:s13+$0x7120] =	vst v20;
	v19 =	vand.u32 $0xFF, v59;
	v13 =	vld.idx.msk [tilespmem:v13+s2+$0x0], $0xffff  }
0x199: {  	v1 =	vshrl.u32 v1, $0x18;
	[tilespmem:s13+$0x7140] =	vst v16;
	v14 =	vld.idx.msk [tilespmem:v14+s2+$0x0], $0xffff  }
0x19a: {  	v60 =	vshrl.u32 v11, $0x10;
	v3 =	vshrl.u32 v3, $0x18;
	v15 =	vld.idx.msk [tilespmem:v15+s2+$0x0], $0xffff;
	[tilespmem:s13+$0x7130] =	vst v6  }
0x19b: {  	v6 =	vand.u32 $0xFF, v60;
	[tilespmem:s13+$0x7150] =	vst v57;
	v17 =	vld.idx.msk [tilespmem:v17+s2+$0x0], $0xffff  }
0x19c: {  	v2 =	vshrl.u32 v2, $0x18;
	[tilespmem:s13+$0x7160] =	vst v18;
	v61 =	vld.idx.msk [tilespmem:v7+s2+$0x0], $0xffff  }
0x19d: {  	v62 =	vshrl.u32 v4, $0x18;
	[tilespmem:s13+$0x9170] =	vst v8;
	v8 =	vld.idx.msk [tilespmem:v19+s2+$0x0], $0xffff  }
0x19e: {  	v63 =	vshrl.u32 v5, $0x18;
	[tilespmem:s13+$0x9110] =	vst v14;
	v1 =	vld.idx.msk [tilespmem:v1+s2+$0x0], $0xffff  }
0x19f: {  	[tilespmem:s13+$0x9100] =	vst v13;
	v5 =	vld.idx.msk [tilespmem:v3+s2+$0x0], $0xffff;
	v3 =	vshrl.u32 v9, $0x18  }
0x1a0: {  	[tilespmem:s13+$0x9120] =	vst v15;
	v7 =	vld.idx.msk [tilespmem:v6+s2+$0x0], $0xffff  }
0x1a1: {  	v4 =	vld.idx.msk [tilespmem:v2+s2+$0x0], $0xffff;
	[tilespmem:s13+$0x9140] =	vst v17  }
0x1a2: {  	v6 =	vld.idx.msk [tilespmem:v62+s2+$0x0], $0xffff;
	[tilespmem:s13+$0x9130] =	vst v61  }
0x1a3: {  	s30 =	simm.s32 $0x200;
	s1 =	simm.s32 $0x0;
	v2 =	vshrl.u32 v10, $0x18;
	[tilespmem:s13+$0xB170] =	vst v1;
	v1 =	vshrl.u32 v11, $0x18;
	v9 =	vld.idx.msk [tilespmem:v63+s2+$0x0], $0xffff  }
.LBB2_6:
0x1a4: {  	s14 =	sshra.s32 s30, $0x2;
	s1 =	sadd.s32 $0x80, s1;
	v3 =	vld.idx.msk [tilespmem:v3+s2+$0x0], $0xffff;
	[tilespmem:s13+$0x9150] =	vst v8  }
0x1a5: {  	v8 =	vld [tilespmem:s14+$0x1170];
	p1 =	slt.u32 s1, $0x1F80;
	[tilespmem:s13+$0x9160] =	vst v7  }
0x1a6: {  	v7 =	vld [tilespmem:s14+$0x1100];
	[tilespmem:s13+$0xB100] =	vst v4  }
0x1a7: {  	v4 =	vld [tilespmem:s14+$0x1110];
	[tilespmem:s13+$0xB110] =	vst v5  }
0x1a8: {  	v5 =	vld [tilespmem:s14+$0x1120];
	[tilespmem:s13+$0xB120] =	vst v6  }
0x1a9: {  	v6 =	vld [tilespmem:s14+$0x1130];
	[tilespmem:s13+$0xB130] =	vst v9  }
0x1aa: {  	v9 =	vld [tilespmem:s14+$0x1140];
	v10 =	vand.u32 $0xFF, v8;
	[tilespmem:s13+$0xB140] =	vst v3  }
0x1ab: {  	v3 =	vand.u32 $0xFF, v7;
	v11 =	vshrl.u32 v7, $0x8;
	v12 =	vshrl.u32 v7, $0x10;
	v13 =	vld [tilespmem:s14+$0x1150]  }
0x1ac: {  	v11 =	vand.u32 $0xFF, v11;
	v14 =	vand.u32 $0xFF, v4;
	v15 =	vshrl.u32 v4, $0x8;
	v16 =	vld [tilespmem:s14+$0x1160]  }
0x1ad: {  	v15 =	vand.u32 $0xFF, v15;
	v17 =	vand.u32 $0xFF, v5;
	v18 =	vshrl.u32 v5, $0x8;
	v2 =	vld.idx.msk [tilespmem:v2+s2+$0x0], $0xffff  }
0x1ae: {  	v18 =	vand.u32 $0xFF, v18;
	v19 =	vand.u32 $0xFF, v6;
	v20 =	vshrl.u32 v6, $0x8;
	v1 =	vld.idx.msk [tilespmem:v1+s2+$0x0], $0xffff  }
0x1af: {  	v20 =	vand.u32 $0xFF, v20;
	v21 =	vand.u32 $0xFF, v9;
	v22 =	vshrl.u32 v9, $0x8;
	v10 =	vld.idx.msk [tilespmem:v10+s2+$0x0], $0xffff  }
0x1b0: {  	v25 =	vshrl.u32 v8, $0x8;
	v3 =	vld.idx.msk [tilespmem:v3+s2+$0x0], $0xffff;
	v23 =	vand.u32 $0xFF, v13;
	v24 =	vshrl.u32 v13, $0x8  }
0x1b1: {  	v25 =	vand.u32 $0xFF, v25;
	v14 =	vld.idx.msk [tilespmem:v14+s2+$0x0], $0xffff;
	v26 =	vand.u32 $0xFF, v16;
	v27 =	vshrl.u32 v16, $0x8  }
0x1b2: {  	v22 =	vand.u32 $0xFF, v22;
	v24 =	vand.u32 $0xFF, v24;
	v17 =	vld.idx.msk [tilespmem:v17+s2+$0x0], $0xffff;
	v27 =	vand.u32 $0xFF, v27  }
0x1b3: {  	v28 =	vshrl.u32 v4, $0x10;
	v29 =	vshrl.u32 v5, $0x10;
	v30 =	vshrl.u32 v6, $0x10;
	v19 =	vld.idx.msk [tilespmem:v19+s2+$0x0], $0xffff;
	[tilespmem:s13+$0xB150] =	vst v2  }
0x1b4: {  	v31 =	vshrl.u32 v13, $0x10;
	v32 =	vshrl.u32 v16, $0x10;
	v2 =	vshrl.u32 v9, $0x10;
	v21 =	vld.idx.msk [tilespmem:v21+s2+$0x0], $0xffff;
	[tilespmem:s13+$0xB160] =	vst v1;
	s13 =	smov.u32 s14  }
0x1b5: {  	v12 =	vand.u32 $0xFF, v12;
	v28 =	vand.u32 $0xFF, v28;
	v29 =	vand.u32 $0xFF, v29;
	v23 =	vld.idx.msk [tilespmem:v23+s2+$0x0], $0xffff;
	[tilespmem:s13+$0x5170] =	vst v10  }
0x1b6: {  	v31 =	vand.u32 $0xFF, v31;
	v10 =	vand.u32 $0xFF, v30;
	v30 =	vand.u32 $0xFF, v2;
	[tilespmem:s13+$0x5100] =	vst v3;
	v25 =	vld.idx.msk [tilespmem:v25+s2+$0x0], $0xffff  }
0x1b7: {  	v33 =	vshrl.u32 v7, $0x18;
	v1 =	vshrl.u32 v8, $0x10;
	[tilespmem:s13+$0x5110] =	vst v14;
	v7 =	vld.idx.msk [tilespmem:v26+s2+$0x0], $0xffff;
	v14 =	vand.u32 $0xFF, v32  }
0x1b8: {  	v26 =	vshrl.u32 v4, $0x18;
	v4 =	vand.u32 $0xFF, v1;
	v11 =	vld.idx.msk [tilespmem:v11+s2+$0x0], $0xffff;
	[tilespmem:s13+$0x5120] =	vst v17;
	v17 =	vshrl.u32 v5, $0x18  }
0x1b9: {  	v2 =	vshrl.u32 v13, $0x18;
	v3 =	vshrl.u32 v9, $0x18;
	v5 =	vld.idx.msk [tilespmem:v15+s2+$0x0], $0xffff;
	[tilespmem:s13+$0x5130] =	vst v19;
	v15 =	vshrl.u32 v6, $0x18  }
0x1ba: {  	v1 =	vshrl.u32 v16, $0x18;
	v6 =	vld.idx.msk [tilespmem:v18+s2+$0x0], $0xffff;
	[tilespmem:s13+$0x5140] =	vst v21  }
0x1bb: {  	v9 =	vld.idx.msk [tilespmem:v20+s2+$0x0], $0xffff;
	[tilespmem:s13+$0x5150] =	vst v23  }
0x1bc: {  	v13 =	vld.idx.msk [tilespmem:v22+s2+$0x0], $0xffff;
	[tilespmem:s13+$0x7170] =	vst v25  }
0x1bd: {  	[tilespmem:s13+$0x5160] =	vst v7;
	v4 =	vld.idx.msk [tilespmem:v4+s2+$0x0], $0xffff  }
0x1be: {  	[tilespmem:s13+$0x7100] =	vst v11;
	v7 =	vld.idx.msk [tilespmem:v24+s2+$0x0], $0xffff  }
0x1bf: {  	v8 =	vshrl.u32 v8, $0x18;
	[tilespmem:s13+$0x7110] =	vst v5;
	v5 =	vld.idx.msk [tilespmem:v27+s2+$0x0], $0xffff  }
0x1c0: {  	v11 =	vld.idx.msk [tilespmem:v12+s2+$0x0], $0xffff;
	[tilespmem:s13+$0x7120] =	vst v6  }
0x1c1: {  	v6 =	vld.idx.msk [tilespmem:v28+s2+$0x0], $0xffff;
	[tilespmem:s13+$0x7130] =	vst v9  }
0x1c2: {  	v9 =	vld.idx.msk [tilespmem:v29+s2+$0x0], $0xffff;
	[tilespmem:s13+$0x7140] =	vst v13  }
0x1c3: {  	v10 =	vld.idx.msk [tilespmem:v10+s2+$0x0], $0xffff;
	[tilespmem:s13+$0x9170] =	vst v4  }
0x1c4: {  	[tilespmem:s13+$0x7150] =	vst v7;
	v12 =	vld.idx.msk [tilespmem:v8+s2+$0x0], $0xffff  }
0x1c5: {  	v13 =	vld.idx.msk [tilespmem:v30+s2+$0x0], $0xffff;
	[tilespmem:s13+$0x7160] =	vst v5  }
0x1c6: {  	[tilespmem:s13+$0x9100] =	vst v11;
	v8 =	vld.idx.msk [tilespmem:v31+s2+$0x0], $0xffff  }
.Ltmp2:
0x1c7: {  	[tilespmem:s13+$0x9110] =	vst v6;
	v7 =	vld.idx.msk [tilespmem:v14+s2+$0x0], $0xffff;
	(pc) =	sbr.rel @p1 .LBB2_6-.Ltmp2, $4  }
0x1c8: {  	v4 =	vld.idx.msk [tilespmem:v33+s2+$0x0], $0xffff;
	[tilespmem:s13+$0x9120] =	vst v9  }
0x1c9: {  	v5 =	vld.idx.msk [tilespmem:v26+s2+$0x0], $0xffff;
	[tilespmem:s13+$0x9130] =	vst v10  }
0x1ca: {  	v6 =	vld.idx.msk [tilespmem:v17+s2+$0x0], $0xffff;
	[tilespmem:s13+$0xB170] =	vst v12  }
0x1cb: {  	s30 =	sadd.s32 $0x200, s30;
	v9 =	vld.idx.msk [tilespmem:v15+s2+$0x0], $0xffff;
	[tilespmem:s13+$0x9140] =	vst v13  }
0x1cc: {  	_ =	sdelay $0x2  }
0x1cd: {  	[tilespmem:s13+$0x9150] =	vst v8  }
0x1ce: {  	v3 =	vld.idx.msk [tilespmem:v3+s2+$0x0], $0xffff;
	[tilespmem:s13+$0x9160] =	vst v7  }
0x1cf: {  	[tilespmem:s13+$0xB100] =	vst v4;
	v2 =	vld.idx.msk [tilespmem:v2+s2+$0x0], $0xffff  }
0x1d0: {  	v1 =	vld.idx.msk [tilespmem:v1+s2+$0x0], $0xffff;
	[tilespmem:s13+$0xB110] =	vst v5  }
0x1d1: {  	[tilespmem:s13+$0xB120] =	vst v6  }
0x1d2: {  	[tilespmem:s13+$0xB130] =	vst v9  }
0x1d3: {  	[tilespmem:s13+$0xB140] =	vst v3  }
0x1d4: {  	[tilespmem:s13+$0xB150] =	vst v2  }
0x1d5: {  	s1 =	simm.s32 $0x0;
	s14 =	simm.s32 $0x5100;
	[tilespmem:s13+$0xB160] =	vst v1  }
0x1d6: {  	[hbm4b:s18+s1] =	stream.linear.scatter [tilespmem:s14], [sflag:$0x3], $0x2000, $0x38;
	[tilespmem:$0x15100] =	vst v63  }
0x1d7: {  	s14 =	simm.s32 $0x7100  }
0x1d8: {  	[hbm4b:s19+s1] =	stream.linear.scatter [tilespmem:s14], [sflag:$0x3], $0x2000, $0x38;
	[tilespmem:$0x15100] =	vst v63  }
0x1d9: {  	_ = 	snop  }
0x1da: {  	[hbm4b:s20+s1] =	stream.linear.scatter [tilespmem:s4], [sflag:$0x3], $0x2000, $0x38;
	[tilespmem:$0x15100] =	vst v63  }
0x1db: {  	_ = 	snop  }
0x1dc: {  	[hbm4b:s21+s1] =	stream.linear.scatter [tilespmem:s5], [sflag:$0x3], $0x2000, $0x38;
	[tilespmem:$0x15100] =	vst v63  }
0x1dd: {  	_ =	swait.ge [sflag:s6], $0x2000  }
0x1de: {  	[sflag:s6] =	ssyncset.done $0x0  }
0x1df: {  	[sflag:s6] =	ssyncadd.s32 $0xFFFFE000  }
0x1e0: {  	_ =	swait.ge [sflag:s11], $0x2000  }
0x1e1: {  	[sflag:s11] =	ssyncset.done $0x0  }
0x1e2: {  	[sflag:s11] =	ssyncadd.s32 $0xFFFFE000  }
0x1e3: {  	_ =	swait.ge [sflag:s11], $0x2000  }
0x1e4: {  	[sflag:s11] =	ssyncset.done $0x0  }
0x1e5: {  	[sflag:s11] =	ssyncadd.s32 $0xFFFFE000  }
0x1e6: {  	_ =	swait.ge [sflag:s11], $0x2000  }
0x1e7: {  	[sflag:s11] =	ssyncset.done $0x0  }
0x1e8: {  	[sflag:s11] =	ssyncadd.s32 $0xFFFFE000  }
0x1e9: {  	_ =	swait.ge [sflag:s11], $0x2000  }
0x1ea: {  	[sflag:s11] =	ssyncset.done $0x0  }
0x1eb: {  	s13 =	simm.s32 $0x0;
	[sflag:s11] =	ssyncadd.s32 $0xFFFFE000  }
0x1ec: {  	v1 =	vld [tilespmem:s13+$0x3170]  }
0x1ed: {  	v2 =	vld [tilespmem:s13+$0x3100]  }
0x1ee: {  	v3 =	vld [tilespmem:s13+$0x3110]  }
0x1ef: {  	v4 =	vld [tilespmem:s13+$0x3120]  }
0x1f0: {  	v5 =	vld [tilespmem:s13+$0x3130]  }
0x1f1: {  	v9 =	vld [tilespmem:s13+$0x3140];
	v6 =	vand.u32 $0xFF, v1  }
0x1f2: {  	v10 =	vld [tilespmem:s13+$0x3150];
	v7 =	vand.u32 $0xFF, v2  }
0x1f3: {  	v11 =	vld [tilespmem:s13+$0x3160];
	v8 =	vand.u32 $0xFF, v3  }
0x1f4: {  	v12 =	vand.u32 $0xFF, v4  }
0x1f5: {  	v13 =	vand.u32 $0xFF, v5  }
0x1f6: {  	v14 =	vand.u32 $0xFF, v9;
	v6 =	vld.idx.msk [tilespmem:v6+s2+$0x0], $0xffff  }
0x1f7: {  	v15 =	vand.u32 $0xFF, v10;
	v7 =	vld.idx.msk [tilespmem:v7+s2+$0x0], $0xffff  }
0x1f8: {  	v16 =	vshrl.u32 v1, $0x8;
	v18 =	vand.u32 $0xFF, v11;
	v8 =	vld.idx.msk [tilespmem:v8+s2+$0x0], $0xffff  }
0x1f9: {  	v17 =	vshrl.u32 v2, $0x8;
	v16 =	vand.u32 $0xFF, v16;
	v12 =	vld.idx.msk [tilespmem:v12+s2+$0x0], $0xffff  }
0x1fa: {  	v19 =	vshrl.u32 v3, $0x8;
	v17 =	vand.u32 $0xFF, v17;
	v13 =	vld.idx.msk [tilespmem:v13+s2+$0x0], $0xffff  }
0x1fb: {  	v20 =	vshrl.u32 v4, $0x8;
	v19 =	vand.u32 $0xFF, v19;
	v14 =	vld.idx.msk [tilespmem:v14+s2+$0x0], $0xffff  }
0x1fc: {  	v48 =	vshrl.u32 v9, $0x8;
	v20 =	vand.u32 $0xFF, v20;
	v15 =	vld.idx.msk [tilespmem:v15+s2+$0x0], $0xffff;
	[tilespmem:s13+$0xD170] =	vst v6  }
0x1fd: {  	v21 =	vshrl.u32 v5, $0x8;
	v49 =	vand.u32 $0xFF, v48;
	[tilespmem:s13+$0xD110] =	vst v8;
	v8 =	vld.idx.msk [tilespmem:v18+s2+$0x0], $0xffff  }
0x1fe: {  	v51 =	vshrl.u32 v10, $0x8;
	v6 =	vand.u32 $0xFF, v21;
	[tilespmem:s13+$0xD100] =	vst v7;
	v7 =	vld.idx.msk [tilespmem:v16+s2+$0x0], $0xffff  }
0x1ff: {  	v53 =	vshrl.u32 v11, $0x8;
	[tilespmem:s13+$0xD120] =	vst v12;
	v21 =	vand.u32 $0xFF, v51;
	v17 =	vld.idx.msk [tilespmem:v17+s2+$0x0], $0xffff  }
0x200: {  	v50 =	vshrl.u32 v1, $0x10;
	[tilespmem:s13+$0xD130] =	vst v13;
	v18 =	vand.u32 $0xFF, v53;
	v19 =	vld.idx.msk [tilespmem:v19+s2+$0x0], $0xffff  }
0x201: {  	v54 =	vshrl.u32 v2, $0x10;
	v52 =	vand.u32 $0xFF, v50;
	[tilespmem:s13+$0xD140] =	vst v14;
	v20 =	vld.idx.msk [tilespmem:v20+s2+$0x0], $0xffff  }
0x202: {  	v55 =	vshrl.u32 v3, $0x10;
	v13 =	vand.u32 $0xFF, v54;
	[tilespmem:s13+$0xD150] =	vst v15;
	v16 =	vld.idx.msk [tilespmem:v49+s2+$0x0], $0xffff  }
0x203: {  	v56 =	vshrl.u32 v4, $0x10;
	v14 =	vand.u32 $0xFF, v55;
	v6 =	vld.idx.msk [tilespmem:v6+s2+$0x0], $0xffff;
	[tilespmem:s13+$0xD160] =	vst v8  }
0x204: {  	v58 =	vshrl.u32 v9, $0x10;
	v15 =	vand.u32 $0xFF, v56;
	v57 =	vld.idx.msk [tilespmem:v21+s2+$0x0], $0xffff;
	[tilespmem:s13+$0xF170] =	vst v7  }
0x205: {  	v7 =	vshrl.u32 v5, $0x10;
	[tilespmem:s13+$0xF100] =	vst v17;
	v18 =	vld.idx.msk [tilespmem:v18+s2+$0x0], $0xffff;
	v17 =	vand.u32 $0xFF, v58  }
0x206: {  	v59 =	vshrl.u32 v10, $0x10;
	[tilespmem:s13+$0xF110] =	vst v19;
	v8 =	vld.idx.msk [tilespmem:v52+s2+$0x0], $0xffff;
	v7 =	vand.u32 $0xFF, v7  }
0x207: {  	[tilespmem:s13+$0xF120] =	vst v20;
	v19 =	vand.u32 $0xFF, v59;
	v13 =	vld.idx.msk [tilespmem:v13+s2+$0x0], $0xffff  }
0x208: {  	v1 =	vshrl.u32 v1, $0x18;
	[tilespmem:s13+$0xF140] =	vst v16;
	v14 =	vld.idx.msk [tilespmem:v14+s2+$0x0], $0xffff  }
0x209: {  	v60 =	vshrl.u32 v11, $0x10;
	v3 =	vshrl.u32 v3, $0x18;
	v15 =	vld.idx.msk [tilespmem:v15+s2+$0x0], $0xffff;
	[tilespmem:s13+$0xF130] =	vst v6  }
0x20a: {  	v6 =	vand.u32 $0xFF, v60;
	[tilespmem:s13+$0xF150] =	vst v57;
	v17 =	vld.idx.msk [tilespmem:v17+s2+$0x0], $0xffff  }
0x20b: {  	v2 =	vshrl.u32 v2, $0x18;
	[tilespmem:s13+$0xF160] =	vst v18;
	v61 =	vld.idx.msk [tilespmem:v7+s2+$0x0], $0xffff  }
0x20c: {  	v62 =	vshrl.u32 v4, $0x18;
	[tilespmem:s13+$0x11170] =	vst v8;
	v8 =	vld.idx.msk [tilespmem:v19+s2+$0x0], $0xffff  }
0x20d: {  	v63 =	vshrl.u32 v5, $0x18;
	[tilespmem:s13+$0x11110] =	vst v14;
	v1 =	vld.idx.msk [tilespmem:v1+s2+$0x0], $0xffff  }
0x20e: {  	[tilespmem:s13+$0x11100] =	vst v13;
	v5 =	vld.idx.msk [tilespmem:v3+s2+$0x0], $0xffff;
	v3 =	vshrl.u32 v9, $0x18  }
0x20f: {  	[tilespmem:s13+$0x11120] =	vst v15;
	v7 =	vld.idx.msk [tilespmem:v6+s2+$0x0], $0xffff  }
0x210: {  	v4 =	vld.idx.msk [tilespmem:v2+s2+$0x0], $0xffff;
	[tilespmem:s13+$0x11140] =	vst v17  }
0x211: {  	v6 =	vld.idx.msk [tilespmem:v62+s2+$0x0], $0xffff;
	[tilespmem:s13+$0x11130] =	vst v61  }
0x212: {  	s30 =	simm.s32 $0x200;
	s1 =	simm.s32 $0x0;
	v2 =	vshrl.u32 v10, $0x18;
	[tilespmem:s13+$0x13170] =	vst v1;
	v1 =	vshrl.u32 v11, $0x18;
	v9 =	vld.idx.msk [tilespmem:v63+s2+$0x0], $0xffff  }
.LBB2_8:
0x213: {  	s14 =	sshra.s32 s30, $0x2;
	s1 =	sadd.s32 $0x80, s1;
	v3 =	vld.idx.msk [tilespmem:v3+s2+$0x0], $0xffff;
	[tilespmem:s13+$0x11150] =	vst v8  }
0x214: {  	v8 =	vld [tilespmem:s14+$0x3170];
	p1 =	slt.u32 s1, $0x1F80;
	[tilespmem:s13+$0x11160] =	vst v7  }
0x215: {  	v7 =	vld [tilespmem:s14+$0x3100];
	[tilespmem:s13+$0x13100] =	vst v4  }
0x216: {  	v4 =	vld [tilespmem:s14+$0x3110];
	[tilespmem:s13+$0x13110] =	vst v5  }
0x217: {  	v5 =	vld [tilespmem:s14+$0x3120];
	[tilespmem:s13+$0x13120] =	vst v6  }
0x218: {  	v6 =	vld [tilespmem:s14+$0x3130];
	[tilespmem:s13+$0x13130] =	vst v9  }
0x219: {  	v9 =	vld [tilespmem:s14+$0x3140];
	v10 =	vand.u32 $0xFF, v8;
	[tilespmem:s13+$0x13140] =	vst v3  }
0x21a: {  	v3 =	vand.u32 $0xFF, v7;
	v11 =	vshrl.u32 v7, $0x8;
	v12 =	vshrl.u32 v7, $0x10;
	v13 =	vld [tilespmem:s14+$0x3150]  }
0x21b: {  	v11 =	vand.u32 $0xFF, v11;
	v14 =	vand.u32 $0xFF, v4;
	v15 =	vshrl.u32 v4, $0x8;
	v16 =	vld [tilespmem:s14+$0x3160]  }
0x21c: {  	v15 =	vand.u32 $0xFF, v15;
	v17 =	vand.u32 $0xFF, v5;
	v18 =	vshrl.u32 v5, $0x8;
	v2 =	vld.idx.msk [tilespmem:v2+s2+$0x0], $0xffff  }
0x21d: {  	v18 =	vand.u32 $0xFF, v18;
	v19 =	vand.u32 $0xFF, v6;
	v20 =	vshrl.u32 v6, $0x8;
	v1 =	vld.idx.msk [tilespmem:v1+s2+$0x0], $0xffff  }
0x21e: {  	v20 =	vand.u32 $0xFF, v20;
	v21 =	vand.u32 $0xFF, v9;
	v22 =	vshrl.u32 v9, $0x8;
	v10 =	vld.idx.msk [tilespmem:v10+s2+$0x0], $0xffff  }
0x21f: {  	v25 =	vshrl.u32 v8, $0x8;
	v3 =	vld.idx.msk [tilespmem:v3+s2+$0x0], $0xffff;
	v23 =	vand.u32 $0xFF, v13;
	v24 =	vshrl.u32 v13, $0x8  }
0x220: {  	v25 =	vand.u32 $0xFF, v25;
	v14 =	vld.idx.msk [tilespmem:v14+s2+$0x0], $0xffff;
	v26 =	vand.u32 $0xFF, v16;
	v27 =	vshrl.u32 v16, $0x8  }
0x221: {  	v22 =	vand.u32 $0xFF, v22;
	v24 =	vand.u32 $0xFF, v24;
	v17 =	vld.idx.msk [tilespmem:v17+s2+$0x0], $0xffff;
	v27 =	vand.u32 $0xFF, v27  }
0x222: {  	v28 =	vshrl.u32 v4, $0x10;
	v29 =	vshrl.u32 v5, $0x10;
	v30 =	vshrl.u32 v6, $0x10;
	v19 =	vld.idx.msk [tilespmem:v19+s2+$0x0], $0xffff;
	[tilespmem:s13+$0x13150] =	vst v2  }
0x223: {  	v31 =	vshrl.u32 v13, $0x10;
	v32 =	vshrl.u32 v16, $0x10;
	v2 =	vshrl.u32 v9, $0x10;
	v21 =	vld.idx.msk [tilespmem:v21+s2+$0x0], $0xffff;
	[tilespmem:s13+$0x13160] =	vst v1;
	s13 =	smov.u32 s14  }
0x224: {  	v12 =	vand.u32 $0xFF, v12;
	v28 =	vand.u32 $0xFF, v28;
	v29 =	vand.u32 $0xFF, v29;
	v23 =	vld.idx.msk [tilespmem:v23+s2+$0x0], $0xffff;
	[tilespmem:s13+$0xD170] =	vst v10  }
0x225: {  	v31 =	vand.u32 $0xFF, v31;
	v10 =	vand.u32 $0xFF, v30;
	v30 =	vand.u32 $0xFF, v2;
	[tilespmem:s13+$0xD100] =	vst v3;
	v25 =	vld.idx.msk [tilespmem:v25+s2+$0x0], $0xffff  }
0x226: {  	v33 =	vshrl.u32 v7, $0x18;
	v1 =	vshrl.u32 v8, $0x10;
	[tilespmem:s13+$0xD110] =	vst v14;
	v7 =	vld.idx.msk [tilespmem:v26+s2+$0x0], $0xffff;
	v14 =	vand.u32 $0xFF, v32  }
0x227: {  	v26 =	vshrl.u32 v4, $0x18;
	v4 =	vand.u32 $0xFF, v1;
	v11 =	vld.idx.msk [tilespmem:v11+s2+$0x0], $0xffff;
	[tilespmem:s13+$0xD120] =	vst v17;
	v17 =	vshrl.u32 v5, $0x18  }
0x228: {  	v2 =	vshrl.u32 v13, $0x18;
	v3 =	vshrl.u32 v9, $0x18;
	v5 =	vld.idx.msk [tilespmem:v15+s2+$0x0], $0xffff;
	[tilespmem:s13+$0xD130] =	vst v19;
	v15 =	vshrl.u32 v6, $0x18  }
0x229: {  	v1 =	vshrl.u32 v16, $0x18;
	v6 =	vld.idx.msk [tilespmem:v18+s2+$0x0], $0xffff;
	[tilespmem:s13+$0xD140] =	vst v21  }
0x22a: {  	v9 =	vld.idx.msk [tilespmem:v20+s2+$0x0], $0xffff;
	[tilespmem:s13+$0xD150] =	vst v23  }
0x22b: {  	v13 =	vld.idx.msk [tilespmem:v22+s2+$0x0], $0xffff;
	[tilespmem:s13+$0xF170] =	vst v25  }
0x22c: {  	[tilespmem:s13+$0xD160] =	vst v7;
	v4 =	vld.idx.msk [tilespmem:v4+s2+$0x0], $0xffff  }
0x22d: {  	[tilespmem:s13+$0xF100] =	vst v11;
	v7 =	vld.idx.msk [tilespmem:v24+s2+$0x0], $0xffff  }
0x22e: {  	v8 =	vshrl.u32 v8, $0x18;
	[tilespmem:s13+$0xF110] =	vst v5;
	v5 =	vld.idx.msk [tilespmem:v27+s2+$0x0], $0xffff  }
0x22f: {  	v11 =	vld.idx.msk [tilespmem:v12+s2+$0x0], $0xffff;
	[tilespmem:s13+$0xF120] =	vst v6  }
0x230: {  	v6 =	vld.idx.msk [tilespmem:v28+s2+$0x0], $0xffff;
	[tilespmem:s13+$0xF130] =	vst v9  }
0x231: {  	v9 =	vld.idx.msk [tilespmem:v29+s2+$0x0], $0xffff;
	[tilespmem:s13+$0xF140] =	vst v13  }
0x232: {  	v10 =	vld.idx.msk [tilespmem:v10+s2+$0x0], $0xffff;
	[tilespmem:s13+$0x11170] =	vst v4  }
0x233: {  	[tilespmem:s13+$0xF150] =	vst v7;
	v12 =	vld.idx.msk [tilespmem:v8+s2+$0x0], $0xffff  }
0x234: {  	v13 =	vld.idx.msk [tilespmem:v30+s2+$0x0], $0xffff;
	[tilespmem:s13+$0xF160] =	vst v5  }
0x235: {  	[tilespmem:s13+$0x11100] =	vst v11;
	v8 =	vld.idx.msk [tilespmem:v31+s2+$0x0], $0xffff  }
.Ltmp3:
0x236: {  	[tilespmem:s13+$0x11110] =	vst v6;
	v7 =	vld.idx.msk [tilespmem:v14+s2+$0x0], $0xffff;
	(pc) =	sbr.rel @p1 .LBB2_8-.Ltmp3, $4  }
0x237: {  	v4 =	vld.idx.msk [tilespmem:v33+s2+$0x0], $0xffff;
	[tilespmem:s13+$0x11120] =	vst v9  }
0x238: {  	v5 =	vld.idx.msk [tilespmem:v26+s2+$0x0], $0xffff;
	[tilespmem:s13+$0x11130] =	vst v10  }
0x239: {  	v6 =	vld.idx.msk [tilespmem:v17+s2+$0x0], $0xffff;
	[tilespmem:s13+$0x13170] =	vst v12  }
0x23a: {  	s30 =	sadd.s32 $0x200, s30;
	v9 =	vld.idx.msk [tilespmem:v15+s2+$0x0], $0xffff;
	[tilespmem:s13+$0x11140] =	vst v13  }
0x23b: {  	_ =	sdelay $0x2  }
0x23c: {  	[tilespmem:s13+$0x11150] =	vst v8  }
0x23d: {  	v3 =	vld.idx.msk [tilespmem:v3+s2+$0x0], $0xffff;
	[tilespmem:s13+$0x11160] =	vst v7  }
0x23e: {  	[tilespmem:s13+$0x13100] =	vst v4;
	v2 =	vld.idx.msk [tilespmem:v2+s2+$0x0], $0xffff  }
0x23f: {  	v1 =	vld.idx.msk [tilespmem:v1+s2+$0x0], $0xffff;
	[tilespmem:s13+$0x13110] =	vst v5  }
0x240: {  	[tilespmem:s13+$0x13120] =	vst v6  }
0x241: {  	[tilespmem:s13+$0x13130] =	vst v9  }
0x242: {  	[tilespmem:s13+$0x13140] =	vst v3  }
0x243: {  	[tilespmem:s13+$0x13150] =	vst v2  }
0x244: {  	[tilespmem:s13+$0x13160] =	vst v1  }
0x245: {  	[hbm4b:s22+s3] =	stream.linear.scatter [tilespmem:s7], [sflag:$0x4], $0x2000, $0x38;
	[tilespmem:$0x15100] =	vst v63  }
0x246: {  	_ = 	snop  }
0x247: {  	[hbm4b:s23+s3] =	stream.linear.scatter [tilespmem:s28], [sflag:$0x4], $0x2000, $0x38;
	[tilespmem:$0x15100] =	vst v63  }
0x248: {  	_ = 	snop  }
0x249: {  	[hbm4b:s24+s3] =	stream.linear.scatter [tilespmem:s9], [sflag:$0x4], $0x2000, $0x38;
	[tilespmem:$0x15100] =	vst v63  }
0x24a: {  	_ = 	snop  }
0x24b: {  	[hbm4b:s26+s3] =	stream.linear.scatter [tilespmem:s10], [sflag:$0x4], $0x2000, $0x38;
	[tilespmem:$0x15100] =	vst v63  }
0x24c: {  	_ =	swait.ge [sflag:s31], $0x2000  }
0x24d: {  	[sflag:s31] =	ssyncset.done $0x0  }
0x24e: {  	[sflag:s31] =	ssyncadd.s32 $0xFFFFE000  }
0x24f: {  	_ =	swait.ge [sflag:s31], $0x2000  }
0x250: {  	[sflag:s31] =	ssyncset.done $0x0  }
0x251: {  	[sflag:s31] =	ssyncadd.s32 $0xFFFFE000  }
0x252: {  	_ =	swait.ge [sflag:s31], $0x2000  }
0x253: {  	[sflag:s31] =	ssyncset.done $0x0  }
0x254: {  	[sflag:s31] =	ssyncadd.s32 $0xFFFFE000  }
0x255: {  	_ =	swait.ge [sflag:s31], $0x2000  }
0x256: {  	[sflag:s31] =	ssyncset.done $0x0  }
0x257: {  	[sflag:s31] =	ssyncadd.s32 $0xFFFFE000  }
0x258: {  	_ =	swait.ge [sflag:s11], $0x2000  }
0x259: {  	[sflag:s11] =	ssyncset.done $0x0  }
0x25a: {  	[sflag:s11] =	ssyncadd.s32 $0xFFFFE000  }
0x25b: {  	_ =	swait.ge [sflag:s11], $0x2000  }
0x25c: {  	[sflag:s11] =	ssyncset.done $0x0  }
0x25d: {  	s12 =	sadd.s32 $0x1, s12;
	[sflag:s11] =	ssyncadd.s32 $0xFFFFE000  }
0x25e: {  	p1 =	sne.s32 s12, s25;
	_ =	swait.ge [sflag:s11], $0x2000  }
.Ltmp4:
0x25f: {  	[sflag:s11] =	ssyncset.done $0x0;
	(pc) =	sbr.rel @p1 .LBB2_1-.Ltmp4, $4  }
0x260: {  	[sflag:s11] =	ssyncadd.s32 $0xFFFFE000  }
0x261: {  	_ =	swait.ge [sflag:s11], $0x2000  }
0x262: {  	[sflag:s11] =	ssyncset.done $0x0  }
0x263: {  	[sflag:s11] =	ssyncadd.s32 $0xFFFFE000  }
0x264: {  	_ =	sfence.sel $0x180000  }
0x265: {  	[bflag:$0x0] =	sbarrier.arrive $0xFFFF  }
0x266: {  	_ =	strace $0x9000004A  }
0x267: {  	s0 =	stileid.u32;
	[bflag:$0x2] =	sbarrier.arrive $0xFFFF  }
0x268: {  	p0 =	sne.s32 s0, $0x0;
	s0 =	rddreg [dreg:$0x3]  }
0x269: {  	s0 =	sadd.s32 @!p0 $0x100000, s0  }
0x26a: {  	[sflag:s0] =	ssyncadd.tile.s32 @!p0 $0x1;
	_ =	shalt  }
.Lfunc_end2:
_tile_overlayer_lowered:
.L_overlay_start_2:
0x26b: {  	(tag) =	ssettag $0x2  }
0x26c: {  	s0 =	rddreg [dreg:$0x0];
	s2 =	stileid.u32  }
0x26d: {  	s1 =	rddreg [dreg:$0x1];
	p0 =	sne.s32 s2, $0x0  }
0x26e: {  	s3 =	rddreg [dreg:$0x2];
	[bflag:$0x3] =	sbarrier.arrive $0xFFFF;
	s2 =	simm.s32 @!p0 $0x1C05  }
0x26f: {  	[timem:s3], [sflag:s2] =	dma.local @!p0 [hbm:s0], s1  }
0x270: {  	s0 =	simm.s32 @!p0 $0x5  }
0x271: {  	_ =	swait.ge @!p0 [sflag:s0], s1  }
0x272: {  	s1 =	ssub.s32 @!p0 $0x0, s1;
	[sflag:s0] =	ssyncset.done @!p0 $0x0  }
0x273: {  	[sflag:s0] =	ssyncadd.s32 @!p0 s1  }
0x274: {  	[bflag:$0x3] =	sbarrier.arrive $0xFFFF  }
0x275: {  	_ =	shalt  }

</sc_bundles>
